<compile_context>
chip_gen: v7x
topology: tpu7x:2x2x1
jax: 0.10.2.dev20260603
libtpu: 0.0.44.dev20260713+nightly
codegen_flags: <defaults>
</compile_context>

<pallas_src>
import jax
import jax.numpy as jnp
from jax import lax
from jax.experimental import pallas as pl
from jax.experimental.pallas import tpu as pltpu
from jax.experimental.pallas import tpu_sc as plsc

N_NODES = 10000
N_EDGES = 320000
D = 128

NC = 2
NS = 16
NW = NC * NS
CH = 128
NCH = -(-N_EDGES // (NW * CH))
E_TILE = NCH * CH
E_PAD = NW * E_TILE

ROWS_MAIN = 624
ROWS_TAIL = N_NODES - NS * ROWS_MAIN


def _spmm_body(x_hbm, srcs_hbm, dsts_hbm, norms_hbm, out_hbm,
               src_v, dst_v, norm_v, rows_v, acc_sh, sem):
    c = lax.axis_index("c")
    s = lax.axis_index("s")
    wid = s * NC + c

    zeros16 = jnp.zeros((16,), jnp.float32)

    def _zero_row(r, _):
        for b in range(D // 16):
            rows_v[r, pl.ds(b * 16, 16)] = zeros16
        return 0

    lax.fori_loop(0, CH, _zero_row, 0)

    base = s * ROWS_MAIN
    for off, size in ((0, 128), (128, 128), (256, 128), (384, 128), (512, 112)):
        pltpu.sync_copy(rows_v.at[pl.ds(0, size)],
                        acc_sh.at[pl.ds(base + off, size)])

    @pl.when(s == NS - 1)
    def _():
        pltpu.sync_copy(rows_v.at[pl.ds(0, ROWS_TAIL)],
                        acc_sh.at[pl.ds(NS * ROWS_MAIN, ROWS_TAIL)])

    plsc.subcore_barrier()

    pltpu.sync_copy(srcs_hbm.at[wid], src_v)
    pltpu.sync_copy(dsts_hbm.at[wid], dst_v)
    pltpu.sync_copy(norms_hbm.at[wid], norm_v)

    def _chunk(j, _):
        pltpu.async_copy(x_hbm.at[src_v.at[j]], rows_v, sem).wait()

        def _scale_grp(g, _):
            nv16 = norm_v[j, pl.ds(g * 16, 16)]
            e0 = g * 16
            for ei in range(16):
                nv = jnp.full((16,), nv16[ei], jnp.float32)
                for b in range(D // 16):
                    sl = pl.ds(b * 16, 16)
                    rows_v[e0 + ei, sl] = rows_v[e0 + ei, sl] * nv
            return 0

        lax.fori_loop(0, CH // 16, _scale_grp, 0)
        pltpu.sync_copy(rows_v, acc_sh.at[dst_v.at[j]], add=True)
        return 0

    lax.fori_loop(0, NCH, _chunk, 0)

    plsc.subcore_barrier()

    pltpu.sync_copy(acc_sh.at[pl.ds(base, ROWS_MAIN)],
                    out_hbm.at[c, pl.ds(base, ROWS_MAIN)])

    @pl.when(s == NS - 1)
    def _():
        pltpu.sync_copy(acc_sh.at[pl.ds(NS * ROWS_MAIN, ROWS_TAIL)],
                        out_hbm.at[c, pl.ds(NS * ROWS_MAIN, ROWS_TAIL)])


_spmm = pl.kernel(
    _spmm_body,
    out_type=jax.ShapeDtypeStruct((NC, N_NODES, D), jnp.float32),
    mesh=plsc.VectorSubcoreMesh(core_axis_name="c", subcore_axis_name="s"),
    scratch_types=[
        pltpu.VMEM((NCH, CH), jnp.int32),
        pltpu.VMEM((NCH, CH), jnp.int32),
        pltpu.VMEM((NCH, CH), jnp.float32),
        pltpu.VMEM((CH, D), jnp.float32),
        pltpu.VMEM_SHARED((N_NODES, D), jnp.float32),
        pltpu.SemaphoreType.DMA,
    ],
)


_BLK = 1000


def _mm_body(x_ref, w_ref, o_ref):
    o_ref[...] = jnp.dot(x_ref[...], w_ref[...],
                         preferred_element_type=jnp.float32)


def _mm(x, w):
    n = x.shape[0]
    return pl.pallas_call(
        _mm_body,
        grid=(n // _BLK,),
        in_specs=[pl.BlockSpec((_BLK, D), lambda i: (i, 0)),
                  pl.BlockSpec((D, D), lambda i: (0, 0))],
        out_specs=pl.BlockSpec((_BLK, D), lambda i: (i, 0)),
        out_shape=jax.ShapeDtypeStruct((n, D), jnp.float32),
    )(x, w)


def _fuse_body(p_ref, b_ref, w_ref, o_ref):
    h = p_ref[0] + p_ref[1] + b_ref[...]
    h = jnp.maximum(h, 0.0)
    o_ref[...] = jnp.dot(h, w_ref[...], preferred_element_type=jnp.float32)


def _fuse_relu_mm(parts, b, w):
    n = parts.shape[1]
    return pl.pallas_call(
        _fuse_body,
        grid=(n // _BLK,),
        in_specs=[pl.BlockSpec((2, _BLK, D), lambda i: (0, i, 0)),
                  pl.BlockSpec((1, D), lambda i: (0, 0)),
                  pl.BlockSpec((D, D), lambda i: (0, 0))],
        out_specs=pl.BlockSpec((_BLK, D), lambda i: (i, 0)),
        out_shape=jax.ShapeDtypeStruct((n, D), jnp.float32),
    )(parts, b.reshape(1, D), w)


def _final_body(q_ref, b_ref, o_ref):
    o_ref[...] = q_ref[0] + q_ref[1] + b_ref[...]


def _final_add(parts, b):
    n = parts.shape[1]
    return pl.pallas_call(
        _final_body,
        grid=(n // _BLK,),
        in_specs=[pl.BlockSpec((2, _BLK, D), lambda i: (0, i, 0)),
                  pl.BlockSpec((1, D), lambda i: (0, 0))],
        out_specs=pl.BlockSpec((_BLK, D), lambda i: (i, 0)),
        out_shape=jax.ShapeDtypeStruct((n, D), jnp.float32),
    )(parts, b.reshape(1, D))


def kernel(feat, edge_index, norm_data, W1, b1, W2, b2):
    src = edge_index[0].astype(jnp.int32)
    dst = edge_index[1].astype(jnp.int32)
    norm = norm_data.astype(jnp.float32)

    pad = E_PAD - N_EDGES
    srcs = jnp.concatenate([src, jnp.zeros((pad,), jnp.int32)]).reshape(NW, NCH, CH)
    dsts = jnp.concatenate([dst, jnp.zeros((pad,), jnp.int32)]).reshape(NW, NCH, CH)
    norms = jnp.concatenate([norm, jnp.zeros((pad,), jnp.float32)]).reshape(NW, NCH, CH)

    x1 = _mm(feat, W1)
    p = _spmm(x1, srcs, dsts, norms)
    x2 = _fuse_relu_mm(p, b1, W2)
    q = _spmm(x2, srcs, dsts, norms)
    return _final_add(q, b2)

# --- scband reference (transcript-rebuilt; emitter-appended) ---
"""Pipeline reference for scband-edge-gcnetwork-51393578664471 (READ-ONLY COPY).

The authoritative reference and input builder live on the scoring server;
editing this copy changes nothing except your own understanding.
"""

import jax, jax.numpy as jnp
import numpy as np

N_NODES = 10000
N_EDGES = 320000
D_IN = 128
D_HID = 128
D_OUT = 128


def setup_inputs(seed: int = 0) -> dict:
    key = jax.random.key(seed)
    k1, k2, k3, k4, k5, k6, k7 = jax.random.split(key, 7)
    feat = jax.random.normal(k1, (N_NODES, D_IN), dtype=jnp.float32)
    edge_index = jax.random.randint(k2, (2, N_EDGES), 0, N_NODES, dtype=jnp.int64)
    norm_data = jax.random.uniform(k3, (N_EDGES,), dtype=jnp.float32)
    # Glorot-style init for GraphConv weights, zeros for biases
    W1 = jax.random.normal(k4, (D_IN, D_HID), dtype=jnp.float32) * (1.0 / np.sqrt(D_IN))
    b1 = jnp.zeros((D_HID,), dtype=jnp.float32)
    W2 = jax.random.normal(k5, (D_HID, D_OUT), dtype=jnp.float32) * (1.0 / np.sqrt(D_HID))
    b2 = jnp.zeros((D_OUT,), dtype=jnp.float32)
    return {"feat": feat, "edge_index": edge_index, "norm_data": norm_data,
            "W1": W1, "b1": b1, "W2": W2, "b2": b2}


def _graph_conv(h, src, dst, norm_data, W, b, num_nodes, activation=None):
    # DGL GraphConv-style: gather src features, scale by edge norm, scatter-add to dst,
    # then linear transform + bias (+ optional activation).
    msg = h[src] * norm_data[:, None]
    agg = jax.ops.segment_sum(msg, dst, num_segments=num_nodes)
    out = agg @ W + b
    if activation is not None:
        out = activation(out)
    return out


def reference(feat, edge_index, norm_data, W1, b1, W2, b2):
    num_nodes = feat.shape[0]
    src = edge_index[0]
    dst = edge_index[1]
    # layer 0: GraphConv(in_feats -> n_hidden) with ReLU
    h = _graph_conv(feat, src, dst, norm_data, W1, b1, num_nodes, activation=jax.nn.relu)
    # layer 1: GraphConv(n_hidden -> out_feats), no activation
    h = _graph_conv(h, src, dst, norm_data, W2, b2, num_nodes, activation=None)
    return h

if __name__ == "__main__":
    import jax
    _d = setup_inputs()
    print(jax.jit(kernel)(*tuple(_d.values())))

</pallas_src>

<mosaic_0001>
#map = affine_map<(d0, d1) -> (0, 0)>
#map1 = affine_map<(d0, d1) -> (0, 0, 0)>
module attributes {stable_mosaic.version = 14 : i64} {
  func.func @_spmm_body(%arg0: i32, %arg1: i32, %arg2: memref<10000x128xf32, #tpu.memory_space<hbm>>, %arg3: memref<32x79x128xi32, #tpu.memory_space<hbm>>, %arg4: memref<32x79x128xi32, #tpu.memory_space<hbm>>, %arg5: memref<32x79x128xf32, #tpu.memory_space<hbm>>, %arg6: memref<2x10000x128xf32, #tpu.memory_space<hbm>>, %arg7: memref<79x128xi32, #tpu.memory_space<vmem>>, %arg8: memref<79x128xi32, #tpu.memory_space<vmem>>, %arg9: memref<79x128xf32, #tpu.memory_space<vmem>>, %arg10: memref<128x128xf32, #tpu.memory_space<vmem>>, %arg11: memref<10000x128xf32, #tpu.memory_space<vmem_shared>>, %arg12: memref<!tpu.dma_semaphore, #tpu.memory_space<semaphore_mem>>) attributes {dimension_semantics = [#tpu.dimension_semantics<core_parallel>, #tpu.dimension_semantics<subcore_parallel>], iteration_bounds = array<i64: 2, 16>, scalar_prefetch = 0 : i64, scratch_operands = 6 : i64, tpu.core_type = #tpu.core_type<sc_vector_subcore>, window_params = [{transform_indices = #map}, {transform_indices = #map1}, {transform_indices = #map1}, {transform_indices = #map1}, {transform_indices = #map1}]} {
    %mul3A = arith.constant 2 : i32
    %mul3A_0 = arith.muli %arg1, %mul3A : i32
    %add3A = arith.addi %mul3A_0, %arg0 : i32
    %broadcast_in_dim3A = arith.constant 0.000000e+00 : f32
    %broadcast_in_dim3A_1 = vector.broadcast %broadcast_in_dim3A : f32 to vector<16xf32>
    %scan3A = arith.constant 0 : i32
    %scan3A_2 = arith.constant 0 : i32
    %scan3A_3 = arith.constant 128 : i32
    %scan3A_4 = arith.addi %scan3A_2, %scan3A_3 : i32
    %scan3A_5 = arith.constant 1 : i32
    %scan3A_6 = scf.for %scan3A_35 = %scan3A_2 to %scan3A_4 step %scan3A_5 iter_args(%scan3A_36 = %scan3A) -> (i32)  : i32 {
      %swap3A = arith.index_cast %scan3A_35 : i32 to index
      %swap3A_37 = arith.constant 0 : index
      %swap3A_38 = tpu.vector_load %arg10[%swap3A, %swap3A_37] {strides = array<i32>} : memref<128x128xf32, #tpu.memory_space<vmem>>, vector<1x16xf32>,
      %swap3A_39 = vector.shape_cast %swap3A_38 : vector<1x16xf32> to vector<16xf32>
      %swap3A_40 = vector.shape_cast %broadcast_in_dim3A_1 : vector<16xf32> to vector<1x16xf32>
      tpu.vector_store %arg10[%swap3A, %swap3A_37], %swap3A_40 {strides = array<i32>} : memref<128x128xf32, #tpu.memory_space<vmem>>, vector<1x16xf32>,
      %swap3A_41 = arith.index_cast %scan3A_35 : i32 to index
      %swap3A_42 = arith.constant 16 : index
      %swap3A_43 = tpu.vector_load %arg10[%swap3A_41, %swap3A_42] {strides = array<i32>} : memref<128x128xf32, #tpu.memory_space<vmem>>, vector<1x16xf32>,
      %swap3A_44 = vector.shape_cast %swap3A_43 : vector<1x16xf32> to vector<16xf32>
      %swap3A_45 = vector.shape_cast %broadcast_in_dim3A_1 : vector<16xf32> to vector<1x16xf32>
      tpu.vector_store %arg10[%swap3A_41, %swap3A_42], %swap3A_45 {strides = array<i32>} : memref<128x128xf32, #tpu.memory_space<vmem>>, vector<1x16xf32>,
      %swap3A_46 = arith.index_cast %scan3A_35 : i32 to index
      %swap3A_47 = arith.constant 32 : index
      %swap3A_48 = tpu.vector_load %arg10[%swap3A_46, %swap3A_47] {strides = array<i32>} : memref<128x128xf32, #tpu.memory_space<vmem>>, vector<1x16xf32>,
      %swap3A_49 = vector.shape_cast %swap3A_48 : vector<1x16xf32> to vector<16xf32>
      %swap3A_50 = vector.shape_cast %broadcast_in_dim3A_1 : vector<16xf32> to vector<1x16xf32>
      tpu.vector_store %arg10[%swap3A_46, %swap3A_47], %swap3A_50 {strides = array<i32>} : memref<128x128xf32, #tpu.memory_space<vmem>>, vector<1x16xf32>,
      %swap3A_51 = arith.index_cast %scan3A_35 : i32 to index
      %swap3A_52 = arith.constant 48 : index
      %swap3A_53 = tpu.vector_load %arg10[%swap3A_51, %swap3A_52] {strides = array<i32>} : memref<128x128xf32, #tpu.memory_space<vmem>>, vector<1x16xf32>,
      %swap3A_54 = vector.shape_cast %swap3A_53 : vector<1x16xf32> to vector<16xf32>
      %swap3A_55 = vector.shape_cast %broadcast_in_dim3A_1 : vector<16xf32> to vector<1x16xf32>
      tpu.vector_store %arg10[%swap3A_51, %swap3A_52], %swap3A_55 {strides = array<i32>} : memref<128x128xf32, #tpu.memory_space<vmem>>, vector<1x16xf32>,
      %swap3A_56 = arith.index_cast %scan3A_35 : i32 to index
      %swap3A_57 = arith.constant 64 : index
      %swap3A_58 = tpu.vector_load %arg10[%swap3A_56, %swap3A_57] {strides = array<i32>} : memref<128x128xf32, #tpu.memory_space<vmem>>, vector<1x16xf32>,
      %swap3A_59 = vector.shape_cast %swap3A_58 : vector<1x16xf32> to vector<16xf32>
      %swap3A_60 = vector.shape_cast %broadcast_in_dim3A_1 : vector<16xf32> to vector<1x16xf32>
      tpu.vector_store %arg10[%swap3A_56, %swap3A_57], %swap3A_60 {strides = array<i32>} : memref<128x128xf32, #tpu.memory_space<vmem>>, vector<1x16xf32>,
      %swap3A_61 = arith.index_cast %scan3A_35 : i32 to index
      %swap3A_62 = arith.constant 80 : index
      %swap3A_63 = tpu.vector_load %arg10[%swap3A_61, %swap3A_62] {strides = array<i32>} : memref<128x128xf32, #tpu.memory_space<vmem>>, vector<1x16xf32>,
      %swap3A_64 = vector.shape_cast %swap3A_63 : vector<1x16xf32> to vector<16xf32>
      %swap3A_65 = vector.shape_cast %broadcast_in_dim3A_1 : vector<16xf32> to vector<1x16xf32>
      tpu.vector_store %arg10[%swap3A_61, %swap3A_62], %swap3A_65 {strides = array<i32>} : memref<128x128xf32, #tpu.memory_space<vmem>>, vector<1x16xf32>,
      %swap3A_66 = arith.index_cast %scan3A_35 : i32 to index
      %swap3A_67 = arith.constant 96 : index
      %swap3A_68 = tpu.vector_load %arg10[%swap3A_66, %swap3A_67] {strides = array<i32>} : memref<128x128xf32, #tpu.memory_space<vmem>>, vector<1x16xf32>,
      %swap3A_69 = vector.shape_cast %swap3A_68 : vector<1x16xf32> to vector<16xf32>
      %swap3A_70 = vector.shape_cast %broadcast_in_dim3A_1 : vector<16xf32> to vector<1x16xf32>
      tpu.vector_store %arg10[%swap3A_66, %swap3A_67], %swap3A_70 {strides = array<i32>} : memref<128x128xf32, #tpu.memory_space<vmem>>, vector<1x16xf32>,
      %swap3A_71 = arith.index_cast %scan3A_35 : i32 to index
      %swap3A_72 = arith.constant 112 : index
      %swap3A_73 = tpu.vector_load %arg10[%swap3A_71, %swap3A_72] {strides = array<i32>} : memref<128x128xf32, #tpu.memory_space<vmem>>, vector<1x16xf32>,
      %swap3A_74 = vector.shape_cast %swap3A_73 : vector<1x16xf32> to vector<16xf32>
      %swap3A_75 = vector.shape_cast %broadcast_in_dim3A_1 : vector<16xf32> to vector<1x16xf32>
      tpu.vector_store %arg10[%swap3A_71, %swap3A_72], %swap3A_75 {strides = array<i32>} : memref<128x128xf32, #tpu.memory_space<vmem>>, vector<1x16xf32>,
      %scan3A_76 = arith.constant 0 : i32
      scf.yield %scan3A_76 : i32
    }
    %scan3A_7 = arith.constant 128 : i32
    %mul3A_8 = arith.constant 624 : i32
    %mul3A_9 = arith.muli %arg1, %mul3A_8 : i32
    %add3A_10 = arith.constant 0 : i32
    %add3A_11 = arith.addi %mul3A_9, %add3A_10 : i32
    "tpu.region"() ({
      %run_scoped3A = tpu.sem_alloc : memref<!tpu.dma_semaphore, #tpu.memory_space<semaphore_mem>>
      %dma_start3A = arith.constant 0 : i32
      %dma_start3A_35 = arith.constant 0 : i32
      %dma_start3A_36 = tpu.memref_slice %arg10[%dma_start3A, %dma_start3A_35] : memref<128x128xf32, #tpu.memory_space<vmem>> -> memref<128x128xf32, #tpu.memory_space<vmem>>
      %dma_start3A_37 = arith.constant 0 : i32
      %dma_start3A_38 = tpu.memref_slice %arg11[%add3A_11, %dma_start3A_37] : memref<10000x128xf32, #tpu.memory_space<vmem_shared>> -> memref<128x128xf32, #tpu.memory_space<vmem_shared>>
      %dma_start3A_39 = arith.constant 0 : i32
      %dma_start3A_40 = tpu.memref_slice %arg11[%add3A_11, %dma_start3A_39] : memref<10000x128xf32, #tpu.memory_space<vmem_shared>> -> memref<128x128xf32, #tpu.memory_space<vmem_shared>>
      %dma_start3A_41 = arith.constant 0 : i32
      %dma_start3A_42 = arith.constant 0 : i32
      %dma_start3A_43 = tpu.memref_slice %arg10[%dma_start3A_41, %dma_start3A_42] : memref<128x128xf32, #tpu.memory_space<vmem>> -> memref<128x128xf32, #tpu.memory_space<vmem>>
      tpu.enqueue_dma source(%dma_start3A_43 : memref<128x128xf32, #tpu.memory_space<vmem>>) target(%dma_start3A_40 : memref<128x128xf32, #tpu.memory_space<vmem_shared>>) target_semaphore(%run_scoped3A : memref<!tpu.dma_semaphore, #tpu.memory_space<semaphore_mem>>)
      %dma_wait3A = arith.constant 0 : i32
      %dma_wait3A_44 = arith.constant 0 : i32
      %dma_wait3A_45 = tpu.memref_slice %arg10[%dma_wait3A, %dma_wait3A_44] : memref<128x128xf32, #tpu.memory_space<vmem>> -> memref<128x128xf32, #tpu.memory_space<vmem>>
      %dma_wait3A_46 = arith.constant 0 : i32
      %dma_wait3A_47 = tpu.memref_slice %arg11[%add3A_11, %dma_wait3A_46] : memref<10000x128xf32, #tpu.memory_space<vmem_shared>> -> memref<128x128xf32, #tpu.memory_space<vmem_shared>>
      %dma_wait3A_48 = arith.constant 0 : i32
      %dma_wait3A_49 = tpu.memref_slice %arg11[%add3A_11, %dma_wait3A_48] : memref<10000x128xf32, #tpu.memory_space<vmem_shared>> -> memref<128x128xf32, #tpu.memory_space<vmem_shared>>
      %dma_wait3A_50 = arith.constant 0 : i32
      %dma_wait3A_51 = arith.constant 0 : i32
      %dma_wait3A_52 = tpu.memref_slice %arg10[%dma_wait3A_50, %dma_wait3A_51] : memref<128x128xf32, #tpu.memory_space<vmem>> -> memref<128x128xf32, #tpu.memory_space<vmem>>
      tpu.wait_dma2 semaphore(%run_scoped3A : memref<!tpu.dma_semaphore, #tpu.memory_space<semaphore_mem>>) src(%dma_wait3A_52 : memref<128x128xf32, #tpu.memory_space<vmem>>) dst(%dma_wait3A_49 : memref<128x128xf32, #tpu.memory_space<vmem_shared>>)
      tpu.yield
    }) : () -> ()
    %add3A_12 = arith.constant 128 : i32
    %add3A_13 = arith.addi %mul3A_9, %add3A_12 : i32
    "tpu.region"() ({
      %run_scoped3A = tpu.sem_alloc : memref<!tpu.dma_semaphore, #tpu.memory_space<semaphore_mem>>
      %dma_start3A = arith.constant 0 : i32
      %dma_start3A_35 = arith.constant 0 : i32
      %dma_start3A_36 = tpu.memref_slice %arg10[%dma_start3A, %dma_start3A_35] : memref<128x128xf32, #tpu.memory_space<vmem>> -> memref<128x128xf32, #tpu.memory_space<vmem>>
      %dma_start3A_37 = arith.constant 0 : i32
      %dma_start3A_38 = tpu.memref_slice %arg11[%add3A_13, %dma_start3A_37] : memref<10000x128xf32, #tpu.memory_space<vmem_shared>> -> memref<128x128xf32, #tpu.memory_space<vmem_shared>>
      %dma_start3A_39 = arith.constant 0 : i32
      %dma_start3A_40 = tpu.memref_slice %arg11[%add3A_13, %dma_start3A_39] : memref<10000x128xf32, #tpu.memory_space<vmem_shared>> -> memref<128x128xf32, #tpu.memory_space<vmem_shared>>
      %dma_start3A_41 = arith.constant 0 : i32
      %dma_start3A_42 = arith.constant 0 : i32
      %dma_start3A_43 = tpu.memref_slice %arg10[%dma_start3A_41, %dma_start3A_42] : memref<128x128xf32, #tpu.memory_space<vmem>> -> memref<128x128xf32, #tpu.memory_space<vmem>>
      tpu.enqueue_dma source(%dma_start3A_43 : memref<128x128xf32, #tpu.memory_space<vmem>>) target(%dma_start3A_40 : memref<128x128xf32, #tpu.memory_space<vmem_shared>>) target_semaphore(%run_scoped3A : memref<!tpu.dma_semaphore, #tpu.memory_space<semaphore_mem>>)
      %dma_wait3A = arith.constant 0 : i32
      %dma_wait3A_44 = arith.constant 0 : i32
      %dma_wait3A_45 = tpu.memref_slice %arg10[%dma_wait3A, %dma_wait3A_44] : memref<128x128xf32, #tpu.memory_space<vmem>> -> memref<128x128xf32, #tpu.memory_space<vmem>>
      %dma_wait3A_46 = arith.constant 0 : i32
      %dma_wait3A_47 = tpu.memref_slice %arg11[%add3A_13, %dma_wait3A_46] : memref<10000x128xf32, #tpu.memory_space<vmem_shared>> -> memref<128x128xf32, #tpu.memory_space<vmem_shared>>
      %dma_wait3A_48 = arith.constant 0 : i32
      %dma_wait3A_49 = tpu.memref_slice %arg11[%add3A_13, %dma_wait3A_48] : memref<10000x128xf32, #tpu.memory_space<vmem_shared>> -> memref<128x128xf32, #tpu.memory_space<vmem_shared>>
      %dma_wait3A_50 = arith.constant 0 : i32
      %dma_wait3A_51 = arith.constant 0 : i32
      %dma_wait3A_52 = tpu.memref_slice %arg10[%dma_wait3A_50, %dma_wait3A_51] : memref<128x128xf32, #tpu.memory_space<vmem>> -> memref<128x128xf32, #tpu.memory_space<vmem>>
      tpu.wait_dma2 semaphore(%run_scoped3A : memref<!tpu.dma_semaphore, #tpu.memory_space<semaphore_mem>>) src(%dma_wait3A_52 : memref<128x128xf32, #tpu.memory_space<vmem>>) dst(%dma_wait3A_49 : memref<128x128xf32, #tpu.memory_space<vmem_shared>>)
      tpu.yield
    }) : () -> ()
    %add3A_14 = arith.constant 256 : i32
    %add3A_15 = arith.addi %mul3A_9, %add3A_14 : i32
    "tpu.region"() ({
      %run_scoped3A = tpu.sem_alloc : memref<!tpu.dma_semaphore, #tpu.memory_space<semaphore_mem>>
      %dma_start3A = arith.constant 0 : i32
      %dma_start3A_35 = arith.constant 0 : i32
      %dma_start3A_36 = tpu.memref_slice %arg10[%dma_start3A, %dma_start3A_35] : memref<128x128xf32, #tpu.memory_space<vmem>> -> memref<128x128xf32, #tpu.memory_space<vmem>>
      %dma_start3A_37 = arith.constant 0 : i32
      %dma_start3A_38 = tpu.memref_slice %arg11[%add3A_15, %dma_start3A_37] : memref<10000x128xf32, #tpu.memory_space<vmem_shared>> -> memref<128x128xf32, #tpu.memory_space<vmem_shared>>
      %dma_start3A_39 = arith.constant 0 : i32
      %dma_start3A_40 = tpu.memref_slice %arg11[%add3A_15, %dma_start3A_39] : memref<10000x128xf32, #tpu.memory_space<vmem_shared>> -> memref<128x128xf32, #tpu.memory_space<vmem_shared>>
      %dma_start3A_41 = arith.constant 0 : i32
      %dma_start3A_42 = arith.constant 0 : i32
      %dma_start3A_43 = tpu.memref_slice %arg10[%dma_start3A_41, %dma_start3A_42] : memref<128x128xf32, #tpu.memory_space<vmem>> -> memref<128x128xf32, #tpu.memory_space<vmem>>
      tpu.enqueue_dma source(%dma_start3A_43 : memref<128x128xf32, #tpu.memory_space<vmem>>) target(%dma_start3A_40 : memref<128x128xf32, #tpu.memory_space<vmem_shared>>) target_semaphore(%run_scoped3A : memref<!tpu.dma_semaphore, #tpu.memory_space<semaphore_mem>>)
      %dma_wait3A = arith.constant 0 : i32
      %dma_wait3A_44 = arith.constant 0 : i32
      %dma_wait3A_45 = tpu.memref_slice %arg10[%dma_wait3A, %dma_wait3A_44] : memref<128x128xf32, #tpu.memory_space<vmem>> -> memref<128x128xf32, #tpu.memory_space<vmem>>
      %dma_wait3A_46 = arith.constant 0 : i32
      %dma_wait3A_47 = tpu.memref_slice %arg11[%add3A_15, %dma_wait3A_46] : memref<10000x128xf32, #tpu.memory_space<vmem_shared>> -> memref<128x128xf32, #tpu.memory_space<vmem_shared>>
      %dma_wait3A_48 = arith.constant 0 : i32
      %dma_wait3A_49 = tpu.memref_slice %arg11[%add3A_15, %dma_wait3A_48] : memref<10000x128xf32, #tpu.memory_space<vmem_shared>> -> memref<128x128xf32, #tpu.memory_space<vmem_shared>>
      %dma_wait3A_50 = arith.constant 0 : i32
      %dma_wait3A_51 = arith.constant 0 : i32
      %dma_wait3A_52 = tpu.memref_slice %arg10[%dma_wait3A_50, %dma_wait3A_51] : memref<128x128xf32, #tpu.memory_space<vmem>> -> memref<128x128xf32, #tpu.memory_space<vmem>>
      tpu.wait_dma2 semaphore(%run_scoped3A : memref<!tpu.dma_semaphore, #tpu.memory_space<semaphore_mem>>) src(%dma_wait3A_52 : memref<128x128xf32, #tpu.memory_space<vmem>>) dst(%dma_wait3A_49 : memref<128x128xf32, #tpu.memory_space<vmem_shared>>)
      tpu.yield
    }) : () -> ()
    %add3A_16 = arith.constant 384 : i32
    %add3A_17 = arith.addi %mul3A_9, %add3A_16 : i32
    "tpu.region"() ({
      %run_scoped3A = tpu.sem_alloc : memref<!tpu.dma_semaphore, #tpu.memory_space<semaphore_mem>>
      %dma_start3A = arith.constant 0 : i32
      %dma_start3A_35 = arith.constant 0 : i32
      %dma_start3A_36 = tpu.memref_slice %arg10[%dma_start3A, %dma_start3A_35] : memref<128x128xf32, #tpu.memory_space<vmem>> -> memref<128x128xf32, #tpu.memory_space<vmem>>
      %dma_start3A_37 = arith.constant 0 : i32
      %dma_start3A_38 = tpu.memref_slice %arg11[%add3A_17, %dma_start3A_37] : memref<10000x128xf32, #tpu.memory_space<vmem_shared>> -> memref<128x128xf32, #tpu.memory_space<vmem_shared>>
      %dma_start3A_39 = arith.constant 0 : i32
      %dma_start3A_40 = tpu.memref_slice %arg11[%add3A_17, %dma_start3A_39] : memref<10000x128xf32, #tpu.memory_space<vmem_shared>> -> memref<128x128xf32, #tpu.memory_space<vmem_shared>>
      %dma_start3A_41 = arith.constant 0 : i32
      %dma_start3A_42 = arith.constant 0 : i32
      %dma_start3A_43 = tpu.memref_slice %arg10[%dma_start3A_41, %dma_start3A_42] : memref<128x128xf32, #tpu.memory_space<vmem>> -> memref<128x128xf32, #tpu.memory_space<vmem>>
      tpu.enqueue_dma source(%dma_start3A_43 : memref<128x128xf32, #tpu.memory_space<vmem>>) target(%dma_start3A_40 : memref<128x128xf32, #tpu.memory_space<vmem_shared>>) target_semaphore(%run_scoped3A : memref<!tpu.dma_semaphore, #tpu.memory_space<semaphore_mem>>)
      %dma_wait3A = arith.constant 0 : i32
      %dma_wait3A_44 = arith.constant 0 : i32
      %dma_wait3A_45 = tpu.memref_slice %arg10[%dma_wait3A, %dma_wait3A_44] : memref<128x128xf32, #tpu.memory_space<vmem>> -> memref<128x128xf32, #tpu.memory_space<vmem>>
      %dma_wait3A_46 = arith.constant 0 : i32
      %dma_wait3A_47 = tpu.memref_slice %arg11[%add3A_17, %dma_wait3A_46] : memref<10000x128xf32, #tpu.memory_space<vmem_shared>> -> memref<128x128xf32, #tpu.memory_space<vmem_shared>>
      %dma_wait3A_48 = arith.constant 0 : i32
      %dma_wait3A_49 = tpu.memref_slice %arg11[%add3A_17, %dma_wait3A_48] : memref<10000x128xf32, #tpu.memory_space<vmem_shared>> -> memref<128x128xf32, #tpu.memory_space<vmem_shared>>
      %dma_wait3A_50 = arith.constant 0 : i32
      %dma_wait3A_51 = arith.constant 0 : i32
      %dma_wait3A_52 = tpu.memref_slice %arg10[%dma_wait3A_50, %dma_wait3A_51] : memref<128x128xf32, #tpu.memory_space<vmem>> -> memref<128x128xf32, #tpu.memory_space<vmem>>
      tpu.wait_dma2 semaphore(%run_scoped3A : memref<!tpu.dma_semaphore, #tpu.memory_space<semaphore_mem>>) src(%dma_wait3A_52 : memref<128x128xf32, #tpu.memory_space<vmem>>) dst(%dma_wait3A_49 : memref<128x128xf32, #tpu.memory_space<vmem_shared>>)
      tpu.yield
    }) : () -> ()
    %add3A_18 = arith.constant 512 : i32
    %add3A_19 = arith.addi %mul3A_9, %add3A_18 : i32
    "tpu.region"() ({
      %run_scoped3A = tpu.sem_alloc : memref<!tpu.dma_semaphore, #tpu.memory_space<semaphore_mem>>
      %dma_start3A = arith.constant 0 : i32
      %dma_start3A_35 = arith.constant 0 : i32
      %dma_start3A_36 = tpu.memref_slice %arg10[%dma_start3A, %dma_start3A_35] : memref<128x128xf32, #tpu.memory_space<vmem>> -> memref<112x128xf32, #tpu.memory_space<vmem>>
      %dma_start3A_37 = arith.constant 0 : i32
      %dma_start3A_38 = tpu.memref_slice %arg11[%add3A_19, %dma_start3A_37] : memref<10000x128xf32, #tpu.memory_space<vmem_shared>> -> memref<112x128xf32, #tpu.memory_space<vmem_shared>>
      %dma_start3A_39 = arith.constant 0 : i32
      %dma_start3A_40 = tpu.memref_slice %arg11[%add3A_19, %dma_start3A_39] : memref<10000x128xf32, #tpu.memory_space<vmem_shared>> -> memref<112x128xf32, #tpu.memory_space<vmem_shared>>
      %dma_start3A_41 = arith.constant 0 : i32
      %dma_start3A_42 = arith.constant 0 : i32
      %dma_start3A_43 = tpu.memref_slice %arg10[%dma_start3A_41, %dma_start3A_42] : memref<128x128xf32, #tpu.memory_space<vmem>> -> memref<112x128xf32, #tpu.memory_space<vmem>>
      tpu.enqueue_dma source(%dma_start3A_43 : memref<112x128xf32, #tpu.memory_space<vmem>>) target(%dma_start3A_40 : memref<112x128xf32, #tpu.memory_space<vmem_shared>>) target_semaphore(%run_scoped3A : memref<!tpu.dma_semaphore, #tpu.memory_space<semaphore_mem>>)
      %dma_wait3A = arith.constant 0 : i32
      %dma_wait3A_44 = arith.constant 0 : i32
      %dma_wait3A_45 = tpu.memref_slice %arg10[%dma_wait3A, %dma_wait3A_44] : memref<128x128xf32, #tpu.memory_space<vmem>> -> memref<112x128xf32, #tpu.memory_space<vmem>>
      %dma_wait3A_46 = arith.constant 0 : i32
      %dma_wait3A_47 = tpu.memref_slice %arg11[%add3A_19, %dma_wait3A_46] : memref<10000x128xf32, #tpu.memory_space<vmem_shared>> -> memref<112x128xf32, #tpu.memory_space<vmem_shared>>
      %dma_wait3A_48 = arith.constant 0 : i32
      %dma_wait3A_49 = tpu.memref_slice %arg11[%add3A_19, %dma_wait3A_48] : memref<10000x128xf32, #tpu.memory_space<vmem_shared>> -> memref<112x128xf32, #tpu.memory_space<vmem_shared>>
      %dma_wait3A_50 = arith.constant 0 : i32
      %dma_wait3A_51 = arith.constant 0 : i32
      %dma_wait3A_52 = tpu.memref_slice %arg10[%dma_wait3A_50, %dma_wait3A_51] : memref<128x128xf32, #tpu.memory_space<vmem>> -> memref<112x128xf32, #tpu.memory_space<vmem>>
      tpu.wait_dma2 semaphore(%run_scoped3A : memref<!tpu.dma_semaphore, #tpu.memory_space<semaphore_mem>>) src(%dma_wait3A_52 : memref<112x128xf32, #tpu.memory_space<vmem>>) dst(%dma_wait3A_49 : memref<112x128xf32, #tpu.memory_space<vmem_shared>>)
      tpu.yield
    }) : () -> ()
    %eq3A = arith.constant 15 : i32
    %eq3A_20 = arith.cmpi eq, %arg1, %eq3A : i32
    %convert_element_type3A = arith.extui %eq3A_20 : i1 to i32
    %cond3A = arith.constant 0 : i32
    %cond3A_21 = arith.cmpi ne, %convert_element_type3A, %cond3A : i32
    scf.if %cond3A_21 {
      "tpu.region"() ({
        %run_scoped3A = tpu.sem_alloc : memref<!tpu.dma_semaphore, #tpu.memory_space<semaphore_mem>>
        %dma_start3A = arith.constant 0 : i32
        %dma_start3A_35 = arith.constant 0 : i32
        %dma_start3A_36 = tpu.memref_slice %arg10[%dma_start3A, %dma_start3A_35] : memref<128x128xf32, #tpu.memory_space<vmem>> -> memref<16x128xf32, #tpu.memory_space<vmem>>
        %dma_start3A_37 = arith.constant 9984 : i32
        %dma_start3A_38 = arith.constant 0 : i32
        %dma_start3A_39 = tpu.memref_slice %arg11[%dma_start3A_37, %dma_start3A_38] : memref<10000x128xf32, #tpu.memory_space<vmem_shared>> -> memref<16x128xf32, #tpu.memory_space<vmem_shared>>
        %dma_start3A_40 = arith.constant 9984 : i32
        %dma_start3A_41 = arith.constant 0 : i32
        %dma_start3A_42 = tpu.memref_slice %arg11[%dma_start3A_40, %dma_start3A_41] : memref<10000x128xf32, #tpu.memory_space<vmem_shared>> -> memref<16x128xf32, #tpu.memory_space<vmem_shared>>
        %dma_start3A_43 = arith.constant 0 : i32
        %dma_start3A_44 = arith.constant 0 : i32
        %dma_start3A_45 = tpu.memref_slice %arg10[%dma_start3A_43, %dma_start3A_44] : memref<128x128xf32, #tpu.memory_space<vmem>> -> memref<16x128xf32, #tpu.memory_space<vmem>>
        tpu.enqueue_dma source(%dma_start3A_45 : memref<16x128xf32, #tpu.memory_space<vmem>>) target(%dma_start3A_42 : memref<16x128xf32, #tpu.memory_space<vmem_shared>>) target_semaphore(%run_scoped3A : memref<!tpu.dma_semaphore, #tpu.memory_space<semaphore_mem>>)
        %dma_wait3A = arith.constant 0 : i32
        %dma_wait3A_46 = arith.constant 0 : i32
        %dma_wait3A_47 = tpu.memref_slice %arg10[%dma_wait3A, %dma_wait3A_46] : memref<128x128xf32, #tpu.memory_space<vmem>> -> memref<16x128xf32, #tpu.memory_space<vmem>>
        %dma_wait3A_48 = arith.constant 9984 : i32
        %dma_wait3A_49 = arith.constant 0 : i32
        %dma_wait3A_50 = tpu.memref_slice %arg11[%dma_wait3A_48, %dma_wait3A_49] : memref<10000x128xf32, #tpu.memory_space<vmem_shared>> -> memref<16x128xf32, #tpu.memory_space<vmem_shared>>
        %dma_wait3A_51 = arith.constant 9984 : i32
        %dma_wait3A_52 = arith.constant 0 : i32
        %dma_wait3A_53 = tpu.memref_slice %arg11[%dma_wait3A_51, %dma_wait3A_52] : memref<10000x128xf32, #tpu.memory_space<vmem_shared>> -> memref<16x128xf32, #tpu.memory_space<vmem_shared>>
        %dma_wait3A_54 = arith.constant 0 : i32
        %dma_wait3A_55 = arith.constant 0 : i32
        %dma_wait3A_56 = tpu.memref_slice %arg10[%dma_wait3A_54, %dma_wait3A_55] : memref<128x128xf32, #tpu.memory_space<vmem>> -> memref<16x128xf32, #tpu.memory_space<vmem>>
        tpu.wait_dma2 semaphore(%run_scoped3A : memref<!tpu.dma_semaphore, #tpu.memory_space<semaphore_mem>>) src(%dma_wait3A_56 : memref<16x128xf32, #tpu.memory_space<vmem>>) dst(%dma_wait3A_53 : memref<16x128xf32, #tpu.memory_space<vmem_shared>>)
        tpu.yield
      }) : () -> ()
    } else {
    }
    %barrier3A = arith.constant 0 : index
    tpu.barrier barrier_id(%barrier3A)
    "tpu.region"() ({
      %run_scoped3A = tpu.sem_alloc : memref<!tpu.dma_semaphore, #tpu.memory_space<semaphore_mem>>
      %dma_start3A = arith.constant 0 : i32
      %dma_start3A_35 = arith.constant 0 : i32
      %dma_start3A_36 = tpu.memref_slice %arg3[%add3A, %dma_start3A, %dma_start3A_35] : memref<32x79x128xi32, #tpu.memory_space<hbm>> -> memref<1x79x128xi32, #tpu.memory_space<hbm>>
      %dma_start3A_37 = tpu.memref_squeeze %dma_start3A_36 : memref<1x79x128xi32, #tpu.memory_space<hbm>> -> memref<79x128xi32, #tpu.memory_space<hbm>>
      %dma_start3A_38 = arith.constant 0 : i32
      %dma_start3A_39 = arith.constant 0 : i32
      %dma_start3A_40 = tpu.memref_slice %arg3[%add3A, %dma_start3A_38, %dma_start3A_39] : memref<32x79x128xi32, #tpu.memory_space<hbm>> -> memref<1x79x128xi32, #tpu.memory_space<hbm>>
      %dma_start3A_41 = tpu.memref_squeeze %dma_start3A_40 : memref<1x79x128xi32, #tpu.memory_space<hbm>> -> memref<79x128xi32, #tpu.memory_space<hbm>>
      tpu.enqueue_dma source(%dma_start3A_41 : memref<79x128xi32, #tpu.memory_space<hbm>>) target(%arg7 : memref<79x128xi32, #tpu.memory_space<vmem>>) target_semaphore(%run_scoped3A : memref<!tpu.dma_semaphore, #tpu.memory_space<semaphore_mem>>)
      %dma_wait3A = arith.constant 0 : i32
      %dma_wait3A_42 = arith.constant 0 : i32
      %dma_wait3A_43 = tpu.memref_slice %arg3[%add3A, %dma_wait3A, %dma_wait3A_42] : memref<32x79x128xi32, #tpu.memory_space<hbm>> -> memref<1x79x128xi32, #tpu.memory_space<hbm>>
      %dma_wait3A_44 = tpu.memref_squeeze %dma_wait3A_43 : memref<1x79x128xi32, #tpu.memory_space<hbm>> -> memref<79x128xi32, #tpu.memory_space<hbm>>
      %dma_wait3A_45 = arith.constant 0 : i32
      %dma_wait3A_46 = arith.constant 0 : i32
      %dma_wait3A_47 = tpu.memref_slice %arg3[%add3A, %dma_wait3A_45, %dma_wait3A_46] : memref<32x79x128xi32, #tpu.memory_space<hbm>> -> memref<1x79x128xi32, #tpu.memory_space<hbm>>
      %dma_wait3A_48 = tpu.memref_squeeze %dma_wait3A_47 : memref<1x79x128xi32, #tpu.memory_space<hbm>> -> memref<79x128xi32, #tpu.memory_space<hbm>>
      tpu.wait_dma2 semaphore(%run_scoped3A : memref<!tpu.dma_semaphore, #tpu.memory_space<semaphore_mem>>) src(%dma_wait3A_48 : memref<79x128xi32, #tpu.memory_space<hbm>>) dst(%arg7 : memref<79x128xi32, #tpu.memory_space<vmem>>)
      tpu.yield
    }) : () -> ()
    "tpu.region"() ({
      %run_scoped3A = tpu.sem_alloc : memref<!tpu.dma_semaphore, #tpu.memory_space<semaphore_mem>>
      %dma_start3A = arith.constant 0 : i32
      %dma_start3A_35 = arith.constant 0 : i32
      %dma_start3A_36 = tpu.memref_slice %arg4[%add3A, %dma_start3A, %dma_start3A_35] : memref<32x79x128xi32, #tpu.memory_space<hbm>> -> memref<1x79x128xi32, #tpu.memory_space<hbm>>
      %dma_start3A_37 = tpu.memref_squeeze %dma_start3A_36 : memref<1x79x128xi32, #tpu.memory_space<hbm>> -> memref<79x128xi32, #tpu.memory_space<hbm>>
      %dma_start3A_38 = arith.constant 0 : i32
      %dma_start3A_39 = arith.constant 0 : i32
      %dma_start3A_40 = tpu.memref_slice %arg4[%add3A, %dma_start3A_38, %dma_start3A_39] : memref<32x79x128xi32, #tpu.memory_space<hbm>> -> memref<1x79x128xi32, #tpu.memory_space<hbm>>
      %dma_start3A_41 = tpu.memref_squeeze %dma_start3A_40 : memref<1x79x128xi32, #tpu.memory_space<hbm>> -> memref<79x128xi32, #tpu.memory_space<hbm>>
      tpu.enqueue_dma source(%dma_start3A_41 : memref<79x128xi32, #tpu.memory_space<hbm>>) target(%arg8 : memref<79x128xi32, #tpu.memory_space<vmem>>) target_semaphore(%run_scoped3A : memref<!tpu.dma_semaphore, #tpu.memory_space<semaphore_mem>>)
      %dma_wait3A = arith.constant 0 : i32
      %dma_wait3A_42 = arith.constant 0 : i32
      %dma_wait3A_43 = tpu.memref_slice %arg4[%add3A, %dma_wait3A, %dma_wait3A_42] : memref<32x79x128xi32, #tpu.memory_space<hbm>> -> memref<1x79x128xi32, #tpu.memory_space<hbm>>
      %dma_wait3A_44 = tpu.memref_squeeze %dma_wait3A_43 : memref<1x79x128xi32, #tpu.memory_space<hbm>> -> memref<79x128xi32, #tpu.memory_space<hbm>>
      %dma_wait3A_45 = arith.constant 0 : i32
      %dma_wait3A_46 = arith.constant 0 : i32
      %dma_wait3A_47 = tpu.memref_slice %arg4[%add3A, %dma_wait3A_45, %dma_wait3A_46] : memref<32x79x128xi32, #tpu.memory_space<hbm>> -> memref<1x79x128xi32, #tpu.memory_space<hbm>>
      %dma_wait3A_48 = tpu.memref_squeeze %dma_wait3A_47 : memref<1x79x128xi32, #tpu.memory_space<hbm>> -> memref<79x128xi32, #tpu.memory_space<hbm>>
      tpu.wait_dma2 semaphore(%run_scoped3A : memref<!tpu.dma_semaphore, #tpu.memory_space<semaphore_mem>>) src(%dma_wait3A_48 : memref<79x128xi32, #tpu.memory_space<hbm>>) dst(%arg8 : memref<79x128xi32, #tpu.memory_space<vmem>>)
      tpu.yield
    }) : () -> ()
    "tpu.region"() ({
      %run_scoped3A = tpu.sem_alloc : memref<!tpu.dma_semaphore, #tpu.memory_space<semaphore_mem>>
      %dma_start3A = arith.constant 0 : i32
      %dma_start3A_35 = arith.constant 0 : i32
      %dma_start3A_36 = tpu.memref_slice %arg5[%add3A, %dma_start3A, %dma_start3A_35] : memref<32x79x128xf32, #tpu.memory_space<hbm>> -> memref<1x79x128xf32, #tpu.memory_space<hbm>>
      %dma_start3A_37 = tpu.memref_squeeze %dma_start3A_36 : memref<1x79x128xf32, #tpu.memory_space<hbm>> -> memref<79x128xf32, #tpu.memory_space<hbm>>
      %dma_start3A_38 = arith.constant 0 : i32
      %dma_start3A_39 = arith.constant 0 : i32
      %dma_start3A_40 = tpu.memref_slice %arg5[%add3A, %dma_start3A_38, %dma_start3A_39] : memref<32x79x128xf32, #tpu.memory_space<hbm>> -> memref<1x79x128xf32, #tpu.memory_space<hbm>>
      %dma_start3A_41 = tpu.memref_squeeze %dma_start3A_40 : memref<1x79x128xf32, #tpu.memory_space<hbm>> -> memref<79x128xf32, #tpu.memory_space<hbm>>
      tpu.enqueue_dma source(%dma_start3A_41 : memref<79x128xf32, #tpu.memory_space<hbm>>) target(%arg9 : memref<79x128xf32, #tpu.memory_space<vmem>>) target_semaphore(%run_scoped3A : memref<!tpu.dma_semaphore, #tpu.memory_space<semaphore_mem>>)
      %dma_wait3A = arith.constant 0 : i32
      %dma_wait3A_42 = arith.constant 0 : i32
      %dma_wait3A_43 = tpu.memref_slice %arg5[%add3A, %dma_wait3A, %dma_wait3A_42] : memref<32x79x128xf32, #tpu.memory_space<hbm>> -> memref<1x79x128xf32, #tpu.memory_space<hbm>>
      %dma_wait3A_44 = tpu.memref_squeeze %dma_wait3A_43 : memref<1x79x128xf32, #tpu.memory_space<hbm>> -> memref<79x128xf32, #tpu.memory_space<hbm>>
      %dma_wait3A_45 = arith.constant 0 : i32
      %dma_wait3A_46 = arith.constant 0 : i32
      %dma_wait3A_47 = tpu.memref_slice %arg5[%add3A, %dma_wait3A_45, %dma_wait3A_46] : memref<32x79x128xf32, #tpu.memory_space<hbm>> -> memref<1x79x128xf32, #tpu.memory_space<hbm>>
      %dma_wait3A_48 = tpu.memref_squeeze %dma_wait3A_47 : memref<1x79x128xf32, #tpu.memory_space<hbm>> -> memref<79x128xf32, #tpu.memory_space<hbm>>
      tpu.wait_dma2 semaphore(%run_scoped3A : memref<!tpu.dma_semaphore, #tpu.memory_space<semaphore_mem>>) src(%dma_wait3A_48 : memref<79x128xf32, #tpu.memory_space<hbm>>) dst(%arg9 : memref<79x128xf32, #tpu.memory_space<vmem>>)
      tpu.yield
    }) : () -> ()
    %scan3A_22 = arith.constant 0 : i32
    %scan3A_23 = arith.constant 0 : i32
    %scan3A_24 = arith.constant 79 : i32
    %scan3A_25 = arith.addi %scan3A_23, %scan3A_24 : i32
    %scan3A_26 = arith.constant 1 : i32
    %scan3A_27 = scf.for %scan3A_35 = %scan3A_23 to %scan3A_25 step %scan3A_26 iter_args(%scan3A_36 = %scan3A_22) -> (i32)  : i32 {
      %dma_start3A = arith.constant 0 : i32
      %dma_start3A_37 = tpu.memref_slice %arg7[%scan3A_35, %dma_start3A] : memref<79x128xi32, #tpu.memory_space<vmem>> -> memref<1x128xi32, #tpu.memory_space<vmem>>
      %dma_start3A_38 = tpu.memref_squeeze %dma_start3A_37 : memref<1x128xi32, #tpu.memory_space<vmem>> -> memref<128xi32, #tpu.memory_space<vmem>>
      %dma_start3A_39 = arith.constant 0 : i32
      %dma_start3A_40 = arith.constant 0 : i32
      %dma_start3A_41 = tpu.memref_slice %arg2[%dma_start3A_39, %dma_start3A_40] : memref<10000x128xf32, #tpu.memory_space<hbm>> -> memref<10000x128xf32, #tpu.memory_space<hbm>>
      tpu.enqueue_indirect_dma source(%dma_start3A_41 : memref<10000x128xf32, #tpu.memory_space<hbm>>) target(%arg10 : memref<128x128xf32, #tpu.memory_space<vmem>>) offsets(%dma_start3A_38 : memref<128xi32, #tpu.memory_space<vmem>>) semaphore(%arg12 : memref<!tpu.dma_semaphore, #tpu.memory_space<semaphore_mem>>)
      %dma_wait3A = arith.constant 0 : i32
      %dma_wait3A_42 = tpu.memref_slice %arg7[%scan3A_35, %dma_wait3A] : memref<79x128xi32, #tpu.memory_space<vmem>> -> memref<1x128xi32, #tpu.memory_space<vmem>>
      %dma_wait3A_43 = tpu.memref_squeeze %dma_wait3A_42 : memref<1x128xi32, #tpu.memory_space<vmem>> -> memref<128xi32, #tpu.memory_space<vmem>>
      %dma_wait3A_44 = arith.constant 0 : i32
      %dma_wait3A_45 = arith.constant 0 : i32
      %dma_wait3A_46 = tpu.memref_slice %arg2[%dma_wait3A_44, %dma_wait3A_45] : memref<10000x128xf32, #tpu.memory_space<hbm>> -> memref<10000x128xf32, #tpu.memory_space<hbm>>
      tpu.wait_indirect_dma semaphore(%arg12 : memref<!tpu.dma_semaphore, #tpu.memory_space<semaphore_mem>>) src(%dma_wait3A_46 : memref<10000x128xf32, #tpu.memory_space<hbm>>) dst(%arg10 : memref<128x128xf32, #tpu.memory_space<vmem>>)
      %scan3A_47 = arith.constant 0 : i32
      %scan3A_48 = arith.constant 0 : i32
      %scan3A_49 = arith.constant 8 : i32
      %scan3A_50 = arith.addi %scan3A_48, %scan3A_49 : i32
      %scan3A_51 = arith.constant 1 : i32
      %scan3A_52 = scf.for %scan3A_55 = %scan3A_48 to %scan3A_50 step %scan3A_51 iter_args(%scan3A_56 = %scan3A_47) -> (i32)  : i32 {
        %mul3A_57 = arith.constant 16 : i32
        %mul3A_58 = arith.muli %scan3A_55, %mul3A_57 : i32
        %get3A = arith.index_cast %scan3A_35 : i32 to index
        %get3A_59 = arith.index_cast %mul3A_58 : i32 to index
        %get3A_60 = tpu.vector_load %arg9[%get3A, %get3A_59] {strides = array<i32>} : memref<79x128xf32, #tpu.memory_space<vmem>>, vector<1x16xf32>,
        %get3A_61 = vector.shape_cast %get3A_60 : vector<1x16xf32> to vector<16xf32>
        %mul3A_62 = arith.constant 16 : i32
        %mul3A_63 = arith.muli %scan3A_55, %mul3A_62 : i32
        %slice3A = vector.extract_strided_slice %get3A_61 {offsets = [0], sizes = [1], strides = [1]} : vector<16xf32> to vector<1xf32>
        %squeeze3A = vector.extract %slice3A[0] : f32 from vector<1xf32>
        %broadcast_in_dim3A_64 = vector.broadcast %squeeze3A : f32 to vector<16xf32>
        %add3A_65 = arith.constant 0 : i32
        %add3A_66 = arith.addi %mul3A_63, %add3A_65 : i32
        %get3A_67 = arith.index_cast %add3A_66 : i32 to index
        %get3A_68 = arith.constant 0 : index
        %get3A_69 = tpu.vector_load %arg10[%get3A_67, %get3A_68] {strides = array<i32>} : memref<128x128xf32, #tpu.memory_space<vmem>>, vector<1x16xf32>,
        %get3A_70 = vector.shape_cast %get3A_69 : vector<1x16xf32> to vector<16xf32>
        %mul3A_71 = arith.mulf %get3A_70, %broadcast_in_dim3A_64 : vector<16xf32>
        %add3A_72 = arith.constant 0 : i32
        %add3A_73 = arith.addi %mul3A_63, %add3A_72 : i32
        %swap3A = arith.index_cast %add3A_73 : i32 to index
        %swap3A_74 = arith.constant 0 : index
        %swap3A_75 = tpu.vector_load %arg10[%swap3A, %swap3A_74] {strides = array<i32>} : memref<128x128xf32, #tpu.memory_space<vmem>>, vector<1x16xf32>,
        %swap3A_76 = vector.shape_cast %swap3A_75 : vector<1x16xf32> to vector<16xf32>
        %swap3A_77 = vector.shape_cast %mul3A_71 : vector<16xf32> to vector<1x16xf32>
        tpu.vector_store %arg10[%swap3A, %swap3A_74], %swap3A_77 {strides = array<i32>} : memref<128x128xf32, #tpu.memory_space<vmem>>, vector<1x16xf32>,
        %add3A_78 = arith.constant 0 : i32
        %add3A_79 = arith.addi %mul3A_63, %add3A_78 : i32
        %get3A_80 = arith.index_cast %add3A_79 : i32 to index
        %get3A_81 = arith.constant 16 : index
        %get3A_82 = tpu.vector_load %arg10[%get3A_80, %get3A_81] {strides = array<i32>} : memref<128x128xf32, #tpu.memory_space<vmem>>, vector<1x16xf32>,
        %get3A_83 = vector.shape_cast %get3A_82 : vector<1x16xf32> to vector<16xf32>
        %mul3A_84 = arith.mulf %get3A_83, %broadcast_in_dim3A_64 : vector<16xf32>
        %add3A_85 = arith.constant 0 : i32
        %add3A_86 = arith.addi %mul3A_63, %add3A_85 : i32
        %swap3A_87 = arith.index_cast %add3A_86 : i32 to index
        %swap3A_88 = arith.constant 16 : index
        %swap3A_89 = tpu.vector_load %arg10[%swap3A_87, %swap3A_88] {strides = array<i32>} : memref<128x128xf32, #tpu.memory_space<vmem>>, vector<1x16xf32>,
        %swap3A_90 = vector.shape_cast %swap3A_89 : vector<1x16xf32> to vector<16xf32>
        %swap3A_91 = vector.shape_cast %mul3A_84 : vector<16xf32> to vector<1x16xf32>
        tpu.vector_store %arg10[%swap3A_87, %swap3A_88], %swap3A_91 {strides = array<i32>} : memref<128x128xf32, #tpu.memory_space<vmem>>, vector<1x16xf32>,
        %add3A_92 = arith.constant 0 : i32
        %add3A_93 = arith.addi %mul3A_63, %add3A_92 : i32
        %get3A_94 = arith.index_cast %add3A_93 : i32 to index
        %get3A_95 = arith.constant 32 : index
        %get3A_96 = tpu.vector_load %arg10[%get3A_94, %get3A_95] {strides = array<i32>} : memref<128x128xf32, #tpu.memory_space<vmem>>, vector<1x16xf32>,
        %get3A_97 = vector.shape_cast %get3A_96 : vector<1x16xf32> to vector<16xf32>
        %mul3A_98 = arith.mulf %get3A_97, %broadcast_in_dim3A_64 : vector<16xf32>
        %add3A_99 = arith.constant 0 : i32
        %add3A_100 = arith.addi %mul3A_63, %add3A_99 : i32
        %swap3A_101 = arith.index_cast %add3A_100 : i32 to index
        %swap3A_102 = arith.constant 32 : index
        %swap3A_103 = tpu.vector_load %arg10[%swap3A_101, %swap3A_102] {strides = array<i32>} : memref<128x128xf32, #tpu.memory_space<vmem>>, vector<1x16xf32>,
        %swap3A_104 = vector.shape_cast %swap3A_103 : vector<1x16xf32> to vector<16xf32>
        %swap3A_105 = vector.shape_cast %mul3A_98 : vector<16xf32> to vector<1x16xf32>
        tpu.vector_store %arg10[%swap3A_101, %swap3A_102], %swap3A_105 {strides = array<i32>} : memref<128x128xf32, #tpu.memory_space<vmem>>, vector<1x16xf32>,
        %add3A_106 = arith.constant 0 : i32
        %add3A_107 = arith.addi %mul3A_63, %add3A_106 : i32
        %get3A_108 = arith.index_cast %add3A_107 : i32 to index
        %get3A_109 = arith.constant 48 : index
        %get3A_110 = tpu.vector_load %arg10[%get3A_108, %get3A_109] {strides = array<i32>} : memref<128x128xf32, #tpu.memory_space<vmem>>, vector<1x16xf32>,
        %get3A_111 = vector.shape_cast %get3A_110 : vector<1x16xf32> to vector<16xf32>
        %mul3A_112 = arith.mulf %get3A_111, %broadcast_in_dim3A_64 : vector<16xf32>
        %add3A_113 = arith.constant 0 : i32
        %add3A_114 = arith.addi %mul3A_63, %add3A_113 : i32
        %swap3A_115 = arith.index_cast %add3A_114 : i32 to index
        %swap3A_116 = arith.constant 48 : index
        %swap3A_117 = tpu.vector_load %arg10[%swap3A_115, %swap3A_116] {strides = array<i32>} : memref<128x128xf32, #tpu.memory_space<vmem>>, vector<1x16xf32>,
        %swap3A_118 = vector.shape_cast %swap3A_117 : vector<1x16xf32> to vector<16xf32>
        %swap3A_119 = vector.shape_cast %mul3A_112 : vector<16xf32> to vector<1x16xf32>
        tpu.vector_store %arg10[%swap3A_115, %swap3A_116], %swap3A_119 {strides = array<i32>} : memref<128x128xf32, #tpu.memory_space<vmem>>, vector<1x16xf32>,
        %add3A_120 = arith.constant 0 : i32
        %add3A_121 = arith.addi %mul3A_63, %add3A_120 : i32
        %get3A_122 = arith.index_cast %add3A_121 : i32 to index
        %get3A_123 = arith.constant 64 : index
        %get3A_124 = tpu.vector_load %arg10[%get3A_122, %get3A_123] {strides = array<i32>} : memref<128x128xf32, #tpu.memory_space<vmem>>, vector<1x16xf32>,
        %get3A_125 = vector.shape_cast %get3A_124 : vector<1x16xf32> to vector<16xf32>
        %mul3A_126 = arith.mulf %get3A_125, %broadcast_in_dim3A_64 : vector<16xf32>
        %add3A_127 = arith.constant 0 : i32
        %add3A_128 = arith.addi %mul3A_63, %add3A_127 : i32
        %swap3A_129 = arith.index_cast %add3A_128 : i32 to index
        %swap3A_130 = arith.constant 64 : index
        %swap3A_131 = tpu.vector_load %arg10[%swap3A_129, %swap3A_130] {strides = array<i32>} : memref<128x128xf32, #tpu.memory_space<vmem>>, vector<1x16xf32>,
        %swap3A_132 = vector.shape_cast %swap3A_131 : vector<1x16xf32> to vector<16xf32>
        %swap3A_133 = vector.shape_cast %mul3A_126 : vector<16xf32> to vector<1x16xf32>
        tpu.vector_store %arg10[%swap3A_129, %swap3A_130], %swap3A_133 {strides = array<i32>} : memref<128x128xf32, #tpu.memory_space<vmem>>, vector<1x16xf32>,
        %add3A_134 = arith.constant 0 : i32
        %add3A_135 = arith.addi %mul3A_63, %add3A_134 : i32
        %get3A_136 = arith.index_cast %add3A_135 : i32 to index
        %get3A_137 = arith.constant 80 : index
        %get3A_138 = tpu.vector_load %arg10[%get3A_136, %get3A_137] {strides = array<i32>} : memref<128x128xf32, #tpu.memory_space<vmem>>, vector<1x16xf32>,
        %get3A_139 = vector.shape_cast %get3A_138 : vector<1x16xf32> to vector<16xf32>
        %mul3A_140 = arith.mulf %get3A_139, %broadcast_in_dim3A_64 : vector<16xf32>
        %add3A_141 = arith.constant 0 : i32
        %add3A_142 = arith.addi %mul3A_63, %add3A_141 : i32
        %swap3A_143 = arith.index_cast %add3A_142 : i32 to index
        %swap3A_144 = arith.constant 80 : index
        %swap3A_145 = tpu.vector_load %arg10[%swap3A_143, %swap3A_144] {strides = array<i32>} : memref<128x128xf32, #tpu.memory_space<vmem>>, vector<1x16xf32>,
        %swap3A_146 = vector.shape_cast %swap3A_145 : vector<1x16xf32> to vector<16xf32>
        %swap3A_147 = vector.shape_cast %mul3A_140 : vector<16xf32> to vector<1x16xf32>
        tpu.vector_store %arg10[%swap3A_143, %swap3A_144], %swap3A_147 {strides = array<i32>} : memref<128x128xf32, #tpu.memory_space<vmem>>, vector<1x16xf32>,
        %add3A_148 = arith.constant 0 : i32
        %add3A_149 = arith.addi %mul3A_63, %add3A_148 : i32
        %get3A_150 = arith.index_cast %add3A_149 : i32 to index
        %get3A_151 = arith.constant 96 : index
        %get3A_152 = tpu.vector_load %arg10[%get3A_150, %get3A_151] {strides = array<i32>} : memref<128x128xf32, #tpu.memory_space<vmem>>, vector<1x16xf32>,
        %get3A_153 = vector.shape_cast %get3A_152 : vector<1x16xf32> to vector<16xf32>
        %mul3A_154 = arith.mulf %get3A_153, %broadcast_in_dim3A_64 : vector<16xf32>
        %add3A_155 = arith.constant 0 : i32
        %add3A_156 = arith.addi %mul3A_63, %add3A_155 : i32
        %swap3A_157 = arith.index_cast %add3A_156 : i32 to index
        %swap3A_158 = arith.constant 96 : index
        %swap3A_159 = tpu.vector_load %arg10[%swap3A_157, %swap3A_158] {strides = array<i32>} : memref<128x128xf32, #tpu.memory_space<vmem>>, vector<1x16xf32>,
        %swap3A_160 = vector.shape_cast %swap3A_159 : vector<1x16xf32> to vector<16xf32>
        %swap3A_161 = vector.shape_cast %mul3A_154 : vector<16xf32> to vector<1x16xf32>
        tpu.vector_store %arg10[%swap3A_157, %swap3A_158], %swap3A_161 {strides = array<i32>} : memref<128x128xf32, #tpu.memory_space<vmem>>, vector<1x16xf32>,
        %add3A_162 = arith.constant 0 : i32
        %add3A_163 = arith.addi %mul3A_63, %add3A_162 : i32
        %get3A_164 = arith.index_cast %add3A_163 : i32 to index
        %get3A_165 = arith.constant 112 : index
        %get3A_166 = tpu.vector_load %arg10[%get3A_164, %get3A_165] {strides = array<i32>} : memref<128x128xf32, #tpu.memory_space<vmem>>, vector<1x16xf32>,
        %get3A_167 = vector.shape_cast %get3A_166 : vector<1x16xf32> to vector<16xf32>
        %mul3A_168 = arith.mulf %get3A_167, %broadcast_in_dim3A_64 : vector<16xf32>
        %add3A_169 = arith.constant 0 : i32
        %add3A_170 = arith.addi %mul3A_63, %add3A_169 : i32
        %swap3A_171 = arith.index_cast %add3A_170 : i32 to index
        %swap3A_172 = arith.constant 112 : index
        %swap3A_173 = tpu.vector_load %arg10[%swap3A_171, %swap3A_172] {strides = array<i32>} : memref<128x128xf32, #tpu.memory_space<vmem>>, vector<1x16xf32>,
        %swap3A_174 = vector.shape_cast %swap3A_173 : vector<1x16xf32> to vector<16xf32>
        %swap3A_175 = vector.shape_cast %mul3A_168 : vector<16xf32> to vector<1x16xf32>
        tpu.vector_store %arg10[%swap3A_171, %swap3A_172], %swap3A_175 {strides = array<i32>} : memref<128x128xf32, #tpu.memory_space<vmem>>, vector<1x16xf32>,
        %slice3A_176 = vector.extract_strided_slice %get3A_61 {offsets = [1], sizes = [1], strides = [1]} : vector<16xf32> to vector<1xf32>
        %squeeze3A_177 = vector.extract %slice3A_176[0] : f32 from vector<1xf32>
        %broadcast_in_dim3A_178 = vector.broadcast %squeeze3A_177 : f32 to vector<16xf32>
        %add3A_179 = arith.constant 1 : i32
        %add3A_180 = arith.addi %mul3A_63, %add3A_179 : i32
        %get3A_181 = arith.index_cast %add3A_180 : i32 to index
        %get3A_182 = arith.constant 0 : index
        %get3A_183 = tpu.vector_load %arg10[%get3A_181, %get3A_182] {strides = array<i32>} : memref<128x128xf32, #tpu.memory_space<vmem>>, vector<1x16xf32>,
        %get3A_184 = vector.shape_cast %get3A_183 : vector<1x16xf32> to vector<16xf32>
        %mul3A_185 = arith.mulf %get3A_184, %broadcast_in_dim3A_178 : vector<16xf32>
        %add3A_186 = arith.constant 1 : i32
        %add3A_187 = arith.addi %mul3A_63, %add3A_186 : i32
        %swap3A_188 = arith.index_cast %add3A_187 : i32 to index
        %swap3A_189 = arith.constant 0 : index
        %swap3A_190 = tpu.vector_load %arg10[%swap3A_188, %swap3A_189] {strides = array<i32>} : memref<128x128xf32, #tpu.memory_space<vmem>>, vector<1x16xf32>,
        %swap3A_191 = vector.shape_cast %swap3A_190 : vector<1x16xf32> to vector<16xf32>
        %swap3A_192 = vector.shape_cast %mul3A_185 : vector<16xf32> to vector<1x16xf32>
        tpu.vector_store %arg10[%swap3A_188, %swap3A_189], %swap3A_192 {strides = array<i32>} : memref<128x128xf32, #tpu.memory_space<vmem>>, vector<1x16xf32>,
        %add3A_193 = arith.constant 1 : i32
        %add3A_194 = arith.addi %mul3A_63, %add3A_193 : i32
        %get3A_195 = arith.index_cast %add3A_194 : i32 to index
        %get3A_196 = arith.constant 16 : index
        %get3A_197 = tpu.vector_load %arg10[%get3A_195, %get3A_196] {strides = array<i32>} : memref<128x128xf32, #tpu.memory_space<vmem>>, vector<1x16xf32>,
        %get3A_198 = vector.shape_cast %get3A_197 : vector<1x16xf32> to vector<16xf32>
        %mul3A_199 = arith.mulf %get3A_198, %broadcast_in_dim3A_178 : vector<16xf32>
        %add3A_200 = arith.constant 1 : i32
        %add3A_201 = arith.addi %mul3A_63, %add3A_200 : i32
        %swap3A_202 = arith.index_cast %add3A_201 : i32 to index
        %swap3A_203 = arith.constant 16 : index
        %swap3A_204 = tpu.vector_load %arg10[%swap3A_202, %swap3A_203] {strides = array<i32>} : memref<128x128xf32, #tpu.memory_space<vmem>>, vector<1x16xf32>,
        %swap3A_205 = vector.shape_cast %swap3A_204 : vector<1x16xf32> to vector<16xf32>
        %swap3A_206 = vector.shape_cast %mul3A_199 : vector<16xf32> to vector<1x16xf32>
        tpu.vector_store %arg10[%swap3A_202, %swap3A_203], %swap3A_206 {strides = array<i32>} : memref<128x128xf32, #tpu.memory_space<vmem>>, vector<1x16xf32>,
        %add3A_207 = arith.constant 1 : i32
        %add3A_208 = arith.addi %mul3A_63, %add3A_207 : i32
        %get3A_209 = arith.index_cast %add3A_208 : i32 to index
        %get3A_210 = arith.constant 32 : index
        %get3A_211 = tpu.vector_load %arg10[%get3A_209, %get3A_210] {strides = array<i32>} : memref<128x128xf32, #tpu.memory_space<vmem>>, vector<1x16xf32>,
        %get3A_212 = vector.shape_cast %get3A_211 : vector<1x16xf32> to vector<16xf32>
        %mul3A_213 = arith.mulf %get3A_212, %broadcast_in_dim3A_178 : vector<16xf32>
        %add3A_214 = arith.constant 1 : i32
        %add3A_215 = arith.addi %mul3A_63, %add3A_214 : i32
        %swap3A_216 = arith.index_cast %add3A_215 : i32 to index
        %swap3A_217 = arith.constant 32 : index
        %swap3A_218 = tpu.vector_load %arg10[%swap3A_216, %swap3A_217] {strides = array<i32>} : memref<128x128xf32, #tpu.memory_space<vmem>>, vector<1x16xf32>,
        %swap3A_219 = vector.shape_cast %swap3A_218 : vector<1x16xf32> to vector<16xf32>
        %swap3A_220 = vector.shape_cast %mul3A_213 : vector<16xf32> to vector<1x16xf32>
        tpu.vector_store %arg10[%swap3A_216, %swap3A_217], %swap3A_220 {strides = array<i32>} : memref<128x128xf32, #tpu.memory_space<vmem>>, vector<1x16xf32>,
        %add3A_221 = arith.constant 1 : i32
        %add3A_222 = arith.addi %mul3A_63, %add3A_221 : i32
        %get3A_223 = arith.index_cast %add3A_222 : i32 to index
        %get3A_224 = arith.constant 48 : index
        %get3A_225 = tpu.vector_load %arg10[%get3A_223, %get3A_224] {strides = array<i32>} : memref<128x128xf32, #tpu.memory_space<vmem>>, vector<1x16xf32>,
        %get3A_226 = vector.shape_cast %get3A_225 : vector<1x16xf32> to vector<16xf32>
        %mul3A_227 = arith.mulf %get3A_226, %broadcast_in_dim3A_178 : vector<16xf32>
        %add3A_228 = arith.constant 1 : i32
        %add3A_229 = arith.addi %mul3A_63, %add3A_228 : i32
        %swap3A_230 = arith.index_cast %add3A_229 : i32 to index
        %swap3A_231 = arith.constant 48 : index
        %swap3A_232 = tpu.vector_load %arg10[%swap3A_230, %swap3A_231] {strides = array<i32>} : memref<128x128xf32, #tpu.memory_space<vmem>>, vector<1x16xf32>,
        %swap3A_233 = vector.shape_cast %swap3A_232 : vector<1x16xf32> to vector<16xf32>
        %swap3A_234 = vector.shape_cast %mul3A_227 : vector<16xf32> to vector<1x16xf32>
        tpu.vector_store %arg10[%swap3A_230, %swap3A_231], %swap3A_234 {strides = array<i32>} : memref<128x128xf32, #tpu.memory_space<vmem>>, vector<1x16xf32>,
        %add3A_235 = arith.constant 1 : i32
        %add3A_236 = arith.addi %mul3A_63, %add3A_235 : i32
        %get3A_237 = arith.index_cast %add3A_236 : i32 to index
        %get3A_238 = arith.constant 64 : index
        %get3A_239 = tpu.vector_load %arg10[%get3A_237, %get3A_238] {strides = array<i32>} : memref<128x128xf32, #tpu.memory_space<vmem>>, vector<1x16xf32>,
        %get3A_240 = vector.shape_cast %get3A_239 : vector<1x16xf32> to vector<16xf32>
        %mul3A_241 = arith.mulf %get3A_240, %broadcast_in_dim3A_178 : vector<16xf32>
        %add3A_242 = arith.constant 1 : i32
        %add3A_243 = arith.addi %mul3A_63, %add3A_242 : i32
        %swap3A_244 = arith.index_cast %add3A_243 : i32 to index
        %swap3A_245 = arith.constant 64 : index
        %swap3A_246 = tpu.vector_load %arg10[%swap3A_244, %swap3A_245] {strides = array<i32>} : memref<128x128xf32, #tpu.memory_space<vmem>>, vector<1x16xf32>,
        %swap3A_247 = vector.shape_cast %swap3A_246 : vector<1x16xf32> to vector<16xf32>
        %swap3A_248 = vector.shape_cast %mul3A_241 : vector<16xf32> to vector<1x16xf32>
        tpu.vector_store %arg10[%swap3A_244, %swap3A_245], %swap3A_248 {strides = array<i32>} : memref<128x128xf32, #tpu.memory_space<vmem>>, vector<1x16xf32>,
        %add3A_249 = arith.constant 1 : i32
        %add3A_250 = arith.addi %mul3A_63, %add3A_249 : i32
        %get3A_251 = arith.index_cast %add3A_250 : i32 to index
        %get3A_252 = arith.constant 80 : index
        %get3A_253 = tpu.vector_load %arg10[%get3A_251, %get3A_252] {strides = array<i32>} : memref<128x128xf32, #tpu.memory_space<vmem>>, vector<1x16xf32>,
        %get3A_254 = vector.shape_cast %get3A_253 : vector<1x16xf32> to vector<16xf32>
        %mul3A_255 = arith.mulf %get3A_254, %broadcast_in_dim3A_178 : vector<16xf32>
        %add3A_256 = arith.constant 1 : i32
        %add3A_257 = arith.addi %mul3A_63, %add3A_256 : i32
        %swap3A_258 = arith.index_cast %add3A_257 : i32 to index
        %swap3A_259 = arith.constant 80 : index
        %swap3A_260 = tpu.vector_load %arg10[%swap3A_258, %swap3A_259] {strides = array<i32>} : memref<128x128xf32, #tpu.memory_space<vmem>>, vector<1x16xf32>,
        %swap3A_261 = vector.shape_cast %swap3A_260 : vector<1x16xf32> to vector<16xf32>
        %swap3A_262 = vector.shape_cast %mul3A_255 : vector<16xf32> to vector<1x16xf32>
        tpu.vector_store %arg10[%swap3A_258, %swap3A_259], %swap3A_262 {strides = array<i32>} : memref<128x128xf32, #tpu.memory_space<vmem>>, vector<1x16xf32>,
        %add3A_263 = arith.constant 1 : i32
        %add3A_264 = arith.addi %mul3A_63, %add3A_263 : i32
        %get3A_265 = arith.index_cast %add3A_264 : i32 to index
        %get3A_266 = arith.constant 96 : index
        %get3A_267 = tpu.vector_load %arg10[%get3A_265, %get3A_266] {strides = array<i32>} : memref<128x128xf32, #tpu.memory_space<vmem>>, vector<1x16xf32>,
        %get3A_268 = vector.shape_cast %get3A_267 : vector<1x16xf32> to vector<16xf32>
        %mul3A_269 = arith.mulf %get3A_268, %broadcast_in_dim3A_178 : vector<16xf32>
        %add3A_270 = arith.constant 1 : i32
        %add3A_271 = arith.addi %mul3A_63, %add3A_270 : i32
        %swap3A_272 = arith.index_cast %add3A_271 : i32 to index
        %swap3A_273 = arith.constant 96 : index
        %swap3A_274 = tpu.vector_load %arg10[%swap3A_272, %swap3A_273] {strides = array<i32>} : memref<128x128xf32, #tpu.memory_space<vmem>>, vector<1x16xf32>,
        %swap3A_275 = vector.shape_cast %swap3A_274 : vector<1x16xf32> to vector<16xf32>
        %swap3A_276 = vector.shape_cast %mul3A_269 : vector<16xf32> to vector<1x16xf32>
        tpu.vector_store %arg10[%swap3A_272, %swap3A_273], %swap3A_276 {strides = array<i32>} : memref<128x128xf32, #tpu.memory_space<vmem>>, vector<1x16xf32>,
        %add3A_277 = arith.constant 1 : i32
        %add3A_278 = arith.addi %mul3A_63, %add3A_277 : i32
        %get3A_279 = arith.index_cast %add3A_278 : i32 to index
        %get3A_280 = arith.constant 112 : index
        %get3A_281 = tpu.vector_load %arg10[%get3A_279, %get3A_280] {strides = array<i32>} : memref<128x128xf32, #tpu.memory_space<vmem>>, vector<1x16xf32>,
        %get3A_282 = vector.shape_cast %get3A_281 : vector<1x16xf32> to vector<16xf32>
        %mul3A_283 = arith.mulf %get3A_282, %broadcast_in_dim3A_178 : vector<16xf32>
        %add3A_284 = arith.constant 1 : i32
        %add3A_285 = arith.addi %mul3A_63, %add3A_284 : i32
        %swap3A_286 = arith.index_cast %add3A_285 : i32 to index
        %swap3A_287 = arith.constant 112 : index
        %swap3A_288 = tpu.vector_load %arg10[%swap3A_286, %swap3A_287] {strides = array<i32>} : memref<128x128xf32, #tpu.memory_space<vmem>>, vector<1x16xf32>,
        %swap3A_289 = vector.shape_cast %swap3A_288 : vector<1x16xf32> to vector<16xf32>
        %swap3A_290 = vector.shape_cast %mul3A_283 : vector<16xf32> to vector<1x16xf32>
        tpu.vector_store %arg10[%swap3A_286, %swap3A_287], %swap3A_290 {strides = array<i32>} : memref<128x128xf32, #tpu.memory_space<vmem>>, vector<1x16xf32>,
        %slice3A_291 = vector.extract_strided_slice %get3A_61 {offsets = [2], sizes = [1], strides = [1]} : vector<16xf32> to vector<1xf32>
        %squeeze3A_292 = vector.extract %slice3A_291[0] : f32 from vector<1xf32>
        %broadcast_in_dim3A_293 = vector.broadcast %squeeze3A_292 : f32 to vector<16xf32>
        %add3A_294 = arith.constant 2 : i32
        %add3A_295 = arith.addi %mul3A_63, %add3A_294 : i32
        %get3A_296 = arith.index_cast %add3A_295 : i32 to index
        %get3A_297 = arith.constant 0 : index
        %get3A_298 = tpu.vector_load %arg10[%get3A_296, %get3A_297] {strides = array<i32>} : memref<128x128xf32, #tpu.memory_space<vmem>>, vector<1x16xf32>,
        %get3A_299 = vector.shape_cast %get3A_298 : vector<1x16xf32> to vector<16xf32>
        %mul3A_300 = arith.mulf %get3A_299, %broadcast_in_dim3A_293 : vector<16xf32>
        %add3A_301 = arith.constant 2 : i32
        %add3A_302 = arith.addi %mul3A_63, %add3A_301 : i32
        %swap3A_303 = arith.index_cast %add3A_302 : i32 to index
        %swap3A_304 = arith.constant 0 : index
        %swap3A_305 = tpu.vector_load %arg10[%swap3A_303, %swap3A_304] {strides = array<i32>} : memref<128x128xf32, #tpu.memory_space<vmem>>, vector<1x16xf32>,
        %swap3A_306 = vector.shape_cast %swap3A_305 : vector<1x16xf32> to vector<16xf32>
        %swap3A_307 = vector.shape_cast %mul3A_300 : vector<16xf32> to vector<1x16xf32>
        tpu.vector_store %arg10[%swap3A_303, %swap3A_304], %swap3A_307 {strides = array<i32>} : memref<128x128xf32, #tpu.memory_space<vmem>>, vector<1x16xf32>,
        %add3A_308 = arith.constant 2 : i32
        %add3A_309 = arith.addi %mul3A_63, %add3A_308 : i32
        %get3A_310 = arith.index_cast %add3A_309 : i32 to index
        %get3A_311 = arith.constant 16 : index
        %get3A_312 = tpu.vector_load %arg10[%get3A_310, %get3A_311] {strides = array<i32>} : memref<128x128xf32, #tpu.memory_space<vmem>>, vector<1x16xf32>,
        %get3A_313 = vector.shape_cast %get3A_312 : vector<1x16xf32> to vector<16xf32>
        %mul3A_314 = arith.mulf %get3A_313, %broadcast_in_dim3A_293 : vector<16xf32>
        %add3A_315 = arith.constant 2 : i32
        %add3A_316 = arith.addi %mul3A_63, %add3A_315 : i32
        %swap3A_317 = arith.index_cast %add3A_316 : i32 to index
        %swap3A_318 = arith.constant 16 : index
        %swap3A_319 = tpu.vector_load %arg10[%swap3A_317, %swap3A_318] {strides = array<i32>} : memref<128x128xf32, #tpu.memory_space<vmem>>, vector<1x16xf32>,
        %swap3A_320 = vector.shape_cast %swap3A_319 : vector<1x16xf32> to vector<16xf32>
        %swap3A_321 = vector.shape_cast %mul3A_314 : vector<16xf32> to vector<1x16xf32>
        tpu.vector_store %arg10[%swap3A_317, %swap3A_318], %swap3A_321 {strides = array<i32>} : memref<128x128xf32, #tpu.memory_space<vmem>>, vector<1x16xf32>,
        %add3A_322 = arith.constant 2 : i32
        %add3A_323 = arith.addi %mul3A_63, %add3A_322 : i32
        %get3A_324 = arith.index_cast %add3A_323 : i32 to index
        %get3A_325 = arith.constant 32 : index
        %get3A_326 = tpu.vector_load %arg10[%get3A_324, %get3A_325] {strides = array<i32>} : memref<128x128xf32, #tpu.memory_space<vmem>>, vector<1x16xf32>,
        %get3A_327 = vector.shape_cast %get3A_326 : vector<1x16xf32> to vector<16xf32>
        %mul3A_328 = arith.mulf %get3A_327, %broadcast_in_dim3A_293 : vector<16xf32>
        %add3A_329 = arith.constant 2 : i32
        %add3A_330 = arith.addi %mul3A_63, %add3A_329 : i32
        %swap3A_331 = arith.index_cast %add3A_330 : i32 to index
        %swap3A_332 = arith.constant 32 : index
        %swap3A_333 = tpu.vector_load %arg10[%swap3A_331, %swap3A_332] {strides = array<i32>} : memref<128x128xf32, #tpu.memory_space<vmem>>, vector<1x16xf32>,
        %swap3A_334 = vector.shape_cast %swap3A_333 : vector<1x16xf32> to vector<16xf32>
        %swap3A_335 = vector.shape_cast %mul3A_328 : vector<16xf32> to vector<1x16xf32>
        tpu.vector_store %arg10[%swap3A_331, %swap3A_332], %swap3A_335 {strides = array<i32>} : memref<128x128xf32, #tpu.memory_space<vmem>>, vector<1x16xf32>,
        %add3A_336 = arith.constant 2 : i32
        %add3A_337 = arith.addi %mul3A_63, %add3A_336 : i32
        %get3A_338 = arith.index_cast %add3A_337 : i32 to index
        %get3A_339 = arith.constant 48 : index
        %get3A_340 = tpu.vector_load %arg10[%get3A_338, %get3A_339] {strides = array<i32>} : memref<128x128xf32, #tpu.memory_space<vmem>>, vector<1x16xf32>,
        %get3A_341 = vector.shape_cast %get3A_340 : vector<1x16xf32> to vector<16xf32>
        %mul3A_342 = arith.mulf %get3A_341, %broadcast_in_dim3A_293 : vector<16xf32>
        %add3A_343 = arith.constant 2 : i32
        %add3A_344 = arith.addi %mul3A_63, %add3A_343 : i32
        %swap3A_345 = arith.index_cast %add3A_344 : i32 to index
        %swap3A_346 = arith.constant 48 : index
        %swap3A_347 = tpu.vector_load %arg10[%swap3A_345, %swap3A_346] {strides = array<i32>} : memref<128x128xf32, #tpu.memory_space<vmem>>, vector<1x16xf32>,
        %swap3A_348 = vector.shape_cast %swap3A_347 : vector<1x16xf32> to vector<16xf32>
        %swap3A_349 = vector.shape_cast %mul3A_342 : vector<16xf32> to vector<1x16xf32>
        tpu.vector_store %arg10[%swap3A_345, %swap3A_346], %swap3A_349 {strides = array<i32>} : memref<128x128xf32, #tpu.memory_space<vmem>>, vector<1x16xf32>,
        %add3A_350 = arith.constant 2 : i32
        %add3A_351 = arith.addi %mul3A_63, %add3A_350 : i32
        %get3A_352 = arith.index_cast %add3A_351 : i32 to index
        %get3A_353 = arith.constant 64 : index
        %get3A_354 = tpu.vector_load %arg10[%get3A_352, %get3A_353] {strides = array<i32>} : memref<128x128xf32, #tpu.memory_space<vmem>>, vector<1x16xf32>,
        %get3A_355 = vector.shape_cast %get3A_354 : vector<1x16xf32> to vector<16xf32>
        %mul3A_356 = arith.mulf %get3A_355, %broadcast_in_dim3A_293 : vector<16xf32>
        %add3A_357 = arith.constant 2 : i32
        %add3A_358 = arith.addi %mul3A_63, %add3A_357 : i32
        %swap3A_359 = arith.index_cast %add3A_358 : i32 to index
        %swap3A_360 = arith.constant 64 : index
        %swap3A_361 = tpu.vector_load %arg10[%swap3A_359, %swap3A_360] {strides = array<i32>} : memref<128x128xf32, #tpu.memory_space<vmem>>, vector<1x16xf32>,
        %swap3A_362 = vector.shape_cast %swap3A_361 : vector<1x16xf32> to vector<16xf32>
        %swap3A_363 = vector.shape_cast %mul3A_356 : vector<16xf32> to vector<1x16xf32>
        tpu.vector_store %arg10[%swap3A_359, %swap3A_360], %swap3A_363 {strides = array<i32>} : memref<128x128xf32, #tpu.memory_space<vmem>>, vector<1x16xf32>,
        %add3A_364 = arith.constant 2 : i32
        %add3A_365 = arith.addi %mul3A_63, %add3A_364 : i32
        %get3A_366 = arith.index_cast %add3A_365 : i32 to index
        %get3A_367 = arith.constant 80 : index
        %get3A_368 = tpu.vector_load %arg10[%get3A_366, %get3A_367] {strides = array<i32>} : memref<128x128xf32, #tpu.memory_space<vmem>>, vector<1x16xf32>,
        %get3A_369 = vector.shape_cast %get3A_368 : vector<1x16xf32> to vector<16xf32>
        %mul3A_370 = arith.mulf %get3A_369, %broadcast_in_dim3A_293 : vector<16xf32>
        %add3A_371 = arith.constant 2 : i32
        %add3A_372 = arith.addi %mul3A_63, %add3A_371 : i32
        %swap3A_373 = arith.index_cast %add3A_372 : i32 to index
        %swap3A_374 = arith.constant 80 : index
        %swap3A_375 = tpu.vector_load %arg10[%swap3A_373, %swap3A_374] {strides = array<i32>} : memref<128x128xf32, #tpu.memory_space<vmem>>, vector<1x16xf32>,
        %swap3A_376 = vector.shape_cast %swap3A_375 : vector<1x16xf32> to vector<16xf32>
        %swap3A_377 = vector.shape_cast %mul3A_370 : vector<16xf32> to vector<1x16xf32>
        tpu.vector_store %arg10[%swap3A_373, %swap3A_374], %swap3A_377 {strides = array<i32>} : memref<128x128xf32, #tpu.memory_space<vmem>>, vector<1x16xf32>,
        %add3A_378 = arith.constant 2 : i32
        %add3A_379 = arith.addi %mul3A_63, %add3A_378 : i32
        %get3A_380 = arith.index_cast %add3A_379 : i32 to index
        %get3A_381 = arith.constant 96 : index
        %get3A_382 = tpu.vector_load %arg10[%get3A_380, %get3A_381] {strides = array<i32>} : memref<128x128xf32, #tpu.memory_space<vmem>>, vector<1x16xf32>,
        %get3A_383 = vector.shape_cast %get3A_382 : vector<1x16xf32> to vector<16xf32>
        %mul3A_384 = arith.mulf %get3A_383, %broadcast_in_dim3A_293 : vector<16xf32>
        %add3A_385 = arith.constant 2 : i32
        %add3A_386 = arith.addi %mul3A_63, %add3A_385 : i32
        %swap3A_387 = arith.index_cast %add3A_386 : i32 to index
        %swap3A_388 = arith.constant 96 : index
        %swap3A_389 = tpu.vector_load %arg10[%swap3A_387, %swap3A_388] {strides = array<i32>} : memref<128x128xf32, #tpu.memory_space<vmem>>, vector<1x16xf32>,
        %swap3A_390 = vector.shape_cast %swap3A_389 : vector<1x16xf32> to vector<16xf32>
        %swap3A_391 = vector.shape_cast %mul3A_384 : vector<16xf32> to vector<1x16xf32>
        tpu.vector_store %arg10[%swap3A_387, %swap3A_388], %swap3A_391 {strides = array<i32>} : memref<128x128xf32, #tpu.memory_space<vmem>>, vector<1x16xf32>,
        %add3A_392 = arith.constant 2 : i32
        %add3A_393 = arith.addi %mul3A_63, %add3A_392 : i32
        %get3A_394 = arith.index_cast %add3A_393 : i32 to index
        %get3A_395 = arith.constant 112 : index
        %get3A_396 = tpu.vector_load %arg10[%get3A_394, %get3A_395] {strides = array<i32>} : memref<128x128xf32, #tpu.memory_space<vmem>>, vector<1x16xf32>,
        %get3A_397 = vector.shape_cast %get3A_396 : vector<1x16xf32> to vector<16xf32>
        %mul3A_398 = arith.mulf %get3A_397, %broadcast_in_dim3A_293 : vector<16xf32>
        %add3A_399 = arith.constant 2 : i32
        %add3A_400 = arith.addi %mul3A_63, %add3A_399 : i32
        %swap3A_401 = arith.index_cast %add3A_400 : i32 to index
        %swap3A_402 = arith.constant 112 : index
        %swap3A_403 = tpu.vector_load %arg10[%swap3A_401, %swap3A_402] {strides = array<i32>} : memref<128x128xf32, #tpu.memory_space<vmem>>, vector<1x16xf32>,
        %swap3A_404 = vector.shape_cast %swap3A_403 : vector<1x16xf32> to vector<16xf32>
        %swap3A_405 = vector.shape_cast %mul3A_398 : vector<16xf32> to vector<1x16xf32>
        tpu.vector_store %arg10[%swap3A_401, %swap3A_402], %swap3A_405 {strides = array<i32>} : memref<128x128xf32, #tpu.memory_space<vmem>>, vector<1x16xf32>,
        %slice3A_406 = vector.extract_strided_slice %get3A_61 {offsets = [3], sizes = [1], strides = [1]} : vector<16xf32> to vector<1xf32>
        %squeeze3A_407 = vector.extract %slice3A_406[0] : f32 from vector<1xf32>
        %broadcast_in_dim3A_408 = vector.broadcast %squeeze3A_407 : f32 to vector<16xf32>
        %add3A_409 = arith.constant 3 : i32
        %add3A_410 = arith.addi %mul3A_63, %add3A_409 : i32
        %get3A_411 = arith.index_cast %add3A_410 : i32 to index
        %get3A_412 = arith.constant 0 : index
        %get3A_413 = tpu.vector_load %arg10[%get3A_411, %get3A_412] {strides = array<i32>} : memref<128x128xf32, #tpu.memory_space<vmem>>, vector<1x16xf32>,
        %get3A_414 = vector.shape_cast %get3A_413 : vector<1x16xf32> to vector<16xf32>
        %mul3A_415 = arith.mulf %get3A_414, %broadcast_in_dim3A_408 : vector<16xf32>
        %add3A_416 = arith.constant 3 : i32
        %add3A_417 = arith.addi %mul3A_63, %add3A_416 : i32
        %swap3A_418 = arith.index_cast %add3A_417 : i32 to index
        %swap3A_419 = arith.constant 0 : index
        %swap3A_420 = tpu.vector_load %arg10[%swap3A_418, %swap3A_419] {strides = array<i32>} : memref<128x128xf32, #tpu.memory_space<vmem>>, vector<1x16xf32>,
        %swap3A_421 = vector.shape_cast %swap3A_420 : vector<1x16xf32> to vector<16xf32>
        %swap3A_422 = vector.shape_cast %mul3A_415 : vector<16xf32> to vector<1x16xf32>
        tpu.vector_store %arg10[%swap3A_418, %swap3A_419], %swap3A_422 {strides = array<i32>} : memref<128x128xf32, #tpu.memory_space<vmem>>, vector<1x16xf32>,
        %add3A_423 = arith.constant 3 : i32
        %add3A_424 = arith.addi %mul3A_63, %add3A_423 : i32
        %get3A_425 = arith.index_cast %add3A_424 : i32 to index
        %get3A_426 = arith.constant 16 : index
        %get3A_427 = tpu.vector_load %arg10[%get3A_425, %get3A_426] {strides = array<i32>} : memref<128x128xf32, #tpu.memory_space<vmem>>, vector<1x16xf32>,
        %get3A_428 = vector.shape_cast %get3A_427 : vector<1x16xf32> to vector<16xf32>
        %mul3A_429 = arith.mulf %get3A_428, %broadcast_in_dim3A_408 : vector<16xf32>
        %add3A_430 = arith.constant 3 : i32
        %add3A_431 = arith.addi %mul3A_63, %add3A_430 : i32
        %swap3A_432 = arith.index_cast %add3A_431 : i32 to index
        %swap3A_433 = arith.constant 16 : index
        %swap3A_434 = tpu.vector_load %arg10[%swap3A_432, %swap3A_433] {strides = array<i32>} : memref<128x128xf32, #tpu.memory_space<vmem>>, vector<1x16xf32>,
        %swap3A_435 = vector.shape_cast %swap3A_434 : vector<1x16xf32> to vector<16xf32>
        %swap3A_436 = vector.shape_cast %mul3A_429 : vector<16xf32> to vector<1x16xf32>
        tpu.vector_store %arg10[%swap3A_432, %swap3A_433], %swap3A_436 {strides = array<i32>} : memref<128x128xf32, #tpu.memory_space<vmem>>, vector<1x16xf32>,
        %add3A_437 = arith.constant 3 : i32
        %add3A_438 = arith.addi %mul3A_63, %add3A_437 : i32
        %get3A_439 = arith.index_cast %add3A_438 : i32 to index
        %get3A_440 = arith.constant 32 : index
        %get3A_441 = tpu.vector_load %arg10[%get3A_439, %get3A_440] {strides = array<i32>} : memref<128x128xf32, #tpu.memory_space<vmem>>, vector<1x16xf32>,
        %get3A_442 = vector.shape_cast %get3A_441 : vector<1x16xf32> to vector<16xf32>
        %mul3A_443 = arith.mulf %get3A_442, %broadcast_in_dim3A_408 : vector<16xf32>
        %add3A_444 = arith.constant 3 : i32
        %add3A_445 = arith.addi %mul3A_63, %add3A_444 : i32
        %swap3A_446 = arith.index_cast %add3A_445 : i32 to index
        %swap3A_447 = arith.constant 32 : index
        %swap3A_448 = tpu.vector_load %arg10[%swap3A_446, %swap3A_447] {strides = array<i32>} : memref<128x128xf32, #tpu.memory_space<vmem>>, vector<1x16xf32>,
        %swap3A_449 = vector.shape_cast %swap3A_448 : vector<1x16xf32> to vector<16xf32>
        %swap3A_450 = vector.shape_cast %mul3A_443 : vector<16xf32> to vector<1x16xf32>
        tpu.vector_store %arg10[%swap3A_446, %swap3A_447], %swap3A_450 {strides = array<i32>} : memref<128x128xf32, #tpu.memory_space<vmem>>, vector<1x16xf32>,
        %add3A_451 = arith.constant 3 : i32
        %add3A_452 = arith.addi %mul3A_63, %add3A_451 : i32
        %get3A_453 = arith.index_cast %add3A_452 : i32 to index
        %get3A_454 = arith.constant 48 : index
        %get3A_455 = tpu.vector_load %arg10[%get3A_453, %get3A_454] {strides = array<i32>} : memref<128x128xf32, #tpu.memory_space<vmem>>, vector<1x16xf32>,
        %get3A_456 = vector.shape_cast %get3A_455 : vector<1x16xf32> to vector<16xf32>
        %mul3A_457 = arith.mulf %get3A_456, %broadcast_in_dim3A_408 : vector<16xf32>
        %add3A_458 = arith.constant 3 : i32
        %add3A_459 = arith.addi %mul3A_63, %add3A_458 : i32
        %swap3A_460 = arith.index_cast %add3A_459 : i32 to index
        %swap3A_461 = arith.constant 48 : index
        %swap3A_462 = tpu.vector_load %arg10[%swap3A_460, %swap3A_461] {strides = array<i32>} : memref<128x128xf32, #tpu.memory_space<vmem>>, vector<1x16xf32>,
        %swap3A_463 = vector.shape_cast %swap3A_462 : vector<1x16xf32> to vector<16xf32>
        %swap3A_464 = vector.shape_cast %mul3A_457 : vector<16xf32> to vector<1x16xf32>
        tpu.vector_store %arg10[%swap3A_460, %swap3A_461], %swap3A_464 {strides = array<i32>} : memref<128x128xf32, #tpu.memory_space<vmem>>, vector<1x16xf32>,
        %add3A_465 = arith.constant 3 : i32
        %add3A_466 = arith.addi %mul3A_63, %add3A_465 : i32
        %get3A_467 = arith.index_cast %add3A_466 : i32 to index
        %get3A_468 = arith.constant 64 : index
        %get3A_469 = tpu.vector_load %arg10[%get3A_467, %get3A_468] {strides = array<i32>} : memref<128x128xf32, #tpu.memory_space<vmem>>, vector<1x16xf32>,
        %get3A_470 = vector.shape_cast %get3A_469 : vector<1x16xf32> to vector<16xf32>
        %mul3A_471 = arith.mulf %get3A_470, %broadcast_in_dim3A_408 : vector<16xf32>
        %add3A_472 = arith.constant 3 : i32
        %add3A_473 = arith.addi %mul3A_63, %add3A_472 : i32
        %swap3A_474 = arith.index_cast %add3A_473 : i32 to index
        %swap3A_475 = arith.constant 64 : index
        %swap3A_476 = tpu.vector_load %arg10[%swap3A_474, %swap3A_475] {strides = array<i32>} : memref<128x128xf32, #tpu.memory_space<vmem>>, vector<1x16xf32>,
        %swap3A_477 = vector.shape_cast %swap3A_476 : vector<1x16xf32> to vector<16xf32>
        %swap3A_478 = vector.shape_cast %mul3A_471 : vector<16xf32> to vector<1x16xf32>
        tpu.vector_store %arg10[%swap3A_474, %swap3A_475], %swap3A_478 {strides = array<i32>} : memref<128x128xf32, #tpu.memory_space<vmem>>, vector<1x16xf32>,
        %add3A_479 = arith.constant 3 : i32
        %add3A_480 = arith.addi %mul3A_63, %add3A_479 : i32
        %get3A_481 = arith.index_cast %add3A_480 : i32 to index
        %get3A_482 = arith.constant 80 : index
        %get3A_483 = tpu.vector_load %arg10[%get3A_481, %get3A_482] {strides = array<i32>} : memref<128x128xf32, #tpu.memory_space<vmem>>, vector<1x16xf32>,
        %get3A_484 = vector.shape_cast %get3A_483 : vector<1x16xf32> to vector<16xf32>
        %mul3A_485 = arith.mulf %get3A_484, %broadcast_in_dim3A_408 : vector<16xf32>
        %add3A_486 = arith.constant 3 : i32
        %add3A_487 = arith.addi %mul3A_63, %add3A_486 : i32
        %swap3A_488 = arith.index_cast %add3A_487 : i32 to index
        %swap3A_489 = arith.constant 80 : index
        %swap3A_490 = tpu.vector_load %arg10[%swap3A_488, %swap3A_489] {strides = array<i32>} : memref<128x128xf32, #tpu.memory_space<vmem>>, vector<1x16xf32>,
        %swap3A_491 = vector.shape_cast %swap3A_490 : vector<1x16xf32> to vector<16xf32>
        %swap3A_492 = vector.shape_cast %mul3A_485 : vector<16xf32> to vector<1x16xf32>
        tpu.vector_store %arg10[%swap3A_488, %swap3A_489], %swap3A_492 {strides = array<i32>} : memref<128x128xf32, #tpu.memory_space<vmem>>, vector<1x16xf32>,
        %add3A_493 = arith.constant 3 : i32
        %add3A_494 = arith.addi %mul3A_63, %add3A_493 : i32
        %get3A_495 = arith.index_cast %add3A_494 : i32 to index
        %get3A_496 = arith.constant 96 : index
        %get3A_497 = tpu.vector_load %arg10[%get3A_495, %get3A_496] {strides = array<i32>} : memref<128x128xf32, #tpu.memory_space<vmem>>, vector<1x16xf32>,
        %get3A_498 = vector.shape_cast %get3A_497 : vector<1x16xf32> to vector<16xf32>
        %mul3A_499 = arith.mulf %get3A_498, %broadcast_in_dim3A_408 : vector<16xf32>
        %add3A_500 = arith.constant 3 : i32
        %add3A_501 = arith.addi %mul3A_63, %add3A_500 : i32
        %swap3A_502 = arith.index_cast %add3A_501 : i32 to index
        %swap3A_503 = arith.constant 96 : index
        %swap3A_504 = tpu.vector_load %arg10[%swap3A_502, %swap3A_503] {strides = array<i32>} : memref<128x128xf32, #tpu.memory_space<vmem>>, vector<1x16xf32>,
        %swap3A_505 = vector.shape_cast %swap3A_504 : vector<1x16xf32> to vector<16xf32>
        %swap3A_506 = vector.shape_cast %mul3A_499 : vector<16xf32> to vector<1x16xf32>
        tpu.vector_store %arg10[%swap3A_502, %swap3A_503], %swap3A_506 {strides = array<i32>} : memref<128x128xf32, #tpu.memory_space<vmem>>, vector<1x16xf32>,
        %add3A_507 = arith.constant 3 : i32
        %add3A_508 = arith.addi %mul3A_63, %add3A_507 : i32
        %get3A_509 = arith.index_cast %add3A_508 : i32 to index
        %get3A_510 = arith.constant 112 : index
        %get3A_511 = tpu.vector_load %arg10[%get3A_509, %get3A_510] {strides = array<i32>} : memref<128x128xf32, #tpu.memory_space<vmem>>, vector<1x16xf32>,
        %get3A_512 = vector.shape_cast %get3A_511 : vector<1x16xf32> to vector<16xf32>
        %mul3A_513 = arith.mulf %get3A_512, %broadcast_in_dim3A_408 : vector<16xf32>
        %add3A_514 = arith.constant 3 : i32
        %add3A_515 = arith.addi %mul3A_63, %add3A_514 : i32
        %swap3A_516 = arith.index_cast %add3A_515 : i32 to index
        %swap3A_517 = arith.constant 112 : index
        %swap3A_518 = tpu.vector_load %arg10[%swap3A_516, %swap3A_517] {strides = array<i32>} : memref<128x128xf32, #tpu.memory_space<vmem>>, vector<1x16xf32>,
        %swap3A_519 = vector.shape_cast %swap3A_518 : vector<1x16xf32> to vector<16xf32>
        %swap3A_520 = vector.shape_cast %mul3A_513 : vector<16xf32> to vector<1x16xf32>
        tpu.vector_store %arg10[%swap3A_516, %swap3A_517], %swap3A_520 {strides = array<i32>} : memref<128x128xf32, #tpu.memory_space<vmem>>, vector<1x16xf32>,
        %slice3A_521 = vector.extract_strided_slice %get3A_61 {offsets = [4], sizes = [1], strides = [1]} : vector<16xf32> to vector<1xf32>
        %squeeze3A_522 = vector.extract %slice3A_521[0] : f32 from vector<1xf32>
        %broadcast_in_dim3A_523 = vector.broadcast %squeeze3A_522 : f32 to vector<16xf32>
        %add3A_524 = arith.constant 4 : i32
        %add3A_525 = arith.addi %mul3A_63, %add3A_524 : i32
        %get3A_526 = arith.index_cast %add3A_525 : i32 to index
        %get3A_527 = arith.constant 0 : index
        %get3A_528 = tpu.vector_load %arg10[%get3A_526, %get3A_527] {strides = array<i32>} : memref<128x128xf32, #tpu.memory_space<vmem>>, vector<1x16xf32>,
        %get3A_529 = vector.shape_cast %get3A_528 : vector<1x16xf32> to vector<16xf32>
        %mul3A_530 = arith.mulf %get3A_529, %broadcast_in_dim3A_523 : vector<16xf32>
        %add3A_531 = arith.constant 4 : i32
        %add3A_532 = arith.addi %mul3A_63, %add3A_531 : i32
        %swap3A_533 = arith.index_cast %add3A_532 : i32 to index
        %swap3A_534 = arith.constant 0 : index
        %swap3A_535 = tpu.vector_load %arg10[%swap3A_533, %swap3A_534] {strides = array<i32>} : memref<128x128xf32, #tpu.memory_space<vmem>>, vector<1x16xf32>,
        %swap3A_536 = vector.shape_cast %swap3A_535 : vector<1x16xf32> to vector<16xf32>
        %swap3A_537 = vector.shape_cast %mul3A_530 : vector<16xf32> to vector<1x16xf32>
        tpu.vector_store %arg10[%swap3A_533, %swap3A_534], %swap3A_537 {strides = array<i32>} : memref<128x128xf32, #tpu.memory_space<vmem>>, vector<1x16xf32>,
        %add3A_538 = arith.constant 4 : i32
        %add3A_539 = arith.addi %mul3A_63, %add3A_538 : i32
        %get3A_540 = arith.index_cast %add3A_539 : i32 to index
        %get3A_541 = arith.constant 16 : index
        %get3A_542 = tpu.vector_load %arg10[%get3A_540, %get3A_541] {strides = array<i32>} : memref<128x128xf32, #tpu.memory_space<vmem>>, vector<1x16xf32>,
        %get3A_543 = vector.shape_cast %get3A_542 : vector<1x16xf32> to vector<16xf32>
        %mul3A_544 = arith.mulf %get3A_543, %broadcast_in_dim3A_523 : vector<16xf32>
        %add3A_545 = arith.constant 4 : i32
        %add3A_546 = arith.addi %mul3A_63, %add3A_545 : i32
        %swap3A_547 = arith.index_cast %add3A_546 : i32 to index
        %swap3A_548 = arith.constant 16 : index
        %swap3A_549 = tpu.vector_load %arg10[%swap3A_547, %swap3A_548] {strides = array<i32>} : memref<128x128xf32, #tpu.memory_space<vmem>>, vector<1x16xf32>,
        %swap3A_550 = vector.shape_cast %swap3A_549 : vector<1x16xf32> to vector<16xf32>
        %swap3A_551 = vector.shape_cast %mul3A_544 : vector<16xf32> to vector<1x16xf32>
        tpu.vector_store %arg10[%swap3A_547, %swap3A_548], %swap3A_551 {strides = array<i32>} : memref<128x128xf32, #tpu.memory_space<vmem>>, vector<1x16xf32>,
        %add3A_552 = arith.constant 4 : i32
        %add3A_553 = arith.addi %mul3A_63, %add3A_552 : i32
        %get3A_554 = arith.index_cast %add3A_553 : i32 to index
        %get3A_555 = arith.constant 32 : index
        %get3A_556 = tpu.vector_load %arg10[%get3A_554, %get3A_555] {strides = array<i32>} : memref<128x128xf32, #tpu.memory_space<vmem>>, vector<1x16xf32>,
        %get3A_557 = vector.shape_cast %get3A_556 : vector<1x16xf32> to vector<16xf32>
        %mul3A_558 = arith.mulf %get3A_557, %broadcast_in_dim3A_523 : vector<16xf32>
        %add3A_559 = arith.constant 4 : i32
        %add3A_560 = arith.addi %mul3A_63, %add3A_559 : i32
        %swap3A_561 = arith.index_cast %add3A_560 : i32 to index
        %swap3A_562 = arith.constant 32 : index
        %swap3A_563 = tpu.vector_load %arg10[%swap3A_561, %swap3A_562] {strides = array<i32>} : memref<128x128xf32, #tpu.memory_space<vmem>>, vector<1x16xf32>,
        %swap3A_564 = vector.shape_cast %swap3A_563 : vector<1x16xf32> to vector<16xf32>
        %swap3A_565 = vector.shape_cast %mul3A_558 : vector<16xf32> to vector<1x16xf32>
        tpu.vector_store %arg10[%swap3A_561, %swap3A_562], %swap3A_565 {strides = array<i32>} : memref<128x128xf32, #tpu.memory_space<vmem>>, vector<1x16xf32>,
        %add3A_566 = arith.constant 4 : i32
        %add3A_567 = arith.addi %mul3A_63, %add3A_566 : i32
        %get3A_568 = arith.index_cast %add3A_567 : i32 to index
        %get3A_569 = arith.constant 48 : index
        %get3A_570 = tpu.vector_load %arg10[%get3A_568, %get3A_569] {strides = array<i32>} : memref<128x128xf32, #tpu.memory_space<vmem>>, vector<1x16xf32>,
        %get3A_571 = vector.shape_cast %get3A_570 : vector<1x16xf32> to vector<16xf32>
        %mul3A_572 = arith.mulf %get3A_571, %broadcast_in_dim3A_523 : vector<16xf32>
        %add3A_573 = arith.constant 4 : i32
        %add3A_574 = arith.addi %mul3A_63, %add3A_573 : i32
        %swap3A_575 = arith.index_cast %add3A_574 : i32 to index
        %swap3A_576 = arith.constant 48 : index
        %swap3A_577 = tpu.vector_load %arg10[%swap3A_575, %swap3A_576] {strides = array<i32>} : memref<128x128xf32, #tpu.memory_space<vmem>>, vector<1x16xf32>,
        %swap3A_578 = vector.shape_cast %swap3A_577 : vector<1x16xf32> to vector<16xf32>
        %swap3A_579 = vector.shape_cast %mul3A_572 : vector<16xf32> to vector<1x16xf32>
        tpu.vector_store %arg10[%swap3A_575, %swap3A_576], %swap3A_579 {strides = array<i32>} : memref<128x128xf32, #tpu.memory_space<vmem>>, vector<1x16xf32>,
        %add3A_580 = arith.constant 4 : i32
        %add3A_581 = arith.addi %mul3A_63, %add3A_580 : i32
        %get3A_582 = arith.index_cast %add3A_581 : i32 to index
        %get3A_583 = arith.constant 64 : index
        %get3A_584 = tpu.vector_load %arg10[%get3A_582, %get3A_583] {strides = array<i32>} : memref<128x128xf32, #tpu.memory_space<vmem>>, vector<1x16xf32>,
        %get3A_585 = vector.shape_cast %get3A_584 : vector<1x16xf32> to vector<16xf32>
        %mul3A_586 = arith.mulf %get3A_585, %broadcast_in_dim3A_523 : vector<16xf32>
        %add3A_587 = arith.constant 4 : i32
        %add3A_588 = arith.addi %mul3A_63, %add3A_587 : i32
        %swap3A_589 = arith.index_cast %add3A_588 : i32 to index
        %swap3A_590 = arith.constant 64 : index
        %swap3A_591 = tpu.vector_load %arg10[%swap3A_589, %swap3A_590] {strides = array<i32>} : memref<128x128xf32, #tpu.memory_space<vmem>>, vector<1x16xf32>,
        %swap3A_592 = vector.shape_cast %swap3A_591 : vector<1x16xf32> to vector<16xf32>
        %swap3A_593 = vector.shape_cast %mul3A_586 : vector<16xf32> to vector<1x16xf32>
        tpu.vector_store %arg10[%swap3A_589, %swap3A_590], %swap3A_593 {strides = array<i32>} : memref<128x128xf32, #tpu.memory_space<vmem>>, vector<1x16xf32>,
        %add3A_594 = arith.constant 4 : i32
        %add3A_595 = arith.addi %mul3A_63, %add3A_594 : i32
        %get3A_596 = arith.index_cast %add3A_595 : i32 to index
        %get3A_597 = arith.constant 80 : index
        %get3A_598 = tpu.vector_load %arg10[%get3A_596, %get3A_597] {strides = array<i32>} : memref<128x128xf32, #tpu.memory_space<vmem>>, vector<1x16xf32>,
        %get3A_599 = vector.shape_cast %get3A_598 : vector<1x16xf32> to vector<16xf32>
        %mul3A_600 = arith.mulf %get3A_599, %broadcast_in_dim3A_523 : vector<16xf32>
        %add3A_601 = arith.constant 4 : i32
        %add3A_602 = arith.addi %mul3A_63, %add3A_601 : i32
        %swap3A_603 = arith.index_cast %add3A_602 : i32 to index
        %swap3A_604 = arith.constant 80 : index
        %swap3A_605 = tpu.vector_load %arg10[%swap3A_603, %swap3A_604] {strides = array<i32>} : memref<128x128xf32, #tpu.memory_space<vmem>>, vector<1x16xf32>,
        %swap3A_606 = vector.shape_cast %swap3A_605 : vector<1x16xf32> to vector<16xf32>
        %swap3A_607 = vector.shape_cast %mul3A_600 : vector<16xf32> to vector<1x16xf32>
        tpu.vector_store %arg10[%swap3A_603, %swap3A_604], %swap3A_607 {strides = array<i32>} : memref<128x128xf32, #tpu.memory_space<vmem>>, vector<1x16xf32>,
        %add3A_608 = arith.constant 4 : i32
        %add3A_609 = arith.addi %mul3A_63, %add3A_608 : i32
        %get3A_610 = arith.index_cast %add3A_609 : i32 to index
        %get3A_611 = arith.constant 96 : index
        %get3A_612 = tpu.vector_load %arg10[%get3A_610, %get3A_611] {strides = array<i32>} : memref<128x128xf32, #tpu.memory_space<vmem>>, vector<1x16xf32>,
        %get3A_613 = vector.shape_cast %get3A_612 : vector<1x16xf32> to vector<16xf32>
        %mul3A_614 = arith.mulf %get3A_613, %broadcast_in_dim3A_523 : vector<16xf32>
        %add3A_615 = arith.constant 4 : i32
        %add3A_616 = arith.addi %mul3A_63, %add3A_615 : i32
        %swap3A_617 = arith.index_cast %add3A_616 : i32 to index
        %swap3A_618 = arith.constant 96 : index
        %swap3A_619 = tpu.vector_load %arg10[%swap3A_617, %swap3A_618] {strides = array<i32>} : memref<128x128xf32, #tpu.memory_space<vmem>>, vector<1x16xf32>,
        %swap3A_620 = vector.shape_cast %swap3A_619 : vector<1x16xf32> to vector<16xf32>
        %swap3A_621 = vector.shape_cast %mul3A_614 : vector<16xf32> to vector<1x16xf32>
        tpu.vector_store %arg10[%swap3A_617, %swap3A_618], %swap3A_621 {strides = array<i32>} : memref<128x128xf32, #tpu.memory_space<vmem>>, vector<1x16xf32>,
        %add3A_622 = arith.constant 4 : i32
        %add3A_623 = arith.addi %mul3A_63, %add3A_622 : i32
        %get3A_624 = arith.index_cast %add3A_623 : i32 to index
        %get3A_625 = arith.constant 112 : index
        %get3A_626 = tpu.vector_load %arg10[%get3A_624, %get3A_625] {strides = array<i32>} : memref<128x128xf32, #tpu.memory_space<vmem>>, vector<1x16xf32>,
        %get3A_627 = vector.shape_cast %get3A_626 : vector<1x16xf32> to vector<16xf32>
        %mul3A_628 = arith.mulf %get3A_627, %broadcast_in_dim3A_523 : vector<16xf32>
        %add3A_629 = arith.constant 4 : i32
        %add3A_630 = arith.addi %mul3A_63, %add3A_629 : i32
        %swap3A_631 = arith.index_cast %add3A_630 : i32 to index
        %swap3A_632 = arith.constant 112 : index
        %swap3A_633 = tpu.vector_load %arg10[%swap3A_631, %swap3A_632] {strides = array<i32>} : memref<128x128xf32, #tpu.memory_space<vmem>>, vector<1x16xf32>,
        %swap3A_634 = vector.shape_cast %swap3A_633 : vector<1x16xf32> to vector<16xf32>
        %swap3A_635 = vector.shape_cast %mul3A_628 : vector<16xf32> to vector<1x16xf32>
        tpu.vector_store %arg10[%swap3A_631, %swap3A_632], %swap3A_635 {strides = array<i32>} : memref<128x128xf32, #tpu.memory_space<vmem>>, vector<1x16xf32>,
        %slice3A_636 = vector.extract_strided_slice %get3A_61 {offsets = [5], sizes = [1], strides = [1]} : vector<16xf32> to vector<1xf32>
        %squeeze3A_637 = vector.extract %slice3A_636[0] : f32 from vector<1xf32>
        %broadcast_in_dim3A_638 = vector.broadcast %squeeze3A_637 : f32 to vector<16xf32>
        %add3A_639 = arith.constant 5 : i32
        %add3A_640 = arith.addi %mul3A_63, %add3A_639 : i32
        %get3A_641 = arith.index_cast %add3A_640 : i32 to index
        %get3A_642 = arith.constant 0 : index
        %get3A_643 = tpu.vector_load %arg10[%get3A_641, %get3A_642] {strides = array<i32>} : memref<128x128xf32, #tpu.memory_space<vmem>>, vector<1x16xf32>,
        %get3A_644 = vector.shape_cast %get3A_643 : vector<1x16xf32> to vector<16xf32>
        %mul3A_645 = arith.mulf %get3A_644, %broadcast_in_dim3A_638 : vector<16xf32>
        %add3A_646 = arith.constant 5 : i32
        %add3A_647 = arith.addi %mul3A_63, %add3A_646 : i32
        %swap3A_648 = arith.index_cast %add3A_647 : i32 to index
        %swap3A_649 = arith.constant 0 : index
        %swap3A_650 = tpu.vector_load %arg10[%swap3A_648, %swap3A_649] {strides = array<i32>} : memref<128x128xf32, #tpu.memory_space<vmem>>, vector<1x16xf32>,
        %swap3A_651 = vector.shape_cast %swap3A_650 : vector<1x16xf32> to vector<16xf32>
        %swap3A_652 = vector.shape_cast %mul3A_645 : vector<16xf32> to vector<1x16xf32>
        tpu.vector_store %arg10[%swap3A_648, %swap3A_649], %swap3A_652 {strides = array<i32>} : memref<128x128xf32, #tpu.memory_space<vmem>>, vector<1x16xf32>,
        %add3A_653 = arith.constant 5 : i32
        %add3A_654 = arith.addi %mul3A_63, %add3A_653 : i32
        %get3A_655 = arith.index_cast %add3A_654 : i32 to index
        %get3A_656 = arith.constant 16 : index
        %get3A_657 = tpu.vector_load %arg10[%get3A_655, %get3A_656] {strides = array<i32>} : memref<128x128xf32, #tpu.memory_space<vmem>>, vector<1x16xf32>,
        %get3A_658 = vector.shape_cast %get3A_657 : vector<1x16xf32> to vector<16xf32>
        %mul3A_659 = arith.mulf %get3A_658, %broadcast_in_dim3A_638 : vector<16xf32>
        %add3A_660 = arith.constant 5 : i32
        %add3A_661 = arith.addi %mul3A_63, %add3A_660 : i32
        %swap3A_662 = arith.index_cast %add3A_661 : i32 to index
        %swap3A_663 = arith.constant 16 : index
        %swap3A_664 = tpu.vector_load %arg10[%swap3A_662, %swap3A_663] {strides = array<i32>} : memref<128x128xf32, #tpu.memory_space<vmem>>, vector<1x16xf32>,
        %swap3A_665 = vector.shape_cast %swap3A_664 : vector<1x16xf32> to vector<16xf32>
        %swap3A_666 = vector.shape_cast %mul3A_659 : vector<16xf32> to vector<1x16xf32>
        tpu.vector_store %arg10[%swap3A_662, %swap3A_663], %swap3A_666 {strides = array<i32>} : memref<128x128xf32, #tpu.memory_space<vmem>>, vector<1x16xf32>,
        %add3A_667 = arith.constant 5 : i32
        %add3A_668 = arith.addi %mul3A_63, %add3A_667 : i32
        %get3A_669 = arith.index_cast %add3A_668 : i32 to index
        %get3A_670 = arith.constant 32 : index
        %get3A_671 = tpu.vector_load %arg10[%get3A_669, %get3A_670] {strides = array<i32>} : memref<128x128xf32, #tpu.memory_space<vmem>>, vector<1x16xf32>,
        %get3A_672 = vector.shape_cast %get3A_671 : vector<1x16xf32> to vector<16xf32>
        %mul3A_673 = arith.mulf %get3A_672, %broadcast_in_dim3A_638 : vector<16xf32>
        %add3A_674 = arith.constant 5 : i32
        %add3A_675 = arith.addi %mul3A_63, %add3A_674 : i32
        %swap3A_676 = arith.index_cast %add3A_675 : i32 to index
        %swap3A_677 = arith.constant 32 : index
        %swap3A_678 = tpu.vector_load %arg10[%swap3A_676, %swap3A_677] {strides = array<i32>} : memref<128x128xf32, #tpu.memory_space<vmem>>, vector<1x16xf32>,
        %swap3A_679 = vector.shape_cast %swap3A_678 : vector<1x16xf32> to vector<16xf32>
        %swap3A_680 = vector.shape_cast %mul3A_673 : vector<16xf32> to vector<1x16xf32>
        tpu.vector_store %arg10[%swap3A_676, %swap3A_677], %swap3A_680 {strides = array<i32>} : memref<128x128xf32, #tpu.memory_space<vmem>>, vector<1x16xf32>,
        %add3A_681 = arith.constant 5 : i32
        %add3A_682 = arith.addi %mul3A_63, %add3A_681 : i32
        %get3A_683 = arith.index_cast %add3A_682 : i32 to index
        %get3A_684 = arith.constant 48 : index
        %get3A_685 = tpu.vector_load %arg10[%get3A_683, %get3A_684] {strides = array<i32>} : memref<128x128xf32, #tpu.memory_space<vmem>>, vector<1x16xf32>,
        %get3A_686 = vector.shape_cast %get3A_685 : vector<1x16xf32> to vector<16xf32>
        %mul3A_687 = arith.mulf %get3A_686, %broadcast_in_dim3A_638 : vector<16xf32>
        %add3A_688 = arith.constant 5 : i32
        %add3A_689 = arith.addi %mul3A_63, %add3A_688 : i32
        %swap3A_690 = arith.index_cast %add3A_689 : i32 to index
        %swap3A_691 = arith.constant 48 : index
        %swap3A_692 = tpu.vector_load %arg10[%swap3A_690, %swap3A_691] {strides = array<i32>} : memref<128x128xf32, #tpu.memory_space<vmem>>, vector<1x16xf32>,
        %swap3A_693 = vector.shape_cast %swap3A_692 : vector<1x16xf32> to vector<16xf32>
        %swap3A_694 = vector.shape_cast %mul3A_687 : vector<16xf32> to vector<1x16xf32>
        tpu.vector_store %arg10[%swap3A_690, %swap3A_691], %swap3A_694 {strides = array<i32>} : memref<128x128xf32, #tpu.memory_space<vmem>>, vector<1x16xf32>,
        %add3A_695 = arith.constant 5 : i32
        %add3A_696 = arith.addi %mul3A_63, %add3A_695 : i32
        %get3A_697 = arith.index_cast %add3A_696 : i32 to index
        %get3A_698 = arith.constant 64 : index
        %get3A_699 = tpu.vector_load %arg10[%get3A_697, %get3A_698] {strides = array<i32>} : memref<128x128xf32, #tpu.memory_space<vmem>>, vector<1x16xf32>,
        %get3A_700 = vector.shape_cast %get3A_699 : vector<1x16xf32> to vector<16xf32>
        %mul3A_701 = arith.mulf %get3A_700, %broadcast_in_dim3A_638 : vector<16xf32>
        %add3A_702 = arith.constant 5 : i32
        %add3A_703 = arith.addi %mul3A_63, %add3A_702 : i32
        %swap3A_704 = arith.index_cast %add3A_703 : i32 to index
        %swap3A_705 = arith.constant 64 : index
        %swap3A_706 = tpu.vector_load %arg10[%swap3A_704, %swap3A_705] {strides = array<i32>} : memref<128x128xf32, #tpu.memory_space<vmem>>, vector<1x16xf32>,
        %swap3A_707 = vector.shape_cast %swap3A_706 : vector<1x16xf32> to vector<16xf32>
        %swap3A_708 = vector.shape_cast %mul3A_701 : vector<16xf32> to vector<1x16xf32>
        tpu.vector_store %arg10[%swap3A_704, %swap3A_705], %swap3A_708 {strides = array<i32>} : memref<128x128xf32, #tpu.memory_space<vmem>>, vector<1x16xf32>,
        %add3A_709 = arith.constant 5 : i32
        %add3A_710 = arith.addi %mul3A_63, %add3A_709 : i32
        %get3A_711 = arith.index_cast %add3A_710 : i32 to index
        %get3A_712 = arith.constant 80 : index
        %get3A_713 = tpu.vector_load %arg10[%get3A_711, %get3A_712] {strides = array<i32>} : memref<128x128xf32, #tpu.memory_space<vmem>>, vector<1x16xf32>,
        %get3A_714 = vector.shape_cast %get3A_713 : vector<1x16xf32> to vector<16xf32>
        %mul3A_715 = arith.mulf %get3A_714, %broadcast_in_dim3A_638 : vector<16xf32>
        %add3A_716 = arith.constant 5 : i32
        %add3A_717 = arith.addi %mul3A_63, %add3A_716 : i32
        %swap3A_718 = arith.index_cast %add3A_717 : i32 to index
        %swap3A_719 = arith.constant 80 : index
        %swap3A_720 = tpu.vector_load %arg10[%swap3A_718, %swap3A_719] {strides = array<i32>} : memref<128x128xf32, #tpu.memory_space<vmem>>, vector<1x16xf32>,
        %swap3A_721 = vector.shape_cast %swap3A_720 : vector<1x16xf32> to vector<16xf32>
        %swap3A_722 = vector.shape_cast %mul3A_715 : vector<16xf32> to vector<1x16xf32>
        tpu.vector_store %arg10[%swap3A_718, %swap3A_719], %swap3A_722 {strides = array<i32>} : memref<128x128xf32, #tpu.memory_space<vmem>>, vector<1x16xf32>,
        %add3A_723 = arith.constant 5 : i32
        %add3A_724 = arith.addi %mul3A_63, %add3A_723 : i32
        %get3A_725 = arith.index_cast %add3A_724 : i32 to index
        %get3A_726 = arith.constant 96 : index
        %get3A_727 = tpu.vector_load %arg10[%get3A_725, %get3A_726] {strides = array<i32>} : memref<128x128xf32, #tpu.memory_space<vmem>>, vector<1x16xf32>,
        %get3A_728 = vector.shape_cast %get3A_727 : vector<1x16xf32> to vector<16xf32>
        %mul3A_729 = arith.mulf %get3A_728, %broadcast_in_dim3A_638 : vector<16xf32>
        %add3A_730 = arith.constant 5 : i32
        %add3A_731 = arith.addi %mul3A_63, %add3A_730 : i32
        %swap3A_732 = arith.index_cast %add3A_731 : i32 to index
        %swap3A_733 = arith.constant 96 : index
        %swap3A_734 = tpu.vector_load %arg10[%swap3A_732, %swap3A_733] {strides = array<i32>} : memref<128x128xf32, #tpu.memory_space<vmem>>, vector<1x16xf32>,
        %swap3A_735 = vector.shape_cast %swap3A_734 : vector<1x16xf32> to vector<16xf32>
        %swap3A_736 = vector.shape_cast %mul3A_729 : vector<16xf32> to vector<1x16xf32>
        tpu.vector_store %arg10[%swap3A_732, %swap3A_733], %swap3A_736 {strides = array<i32>} : memref<128x128xf32, #tpu.memory_space<vmem>>, vector<1x16xf32>,
        %add3A_737 = arith.constant 5 : i32
        %add3A_738 = arith.addi %mul3A_63, %add3A_737 : i32
        %get3A_739 = arith.index_cast %add3A_738 : i32 to index
        %get3A_740 = arith.constant 112 : index
        %get3A_741 = tpu.vector_load %arg10[%get3A_739, %get3A_740] {strides = array<i32>} : memref<128x128xf32, #tpu.memory_space<vmem>>, vector<1x16xf32>,
        %get3A_742 = vector.shape_cast %get3A_741 : vector<1x16xf32> to vector<16xf32>
        %mul3A_743 = arith.mulf %get3A_742, %broadcast_in_dim3A_638 : vector<16xf32>
        %add3A_744 = arith.constant 5 : i32
        %add3A_745 = arith.addi %mul3A_63, %add3A_744 : i32
        %swap3A_746 = arith.index_cast %add3A_745 : i32 to index
        %swap3A_747 = arith.constant 112 : index
        %swap3A_748 = tpu.vector_load %arg10[%swap3A_746, %swap3A_747] {strides = array<i32>} : memref<128x128xf32, #tpu.memory_space<vmem>>, vector<1x16xf32>,
        %swap3A_749 = vector.shape_cast %swap3A_748 : vector<1x16xf32> to vector<16xf32>
        %swap3A_750 = vector.shape_cast %mul3A_743 : vector<16xf32> to vector<1x16xf32>
        tpu.vector_store %arg10[%swap3A_746, %swap3A_747], %swap3A_750 {strides = array<i32>} : memref<128x128xf32, #tpu.memory_space<vmem>>, vector<1x16xf32>,
        %slice3A_751 = vector.extract_strided_slice %get3A_61 {offsets = [6], sizes = [1], strides = [1]} : vector<16xf32> to vector<1xf32>
        %squeeze3A_752 = vector.extract %slice3A_751[0] : f32 from vector<1xf32>
        %broadcast_in_dim3A_753 = vector.broadcast %squeeze3A_752 : f32 to vector<16xf32>
        %add3A_754 = arith.constant 6 : i32
        %add3A_755 = arith.addi %mul3A_63, %add3A_754 : i32
        %get3A_756 = arith.index_cast %add3A_755 : i32 to index
        %get3A_757 = arith.constant 0 : index
        %get3A_758 = tpu.vector_load %arg10[%get3A_756, %get3A_757] {strides = array<i32>} : memref<128x128xf32, #tpu.memory_space<vmem>>, vector<1x16xf32>,
        %get3A_759 = vector.shape_cast %get3A_758 : vector<1x16xf32> to vector<16xf32>
        %mul3A_760 = arith.mulf %get3A_759, %broadcast_in_dim3A_753 : vector<16xf32>
        %add3A_761 = arith.constant 6 : i32
        %add3A_762 = arith.addi %mul3A_63, %add3A_761 : i32
        %swap3A_763 = arith.index_cast %add3A_762 : i32 to index
        %swap3A_764 = arith.constant 0 : index
        %swap3A_765 = tpu.vector_load %arg10[%swap3A_763, %swap3A_764] {strides = array<i32>} : memref<128x128xf32, #tpu.memory_space<vmem>>, vector<1x16xf32>,
        %swap3A_766 = vector.shape_cast %swap3A_765 : vector<1x16xf32> to vector<16xf32>
        %swap3A_767 = vector.shape_cast %mul3A_760 : vector<16xf32> to vector<1x16xf32>
        tpu.vector_store %arg10[%swap3A_763, %swap3A_764], %swap3A_767 {strides = array<i32>} : memref<128x128xf32, #tpu.memory_space<vmem>>, vector<1x16xf32>,
        %add3A_768 = arith.constant 6 : i32
        %add3A_769 = arith.addi %mul3A_63, %add3A_768 : i32
        %get3A_770 = arith.index_cast %add3A_769 : i32 to index
        %get3A_771 = arith.constant 16 : index
        %get3A_772 = tpu.vector_load %arg10[%get3A_770, %get3A_771] {strides = array<i32>} : memref<128x128xf32, #tpu.memory_space<vmem>>, vector<1x16xf32>,
        %get3A_773 = vector.shape_cast %get3A_772 : vector<1x16xf32> to vector<16xf32>
        %mul3A_774 = arith.mulf %get3A_773, %broadcast_in_dim3A_753 : vector<16xf32>
        %add3A_775 = arith.constant 6 : i32
        %add3A_776 = arith.addi %mul3A_63, %add3A_775 : i32
        %swap3A_777 = arith.index_cast %add3A_776 : i32 to index
        %swap3A_778 = arith.constant 16 : index
        %swap3A_779 = tpu.vector_load %arg10[%swap3A_777, %swap3A_778] {strides = array<i32>} : memref<128x128xf32, #tpu.memory_space<vmem>>, vector<1x16xf32>,
        %swap3A_780 = vector.shape_cast %swap3A_779 : vector<1x16xf32> to vector<16xf32>
        %swap3A_781 = vector.shape_cast %mul3A_774 : vector<16xf32> to vector<1x16xf32>
        tpu.vector_store %arg10[%swap3A_777, %swap3A_778], %swap3A_781 {strides = array<i32>} : memref<128x128xf32, #tpu.memory_space<vmem>>, vector<1x16xf32>,
        %add3A_782 = arith.constant 6 : i32
        %add3A_783 = arith.addi %mul3A_63, %add3A_782 : i32
        %get3A_784 = arith.index_cast %add3A_783 : i32 to index
        %get3A_785 = arith.constant 32 : index
        %get3A_786 = tpu.vector_load %arg10[%get3A_784, %get3A_785] {strides = array<i32>} : memref<128x128xf32, #tpu.memory_space<vmem>>, vector<1x16xf32>,
        %get3A_787 = vector.shape_cast %get3A_786 : vector<1x16xf32> to vector<16xf32>
        %mul3A_788 = arith.mulf %get3A_787, %broadcast_in_dim3A_753 : vector<16xf32>
        %add3A_789 = arith.constant 6 : i32
        %add3A_790 = arith.addi %mul3A_63, %add3A_789 : i32
        %swap3A_791 = arith.index_cast %add3A_790 : i32 to index
        %swap3A_792 = arith.constant 32 : index
        %swap3A_793 = tpu.vector_load %arg10[%swap3A_791, %swap3A_792] {strides = array<i32>} : memref<128x128xf32, #tpu.memory_space<vmem>>, vector<1x16xf32>,
        %swap3A_794 = vector.shape_cast %swap3A_793 : vector<1x16xf32> to vector<16xf32>
        %swap3A_795 = vector.shape_cast %mul3A_788 : vector<16xf32> to vector<1x16xf32>
        tpu.vector_store %arg10[%swap3A_791, %swap3A_792], %swap3A_795 {strides = array<i32>} : memref<128x128xf32, #tpu.memory_space<vmem>>, vector<1x16xf32>,
        %add3A_796 = arith.constant 6 : i32
        %add3A_797 = arith.addi %mul3A_63, %add3A_796 : i32
        %get3A_798 = arith.index_cast %add3A_797 : i32 to index
        %get3A_799 = arith.constant 48 : index
        %get3A_800 = tpu.vector_load %arg10[%get3A_798, %get3A_799] {strides = array<i32>} : memref<128x128xf32, #tpu.memory_space<vmem>>, vector<1x16xf32>,
        %get3A_801 = vector.shape_cast %get3A_800 : vector<1x16xf32> to vector<16xf32>
        %mul3A_802 = arith.mulf %get3A_801, %broadcast_in_dim3A_753 : vector<16xf32>
        %add3A_803 = arith.constant 6 : i32
        %add3A_804 = arith.addi %mul3A_63, %add3A_803 : i32
        %swap3A_805 = arith.index_cast %add3A_804 : i32 to index
        %swap3A_806 = arith.constant 48 : index
        %swap3A_807 = tpu.vector_load %arg10[%swap3A_805, %swap3A_806] {strides = array<i32>} : memref<128x128xf32, #tpu.memory_space<vmem>>, vector<1x16xf32>,
        %swap3A_808 = vector.shape_cast %swap3A_807 : vector<1x16xf32> to vector<16xf32>
        %swap3A_809 = vector.shape_cast %mul3A_802 : vector<16xf32> to vector<1x16xf32>
        tpu.vector_store %arg10[%swap3A_805, %swap3A_806], %swap3A_809 {strides = array<i32>} : memref<128x128xf32, #tpu.memory_space<vmem>>, vector<1x16xf32>,
        %add3A_810 = arith.constant 6 : i32
        %add3A_811 = arith.addi %mul3A_63, %add3A_810 : i32
        %get3A_812 = arith.index_cast %add3A_811 : i32 to index
        %get3A_813 = arith.constant 64 : index
        %get3A_814 = tpu.vector_load %arg10[%get3A_812, %get3A_813] {strides = array<i32>} : memref<128x128xf32, #tpu.memory_space<vmem>>, vector<1x16xf32>,
        %get3A_815 = vector.shape_cast %get3A_814 : vector<1x16xf32> to vector<16xf32>
        %mul3A_816 = arith.mulf %get3A_815, %broadcast_in_dim3A_753 : vector<16xf32>
        %add3A_817 = arith.constant 6 : i32
        %add3A_818 = arith.addi %mul3A_63, %add3A_817 : i32
        %swap3A_819 = arith.index_cast %add3A_818 : i32 to index
        %swap3A_820 = arith.constant 64 : index
        %swap3A_821 = tpu.vector_load %arg10[%swap3A_819, %swap3A_820] {strides = array<i32>} : memref<128x128xf32, #tpu.memory_space<vmem>>, vector<1x16xf32>,
        %swap3A_822 = vector.shape_cast %swap3A_821 : vector<1x16xf32> to vector<16xf32>
        %swap3A_823 = vector.shape_cast %mul3A_816 : vector<16xf32> to vector<1x16xf32>
        tpu.vector_store %arg10[%swap3A_819, %swap3A_820], %swap3A_823 {strides = array<i32>} : memref<128x128xf32, #tpu.memory_space<vmem>>, vector<1x16xf32>,
        %add3A_824 = arith.constant 6 : i32
        %add3A_825 = arith.addi %mul3A_63, %add3A_824 : i32
        %get3A_826 = arith.index_cast %add3A_825 : i32 to index
        %get3A_827 = arith.constant 80 : index
        %get3A_828 = tpu.vector_load %arg10[%get3A_826, %get3A_827] {strides = array<i32>} : memref<128x128xf32, #tpu.memory_space<vmem>>, vector<1x16xf32>,
        %get3A_829 = vector.shape_cast %get3A_828 : vector<1x16xf32> to vector<16xf32>
        %mul3A_830 = arith.mulf %get3A_829, %broadcast_in_dim3A_753 : vector<16xf32>
        %add3A_831 = arith.constant 6 : i32
        %add3A_832 = arith.addi %mul3A_63, %add3A_831 : i32
        %swap3A_833 = arith.index_cast %add3A_832 : i32 to index
        %swap3A_834 = arith.constant 80 : index
        %swap3A_835 = tpu.vector_load %arg10[%swap3A_833, %swap3A_834] {strides = array<i32>} : memref<128x128xf32, #tpu.memory_space<vmem>>, vector<1x16xf32>,
        %swap3A_836 = vector.shape_cast %swap3A_835 : vector<1x16xf32> to vector<16xf32>
        %swap3A_837 = vector.shape_cast %mul3A_830 : vector<16xf32> to vector<1x16xf32>
        tpu.vector_store %arg10[%swap3A_833, %swap3A_834], %swap3A_837 {strides = array<i32>} : memref<128x128xf32, #tpu.memory_space<vmem>>, vector<1x16xf32>,
        %add3A_838 = arith.constant 6 : i32
        %add3A_839 = arith.addi %mul3A_63, %add3A_838 : i32
        %get3A_840 = arith.index_cast %add3A_839 : i32 to index
        %get3A_841 = arith.constant 96 : index
        %get3A_842 = tpu.vector_load %arg10[%get3A_840, %get3A_841] {strides = array<i32>} : memref<128x128xf32, #tpu.memory_space<vmem>>, vector<1x16xf32>,
        %get3A_843 = vector.shape_cast %get3A_842 : vector<1x16xf32> to vector<16xf32>
        %mul3A_844 = arith.mulf %get3A_843, %broadcast_in_dim3A_753 : vector<16xf32>
        %add3A_845 = arith.constant 6 : i32
        %add3A_846 = arith.addi %mul3A_63, %add3A_845 : i32
        %swap3A_847 = arith.index_cast %add3A_846 : i32 to index
        %swap3A_848 = arith.constant 96 : index
        %swap3A_849 = tpu.vector_load %arg10[%swap3A_847, %swap3A_848] {strides = array<i32>} : memref<128x128xf32, #tpu.memory_space<vmem>>, vector<1x16xf32>,
        %swap3A_850 = vector.shape_cast %swap3A_849 : vector<1x16xf32> to vector<16xf32>
        %swap3A_851 = vector.shape_cast %mul3A_844 : vector<16xf32> to vector<1x16xf32>
        tpu.vector_store %arg10[%swap3A_847, %swap3A_848], %swap3A_851 {strides = array<i32>} : memref<128x128xf32, #tpu.memory_space<vmem>>, vector<1x16xf32>,
        %add3A_852 = arith.constant 6 : i32
        %add3A_853 = arith.addi %mul3A_63, %add3A_852 : i32
        %get3A_854 = arith.index_cast %add3A_853 : i32 to index
        %get3A_855 = arith.constant 112 : index
        %get3A_856 = tpu.vector_load %arg10[%get3A_854, %get3A_855] {strides = array<i32>} : memref<128x128xf32, #tpu.memory_space<vmem>>, vector<1x16xf32>,
        %get3A_857 = vector.shape_cast %get3A_856 : vector<1x16xf32> to vector<16xf32>
        %mul3A_858 = arith.mulf %get3A_857, %broadcast_in_dim3A_753 : vector<16xf32>
        %add3A_859 = arith.constant 6 : i32
        %add3A_860 = arith.addi %mul3A_63, %add3A_859 : i32
        %swap3A_861 = arith.index_cast %add3A_860 : i32 to index
        %swap3A_862 = arith.constant 112 : index
        %swap3A_863 = tpu.vector_load %arg10[%swap3A_861, %swap3A_862] {strides = array<i32>} : memref<128x128xf32, #tpu.memory_space<vmem>>, vector<1x16xf32>,
        %swap3A_864 = vector.shape_cast %swap3A_863 : vector<1x16xf32> to vector<16xf32>
        %swap3A_865 = vector.shape_cast %mul3A_858 : vector<16xf32> to vector<1x16xf32>
        tpu.vector_store %arg10[%swap3A_861, %swap3A_862], %swap3A_865 {strides = array<i32>} : memref<128x128xf32, #tpu.memory_space<vmem>>, vector<1x16xf32>,
        %slice3A_866 = vector.extract_strided_slice %get3A_61 {offsets = [7], sizes = [1], strides = [1]} : vector<16xf32> to vector<1xf32>
        %squeeze3A_867 = vector.extract %slice3A_866[0] : f32 from vector<1xf32>
        %broadcast_in_dim3A_868 = vector.broadcast %squeeze3A_867 : f32 to vector<16xf32>
        %add3A_869 = arith.constant 7 : i32
        %add3A_870 = arith.addi %mul3A_63, %add3A_869 : i32
        %get3A_871 = arith.index_cast %add3A_870 : i32 to index
        %get3A_872 = arith.constant 0 : index
        %get3A_873 = tpu.vector_load %arg10[%get3A_871, %get3A_872] {strides = array<i32>} : memref<128x128xf32, #tpu.memory_space<vmem>>, vector<1x16xf32>,
        %get3A_874 = vector.shape_cast %get3A_873 : vector<1x16xf32> to vector<16xf32>
        %mul3A_875 = arith.mulf %get3A_874, %broadcast_in_dim3A_868 : vector<16xf32>
        %add3A_876 = arith.constant 7 : i32
        %add3A_877 = arith.addi %mul3A_63, %add3A_876 : i32
        %swap3A_878 = arith.index_cast %add3A_877 : i32 to index
        %swap3A_879 = arith.constant 0 : index
        %swap3A_880 = tpu.vector_load %arg10[%swap3A_878, %swap3A_879] {strides = array<i32>} : memref<128x128xf32, #tpu.memory_space<vmem>>, vector<1x16xf32>,
        %swap3A_881 = vector.shape_cast %swap3A_880 : vector<1x16xf32> to vector<16xf32>
        %swap3A_882 = vector.shape_cast %mul3A_875 : vector<16xf32> to vector<1x16xf32>
        tpu.vector_store %arg10[%swap3A_878, %swap3A_879], %swap3A_882 {strides = array<i32>} : memref<128x128xf32, #tpu.memory_space<vmem>>, vector<1x16xf32>,
        %add3A_883 = arith.constant 7 : i32
        %add3A_884 = arith.addi %mul3A_63, %add3A_883 : i32
        %get3A_885 = arith.index_cast %add3A_884 : i32 to index
        %get3A_886 = arith.constant 16 : index
        %get3A_887 = tpu.vector_load %arg10[%get3A_885, %get3A_886] {strides = array<i32>} : memref<128x128xf32, #tpu.memory_space<vmem>>, vector<1x16xf32>,
        %get3A_888 = vector.shape_cast %get3A_887 : vector<1x16xf32> to vector<16xf32>
        %mul3A_889 = arith.mulf %get3A_888, %broadcast_in_dim3A_868 : vector<16xf32>
        %add3A_890 = arith.constant 7 : i32
        %add3A_891 = arith.addi %mul3A_63, %add3A_890 : i32
        %swap3A_892 = arith.index_cast %add3A_891 : i32 to index
        %swap3A_893 = arith.constant 16 : index
        %swap3A_894 = tpu.vector_load %arg10[%swap3A_892, %swap3A_893] {strides = array<i32>} : memref<128x128xf32, #tpu.memory_space<vmem>>, vector<1x16xf32>,
        %swap3A_895 = vector.shape_cast %swap3A_894 : vector<1x16xf32> to vector<16xf32>
        %swap3A_896 = vector.shape_cast %mul3A_889 : vector<16xf32> to vector<1x16xf32>
        tpu.vector_store %arg10[%swap3A_892, %swap3A_893], %swap3A_896 {strides = array<i32>} : memref<128x128xf32, #tpu.memory_space<vmem>>, vector<1x16xf32>,
        %add3A_897 = arith.constant 7 : i32
        %add3A_898 = arith.addi %mul3A_63, %add3A_897 : i32
        %get3A_899 = arith.index_cast %add3A_898 : i32 to index
        %get3A_900 = arith.constant 32 : index
        %get3A_901 = tpu.vector_load %arg10[%get3A_899, %get3A_900] {strides = array<i32>} : memref<128x128xf32, #tpu.memory_space<vmem>>, vector<1x16xf32>,
        %get3A_902 = vector.shape_cast %get3A_901 : vector<1x16xf32> to vector<16xf32>
        %mul3A_903 = arith.mulf %get3A_902, %broadcast_in_dim3A_868 : vector<16xf32>
        %add3A_904 = arith.constant 7 : i32
        %add3A_905 = arith.addi %mul3A_63, %add3A_904 : i32
        %swap3A_906 = arith.index_cast %add3A_905 : i32 to index
        %swap3A_907 = arith.constant 32 : index
        %swap3A_908 = tpu.vector_load %arg10[%swap3A_906, %swap3A_907] {strides = array<i32>} : memref<128x128xf32, #tpu.memory_space<vmem>>, vector<1x16xf32>,
        %swap3A_909 = vector.shape_cast %swap3A_908 : vector<1x16xf32> to vector<16xf32>
        %swap3A_910 = vector.shape_cast %mul3A_903 : vector<16xf32> to vector<1x16xf32>
        tpu.vector_store %arg10[%swap3A_906, %swap3A_907], %swap3A_910 {strides = array<i32>} : memref<128x128xf32, #tpu.memory_space<vmem>>, vector<1x16xf32>,
        %add3A_911 = arith.constant 7 : i32
        %add3A_912 = arith.addi %mul3A_63, %add3A_911 : i32
        %get3A_913 = arith.index_cast %add3A_912 : i32 to index
        %get3A_914 = arith.constant 48 : index
        %get3A_915 = tpu.vector_load %arg10[%get3A_913, %get3A_914] {strides = array<i32>} : memref<128x128xf32, #tpu.memory_space<vmem>>, vector<1x16xf32>,
        %get3A_916 = vector.shape_cast %get3A_915 : vector<1x16xf32> to vector<16xf32>
        %mul3A_917 = arith.mulf %get3A_916, %broadcast_in_dim3A_868 : vector<16xf32>
        %add3A_918 = arith.constant 7 : i32
        %add3A_919 = arith.addi %mul3A_63, %add3A_918 : i32
        %swap3A_920 = arith.index_cast %add3A_919 : i32 to index
        %swap3A_921 = arith.constant 48 : index
        %swap3A_922 = tpu.vector_load %arg10[%swap3A_920, %swap3A_921] {strides = array<i32>} : memref<128x128xf32, #tpu.memory_space<vmem>>, vector<1x16xf32>,
        %swap3A_923 = vector.shape_cast %swap3A_922 : vector<1x16xf32> to vector<16xf32>
        %swap3A_924 = vector.shape_cast %mul3A_917 : vector<16xf32> to vector<1x16xf32>
        tpu.vector_store %arg10[%swap3A_920, %swap3A_921], %swap3A_924 {strides = array<i32>} : memref<128x128xf32, #tpu.memory_space<vmem>>, vector<1x16xf32>,
        %add3A_925 = arith.constant 7 : i32
        %add3A_926 = arith.addi %mul3A_63, %add3A_925 : i32
        %get3A_927 = arith.index_cast %add3A_926 : i32 to index
        %get3A_928 = arith.constant 64 : index
        %get3A_929 = tpu.vector_load %arg10[%get3A_927, %get3A_928] {strides = array<i32>} : memref<128x128xf32, #tpu.memory_space<vmem>>, vector<1x16xf32>,
        %get3A_930 = vector.shape_cast %get3A_929 : vector<1x16xf32> to vector<16xf32>
        %mul3A_931 = arith.mulf %get3A_930, %broadcast_in_dim3A_868 : vector<16xf32>
        %add3A_932 = arith.constant 7 : i32
        %add3A_933 = arith.addi %mul3A_63, %add3A_932 : i32
        %swap3A_934 = arith.index_cast %add3A_933 : i32 to index
        %swap3A_935 = arith.constant 64 : index
        %swap3A_936 = tpu.vector_load %arg10[%swap3A_934, %swap3A_935] {strides = array<i32>} : memref<128x128xf32, #tpu.memory_space<vmem>>, vector<1x16xf32>,
        %swap3A_937 = vector.shape_cast %swap3A_936 : vector<1x16xf32> to vector<16xf32>
        %swap3A_938 = vector.shape_cast %mul3A_931 : vector<16xf32> to vector<1x16xf32>
        tpu.vector_store %arg10[%swap3A_934, %swap3A_935], %swap3A_938 {strides = array<i32>} : memref<128x128xf32, #tpu.memory_space<vmem>>, vector<1x16xf32>,
        %add3A_939 = arith.constant 7 : i32
        %add3A_940 = arith.addi %mul3A_63, %add3A_939 : i32
        %get3A_941 = arith.index_cast %add3A_940 : i32 to index
        %get3A_942 = arith.constant 80 : index
        %get3A_943 = tpu.vector_load %arg10[%get3A_941, %get3A_942] {strides = array<i32>} : memref<128x128xf32, #tpu.memory_space<vmem>>, vector<1x16xf32>,
        %get3A_944 = vector.shape_cast %get3A_943 : vector<1x16xf32> to vector<16xf32>
        %mul3A_945 = arith.mulf %get3A_944, %broadcast_in_dim3A_868 : vector<16xf32>
        %add3A_946 = arith.constant 7 : i32
        %add3A_947 = arith.addi %mul3A_63, %add3A_946 : i32
        %swap3A_948 = arith.index_cast %add3A_947 : i32 to index
        %swap3A_949 = arith.constant 80 : index
        %swap3A_950 = tpu.vector_load %arg10[%swap3A_948, %swap3A_949] {strides = array<i32>} : memref<128x128xf32, #tpu.memory_space<vmem>>, vector<1x16xf32>,
        %swap3A_951 = vector.shape_cast %swap3A_950 : vector<1x16xf32> to vector<16xf32>
        %swap3A_952 = vector.shape_cast %mul3A_945 : vector<16xf32> to vector<1x16xf32>
        tpu.vector_store %arg10[%swap3A_948, %swap3A_949], %swap3A_952 {strides = array<i32>} : memref<128x128xf32, #tpu.memory_space<vmem>>, vector<1x16xf32>,
        %add3A_953 = arith.constant 7 : i32
        %add3A_954 = arith.addi %mul3A_63, %add3A_953 : i32
        %get3A_955 = arith.index_cast %add3A_954 : i32 to index
        %get3A_956 = arith.constant 96 : index
        %get3A_957 = tpu.vector_load %arg10[%get3A_955, %get3A_956] {strides = array<i32>} : memref<128x128xf32, #tpu.memory_space<vmem>>, vector<1x16xf32>,
        %get3A_958 = vector.shape_cast %get3A_957 : vector<1x16xf32> to vector<16xf32>
        %mul3A_959 = arith.mulf %get3A_958, %broadcast_in_dim3A_868 : vector<16xf32>
        %add3A_960 = arith.constant 7 : i32
        %add3A_961 = arith.addi %mul3A_63, %add3A_960 : i32
        %swap3A_962 = arith.index_cast %add3A_961 : i32 to index
        %swap3A_963 = arith.constant 96 : index
        %swap3A_964 = tpu.vector_load %arg10[%swap3A_962, %swap3A_963] {strides = array<i32>} : memref<128x128xf32, #tpu.memory_space<vmem>>, vector<1x16xf32>,
        %swap3A_965 = vector.shape_cast %swap3A_964 : vector<1x16xf32> to vector<16xf32>
        %swap3A_966 = vector.shape_cast %mul3A_959 : vector<16xf32> to vector<1x16xf32>
        tpu.vector_store %arg10[%swap3A_962, %swap3A_963], %swap3A_966 {strides = array<i32>} : memref<128x128xf32, #tpu.memory_space<vmem>>, vector<1x16xf32>,
        %add3A_967 = arith.constant 7 : i32
        %add3A_968 = arith.addi %mul3A_63, %add3A_967 : i32
        %get3A_969 = arith.index_cast %add3A_968 : i32 to index
        %get3A_970 = arith.constant 112 : index
        %get3A_971 = tpu.vector_load %arg10[%get3A_969, %get3A_970] {strides = array<i32>} : memref<128x128xf32, #tpu.memory_space<vmem>>, vector<1x16xf32>,
        %get3A_972 = vector.shape_cast %get3A_971 : vector<1x16xf32> to vector<16xf32>
        %mul3A_973 = arith.mulf %get3A_972, %broadcast_in_dim3A_868 : vector<16xf32>
        %add3A_974 = arith.constant 7 : i32
        %add3A_975 = arith.addi %mul3A_63, %add3A_974 : i32
        %swap3A_976 = arith.index_cast %add3A_975 : i32 to index
        %swap3A_977 = arith.constant 112 : index
        %swap3A_978 = tpu.vector_load %arg10[%swap3A_976, %swap3A_977] {strides = array<i32>} : memref<128x128xf32, #tpu.memory_space<vmem>>, vector<1x16xf32>,
        %swap3A_979 = vector.shape_cast %swap3A_978 : vector<1x16xf32> to vector<16xf32>
        %swap3A_980 = vector.shape_cast %mul3A_973 : vector<16xf32> to vector<1x16xf32>
        tpu.vector_store %arg10[%swap3A_976, %swap3A_977], %swap3A_980 {strides = array<i32>} : memref<128x128xf32, #tpu.memory_space<vmem>>, vector<1x16xf32>,
        %slice3A_981 = vector.extract_strided_slice %get3A_61 {offsets = [8], sizes = [1], strides = [1]} : vector<16xf32> to vector<1xf32>
        %squeeze3A_982 = vector.extract %slice3A_981[0] : f32 from vector<1xf32>
        %broadcast_in_dim3A_983 = vector.broadcast %squeeze3A_982 : f32 to vector<16xf32>
        %add3A_984 = arith.constant 8 : i32
        %add3A_985 = arith.addi %mul3A_63, %add3A_984 : i32
        %get3A_986 = arith.index_cast %add3A_985 : i32 to index
        %get3A_987 = arith.constant 0 : index
        %get3A_988 = tpu.vector_load %arg10[%get3A_986, %get3A_987] {strides = array<i32>} : memref<128x128xf32, #tpu.memory_space<vmem>>, vector<1x16xf32>,
        %get3A_989 = vector.shape_cast %get3A_988 : vector<1x16xf32> to vector<16xf32>
        %mul3A_990 = arith.mulf %get3A_989, %broadcast_in_dim3A_983 : vector<16xf32>
        %add3A_991 = arith.constant 8 : i32
        %add3A_992 = arith.addi %mul3A_63, %add3A_991 : i32
        %swap3A_993 = arith.index_cast %add3A_992 : i32 to index
        %swap3A_994 = arith.constant 0 : index
        %swap3A_995 = tpu.vector_load %arg10[%swap3A_993, %swap3A_994] {strides = array<i32>} : memref<128x128xf32, #tpu.memory_space<vmem>>, vector<1x16xf32>,
        %swap3A_996 = vector.shape_cast %swap3A_995 : vector<1x16xf32> to vector<16xf32>
        %swap3A_997 = vector.shape_cast %mul3A_990 : vector<16xf32> to vector<1x16xf32>
        tpu.vector_store %arg10[%swap3A_993, %swap3A_994], %swap3A_997 {strides = array<i32>} : memref<128x128xf32, #tpu.memory_space<vmem>>, vector<1x16xf32>,
        %add3A_998 = arith.constant 8 : i32
        %add3A_999 = arith.addi %mul3A_63, %add3A_998 : i32
        %get3A_1000 = arith.index_cast %add3A_999 : i32 to index
        %get3A_1001 = arith.constant 16 : index
        %get3A_1002 = tpu.vector_load %arg10[%get3A_1000, %get3A_1001] {strides = array<i32>} : memref<128x128xf32, #tpu.memory_space<vmem>>, vector<1x16xf32>,
        %get3A_1003 = vector.shape_cast %get3A_1002 : vector<1x16xf32> to vector<16xf32>
        %mul3A_1004 = arith.mulf %get3A_1003, %broadcast_in_dim3A_983 : vector<16xf32>
        %add3A_1005 = arith.constant 8 : i32
        %add3A_1006 = arith.addi %mul3A_63, %add3A_1005 : i32
        %swap3A_1007 = arith.index_cast %add3A_1006 : i32 to index
        %swap3A_1008 = arith.constant 16 : index
        %swap3A_1009 = tpu.vector_load %arg10[%swap3A_1007, %swap3A_1008] {strides = array<i32>} : memref<128x128xf32, #tpu.memory_space<vmem>>, vector<1x16xf32>,
        %swap3A_1010 = vector.shape_cast %swap3A_1009 : vector<1x16xf32> to vector<16xf32>
        %swap3A_1011 = vector.shape_cast %mul3A_1004 : vector<16xf32> to vector<1x16xf32>
        tpu.vector_store %arg10[%swap3A_1007, %swap3A_1008], %swap3A_1011 {strides = array<i32>} : memref<128x128xf32, #tpu.memory_space<vmem>>, vector<1x16xf32>,
        %add3A_1012 = arith.constant 8 : i32
        %add3A_1013 = arith.addi %mul3A_63, %add3A_1012 : i32
        %get3A_1014 = arith.index_cast %add3A_1013 : i32 to index
        %get3A_1015 = arith.constant 32 : index
        %get3A_1016 = tpu.vector_load %arg10[%get3A_1014, %get3A_1015] {strides = array<i32>} : memref<128x128xf32, #tpu.memory_space<vmem>>, vector<1x16xf32>,
        %get3A_1017 = vector.shape_cast %get3A_1016 : vector<1x16xf32> to vector<16xf32>
        %mul3A_1018 = arith.mulf %get3A_1017, %broadcast_in_dim3A_983 : vector<16xf32>
        %add3A_1019 = arith.constant 8 : i32
        %add3A_1020 = arith.addi %mul3A_63, %add3A_1019 : i32
        %swap3A_1021 = arith.index_cast %add3A_1020 : i32 to index
        %swap3A_1022 = arith.constant 32 : index
        %swap3A_1023 = tpu.vector_load %arg10[%swap3A_1021, %swap3A_1022] {strides = array<i32>} : memref<128x128xf32, #tpu.memory_space<vmem>>, vector<1x16xf32>,
        %swap3A_1024 = vector.shape_cast %swap3A_1023 : vector<1x16xf32> to vector<16xf32>
        %swap3A_1025 = vector.shape_cast %mul3A_1018 : vector<16xf32> to vector<1x16xf32>
        tpu.vector_store %arg10[%swap3A_1021, %swap3A_1022], %swap3A_1025 {strides = array<i32>} : memref<128x128xf32, #tpu.memory_space<vmem>>, vector<1x16xf32>,
        %add3A_1026 = arith.constant 8 : i32
        %add3A_1027 = arith.addi %mul3A_63, %add3A_1026 : i32
        %get3A_1028 = arith.index_cast %add3A_1027 : i32 to index
        %get3A_1029 = arith.constant 48 : index
        %get3A_1030 = tpu.vector_load %arg10[%get3A_1028, %get3A_1029] {strides = array<i32>} : memref<128x128xf32, #tpu.memory_space<vmem>>, vector<1x16xf32>,
        %get3A_1031 = vector.shape_cast %get3A_1030 : vector<1x16xf32> to vector<16xf32>
        %mul3A_1032 = arith.mulf %get3A_1031, %broadcast_in_dim3A_983 : vector<16xf32>
        %add3A_1033 = arith.constant 8 : i32
        %add3A_1034 = arith.addi %mul3A_63, %add3A_1033 : i32
        %swap3A_1035 = arith.index_cast %add3A_1034 : i32 to index
        %swap3A_1036 = arith.constant 48 : index
        %swap3A_1037 = tpu.vector_load %arg10[%swap3A_1035, %swap3A_1036] {strides = array<i32>} : memref<128x128xf32, #tpu.memory_space<vmem>>, vector<1x16xf32>,
        %swap3A_1038 = vector.shape_cast %swap3A_1037 : vector<1x16xf32> to vector<16xf32>
        %swap3A_1039 = vector.shape_cast %mul3A_1032 : vector<16xf32> to vector<1x16xf32>
        tpu.vector_store %arg10[%swap3A_1035, %swap3A_1036], %swap3A_1039 {strides = array<i32>} : memref<128x128xf32, #tpu.memory_space<vmem>>, vector<1x16xf32>,
        %add3A_1040 = arith.constant 8 : i32
        %add3A_1041 = arith.addi %mul3A_63, %add3A_1040 : i32
        %get3A_1042 = arith.index_cast %add3A_1041 : i32 to index
        %get3A_1043 = arith.constant 64 : index
        %get3A_1044 = tpu.vector_load %arg10[%get3A_1042, %get3A_1043] {strides = array<i32>} : memref<128x128xf32, #tpu.memory_space<vmem>>, vector<1x16xf32>,
        %get3A_1045 = vector.shape_cast %get3A_1044 : vector<1x16xf32> to vector<16xf32>
        %mul3A_1046 = arith.mulf %get3A_1045, %broadcast_in_dim3A_983 : vector<16xf32>
        %add3A_1047 = arith.constant 8 : i32
        %add3A_1048 = arith.addi %mul3A_63, %add3A_1047 : i32
        %swap3A_1049 = arith.index_cast %add3A_1048 : i32 to index
        %swap3A_1050 = arith.constant 64 : index
        %swap3A_1051 = tpu.vector_load %arg10[%swap3A_1049, %swap3A_1050] {strides = array<i32>} : memref<128x128xf32, #tpu.memory_space<vmem>>, vector<1x16xf32>,
        %swap3A_1052 = vector.shape_cast %swap3A_1051 : vector<1x16xf32> to vector<16xf32>
        %swap3A_1053 = vector.shape_cast %mul3A_1046 : vector<16xf32> to vector<1x16xf32>
        tpu.vector_store %arg10[%swap3A_1049, %swap3A_1050], %swap3A_1053 {strides = array<i32>} : memref<128x128xf32, #tpu.memory_space<vmem>>, vector<1x16xf32>,
        %add3A_1054 = arith.constant 8 : i32
        %add3A_1055 = arith.addi %mul3A_63, %add3A_1054 : i32
        %get3A_1056 = arith.index_cast %add3A_1055 : i32 to index
        %get3A_1057 = arith.constant 80 : index
        %get3A_1058 = tpu.vector_load %arg10[%get3A_1056, %get3A_1057] {strides = array<i32>} : memref<128x128xf32, #tpu.memory_space<vmem>>, vector<1x16xf32>,
        %get3A_1059 = vector.shape_cast %get3A_1058 : vector<1x16xf32> to vector<16xf32>
        %mul3A_1060 = arith.mulf %get3A_1059, %broadcast_in_dim3A_983 : vector<16xf32>
        %add3A_1061 = arith.constant 8 : i32
        %add3A_1062 = arith.addi %mul3A_63, %add3A_1061 : i32
        %swap3A_1063 = arith.index_cast %add3A_1062 : i32 to index
        %swap3A_1064 = arith.constant 80 : index
        %swap3A_1065 = tpu.vector_load %arg10[%swap3A_1063, %swap3A_1064] {strides = array<i32>} : memref<128x128xf32, #tpu.memory_space<vmem>>, vector<1x16xf32>,
        %swap3A_1066 = vector.shape_cast %swap3A_1065 : vector<1x16xf32> to vector<16xf32>
        %swap3A_1067 = vector.shape_cast %mul3A_1060 : vector<16xf32> to vector<1x16xf32>
        tpu.vector_store %arg10[%swap3A_1063, %swap3A_1064], %swap3A_1067 {strides = array<i32>} : memref<128x128xf32, #tpu.memory_space<vmem>>, vector<1x16xf32>,
        %add3A_1068 = arith.constant 8 : i32
        %add3A_1069 = arith.addi %mul3A_63, %add3A_1068 : i32
        %get3A_1070 = arith.index_cast %add3A_1069 : i32 to index
        %get3A_1071 = arith.constant 96 : index
        %get3A_1072 = tpu.vector_load %arg10[%get3A_1070, %get3A_1071] {strides = array<i32>} : memref<128x128xf32, #tpu.memory_space<vmem>>, vector<1x16xf32>,
        %get3A_1073 = vector.shape_cast %get3A_1072 : vector<1x16xf32> to vector<16xf32>
        %mul3A_1074 = arith.mulf %get3A_1073, %broadcast_in_dim3A_983 : vector<16xf32>
        %add3A_1075 = arith.constant 8 : i32
        %add3A_1076 = arith.addi %mul3A_63, %add3A_1075 : i32
        %swap3A_1077 = arith.index_cast %add3A_1076 : i32 to index
        %swap3A_1078 = arith.constant 96 : index
        %swap3A_1079 = tpu.vector_load %arg10[%swap3A_1077, %swap3A_1078] {strides = array<i32>} : memref<128x128xf32, #tpu.memory_space<vmem>>, vector<1x16xf32>,
        %swap3A_1080 = vector.shape_cast %swap3A_1079 : vector<1x16xf32> to vector<16xf32>
        %swap3A_1081 = vector.shape_cast %mul3A_1074 : vector<16xf32> to vector<1x16xf32>
        tpu.vector_store %arg10[%swap3A_1077, %swap3A_1078], %swap3A_1081 {strides = array<i32>} : memref<128x128xf32, #tpu.memory_space<vmem>>, vector<1x16xf32>,
        %add3A_1082 = arith.constant 8 : i32
        %add3A_1083 = arith.addi %mul3A_63, %add3A_1082 : i32
        %get3A_1084 = arith.index_cast %add3A_1083 : i32 to index
        %get3A_1085 = arith.constant 112 : index
        %get3A_1086 = tpu.vector_load %arg10[%get3A_1084, %get3A_1085] {strides = array<i32>} : memref<128x128xf32, #tpu.memory_space<vmem>>, vector<1x16xf32>,
        %get3A_1087 = vector.shape_cast %get3A_1086 : vector<1x16xf32> to vector<16xf32>
        %mul3A_1088 = arith.mulf %get3A_1087, %broadcast_in_dim3A_983 : vector<16xf32>
        %add3A_1089 = arith.constant 8 : i32
        %add3A_1090 = arith.addi %mul3A_63, %add3A_1089 : i32
        %swap3A_1091 = arith.index_cast %add3A_1090 : i32 to index
        %swap3A_1092 = arith.constant 112 : index
        %swap3A_1093 = tpu.vector_load %arg10[%swap3A_1091, %swap3A_1092] {strides = array<i32>} : memref<128x128xf32, #tpu.memory_space<vmem>>, vector<1x16xf32>,
        %swap3A_1094 = vector.shape_cast %swap3A_1093 : vector<1x16xf32> to vector<16xf32>
        %swap3A_1095 = vector.shape_cast %mul3A_1088 : vector<16xf32> to vector<1x16xf32>
        tpu.vector_store %arg10[%swap3A_1091, %swap3A_1092], %swap3A_1095 {strides = array<i32>} : memref<128x128xf32, #tpu.memory_space<vmem>>, vector<1x16xf32>,
        %slice3A_1096 = vector.extract_strided_slice %get3A_61 {offsets = [9], sizes = [1], strides = [1]} : vector<16xf32> to vector<1xf32>
        %squeeze3A_1097 = vector.extract %slice3A_1096[0] : f32 from vector<1xf32>
        %broadcast_in_dim3A_1098 = vector.broadcast %squeeze3A_1097 : f32 to vector<16xf32>
        %add3A_1099 = arith.constant 9 : i32
        %add3A_1100 = arith.addi %mul3A_63, %add3A_1099 : i32
        %get3A_1101 = arith.index_cast %add3A_1100 : i32 to index
        %get3A_1102 = arith.constant 0 : index
        %get3A_1103 = tpu.vector_load %arg10[%get3A_1101, %get3A_1102] {strides = array<i32>} : memref<128x128xf32, #tpu.memory_space<vmem>>, vector<1x16xf32>,
        %get3A_1104 = vector.shape_cast %get3A_1103 : vector<1x16xf32> to vector<16xf32>
        %mul3A_1105 = arith.mulf %get3A_1104, %broadcast_in_dim3A_1098 : vector<16xf32>
        %add3A_1106 = arith.constant 9 : i32
        %add3A_1107 = arith.addi %mul3A_63, %add3A_1106 : i32
        %swap3A_1108 = arith.index_cast %add3A_1107 : i32 to index
        %swap3A_1109 = arith.constant 0 : index
        %swap3A_1110 = tpu.vector_load %arg10[%swap3A_1108, %swap3A_1109] {strides = array<i32>} : memref<128x128xf32, #tpu.memory_space<vmem>>, vector<1x16xf32>,
        %swap3A_1111 = vector.shape_cast %swap3A_1110 : vector<1x16xf32> to vector<16xf32>
        %swap3A_1112 = vector.shape_cast %mul3A_1105 : vector<16xf32> to vector<1x16xf32>
        tpu.vector_store %arg10[%swap3A_1108, %swap3A_1109], %swap3A_1112 {strides = array<i32>} : memref<128x128xf32, #tpu.memory_space<vmem>>, vector<1x16xf32>,
        %add3A_1113 = arith.constant 9 : i32
        %add3A_1114 = arith.addi %mul3A_63, %add3A_1113 : i32
        %get3A_1115 = arith.index_cast %add3A_1114 : i32 to index
        %get3A_1116 = arith.constant 16 : index
        %get3A_1117 = tpu.vector_load %arg10[%get3A_1115, %get3A_1116] {strides = array<i32>} : memref<128x128xf32, #tpu.memory_space<vmem>>, vector<1x16xf32>,
        %get3A_1118 = vector.shape_cast %get3A_1117 : vector<1x16xf32> to vector<16xf32>
        %mul3A_1119 = arith.mulf %get3A_1118, %broadcast_in_dim3A_1098 : vector<16xf32>
        %add3A_1120 = arith.constant 9 : i32
        %add3A_1121 = arith.addi %mul3A_63, %add3A_1120 : i32
        %swap3A_1122 = arith.index_cast %add3A_1121 : i32 to index
        %swap3A_1123 = arith.constant 16 : index
        %swap3A_1124 = tpu.vector_load %arg10[%swap3A_1122, %swap3A_1123] {strides = array<i32>} : memref<128x128xf32, #tpu.memory_space<vmem>>, vector<1x16xf32>,
        %swap3A_1125 = vector.shape_cast %swap3A_1124 : vector<1x16xf32> to vector<16xf32>
        %swap3A_1126 = vector.shape_cast %mul3A_1119 : vector<16xf32> to vector<1x16xf32>
        tpu.vector_store %arg10[%swap3A_1122, %swap3A_1123], %swap3A_1126 {strides = array<i32>} : memref<128x128xf32, #tpu.memory_space<vmem>>, vector<1x16xf32>,
        %add3A_1127 = arith.constant 9 : i32
        %add3A_1128 = arith.addi %mul3A_63, %add3A_1127 : i32
        %get3A_1129 = arith.index_cast %add3A_1128 : i32 to index
        %get3A_1130 = arith.constant 32 : index
        %get3A_1131 = tpu.vector_load %arg10[%get3A_1129, %get3A_1130] {strides = array<i32>} : memref<128x128xf32, #tpu.memory_space<vmem>>, vector<1x16xf32>,
        %get3A_1132 = vector.shape_cast %get3A_1131 : vector<1x16xf32> to vector<16xf32>
        %mul3A_1133 = arith.mulf %get3A_1132, %broadcast_in_dim3A_1098 : vector<16xf32>
        %add3A_1134 = arith.constant 9 : i32
        %add3A_1135 = arith.addi %mul3A_63, %add3A_1134 : i32
        %swap3A_1136 = arith.index_cast %add3A_1135 : i32 to index
        %swap3A_1137 = arith.constant 32 : index
        %swap3A_1138 = tpu.vector_load %arg10[%swap3A_1136, %swap3A_1137] {strides = array<i32>} : memref<128x128xf32, #tpu.memory_space<vmem>>, vector<1x16xf32>,
        %swap3A_1139 = vector.shape_cast %swap3A_1138 : vector<1x16xf32> to vector<16xf32>
        %swap3A_1140 = vector.shape_cast %mul3A_1133 : vector<16xf32> to vector<1x16xf32>
        tpu.vector_store %arg10[%swap3A_1136, %swap3A_1137], %swap3A_1140 {strides = array<i32>} : memref<128x128xf32, #tpu.memory_space<vmem>>, vector<1x16xf32>,
        %add3A_1141 = arith.constant 9 : i32
        %add3A_1142 = arith.addi %mul3A_63, %add3A_1141 : i32
        %get3A_1143 = arith.index_cast %add3A_1142 : i32 to index
        %get3A_1144 = arith.constant 48 : index
        %get3A_1145 = tpu.vector_load %arg10[%get3A_1143, %get3A_1144] {strides = array<i32>} : memref<128x128xf32, #tpu.memory_space<vmem>>, vector<1x16xf32>,
        %get3A_1146 = vector.shape_cast %get3A_1145 : vector<1x16xf32> to vector<16xf32>
        %mul3A_1147 = arith.mulf %get3A_1146, %broadcast_in_dim3A_1098 : vector<16xf32>
        %add3A_1148 = arith.constant 9 : i32
        %add3A_1149 = arith.addi %mul3A_63, %add3A_1148 : i32
        %swap3A_1150 = arith.index_cast %add3A_1149 : i32 to index
        %swap3A_1151 = arith.constant 48 : index
        %swap3A_1152 = tpu.vector_load %arg10[%swap3A_1150, %swap3A_1151] {strides = array<i32>} : memref<128x128xf32, #tpu.memory_space<vmem>>, vector<1x16xf32>,
        %swap3A_1153 = vector.shape_cast %swap3A_1152 : vector<1x16xf32> to vector<16xf32>
        %swap3A_1154 = vector.shape_cast %mul3A_1147 : vector<16xf32> to vector<1x16xf32>
        tpu.vector_store %arg10[%swap3A_1150, %swap3A_1151], %swap3A_1154 {strides = array<i32>} : memref<128x128xf32, #tpu.memory_space<vmem>>, vector<1x16xf32>,
        %add3A_1155 = arith.constant 9 : i32
        %add3A_1156 = arith.addi %mul3A_63, %add3A_1155 : i32
        %get3A_1157 = arith.index_cast %add3A_1156 : i32 to index
        %get3A_1158 = arith.constant 64 : index
        %get3A_1159 = tpu.vector_load %arg10[%get3A_1157, %get3A_1158] {strides = array<i32>} : memref<128x128xf32, #tpu.memory_space<vmem>>, vector<1x16xf32>,
        %get3A_1160 = vector.shape_cast %get3A_1159 : vector<1x16xf32> to vector<16xf32>
        %mul3A_1161 = arith.mulf %get3A_1160, %broadcast_in_dim3A_1098 : vector<16xf32>
        %add3A_1162 = arith.constant 9 : i32
        %add3A_1163 = arith.addi %mul3A_63, %add3A_1162 : i32
        %swap3A_1164 = arith.index_cast %add3A_1163 : i32 to index
        %swap3A_1165 = arith.constant 64 : index
        %swap3A_1166 = tpu.vector_load %arg10[%swap3A_1164, %swap3A_1165] {strides = array<i32>} : memref<128x128xf32, #tpu.memory_space<vmem>>, vector<1x16xf32>,
        %swap3A_1167 = vector.shape_cast %swap3A_1166 : vector<1x16xf32> to vector<16xf32>
        %swap3A_1168 = vector.shape_cast %mul3A_1161 : vector<16xf32> to vector<1x16xf32>
        tpu.vector_store %arg10[%swap3A_1164, %swap3A_1165], %swap3A_1168 {strides = array<i32>} : memref<128x128xf32, #tpu.memory_space<vmem>>, vector<1x16xf32>,
        %add3A_1169 = arith.constant 9 : i32
        %add3A_1170 = arith.addi %mul3A_63, %add3A_1169 : i32
        %get3A_1171 = arith.index_cast %add3A_1170 : i32 to index
        %get3A_1172 = arith.constant 80 : index
        %get3A_1173 = tpu.vector_load %arg10[%get3A_1171, %get3A_1172] {strides = array<i32>} : memref<128x128xf32, #tpu.memory_space<vmem>>, vector<1x16xf32>,
        %get3A_1174 = vector.shape_cast %get3A_1173 : vector<1x16xf32> to vector<16xf32>
        %mul3A_1175 = arith.mulf %get3A_1174, %broadcast_in_dim3A_1098 : vector<16xf32>
        %add3A_1176 = arith.constant 9 : i32
        %add3A_1177 = arith.addi %mul3A_63, %add3A_1176 : i32
        %swap3A_1178 = arith.index_cast %add3A_1177 : i32 to index
        %swap3A_1179 = arith.constant 80 : index
        %swap3A_1180 = tpu.vector_load %arg10[%swap3A_1178, %swap3A_1179] {strides = array<i32>} : memref<128x128xf32, #tpu.memory_space<vmem>>, vector<1x16xf32>,
        %swap3A_1181 = vector.shape_cast %swap3A_1180 : vector<1x16xf32> to vector<16xf32>
        %swap3A_1182 = vector.shape_cast %mul3A_1175 : vector<16xf32> to vector<1x16xf32>
        tpu.vector_store %arg10[%swap3A_1178, %swap3A_1179], %swap3A_1182 {strides = array<i32>} : memref<128x128xf32, #tpu.memory_space<vmem>>, vector<1x16xf32>,
        %add3A_1183 = arith.constant 9 : i32
        %add3A_1184 = arith.addi %mul3A_63, %add3A_1183 : i32
        %get3A_1185 = arith.index_cast %add3A_1184 : i32 to index
        %get3A_1186 = arith.constant 96 : index
        %get3A_1187 = tpu.vector_load %arg10[%get3A_1185, %get3A_1186] {strides = array<i32>} : memref<128x128xf32, #tpu.memory_space<vmem>>, vector<1x16xf32>,
        %get3A_1188 = vector.shape_cast %get3A_1187 : vector<1x16xf32> to vector<16xf32>
        %mul3A_1189 = arith.mulf %get3A_1188, %broadcast_in_dim3A_1098 : vector<16xf32>
        %add3A_1190 = arith.constant 9 : i32
        %add3A_1191 = arith.addi %mul3A_63, %add3A_1190 : i32
        %swap3A_1192 = arith.index_cast %add3A_1191 : i32 to index
        %swap3A_1193 = arith.constant 96 : index
        %swap3A_1194 = tpu.vector_load %arg10[%swap3A_1192, %swap3A_1193] {strides = array<i32>} : memref<128x128xf32, #tpu.memory_space<vmem>>, vector<1x16xf32>,
        %swap3A_1195 = vector.shape_cast %swap3A_1194 : vector<1x16xf32> to vector<16xf32>
        %swap3A_1196 = vector.shape_cast %mul3A_1189 : vector<16xf32> to vector<1x16xf32>
        tpu.vector_store %arg10[%swap3A_1192, %swap3A_1193], %swap3A_1196 {strides = array<i32>} : memref<128x128xf32, #tpu.memory_space<vmem>>, vector<1x16xf32>,
        %add3A_1197 = arith.constant 9 : i32
        %add3A_1198 = arith.addi %mul3A_63, %add3A_1197 : i32
        %get3A_1199 = arith.index_cast %add3A_1198 : i32 to index
        %get3A_1200 = arith.constant 112 : index
        %get3A_1201 = tpu.vector_load %arg10[%get3A_1199, %get3A_1200] {strides = array<i32>} : memref<128x128xf32, #tpu.memory_space<vmem>>, vector<1x16xf32>,
        %get3A_1202 = vector.shape_cast %get3A_1201 : vector<1x16xf32> to vector<16xf32>
        %mul3A_1203 = arith.mulf %get3A_1202, %broadcast_in_dim3A_1098 : vector<16xf32>
        %add3A_1204 = arith.constant 9 : i32
        %add3A_1205 = arith.addi %mul3A_63, %add3A_1204 : i32
        %swap3A_1206 = arith.index_cast %add3A_1205 : i32 to index
        %swap3A_1207 = arith.constant 112 : index
        %swap3A_1208 = tpu.vector_load %arg10[%swap3A_1206, %swap3A_1207] {strides = array<i32>} : memref<128x128xf32, #tpu.memory_space<vmem>>, vector<1x16xf32>,
        %swap3A_1209 = vector.shape_cast %swap3A_1208 : vector<1x16xf32> to vector<16xf32>
        %swap3A_1210 = vector.shape_cast %mul3A_1203 : vector<16xf32> to vector<1x16xf32>
        tpu.vector_store %arg10[%swap3A_1206, %swap3A_1207], %swap3A_1210 {strides = array<i32>} : memref<128x128xf32, #tpu.memory_space<vmem>>, vector<1x16xf32>,
        %slice3A_1211 = vector.extract_strided_slice %get3A_61 {offsets = [10], sizes = [1], strides = [1]} : vector<16xf32> to vector<1xf32>
        %squeeze3A_1212 = vector.extract %slice3A_1211[0] : f32 from vector<1xf32>
        %broadcast_in_dim3A_1213 = vector.broadcast %squeeze3A_1212 : f32 to vector<16xf32>
        %add3A_1214 = arith.constant 10 : i32
        %add3A_1215 = arith.addi %mul3A_63, %add3A_1214 : i32
        %get3A_1216 = arith.index_cast %add3A_1215 : i32 to index
        %get3A_1217 = arith.constant 0 : index
        %get3A_1218 = tpu.vector_load %arg10[%get3A_1216, %get3A_1217] {strides = array<i32>} : memref<128x128xf32, #tpu.memory_space<vmem>>, vector<1x16xf32>,
        %get3A_1219 = vector.shape_cast %get3A_1218 : vector<1x16xf32> to vector<16xf32>
        %mul3A_1220 = arith.mulf %get3A_1219, %broadcast_in_dim3A_1213 : vector<16xf32>
        %add3A_1221 = arith.constant 10 : i32
        %add3A_1222 = arith.addi %mul3A_63, %add3A_1221 : i32
        %swap3A_1223 = arith.index_cast %add3A_1222 : i32 to index
        %swap3A_1224 = arith.constant 0 : index
        %swap3A_1225 = tpu.vector_load %arg10[%swap3A_1223, %swap3A_1224] {strides = array<i32>} : memref<128x128xf32, #tpu.memory_space<vmem>>, vector<1x16xf32>,
        %swap3A_1226 = vector.shape_cast %swap3A_1225 : vector<1x16xf32> to vector<16xf32>
        %swap3A_1227 = vector.shape_cast %mul3A_1220 : vector<16xf32> to vector<1x16xf32>
        tpu.vector_store %arg10[%swap3A_1223, %swap3A_1224], %swap3A_1227 {strides = array<i32>} : memref<128x128xf32, #tpu.memory_space<vmem>>, vector<1x16xf32>,
        %add3A_1228 = arith.constant 10 : i32
        %add3A_1229 = arith.addi %mul3A_63, %add3A_1228 : i32
        %get3A_1230 = arith.index_cast %add3A_1229 : i32 to index
        %get3A_1231 = arith.constant 16 : index
        %get3A_1232 = tpu.vector_load %arg10[%get3A_1230, %get3A_1231] {strides = array<i32>} : memref<128x128xf32, #tpu.memory_space<vmem>>, vector<1x16xf32>,
        %get3A_1233 = vector.shape_cast %get3A_1232 : vector<1x16xf32> to vector<16xf32>
        %mul3A_1234 = arith.mulf %get3A_1233, %broadcast_in_dim3A_1213 : vector<16xf32>
        %add3A_1235 = arith.constant 10 : i32
        %add3A_1236 = arith.addi %mul3A_63, %add3A_1235 : i32
        %swap3A_1237 = arith.index_cast %add3A_1236 : i32 to index
        %swap3A_1238 = arith.constant 16 : index
        %swap3A_1239 = tpu.vector_load %arg10[%swap3A_1237, %swap3A_1238] {strides = array<i32>} : memref<128x128xf32, #tpu.memory_space<vmem>>, vector<1x16xf32>,
        %swap3A_1240 = vector.shape_cast %swap3A_1239 : vector<1x16xf32> to vector<16xf32>
        %swap3A_1241 = vector.shape_cast %mul3A_1234 : vector<16xf32> to vector<1x16xf32>
        tpu.vector_store %arg10[%swap3A_1237, %swap3A_1238], %swap3A_1241 {strides = array<i32>} : memref<128x128xf32, #tpu.memory_space<vmem>>, vector<1x16xf32>,
        %add3A_1242 = arith.constant 10 : i32
        %add3A_1243 = arith.addi %mul3A_63, %add3A_1242 : i32
        %get3A_1244 = arith.index_cast %add3A_1243 : i32 to index
        %get3A_1245 = arith.constant 32 : index
        %get3A_1246 = tpu.vector_load %arg10[%get3A_1244, %get3A_1245] {strides = array<i32>} : memref<128x128xf32, #tpu.memory_space<vmem>>, vector<1x16xf32>,
        %get3A_1247 = vector.shape_cast %get3A_1246 : vector<1x16xf32> to vector<16xf32>
        %mul3A_1248 = arith.mulf %get3A_1247, %broadcast_in_dim3A_1213 : vector<16xf32>
        %add3A_1249 = arith.constant 10 : i32
        %add3A_1250 = arith.addi %mul3A_63, %add3A_1249 : i32
        %swap3A_1251 = arith.index_cast %add3A_1250 : i32 to index
        %swap3A_1252 = arith.constant 32 : index
        %swap3A_1253 = tpu.vector_load %arg10[%swap3A_1251, %swap3A_1252] {strides = array<i32>} : memref<128x128xf32, #tpu.memory_space<vmem>>, vector<1x16xf32>,
        %swap3A_1254 = vector.shape_cast %swap3A_1253 : vector<1x16xf32> to vector<16xf32>
        %swap3A_1255 = vector.shape_cast %mul3A_1248 : vector<16xf32> to vector<1x16xf32>
        tpu.vector_store %arg10[%swap3A_1251, %swap3A_1252], %swap3A_1255 {strides = array<i32>} : memref<128x128xf32, #tpu.memory_space<vmem>>, vector<1x16xf32>,
        %add3A_1256 = arith.constant 10 : i32
        %add3A_1257 = arith.addi %mul3A_63, %add3A_1256 : i32
        %get3A_1258 = arith.index_cast %add3A_1257 : i32 to index
        %get3A_1259 = arith.constant 48 : index
        %get3A_1260 = tpu.vector_load %arg10[%get3A_1258, %get3A_1259] {strides = array<i32>} : memref<128x128xf32, #tpu.memory_space<vmem>>, vector<1x16xf32>,
        %get3A_1261 = vector.shape_cast %get3A_1260 : vector<1x16xf32> to vector<16xf32>
        %mul3A_1262 = arith.mulf %get3A_1261, %broadcast_in_dim3A_1213 : vector<16xf32>
        %add3A_1263 = arith.constant 10 : i32
        %add3A_1264 = arith.addi %mul3A_63, %add3A_1263 : i32
        %swap3A_1265 = arith.index_cast %add3A_1264 : i32 to index
        %swap3A_1266 = arith.constant 48 : index
        %swap3A_1267 = tpu.vector_load %arg10[%swap3A_1265, %swap3A_1266] {strides = array<i32>} : memref<128x128xf32, #tpu.memory_space<vmem>>, vector<1x16xf32>,
        %swap3A_1268 = vector.shape_cast %swap3A_1267 : vector<1x16xf32> to vector<16xf32>
        %swap3A_1269 = vector.shape_cast %mul3A_1262 : vector<16xf32> to vector<1x16xf32>
        tpu.vector_store %arg10[%swap3A_1265, %swap3A_1266], %swap3A_1269 {strides = array<i32>} : memref<128x128xf32, #tpu.memory_space<vmem>>, vector<1x16xf32>,
        %add3A_1270 = arith.constant 10 : i32
        %add3A_1271 = arith.addi %mul3A_63, %add3A_1270 : i32
        %get3A_1272 = arith.index_cast %add3A_1271 : i32 to index
        %get3A_1273 = arith.constant 64 : index
        %get3A_1274 = tpu.vector_load %arg10[%get3A_1272, %get3A_1273] {strides = array<i32>} : memref<128x128xf32, #tpu.memory_space<vmem>>, vector<1x16xf32>,
        %get3A_1275 = vector.shape_cast %get3A_1274 : vector<1x16xf32> to vector<16xf32>
        %mul3A_1276 = arith.mulf %get3A_1275, %broadcast_in_dim3A_1213 : vector<16xf32>
        %add3A_1277 = arith.constant 10 : i32
        %add3A_1278 = arith.addi %mul3A_63, %add3A_1277 : i32
        %swap3A_1279 = arith.index_cast %add3A_1278 : i32 to index
        %swap3A_1280 = arith.constant 64 : index
        %swap3A_1281 = tpu.vector_load %arg10[%swap3A_1279, %swap3A_1280] {strides = array<i32>} : memref<128x128xf32, #tpu.memory_space<vmem>>, vector<1x16xf32>,
        %swap3A_1282 = vector.shape_cast %swap3A_1281 : vector<1x16xf32> to vector<16xf32>
        %swap3A_1283 = vector.shape_cast %mul3A_1276 : vector<16xf32> to vector<1x16xf32>
        tpu.vector_store %arg10[%swap3A_1279, %swap3A_1280], %swap3A_1283 {strides = array<i32>} : memref<128x128xf32, #tpu.memory_space<vmem>>, vector<1x16xf32>,
        %add3A_1284 = arith.constant 10 : i32
        %add3A_1285 = arith.addi %mul3A_63, %add3A_1284 : i32
        %get3A_1286 = arith.index_cast %add3A_1285 : i32 to index
        %get3A_1287 = arith.constant 80 : index
        %get3A_1288 = tpu.vector_load %arg10[%get3A_1286, %get3A_1287] {strides = array<i32>} : memref<128x128xf32, #tpu.memory_space<vmem>>, vector<1x16xf32>,
        %get3A_1289 = vector.shape_cast %get3A_1288 : vector<1x16xf32> to vector<16xf32>
        %mul3A_1290 = arith.mulf %get3A_1289, %broadcast_in_dim3A_1213 : vector<16xf32>
        %add3A_1291 = arith.constant 10 : i32
        %add3A_1292 = arith.addi %mul3A_63, %add3A_1291 : i32
        %swap3A_1293 = arith.index_cast %add3A_1292 : i32 to index
        %swap3A_1294 = arith.constant 80 : index
        %swap3A_1295 = tpu.vector_load %arg10[%swap3A_1293, %swap3A_1294] {strides = array<i32>} : memref<128x128xf32, #tpu.memory_space<vmem>>, vector<1x16xf32>,
        %swap3A_1296 = vector.shape_cast %swap3A_1295 : vector<1x16xf32> to vector<16xf32>
        %swap3A_1297 = vector.shape_cast %mul3A_1290 : vector<16xf32> to vector<1x16xf32>
        tpu.vector_store %arg10[%swap3A_1293, %swap3A_1294], %swap3A_1297 {strides = array<i32>} : memref<128x128xf32, #tpu.memory_space<vmem>>, vector<1x16xf32>,
        %add3A_1298 = arith.constant 10 : i32
        %add3A_1299 = arith.addi %mul3A_63, %add3A_1298 : i32
        %get3A_1300 = arith.index_cast %add3A_1299 : i32 to index
        %get3A_1301 = arith.constant 96 : index
        %get3A_1302 = tpu.vector_load %arg10[%get3A_1300, %get3A_1301] {strides = array<i32>} : memref<128x128xf32, #tpu.memory_space<vmem>>, vector<1x16xf32>,
        %get3A_1303 = vector.shape_cast %get3A_1302 : vector<1x16xf32> to vector<16xf32>
        %mul3A_1304 = arith.mulf %get3A_1303, %broadcast_in_dim3A_1213 : vector<16xf32>
        %add3A_1305 = arith.constant 10 : i32
        %add3A_1306 = arith.addi %mul3A_63, %add3A_1305 : i32
        %swap3A_1307 = arith.index_cast %add3A_1306 : i32 to index
        %swap3A_1308 = arith.constant 96 : index
        %swap3A_1309 = tpu.vector_load %arg10[%swap3A_1307, %swap3A_1308] {strides = array<i32>} : memref<128x128xf32, #tpu.memory_space<vmem>>, vector<1x16xf32>,
        %swap3A_1310 = vector.shape_cast %swap3A_1309 : vector<1x16xf32> to vector<16xf32>
        %swap3A_1311 = vector.shape_cast %mul3A_1304 : vector<16xf32> to vector<1x16xf32>
        tpu.vector_store %arg10[%swap3A_1307, %swap3A_1308], %swap3A_1311 {strides = array<i32>} : memref<128x128xf32, #tpu.memory_space<vmem>>, vector<1x16xf32>,
        %add3A_1312 = arith.constant 10 : i32
        %add3A_1313 = arith.addi %mul3A_63, %add3A_1312 : i32
        %get3A_1314 = arith.index_cast %add3A_1313 : i32 to index
        %get3A_1315 = arith.constant 112 : index
        %get3A_1316 = tpu.vector_load %arg10[%get3A_1314, %get3A_1315] {strides = array<i32>} : memref<128x128xf32, #tpu.memory_space<vmem>>, vector<1x16xf32>,
        %get3A_1317 = vector.shape_cast %get3A_1316 : vector<1x16xf32> to vector<16xf32>
        %mul3A_1318 = arith.mulf %get3A_1317, %broadcast_in_dim3A_1213 : vector<16xf32>
        %add3A_1319 = arith.constant 10 : i32
        %add3A_1320 = arith.addi %mul3A_63, %add3A_1319 : i32
        %swap3A_1321 = arith.index_cast %add3A_1320 : i32 to index
        %swap3A_1322 = arith.constant 112 : index
        %swap3A_1323 = tpu.vector_load %arg10[%swap3A_1321, %swap3A_1322] {strides = array<i32>} : memref<128x128xf32, #tpu.memory_space<vmem>>, vector<1x16xf32>,
        %swap3A_1324 = vector.shape_cast %swap3A_1323 : vector<1x16xf32> to vector<16xf32>
        %swap3A_1325 = vector.shape_cast %mul3A_1318 : vector<16xf32> to vector<1x16xf32>
        tpu.vector_store %arg10[%swap3A_1321, %swap3A_1322], %swap3A_1325 {strides = array<i32>} : memref<128x128xf32, #tpu.memory_space<vmem>>, vector<1x16xf32>,
        %slice3A_1326 = vector.extract_strided_slice %get3A_61 {offsets = [11], sizes = [1], strides = [1]} : vector<16xf32> to vector<1xf32>
        %squeeze3A_1327 = vector.extract %slice3A_1326[0] : f32 from vector<1xf32>
        %broadcast_in_dim3A_1328 = vector.broadcast %squeeze3A_1327 : f32 to vector<16xf32>
        %add3A_1329 = arith.constant 11 : i32
        %add3A_1330 = arith.addi %mul3A_63, %add3A_1329 : i32
        %get3A_1331 = arith.index_cast %add3A_1330 : i32 to index
        %get3A_1332 = arith.constant 0 : index
        %get3A_1333 = tpu.vector_load %arg10[%get3A_1331, %get3A_1332] {strides = array<i32>} : memref<128x128xf32, #tpu.memory_space<vmem>>, vector<1x16xf32>,
        %get3A_1334 = vector.shape_cast %get3A_1333 : vector<1x16xf32> to vector<16xf32>
        %mul3A_1335 = arith.mulf %get3A_1334, %broadcast_in_dim3A_1328 : vector<16xf32>
        %add3A_1336 = arith.constant 11 : i32
        %add3A_1337 = arith.addi %mul3A_63, %add3A_1336 : i32
        %swap3A_1338 = arith.index_cast %add3A_1337 : i32 to index
        %swap3A_1339 = arith.constant 0 : index
        %swap3A_1340 = tpu.vector_load %arg10[%swap3A_1338, %swap3A_1339] {strides = array<i32>} : memref<128x128xf32, #tpu.memory_space<vmem>>, vector<1x16xf32>,
        %swap3A_1341 = vector.shape_cast %swap3A_1340 : vector<1x16xf32> to vector<16xf32>
        %swap3A_1342 = vector.shape_cast %mul3A_1335 : vector<16xf32> to vector<1x16xf32>
        tpu.vector_store %arg10[%swap3A_1338, %swap3A_1339], %swap3A_1342 {strides = array<i32>} : memref<128x128xf32, #tpu.memory_space<vmem>>, vector<1x16xf32>,
        %add3A_1343 = arith.constant 11 : i32
        %add3A_1344 = arith.addi %mul3A_63, %add3A_1343 : i32
        %get3A_1345 = arith.index_cast %add3A_1344 : i32 to index
        %get3A_1346 = arith.constant 16 : index
        %get3A_1347 = tpu.vector_load %arg10[%get3A_1345, %get3A_1346] {strides = array<i32>} : memref<128x128xf32, #tpu.memory_space<vmem>>, vector<1x16xf32>,
        %get3A_1348 = vector.shape_cast %get3A_1347 : vector<1x16xf32> to vector<16xf32>
        %mul3A_1349 = arith.mulf %get3A_1348, %broadcast_in_dim3A_1328 : vector<16xf32>
        %add3A_1350 = arith.constant 11 : i32
        %add3A_1351 = arith.addi %mul3A_63, %add3A_1350 : i32
        %swap3A_1352 = arith.index_cast %add3A_1351 : i32 to index
        %swap3A_1353 = arith.constant 16 : index
        %swap3A_1354 = tpu.vector_load %arg10[%swap3A_1352, %swap3A_1353] {strides = array<i32>} : memref<128x128xf32, #tpu.memory_space<vmem>>, vector<1x16xf32>,
        %swap3A_1355 = vector.shape_cast %swap3A_1354 : vector<1x16xf32> to vector<16xf32>
        %swap3A_1356 = vector.shape_cast %mul3A_1349 : vector<16xf32> to vector<1x16xf32>
        tpu.vector_store %arg10[%swap3A_1352, %swap3A_1353], %swap3A_1356 {strides = array<i32>} : memref<128x128xf32, #tpu.memory_space<vmem>>, vector<1x16xf32>,
        %add3A_1357 = arith.constant 11 : i32
        %add3A_1358 = arith.addi %mul3A_63, %add3A_1357 : i32
        %get3A_1359 = arith.index_cast %add3A_1358 : i32 to index
        %get3A_1360 = arith.constant 32 : index
        %get3A_1361 = tpu.vector_load %arg10[%get3A_1359, %get3A_1360] {strides = array<i32>} : memref<128x128xf32, #tpu.memory_space<vmem>>, vector<1x16xf32>,
        %get3A_1362 = vector.shape_cast %get3A_1361 : vector<1x16xf32> to vector<16xf32>
        %mul3A_1363 = arith.mulf %get3A_1362, %broadcast_in_dim3A_1328 : vector<16xf32>
        %add3A_1364 = arith.constant 11 : i32
        %add3A_1365 = arith.addi %mul3A_63, %add3A_1364 : i32
        %swap3A_1366 = arith.index_cast %add3A_1365 : i32 to index
        %swap3A_1367 = arith.constant 32 : index
        %swap3A_1368 = tpu.vector_load %arg10[%swap3A_1366, %swap3A_1367] {strides = array<i32>} : memref<128x128xf32, #tpu.memory_space<vmem>>, vector<1x16xf32>,
        %swap3A_1369 = vector.shape_cast %swap3A_1368 : vector<1x16xf32> to vector<16xf32>
        %swap3A_1370 = vector.shape_cast %mul3A_1363 : vector<16xf32> to vector<1x16xf32>
        tpu.vector_store %arg10[%swap3A_1366, %swap3A_1367], %swap3A_1370 {strides = array<i32>} : memref<128x128xf32, #tpu.memory_space<vmem>>, vector<1x16xf32>,
        %add3A_1371 = arith.constant 11 : i32
        %add3A_1372 = arith.addi %mul3A_63, %add3A_1371 : i32
        %get3A_1373 = arith.index_cast %add3A_1372 : i32 to index
        %get3A_1374 = arith.constant 48 : index
        %get3A_1375 = tpu.vector_load %arg10[%get3A_1373, %get3A_1374] {strides = array<i32>} : memref<128x128xf32, #tpu.memory_space<vmem>>, vector<1x16xf32>,
        %get3A_1376 = vector.shape_cast %get3A_1375 : vector<1x16xf32> to vector<16xf32>
        %mul3A_1377 = arith.mulf %get3A_1376, %broadcast_in_dim3A_1328 : vector<16xf32>
        %add3A_1378 = arith.constant 11 : i32
        %add3A_1379 = arith.addi %mul3A_63, %add3A_1378 : i32
        %swap3A_1380 = arith.index_cast %add3A_1379 : i32 to index
        %swap3A_1381 = arith.constant 48 : index
        %swap3A_1382 = tpu.vector_load %arg10[%swap3A_1380, %swap3A_1381] {strides = array<i32>} : memref<128x128xf32, #tpu.memory_space<vmem>>, vector<1x16xf32>,
        %swap3A_1383 = vector.shape_cast %swap3A_1382 : vector<1x16xf32> to vector<16xf32>
        %swap3A_1384 = vector.shape_cast %mul3A_1377 : vector<16xf32> to vector<1x16xf32>
        tpu.vector_store %arg10[%swap3A_1380, %swap3A_1381], %swap3A_1384 {strides = array<i32>} : memref<128x128xf32, #tpu.memory_space<vmem>>, vector<1x16xf32>,
        %add3A_1385 = arith.constant 11 : i32
        %add3A_1386 = arith.addi %mul3A_63, %add3A_1385 : i32
        %get3A_1387 = arith.index_cast %add3A_1386 : i32 to index
        %get3A_1388 = arith.constant 64 : index
        %get3A_1389 = tpu.vector_load %arg10[%get3A_1387, %get3A_1388] {strides = array<i32>} : memref<128x128xf32, #tpu.memory_space<vmem>>, vector<1x16xf32>,
        %get3A_1390 = vector.shape_cast %get3A_1389 : vector<1x16xf32> to vector<16xf32>
        %mul3A_1391 = arith.mulf %get3A_1390, %broadcast_in_dim3A_1328 : vector<16xf32>
        %add3A_1392 = arith.constant 11 : i32
        %add3A_1393 = arith.addi %mul3A_63, %add3A_1392 : i32
        %swap3A_1394 = arith.index_cast %add3A_1393 : i32 to index
        %swap3A_1395 = arith.constant 64 : index
        %swap3A_1396 = tpu.vector_load %arg10[%swap3A_1394, %swap3A_1395] {strides = array<i32>} : memref<128x128xf32, #tpu.memory_space<vmem>>, vector<1x16xf32>,
        %swap3A_1397 = vector.shape_cast %swap3A_1396 : vector<1x16xf32> to vector<16xf32>
        %swap3A_1398 = vector.shape_cast %mul3A_1391 : vector<16xf32> to vector<1x16xf32>
        tpu.vector_store %arg10[%swap3A_1394, %swap3A_1395], %swap3A_1398 {strides = array<i32>} : memref<128x128xf32, #tpu.memory_space<vmem>>, vector<1x16xf32>,
        %add3A_1399 = arith.constant 11 : i32
        %add3A_1400 = arith.addi %mul3A_63, %add3A_1399 : i32
        %get3A_1401 = arith.index_cast %add3A_1400 : i32 to index
        %get3A_1402 = arith.constant 80 : index
        %get3A_1403 = tpu.vector_load %arg10[%get3A_1401, %get3A_1402] {strides = array<i32>} : memref<128x128xf32, #tpu.memory_space<vmem>>, vector<1x16xf32>,
        %get3A_1404 = vector.shape_cast %get3A_1403 : vector<1x16xf32> to vector<16xf32>
        %mul3A_1405 = arith.mulf %get3A_1404, %broadcast_in_dim3A_1328 : vector<16xf32>
        %add3A_1406 = arith.constant 11 : i32
        %add3A_1407 = arith.addi %mul3A_63, %add3A_1406 : i32
        %swap3A_1408 = arith.index_cast %add3A_1407 : i32 to index
        %swap3A_1409 = arith.constant 80 : index
        %swap3A_1410 = tpu.vector_load %arg10[%swap3A_1408, %swap3A_1409] {strides = array<i32>} : memref<128x128xf32, #tpu.memory_space<vmem>>, vector<1x16xf32>,
        %swap3A_1411 = vector.shape_cast %swap3A_1410 : vector<1x16xf32> to vector<16xf32>
        %swap3A_1412 = vector.shape_cast %mul3A_1405 : vector<16xf32> to vector<1x16xf32>
        tpu.vector_store %arg10[%swap3A_1408, %swap3A_1409], %swap3A_1412 {strides = array<i32>} : memref<128x128xf32, #tpu.memory_space<vmem>>, vector<1x16xf32>,
        %add3A_1413 = arith.constant 11 : i32
        %add3A_1414 = arith.addi %mul3A_63, %add3A_1413 : i32
        %get3A_1415 = arith.index_cast %add3A_1414 : i32 to index
        %get3A_1416 = arith.constant 96 : index
        %get3A_1417 = tpu.vector_load %arg10[%get3A_1415, %get3A_1416] {strides = array<i32>} : memref<128x128xf32, #tpu.memory_space<vmem>>, vector<1x16xf32>,
        %get3A_1418 = vector.shape_cast %get3A_1417 : vector<1x16xf32> to vector<16xf32>
        %mul3A_1419 = arith.mulf %get3A_1418, %broadcast_in_dim3A_1328 : vector<16xf32>
        %add3A_1420 = arith.constant 11 : i32
        %add3A_1421 = arith.addi %mul3A_63, %add3A_1420 : i32
        %swap3A_1422 = arith.index_cast %add3A_1421 : i32 to index
        %swap3A_1423 = arith.constant 96 : index
        %swap3A_1424 = tpu.vector_load %arg10[%swap3A_1422, %swap3A_1423] {strides = array<i32>} : memref<128x128xf32, #tpu.memory_space<vmem>>, vector<1x16xf32>,
        %swap3A_1425 = vector.shape_cast %swap3A_1424 : vector<1x16xf32> to vector<16xf32>
        %swap3A_1426 = vector.shape_cast %mul3A_1419 : vector<16xf32> to vector<1x16xf32>
        tpu.vector_store %arg10[%swap3A_1422, %swap3A_1423], %swap3A_1426 {strides = array<i32>} : memref<128x128xf32, #tpu.memory_space<vmem>>, vector<1x16xf32>,
        %add3A_1427 = arith.constant 11 : i32
        %add3A_1428 = arith.addi %mul3A_63, %add3A_1427 : i32
        %get3A_1429 = arith.index_cast %add3A_1428 : i32 to index
        %get3A_1430 = arith.constant 112 : index
        %get3A_1431 = tpu.vector_load %arg10[%get3A_1429, %get3A_1430] {strides = array<i32>} : memref<128x128xf32, #tpu.memory_space<vmem>>, vector<1x16xf32>,
        %get3A_1432 = vector.shape_cast %get3A_1431 : vector<1x16xf32> to vector<16xf32>
        %mul3A_1433 = arith.mulf %get3A_1432, %broadcast_in_dim3A_1328 : vector<16xf32>
        %add3A_1434 = arith.constant 11 : i32
        %add3A_1435 = arith.addi %mul3A_63, %add3A_1434 : i32
        %swap3A_1436 = arith.index_cast %add3A_1435 : i32 to index
        %swap3A_1437 = arith.constant 112 : index
        %swap3A_1438 = tpu.vector_load %arg10[%swap3A_1436, %swap3A_1437] {strides = array<i32>} : memref<128x128xf32, #tpu.memory_space<vmem>>, vector<1x16xf32>,
        %swap3A_1439 = vector.shape_cast %swap3A_1438 : vector<1x16xf32> to vector<16xf32>
        %swap3A_1440 = vector.shape_cast %mul3A_1433 : vector<16xf32> to vector<1x16xf32>
        tpu.vector_store %arg10[%swap3A_1436, %swap3A_1437], %swap3A_1440 {strides = array<i32>} : memref<128x128xf32, #tpu.memory_space<vmem>>, vector<1x16xf32>,
        %slice3A_1441 = vector.extract_strided_slice %get3A_61 {offsets = [12], sizes = [1], strides = [1]} : vector<16xf32> to vector<1xf32>
        %squeeze3A_1442 = vector.extract %slice3A_1441[0] : f32 from vector<1xf32>
        %broadcast_in_dim3A_1443 = vector.broadcast %squeeze3A_1442 : f32 to vector<16xf32>
        %add3A_1444 = arith.constant 12 : i32
        %add3A_1445 = arith.addi %mul3A_63, %add3A_1444 : i32
        %get3A_1446 = arith.index_cast %add3A_1445 : i32 to index
        %get3A_1447 = arith.constant 0 : index
        %get3A_1448 = tpu.vector_load %arg10[%get3A_1446, %get3A_1447] {strides = array<i32>} : memref<128x128xf32, #tpu.memory_space<vmem>>, vector<1x16xf32>,
        %get3A_1449 = vector.shape_cast %get3A_1448 : vector<1x16xf32> to vector<16xf32>
        %mul3A_1450 = arith.mulf %get3A_1449, %broadcast_in_dim3A_1443 : vector<16xf32>
        %add3A_1451 = arith.constant 12 : i32
        %add3A_1452 = arith.addi %mul3A_63, %add3A_1451 : i32
        %swap3A_1453 = arith.index_cast %add3A_1452 : i32 to index
        %swap3A_1454 = arith.constant 0 : index
        %swap3A_1455 = tpu.vector_load %arg10[%swap3A_1453, %swap3A_1454] {strides = array<i32>} : memref<128x128xf32, #tpu.memory_space<vmem>>, vector<1x16xf32>,
        %swap3A_1456 = vector.shape_cast %swap3A_1455 : vector<1x16xf32> to vector<16xf32>
        %swap3A_1457 = vector.shape_cast %mul3A_1450 : vector<16xf32> to vector<1x16xf32>
        tpu.vector_store %arg10[%swap3A_1453, %swap3A_1454], %swap3A_1457 {strides = array<i32>} : memref<128x128xf32, #tpu.memory_space<vmem>>, vector<1x16xf32>,
        %add3A_1458 = arith.constant 12 : i32
        %add3A_1459 = arith.addi %mul3A_63, %add3A_1458 : i32
        %get3A_1460 = arith.index_cast %add3A_1459 : i32 to index
        %get3A_1461 = arith.constant 16 : index
        %get3A_1462 = tpu.vector_load %arg10[%get3A_1460, %get3A_1461] {strides = array<i32>} : memref<128x128xf32, #tpu.memory_space<vmem>>, vector<1x16xf32>,
        %get3A_1463 = vector.shape_cast %get3A_1462 : vector<1x16xf32> to vector<16xf32>
        %mul3A_1464 = arith.mulf %get3A_1463, %broadcast_in_dim3A_1443 : vector<16xf32>
        %add3A_1465 = arith.constant 12 : i32
        %add3A_1466 = arith.addi %mul3A_63, %add3A_1465 : i32
        %swap3A_1467 = arith.index_cast %add3A_1466 : i32 to index
        %swap3A_1468 = arith.constant 16 : index
        %swap3A_1469 = tpu.vector_load %arg10[%swap3A_1467, %swap3A_1468] {strides = array<i32>} : memref<128x128xf32, #tpu.memory_space<vmem>>, vector<1x16xf32>,
        %swap3A_1470 = vector.shape_cast %swap3A_1469 : vector<1x16xf32> to vector<16xf32>
        %swap3A_1471 = vector.shape_cast %mul3A_1464 : vector<16xf32> to vector<1x16xf32>
        tpu.vector_store %arg10[%swap3A_1467, %swap3A_1468], %swap3A_1471 {strides = array<i32>} : memref<128x128xf32, #tpu.memory_space<vmem>>, vector<1x16xf32>,
        %add3A_1472 = arith.constant 12 : i32
        %add3A_1473 = arith.addi %mul3A_63, %add3A_1472 : i32
        %get3A_1474 = arith.index_cast %add3A_1473 : i32 to index
        %get3A_1475 = arith.constant 32 : index
        %get3A_1476 = tpu.vector_load %arg10[%get3A_1474, %get3A_1475] {strides = array<i32>} : memref<128x128xf32, #tpu.memory_space<vmem>>, vector<1x16xf32>,
        %get3A_1477 = vector.shape_cast %get3A_1476 : vector<1x16xf32> to vector<16xf32>
        %mul3A_1478 = arith.mulf %get3A_1477, %broadcast_in_dim3A_1443 : vector<16xf32>
        %add3A_1479 = arith.constant 12 : i32
        %add3A_1480 = arith.addi %mul3A_63, %add3A_1479 : i32
        %swap3A_1481 = arith.index_cast %add3A_1480 : i32 to index
        %swap3A_1482 = arith.constant 32 : index
        %swap3A_1483 = tpu.vector_load %arg10[%swap3A_1481, %swap3A_1482] {strides = array<i32>} : memref<128x128xf32, #tpu.memory_space<vmem>>, vector<1x16xf32>,
        %swap3A_1484 = vector.shape_cast %swap3A_1483 : vector<1x16xf32> to vector<16xf32>
        %swap3A_1485 = vector.shape_cast %mul3A_1478 : vector<16xf32> to vector<1x16xf32>
        tpu.vector_store %arg10[%swap3A_1481, %swap3A_1482], %swap3A_1485 {strides = array<i32>} : memref<128x128xf32, #tpu.memory_space<vmem>>, vector<1x16xf32>,
        %add3A_1486 = arith.constant 12 : i32
        %add3A_1487 = arith.addi %mul3A_63, %add3A_1486 : i32
        %get3A_1488 = arith.index_cast %add3A_1487 : i32 to index
        %get3A_1489 = arith.constant 48 : index
        %get3A_1490 = tpu.vector_load %arg10[%get3A_1488, %get3A_1489] {strides = array<i32>} : memref<128x128xf32, #tpu.memory_space<vmem>>, vector<1x16xf32>,
        %get3A_1491 = vector.shape_cast %get3A_1490 : vector<1x16xf32> to vector<16xf32>
        %mul3A_1492 = arith.mulf %get3A_1491, %broadcast_in_dim3A_1443 : vector<16xf32>
        %add3A_1493 = arith.constant 12 : i32
        %add3A_1494 = arith.addi %mul3A_63, %add3A_1493 : i32
        %swap3A_1495 = arith.index_cast %add3A_1494 : i32 to index
        %swap3A_1496 = arith.constant 48 : index
        %swap3A_1497 = tpu.vector_load %arg10[%swap3A_1495, %swap3A_1496] {strides = array<i32>} : memref<128x128xf32, #tpu.memory_space<vmem>>, vector<1x16xf32>,
        %swap3A_1498 = vector.shape_cast %swap3A_1497 : vector<1x16xf32> to vector<16xf32>
        %swap3A_1499 = vector.shape_cast %mul3A_1492 : vector<16xf32> to vector<1x16xf32>
        tpu.vector_store %arg10[%swap3A_1495, %swap3A_1496], %swap3A_1499 {strides = array<i32>} : memref<128x128xf32, #tpu.memory_space<vmem>>, vector<1x16xf32>,
        %add3A_1500 = arith.constant 12 : i32
        %add3A_1501 = arith.addi %mul3A_63, %add3A_1500 : i32
        %get3A_1502 = arith.index_cast %add3A_1501 : i32 to index
        %get3A_1503 = arith.constant 64 : index
        %get3A_1504 = tpu.vector_load %arg10[%get3A_1502, %get3A_1503] {strides = array<i32>} : memref<128x128xf32, #tpu.memory_space<vmem>>, vector<1x16xf32>,
        %get3A_1505 = vector.shape_cast %get3A_1504 : vector<1x16xf32> to vector<16xf32>
        %mul3A_1506 = arith.mulf %get3A_1505, %broadcast_in_dim3A_1443 : vector<16xf32>
        %add3A_1507 = arith.constant 12 : i32
        %add3A_1508 = arith.addi %mul3A_63, %add3A_1507 : i32
        %swap3A_1509 = arith.index_cast %add3A_1508 : i32 to index
        %swap3A_1510 = arith.constant 64 : index
        %swap3A_1511 = tpu.vector_load %arg10[%swap3A_1509, %swap3A_1510] {strides = array<i32>} : memref<128x128xf32, #tpu.memory_space<vmem>>, vector<1x16xf32>,
        %swap3A_1512 = vector.shape_cast %swap3A_1511 : vector<1x16xf32> to vector<16xf32>
        %swap3A_1513 = vector.shape_cast %mul3A_1506 : vector<16xf32> to vector<1x16xf32>
        tpu.vector_store %arg10[%swap3A_1509, %swap3A_1510], %swap3A_1513 {strides = array<i32>} : memref<128x128xf32, #tpu.memory_space<vmem>>, vector<1x16xf32>,
        %add3A_1514 = arith.constant 12 : i32
        %add3A_1515 = arith.addi %mul3A_63, %add3A_1514 : i32
        %get3A_1516 = arith.index_cast %add3A_1515 : i32 to index
        %get3A_1517 = arith.constant 80 : index
        %get3A_1518 = tpu.vector_load %arg10[%get3A_1516, %get3A_1517] {strides = array<i32>} : memref<128x128xf32, #tpu.memory_space<vmem>>, vector<1x16xf32>,
        %get3A_1519 = vector.shape_cast %get3A_1518 : vector<1x16xf32> to vector<16xf32>
        %mul3A_1520 = arith.mulf %get3A_1519, %broadcast_in_dim3A_1443 : vector<16xf32>
        %add3A_1521 = arith.constant 12 : i32
        %add3A_1522 = arith.addi %mul3A_63, %add3A_1521 : i32
        %swap3A_1523 = arith.index_cast %add3A_1522 : i32 to index
        %swap3A_1524 = arith.constant 80 : index
        %swap3A_1525 = tpu.vector_load %arg10[%swap3A_1523, %swap3A_1524] {strides = array<i32>} : memref<128x128xf32, #tpu.memory_space<vmem>>, vector<1x16xf32>,
        %swap3A_1526 = vector.shape_cast %swap3A_1525 : vector<1x16xf32> to vector<16xf32>
        %swap3A_1527 = vector.shape_cast %mul3A_1520 : vector<16xf32> to vector<1x16xf32>
        tpu.vector_store %arg10[%swap3A_1523, %swap3A_1524], %swap3A_1527 {strides = array<i32>} : memref<128x128xf32, #tpu.memory_space<vmem>>, vector<1x16xf32>,
        %add3A_1528 = arith.constant 12 : i32
        %add3A_1529 = arith.addi %mul3A_63, %add3A_1528 : i32
        %get3A_1530 = arith.index_cast %add3A_1529 : i32 to index
        %get3A_1531 = arith.constant 96 : index
        %get3A_1532 = tpu.vector_load %arg10[%get3A_1530, %get3A_1531] {strides = array<i32>} : memref<128x128xf32, #tpu.memory_space<vmem>>, vector<1x16xf32>,
        %get3A_1533 = vector.shape_cast %get3A_1532 : vector<1x16xf32> to vector<16xf32>
        %mul3A_1534 = arith.mulf %get3A_1533, %broadcast_in_dim3A_1443 : vector<16xf32>
        %add3A_1535 = arith.constant 12 : i32
        %add3A_1536 = arith.addi %mul3A_63, %add3A_1535 : i32
        %swap3A_1537 = arith.index_cast %add3A_1536 : i32 to index
        %swap3A_1538 = arith.constant 96 : index
        %swap3A_1539 = tpu.vector_load %arg10[%swap3A_1537, %swap3A_1538] {strides = array<i32>} : memref<128x128xf32, #tpu.memory_space<vmem>>, vector<1x16xf32>,
        %swap3A_1540 = vector.shape_cast %swap3A_1539 : vector<1x16xf32> to vector<16xf32>
        %swap3A_1541 = vector.shape_cast %mul3A_1534 : vector<16xf32> to vector<1x16xf32>
        tpu.vector_store %arg10[%swap3A_1537, %swap3A_1538], %swap3A_1541 {strides = array<i32>} : memref<128x128xf32, #tpu.memory_space<vmem>>, vector<1x16xf32>,
        %add3A_1542 = arith.constant 12 : i32
        %add3A_1543 = arith.addi %mul3A_63, %add3A_1542 : i32
        %get3A_1544 = arith.index_cast %add3A_1543 : i32 to index
        %get3A_1545 = arith.constant 112 : index
        %get3A_1546 = tpu.vector_load %arg10[%get3A_1544, %get3A_1545] {strides = array<i32>} : memref<128x128xf32, #tpu.memory_space<vmem>>, vector<1x16xf32>,
        %get3A_1547 = vector.shape_cast %get3A_1546 : vector<1x16xf32> to vector<16xf32>
        %mul3A_1548 = arith.mulf %get3A_1547, %broadcast_in_dim3A_1443 : vector<16xf32>
        %add3A_1549 = arith.constant 12 : i32
        %add3A_1550 = arith.addi %mul3A_63, %add3A_1549 : i32
        %swap3A_1551 = arith.index_cast %add3A_1550 : i32 to index
        %swap3A_1552 = arith.constant 112 : index
        %swap3A_1553 = tpu.vector_load %arg10[%swap3A_1551, %swap3A_1552] {strides = array<i32>} : memref<128x128xf32, #tpu.memory_space<vmem>>, vector<1x16xf32>,
        %swap3A_1554 = vector.shape_cast %swap3A_1553 : vector<1x16xf32> to vector<16xf32>
        %swap3A_1555 = vector.shape_cast %mul3A_1548 : vector<16xf32> to vector<1x16xf32>
        tpu.vector_store %arg10[%swap3A_1551, %swap3A_1552], %swap3A_1555 {strides = array<i32>} : memref<128x128xf32, #tpu.memory_space<vmem>>, vector<1x16xf32>,
        %slice3A_1556 = vector.extract_strided_slice %get3A_61 {offsets = [13], sizes = [1], strides = [1]} : vector<16xf32> to vector<1xf32>
        %squeeze3A_1557 = vector.extract %slice3A_1556[0] : f32 from vector<1xf32>
        %broadcast_in_dim3A_1558 = vector.broadcast %squeeze3A_1557 : f32 to vector<16xf32>
        %add3A_1559 = arith.constant 13 : i32
        %add3A_1560 = arith.addi %mul3A_63, %add3A_1559 : i32
        %get3A_1561 = arith.index_cast %add3A_1560 : i32 to index
        %get3A_1562 = arith.constant 0 : index
        %get3A_1563 = tpu.vector_load %arg10[%get3A_1561, %get3A_1562] {strides = array<i32>} : memref<128x128xf32, #tpu.memory_space<vmem>>, vector<1x16xf32>,
        %get3A_1564 = vector.shape_cast %get3A_1563 : vector<1x16xf32> to vector<16xf32>
        %mul3A_1565 = arith.mulf %get3A_1564, %broadcast_in_dim3A_1558 : vector<16xf32>
        %add3A_1566 = arith.constant 13 : i32
        %add3A_1567 = arith.addi %mul3A_63, %add3A_1566 : i32
        %swap3A_1568 = arith.index_cast %add3A_1567 : i32 to index
        %swap3A_1569 = arith.constant 0 : index
        %swap3A_1570 = tpu.vector_load %arg10[%swap3A_1568, %swap3A_1569] {strides = array<i32>} : memref<128x128xf32, #tpu.memory_space<vmem>>, vector<1x16xf32>,
        %swap3A_1571 = vector.shape_cast %swap3A_1570 : vector<1x16xf32> to vector<16xf32>
        %swap3A_1572 = vector.shape_cast %mul3A_1565 : vector<16xf32> to vector<1x16xf32>
        tpu.vector_store %arg10[%swap3A_1568, %swap3A_1569], %swap3A_1572 {strides = array<i32>} : memref<128x128xf32, #tpu.memory_space<vmem>>, vector<1x16xf32>,
        %add3A_1573 = arith.constant 13 : i32
        %add3A_1574 = arith.addi %mul3A_63, %add3A_1573 : i32
        %get3A_1575 = arith.index_cast %add3A_1574 : i32 to index
        %get3A_1576 = arith.constant 16 : index
        %get3A_1577 = tpu.vector_load %arg10[%get3A_1575, %get3A_1576] {strides = array<i32>} : memref<128x128xf32, #tpu.memory_space<vmem>>, vector<1x16xf32>,
        %get3A_1578 = vector.shape_cast %get3A_1577 : vector<1x16xf32> to vector<16xf32>
        %mul3A_1579 = arith.mulf %get3A_1578, %broadcast_in_dim3A_1558 : vector<16xf32>
        %add3A_1580 = arith.constant 13 : i32
        %add3A_1581 = arith.addi %mul3A_63, %add3A_1580 : i32
        %swap3A_1582 = arith.index_cast %add3A_1581 : i32 to index
        %swap3A_1583 = arith.constant 16 : index
        %swap3A_1584 = tpu.vector_load %arg10[%swap3A_1582, %swap3A_1583] {strides = array<i32>} : memref<128x128xf32, #tpu.memory_space<vmem>>, vector<1x16xf32>,
        %swap3A_1585 = vector.shape_cast %swap3A_1584 : vector<1x16xf32> to vector<16xf32>
        %swap3A_1586 = vector.shape_cast %mul3A_1579 : vector<16xf32> to vector<1x16xf32>
        tpu.vector_store %arg10[%swap3A_1582, %swap3A_1583], %swap3A_1586 {strides = array<i32>} : memref<128x128xf32, #tpu.memory_space<vmem>>, vector<1x16xf32>,
        %add3A_1587 = arith.constant 13 : i32
        %add3A_1588 = arith.addi %mul3A_63, %add3A_1587 : i32
        %get3A_1589 = arith.index_cast %add3A_1588 : i32 to index
        %get3A_1590 = arith.constant 32 : index
        %get3A_1591 = tpu.vector_load %arg10[%get3A_1589, %get3A_1590] {strides = array<i32>} : memref<128x128xf32, #tpu.memory_space<vmem>>, vector<1x16xf32>,
        %get3A_1592 = vector.shape_cast %get3A_1591 : vector<1x16xf32> to vector<16xf32>
        %mul3A_1593 = arith.mulf %get3A_1592, %broadcast_in_dim3A_1558 : vector<16xf32>
        %add3A_1594 = arith.constant 13 : i32
        %add3A_1595 = arith.addi %mul3A_63, %add3A_1594 : i32
        %swap3A_1596 = arith.index_cast %add3A_1595 : i32 to index
        %swap3A_1597 = arith.constant 32 : index
        %swap3A_1598 = tpu.vector_load %arg10[%swap3A_1596, %swap3A_1597] {strides = array<i32>} : memref<128x128xf32, #tpu.memory_space<vmem>>, vector<1x16xf32>,
        %swap3A_1599 = vector.shape_cast %swap3A_1598 : vector<1x16xf32> to vector<16xf32>
        %swap3A_1600 = vector.shape_cast %mul3A_1593 : vector<16xf32> to vector<1x16xf32>
        tpu.vector_store %arg10[%swap3A_1596, %swap3A_1597], %swap3A_1600 {strides = array<i32>} : memref<128x128xf32, #tpu.memory_space<vmem>>, vector<1x16xf32>,
        %add3A_1601 = arith.constant 13 : i32
        %add3A_1602 = arith.addi %mul3A_63, %add3A_1601 : i32
        %get3A_1603 = arith.index_cast %add3A_1602 : i32 to index
        %get3A_1604 = arith.constant 48 : index
        %get3A_1605 = tpu.vector_load %arg10[%get3A_1603, %get3A_1604] {strides = array<i32>} : memref<128x128xf32, #tpu.memory_space<vmem>>, vector<1x16xf32>,
        %get3A_1606 = vector.shape_cast %get3A_1605 : vector<1x16xf32> to vector<16xf32>
        %mul3A_1607 = arith.mulf %get3A_1606, %broadcast_in_dim3A_1558 : vector<16xf32>
        %add3A_1608 = arith.constant 13 : i32
        %add3A_1609 = arith.addi %mul3A_63, %add3A_1608 : i32
        %swap3A_1610 = arith.index_cast %add3A_1609 : i32 to index
        %swap3A_1611 = arith.constant 48 : index
        %swap3A_1612 = tpu.vector_load %arg10[%swap3A_1610, %swap3A_1611] {strides = array<i32>} : memref<128x128xf32, #tpu.memory_space<vmem>>, vector<1x16xf32>,
        %swap3A_1613 = vector.shape_cast %swap3A_1612 : vector<1x16xf32> to vector<16xf32>
        %swap3A_1614 = vector.shape_cast %mul3A_1607 : vector<16xf32> to vector<1x16xf32>
        tpu.vector_store %arg10[%swap3A_1610, %swap3A_1611], %swap3A_1614 {strides = array<i32>} : memref<128x128xf32, #tpu.memory_space<vmem>>, vector<1x16xf32>,
        %add3A_1615 = arith.constant 13 : i32
        %add3A_1616 = arith.addi %mul3A_63, %add3A_1615 : i32
        %get3A_1617 = arith.index_cast %add3A_1616 : i32 to index
        %get3A_1618 = arith.constant 64 : index
        %get3A_1619 = tpu.vector_load %arg10[%get3A_1617, %get3A_1618] {strides = array<i32>} : memref<128x128xf32, #tpu.memory_space<vmem>>, vector<1x16xf32>,
        %get3A_1620 = vector.shape_cast %get3A_1619 : vector<1x16xf32> to vector<16xf32>
        %mul3A_1621 = arith.mulf %get3A_1620, %broadcast_in_dim3A_1558 : vector<16xf32>
        %add3A_1622 = arith.constant 13 : i32
        %add3A_1623 = arith.addi %mul3A_63, %add3A_1622 : i32
        %swap3A_1624 = arith.index_cast %add3A_1623 : i32 to index
        %swap3A_1625 = arith.constant 64 : index
        %swap3A_1626 = tpu.vector_load %arg10[%swap3A_1624, %swap3A_1625] {strides = array<i32>} : memref<128x128xf32, #tpu.memory_space<vmem>>, vector<1x16xf32>,
        %swap3A_1627 = vector.shape_cast %swap3A_1626 : vector<1x16xf32> to vector<16xf32>
        %swap3A_1628 = vector.shape_cast %mul3A_1621 : vector<16xf32> to vector<1x16xf32>
        tpu.vector_store %arg10[%swap3A_1624, %swap3A_1625], %swap3A_1628 {strides = array<i32>} : memref<128x128xf32, #tpu.memory_space<vmem>>, vector<1x16xf32>,
        %add3A_1629 = arith.constant 13 : i32
        %add3A_1630 = arith.addi %mul3A_63, %add3A_1629 : i32
        %get3A_1631 = arith.index_cast %add3A_1630 : i32 to index
        %get3A_1632 = arith.constant 80 : index
        %get3A_1633 = tpu.vector_load %arg10[%get3A_1631, %get3A_1632] {strides = array<i32>} : memref<128x128xf32, #tpu.memory_space<vmem>>, vector<1x16xf32>,
        %get3A_1634 = vector.shape_cast %get3A_1633 : vector<1x16xf32> to vector<16xf32>
        %mul3A_1635 = arith.mulf %get3A_1634, %broadcast_in_dim3A_1558 : vector<16xf32>
        %add3A_1636 = arith.constant 13 : i32
        %add3A_1637 = arith.addi %mul3A_63, %add3A_1636 : i32
        %swap3A_1638 = arith.index_cast %add3A_1637 : i32 to index
        %swap3A_1639 = arith.constant 80 : index
        %swap3A_1640 = tpu.vector_load %arg10[%swap3A_1638, %swap3A_1639] {strides = array<i32>} : memref<128x128xf32, #tpu.memory_space<vmem>>, vector<1x16xf32>,
        %swap3A_1641 = vector.shape_cast %swap3A_1640 : vector<1x16xf32> to vector<16xf32>
        %swap3A_1642 = vector.shape_cast %mul3A_1635 : vector<16xf32> to vector<1x16xf32>
        tpu.vector_store %arg10[%swap3A_1638, %swap3A_1639], %swap3A_1642 {strides = array<i32>} : memref<128x128xf32, #tpu.memory_space<vmem>>, vector<1x16xf32>,
        %add3A_1643 = arith.constant 13 : i32
        %add3A_1644 = arith.addi %mul3A_63, %add3A_1643 : i32
        %get3A_1645 = arith.index_cast %add3A_1644 : i32 to index
        %get3A_1646 = arith.constant 96 : index
        %get3A_1647 = tpu.vector_load %arg10[%get3A_1645, %get3A_1646] {strides = array<i32>} : memref<128x128xf32, #tpu.memory_space<vmem>>, vector<1x16xf32>,
        %get3A_1648 = vector.shape_cast %get3A_1647 : vector<1x16xf32> to vector<16xf32>
        %mul3A_1649 = arith.mulf %get3A_1648, %broadcast_in_dim3A_1558 : vector<16xf32>
        %add3A_1650 = arith.constant 13 : i32
        %add3A_1651 = arith.addi %mul3A_63, %add3A_1650 : i32
        %swap3A_1652 = arith.index_cast %add3A_1651 : i32 to index
        %swap3A_1653 = arith.constant 96 : index
        %swap3A_1654 = tpu.vector_load %arg10[%swap3A_1652, %swap3A_1653] {strides = array<i32>} : memref<128x128xf32, #tpu.memory_space<vmem>>, vector<1x16xf32>,
        %swap3A_1655 = vector.shape_cast %swap3A_1654 : vector<1x16xf32> to vector<16xf32>
        %swap3A_1656 = vector.shape_cast %mul3A_1649 : vector<16xf32> to vector<1x16xf32>
        tpu.vector_store %arg10[%swap3A_1652, %swap3A_1653], %swap3A_1656 {strides = array<i32>} : memref<128x128xf32, #tpu.memory_space<vmem>>, vector<1x16xf32>,
        %add3A_1657 = arith.constant 13 : i32
        %add3A_1658 = arith.addi %mul3A_63, %add3A_1657 : i32
        %get3A_1659 = arith.index_cast %add3A_1658 : i32 to index
        %get3A_1660 = arith.constant 112 : index
        %get3A_1661 = tpu.vector_load %arg10[%get3A_1659, %get3A_1660] {strides = array<i32>} : memref<128x128xf32, #tpu.memory_space<vmem>>, vector<1x16xf32>,
        %get3A_1662 = vector.shape_cast %get3A_1661 : vector<1x16xf32> to vector<16xf32>
        %mul3A_1663 = arith.mulf %get3A_1662, %broadcast_in_dim3A_1558 : vector<16xf32>
        %add3A_1664 = arith.constant 13 : i32
        %add3A_1665 = arith.addi %mul3A_63, %add3A_1664 : i32
        %swap3A_1666 = arith.index_cast %add3A_1665 : i32 to index
        %swap3A_1667 = arith.constant 112 : index
        %swap3A_1668 = tpu.vector_load %arg10[%swap3A_1666, %swap3A_1667] {strides = array<i32>} : memref<128x128xf32, #tpu.memory_space<vmem>>, vector<1x16xf32>,
        %swap3A_1669 = vector.shape_cast %swap3A_1668 : vector<1x16xf32> to vector<16xf32>
        %swap3A_1670 = vector.shape_cast %mul3A_1663 : vector<16xf32> to vector<1x16xf32>
        tpu.vector_store %arg10[%swap3A_1666, %swap3A_1667], %swap3A_1670 {strides = array<i32>} : memref<128x128xf32, #tpu.memory_space<vmem>>, vector<1x16xf32>,
        %slice3A_1671 = vector.extract_strided_slice %get3A_61 {offsets = [14], sizes = [1], strides = [1]} : vector<16xf32> to vector<1xf32>
        %squeeze3A_1672 = vector.extract %slice3A_1671[0] : f32 from vector<1xf32>
        %broadcast_in_dim3A_1673 = vector.broadcast %squeeze3A_1672 : f32 to vector<16xf32>
        %add3A_1674 = arith.constant 14 : i32
        %add3A_1675 = arith.addi %mul3A_63, %add3A_1674 : i32
        %get3A_1676 = arith.index_cast %add3A_1675 : i32 to index
        %get3A_1677 = arith.constant 0 : index
        %get3A_1678 = tpu.vector_load %arg10[%get3A_1676, %get3A_1677] {strides = array<i32>} : memref<128x128xf32, #tpu.memory_space<vmem>>, vector<1x16xf32>,
        %get3A_1679 = vector.shape_cast %get3A_1678 : vector<1x16xf32> to vector<16xf32>
        %mul3A_1680 = arith.mulf %get3A_1679, %broadcast_in_dim3A_1673 : vector<16xf32>
        %add3A_1681 = arith.constant 14 : i32
        %add3A_1682 = arith.addi %mul3A_63, %add3A_1681 : i32
        %swap3A_1683 = arith.index_cast %add3A_1682 : i32 to index
        %swap3A_1684 = arith.constant 0 : index
        %swap3A_1685 = tpu.vector_load %arg10[%swap3A_1683, %swap3A_1684] {strides = array<i32>} : memref<128x128xf32, #tpu.memory_space<vmem>>, vector<1x16xf32>,
        %swap3A_1686 = vector.shape_cast %swap3A_1685 : vector<1x16xf32> to vector<16xf32>
        %swap3A_1687 = vector.shape_cast %mul3A_1680 : vector<16xf32> to vector<1x16xf32>
        tpu.vector_store %arg10[%swap3A_1683, %swap3A_1684], %swap3A_1687 {strides = array<i32>} : memref<128x128xf32, #tpu.memory_space<vmem>>, vector<1x16xf32>,
        %add3A_1688 = arith.constant 14 : i32
        %add3A_1689 = arith.addi %mul3A_63, %add3A_1688 : i32
        %get3A_1690 = arith.index_cast %add3A_1689 : i32 to index
        %get3A_1691 = arith.constant 16 : index
        %get3A_1692 = tpu.vector_load %arg10[%get3A_1690, %get3A_1691] {strides = array<i32>} : memref<128x128xf32, #tpu.memory_space<vmem>>, vector<1x16xf32>,
        %get3A_1693 = vector.shape_cast %get3A_1692 : vector<1x16xf32> to vector<16xf32>
        %mul3A_1694 = arith.mulf %get3A_1693, %broadcast_in_dim3A_1673 : vector<16xf32>
        %add3A_1695 = arith.constant 14 : i32
        %add3A_1696 = arith.addi %mul3A_63, %add3A_1695 : i32
        %swap3A_1697 = arith.index_cast %add3A_1696 : i32 to index
        %swap3A_1698 = arith.constant 16 : index
        %swap3A_1699 = tpu.vector_load %arg10[%swap3A_1697, %swap3A_1698] {strides = array<i32>} : memref<128x128xf32, #tpu.memory_space<vmem>>, vector<1x16xf32>,
        %swap3A_1700 = vector.shape_cast %swap3A_1699 : vector<1x16xf32> to vector<16xf32>
        %swap3A_1701 = vector.shape_cast %mul3A_1694 : vector<16xf32> to vector<1x16xf32>
        tpu.vector_store %arg10[%swap3A_1697, %swap3A_1698], %swap3A_1701 {strides = array<i32>} : memref<128x128xf32, #tpu.memory_space<vmem>>, vector<1x16xf32>,
        %add3A_1702 = arith.constant 14 : i32
        %add3A_1703 = arith.addi %mul3A_63, %add3A_1702 : i32
        %get3A_1704 = arith.index_cast %add3A_1703 : i32 to index
        %get3A_1705 = arith.constant 32 : index
        %get3A_1706 = tpu.vector_load %arg10[%get3A_1704, %get3A_1705] {strides = array<i32>} : memref<128x128xf32, #tpu.memory_space<vmem>>, vector<1x16xf32>,
        %get3A_1707 = vector.shape_cast %get3A_1706 : vector<1x16xf32> to vector<16xf32>
        %mul3A_1708 = arith.mulf %get3A_1707, %broadcast_in_dim3A_1673 : vector<16xf32>
        %add3A_1709 = arith.constant 14 : i32
        %add3A_1710 = arith.addi %mul3A_63, %add3A_1709 : i32
        %swap3A_1711 = arith.index_cast %add3A_1710 : i32 to index
        %swap3A_1712 = arith.constant 32 : index
        %swap3A_1713 = tpu.vector_load %arg10[%swap3A_1711, %swap3A_1712] {strides = array<i32>} : memref<128x128xf32, #tpu.memory_space<vmem>>, vector<1x16xf32>,
        %swap3A_1714 = vector.shape_cast %swap3A_1713 : vector<1x16xf32> to vector<16xf32>
        %swap3A_1715 = vector.shape_cast %mul3A_1708 : vector<16xf32> to vector<1x16xf32>
        tpu.vector_store %arg10[%swap3A_1711, %swap3A_1712], %swap3A_1715 {strides = array<i32>} : memref<128x128xf32, #tpu.memory_space<vmem>>, vector<1x16xf32>,
        %add3A_1716 = arith.constant 14 : i32
        %add3A_1717 = arith.addi %mul3A_63, %add3A_1716 : i32
        %get3A_1718 = arith.index_cast %add3A_1717 : i32 to index
        %get3A_1719 = arith.constant 48 : index
        %get3A_1720 = tpu.vector_load %arg10[%get3A_1718, %get3A_1719] {strides = array<i32>} : memref<128x128xf32, #tpu.memory_space<vmem>>, vector<1x16xf32>,
        %get3A_1721 = vector.shape_cast %get3A_1720 : vector<1x16xf32> to vector<16xf32>
        %mul3A_1722 = arith.mulf %get3A_1721, %broadcast_in_dim3A_1673 : vector<16xf32>
        %add3A_1723 = arith.constant 14 : i32
        %add3A_1724 = arith.addi %mul3A_63, %add3A_1723 : i32
        %swap3A_1725 = arith.index_cast %add3A_1724 : i32 to index
        %swap3A_1726 = arith.constant 48 : index
        %swap3A_1727 = tpu.vector_load %arg10[%swap3A_1725, %swap3A_1726] {strides = array<i32>} : memref<128x128xf32, #tpu.memory_space<vmem>>, vector<1x16xf32>,
        %swap3A_1728 = vector.shape_cast %swap3A_1727 : vector<1x16xf32> to vector<16xf32>
        %swap3A_1729 = vector.shape_cast %mul3A_1722 : vector<16xf32> to vector<1x16xf32>
        tpu.vector_store %arg10[%swap3A_1725, %swap3A_1726], %swap3A_1729 {strides = array<i32>} : memref<128x128xf32, #tpu.memory_space<vmem>>, vector<1x16xf32>,
        %add3A_1730 = arith.constant 14 : i32
        %add3A_1731 = arith.addi %mul3A_63, %add3A_1730 : i32
        %get3A_1732 = arith.index_cast %add3A_1731 : i32 to index
        %get3A_1733 = arith.constant 64 : index
        %get3A_1734 = tpu.vector_load %arg10[%get3A_1732, %get3A_1733] {strides = array<i32>} : memref<128x128xf32, #tpu.memory_space<vmem>>, vector<1x16xf32>,
        %get3A_1735 = vector.shape_cast %get3A_1734 : vector<1x16xf32> to vector<16xf32>
        %mul3A_1736 = arith.mulf %get3A_1735, %broadcast_in_dim3A_1673 : vector<16xf32>
        %add3A_1737 = arith.constant 14 : i32
        %add3A_1738 = arith.addi %mul3A_63, %add3A_1737 : i32
        %swap3A_1739 = arith.index_cast %add3A_1738 : i32 to index
        %swap3A_1740 = arith.constant 64 : index
        %swap3A_1741 = tpu.vector_load %arg10[%swap3A_1739, %swap3A_1740] {strides = array<i32>} : memref<128x128xf32, #tpu.memory_space<vmem>>, vector<1x16xf32>,
        %swap3A_1742 = vector.shape_cast %swap3A_1741 : vector<1x16xf32> to vector<16xf32>
        %swap3A_1743 = vector.shape_cast %mul3A_1736 : vector<16xf32> to vector<1x16xf32>
        tpu.vector_store %arg10[%swap3A_1739, %swap3A_1740], %swap3A_1743 {strides = array<i32>} : memref<128x128xf32, #tpu.memory_space<vmem>>, vector<1x16xf32>,
        %add3A_1744 = arith.constant 14 : i32
        %add3A_1745 = arith.addi %mul3A_63, %add3A_1744 : i32
        %get3A_1746 = arith.index_cast %add3A_1745 : i32 to index
        %get3A_1747 = arith.constant 80 : index
        %get3A_1748 = tpu.vector_load %arg10[%get3A_1746, %get3A_1747] {strides = array<i32>} : memref<128x128xf32, #tpu.memory_space<vmem>>, vector<1x16xf32>,
        %get3A_1749 = vector.shape_cast %get3A_1748 : vector<1x16xf32> to vector<16xf32>
        %mul3A_1750 = arith.mulf %get3A_1749, %broadcast_in_dim3A_1673 : vector<16xf32>
        %add3A_1751 = arith.constant 14 : i32
        %add3A_1752 = arith.addi %mul3A_63, %add3A_1751 : i32
        %swap3A_1753 = arith.index_cast %add3A_1752 : i32 to index
        %swap3A_1754 = arith.constant 80 : index
        %swap3A_1755 = tpu.vector_load %arg10[%swap3A_1753, %swap3A_1754] {strides = array<i32>} : memref<128x128xf32, #tpu.memory_space<vmem>>, vector<1x16xf32>,
        %swap3A_1756 = vector.shape_cast %swap3A_1755 : vector<1x16xf32> to vector<16xf32>
        %swap3A_1757 = vector.shape_cast %mul3A_1750 : vector<16xf32> to vector<1x16xf32>
        tpu.vector_store %arg10[%swap3A_1753, %swap3A_1754], %swap3A_1757 {strides = array<i32>} : memref<128x128xf32, #tpu.memory_space<vmem>>, vector<1x16xf32>,
        %add3A_1758 = arith.constant 14 : i32
        %add3A_1759 = arith.addi %mul3A_63, %add3A_1758 : i32
        %get3A_1760 = arith.index_cast %add3A_1759 : i32 to index
        %get3A_1761 = arith.constant 96 : index
        %get3A_1762 = tpu.vector_load %arg10[%get3A_1760, %get3A_1761] {strides = array<i32>} : memref<128x128xf32, #tpu.memory_space<vmem>>, vector<1x16xf32>,
        %get3A_1763 = vector.shape_cast %get3A_1762 : vector<1x16xf32> to vector<16xf32>
        %mul3A_1764 = arith.mulf %get3A_1763, %broadcast_in_dim3A_1673 : vector<16xf32>
        %add3A_1765 = arith.constant 14 : i32
        %add3A_1766 = arith.addi %mul3A_63, %add3A_1765 : i32
        %swap3A_1767 = arith.index_cast %add3A_1766 : i32 to index
        %swap3A_1768 = arith.constant 96 : index
        %swap3A_1769 = tpu.vector_load %arg10[%swap3A_1767, %swap3A_1768] {strides = array<i32>} : memref<128x128xf32, #tpu.memory_space<vmem>>, vector<1x16xf32>,
        %swap3A_1770 = vector.shape_cast %swap3A_1769 : vector<1x16xf32> to vector<16xf32>
        %swap3A_1771 = vector.shape_cast %mul3A_1764 : vector<16xf32> to vector<1x16xf32>
        tpu.vector_store %arg10[%swap3A_1767, %swap3A_1768], %swap3A_1771 {strides = array<i32>} : memref<128x128xf32, #tpu.memory_space<vmem>>, vector<1x16xf32>,
        %add3A_1772 = arith.constant 14 : i32
        %add3A_1773 = arith.addi %mul3A_63, %add3A_1772 : i32
        %get3A_1774 = arith.index_cast %add3A_1773 : i32 to index
        %get3A_1775 = arith.constant 112 : index
        %get3A_1776 = tpu.vector_load %arg10[%get3A_1774, %get3A_1775] {strides = array<i32>} : memref<128x128xf32, #tpu.memory_space<vmem>>, vector<1x16xf32>,
        %get3A_1777 = vector.shape_cast %get3A_1776 : vector<1x16xf32> to vector<16xf32>
        %mul3A_1778 = arith.mulf %get3A_1777, %broadcast_in_dim3A_1673 : vector<16xf32>
        %add3A_1779 = arith.constant 14 : i32
        %add3A_1780 = arith.addi %mul3A_63, %add3A_1779 : i32
        %swap3A_1781 = arith.index_cast %add3A_1780 : i32 to index
        %swap3A_1782 = arith.constant 112 : index
        %swap3A_1783 = tpu.vector_load %arg10[%swap3A_1781, %swap3A_1782] {strides = array<i32>} : memref<128x128xf32, #tpu.memory_space<vmem>>, vector<1x16xf32>,
        %swap3A_1784 = vector.shape_cast %swap3A_1783 : vector<1x16xf32> to vector<16xf32>
        %swap3A_1785 = vector.shape_cast %mul3A_1778 : vector<16xf32> to vector<1x16xf32>
        tpu.vector_store %arg10[%swap3A_1781, %swap3A_1782], %swap3A_1785 {strides = array<i32>} : memref<128x128xf32, #tpu.memory_space<vmem>>, vector<1x16xf32>,
        %slice3A_1786 = vector.extract_strided_slice %get3A_61 {offsets = [15], sizes = [1], strides = [1]} : vector<16xf32> to vector<1xf32>
        %squeeze3A_1787 = vector.extract %slice3A_1786[0] : f32 from vector<1xf32>
        %broadcast_in_dim3A_1788 = vector.broadcast %squeeze3A_1787 : f32 to vector<16xf32>
        %add3A_1789 = arith.constant 15 : i32
        %add3A_1790 = arith.addi %mul3A_63, %add3A_1789 : i32
        %get3A_1791 = arith.index_cast %add3A_1790 : i32 to index
        %get3A_1792 = arith.constant 0 : index
        %get3A_1793 = tpu.vector_load %arg10[%get3A_1791, %get3A_1792] {strides = array<i32>} : memref<128x128xf32, #tpu.memory_space<vmem>>, vector<1x16xf32>,
        %get3A_1794 = vector.shape_cast %get3A_1793 : vector<1x16xf32> to vector<16xf32>
        %mul3A_1795 = arith.mulf %get3A_1794, %broadcast_in_dim3A_1788 : vector<16xf32>
        %add3A_1796 = arith.constant 15 : i32
        %add3A_1797 = arith.addi %mul3A_63, %add3A_1796 : i32
        %swap3A_1798 = arith.index_cast %add3A_1797 : i32 to index
        %swap3A_1799 = arith.constant 0 : index
        %swap3A_1800 = tpu.vector_load %arg10[%swap3A_1798, %swap3A_1799] {strides = array<i32>} : memref<128x128xf32, #tpu.memory_space<vmem>>, vector<1x16xf32>,
        %swap3A_1801 = vector.shape_cast %swap3A_1800 : vector<1x16xf32> to vector<16xf32>
        %swap3A_1802 = vector.shape_cast %mul3A_1795 : vector<16xf32> to vector<1x16xf32>
        tpu.vector_store %arg10[%swap3A_1798, %swap3A_1799], %swap3A_1802 {strides = array<i32>} : memref<128x128xf32, #tpu.memory_space<vmem>>, vector<1x16xf32>,
        %add3A_1803 = arith.constant 15 : i32
        %add3A_1804 = arith.addi %mul3A_63, %add3A_1803 : i32
        %get3A_1805 = arith.index_cast %add3A_1804 : i32 to index
        %get3A_1806 = arith.constant 16 : index
        %get3A_1807 = tpu.vector_load %arg10[%get3A_1805, %get3A_1806] {strides = array<i32>} : memref<128x128xf32, #tpu.memory_space<vmem>>, vector<1x16xf32>,
        %get3A_1808 = vector.shape_cast %get3A_1807 : vector<1x16xf32> to vector<16xf32>
        %mul3A_1809 = arith.mulf %get3A_1808, %broadcast_in_dim3A_1788 : vector<16xf32>
        %add3A_1810 = arith.constant 15 : i32
        %add3A_1811 = arith.addi %mul3A_63, %add3A_1810 : i32
        %swap3A_1812 = arith.index_cast %add3A_1811 : i32 to index
        %swap3A_1813 = arith.constant 16 : index
        %swap3A_1814 = tpu.vector_load %arg10[%swap3A_1812, %swap3A_1813] {strides = array<i32>} : memref<128x128xf32, #tpu.memory_space<vmem>>, vector<1x16xf32>,
        %swap3A_1815 = vector.shape_cast %swap3A_1814 : vector<1x16xf32> to vector<16xf32>
        %swap3A_1816 = vector.shape_cast %mul3A_1809 : vector<16xf32> to vector<1x16xf32>
        tpu.vector_store %arg10[%swap3A_1812, %swap3A_1813], %swap3A_1816 {strides = array<i32>} : memref<128x128xf32, #tpu.memory_space<vmem>>, vector<1x16xf32>,
        %add3A_1817 = arith.constant 15 : i32
        %add3A_1818 = arith.addi %mul3A_63, %add3A_1817 : i32
        %get3A_1819 = arith.index_cast %add3A_1818 : i32 to index
        %get3A_1820 = arith.constant 32 : index
        %get3A_1821 = tpu.vector_load %arg10[%get3A_1819, %get3A_1820] {strides = array<i32>} : memref<128x128xf32, #tpu.memory_space<vmem>>, vector<1x16xf32>,
        %get3A_1822 = vector.shape_cast %get3A_1821 : vector<1x16xf32> to vector<16xf32>
        %mul3A_1823 = arith.mulf %get3A_1822, %broadcast_in_dim3A_1788 : vector<16xf32>
        %add3A_1824 = arith.constant 15 : i32
        %add3A_1825 = arith.addi %mul3A_63, %add3A_1824 : i32
        %swap3A_1826 = arith.index_cast %add3A_1825 : i32 to index
        %swap3A_1827 = arith.constant 32 : index
        %swap3A_1828 = tpu.vector_load %arg10[%swap3A_1826, %swap3A_1827] {strides = array<i32>} : memref<128x128xf32, #tpu.memory_space<vmem>>, vector<1x16xf32>,
        %swap3A_1829 = vector.shape_cast %swap3A_1828 : vector<1x16xf32> to vector<16xf32>
        %swap3A_1830 = vector.shape_cast %mul3A_1823 : vector<16xf32> to vector<1x16xf32>
        tpu.vector_store %arg10[%swap3A_1826, %swap3A_1827], %swap3A_1830 {strides = array<i32>} : memref<128x128xf32, #tpu.memory_space<vmem>>, vector<1x16xf32>,
        %add3A_1831 = arith.constant 15 : i32
        %add3A_1832 = arith.addi %mul3A_63, %add3A_1831 : i32
        %get3A_1833 = arith.index_cast %add3A_1832 : i32 to index
        %get3A_1834 = arith.constant 48 : index
        %get3A_1835 = tpu.vector_load %arg10[%get3A_1833, %get3A_1834] {strides = array<i32>} : memref<128x128xf32, #tpu.memory_space<vmem>>, vector<1x16xf32>,
        %get3A_1836 = vector.shape_cast %get3A_1835 : vector<1x16xf32> to vector<16xf32>
        %mul3A_1837 = arith.mulf %get3A_1836, %broadcast_in_dim3A_1788 : vector<16xf32>
        %add3A_1838 = arith.constant 15 : i32
        %add3A_1839 = arith.addi %mul3A_63, %add3A_1838 : i32
        %swap3A_1840 = arith.index_cast %add3A_1839 : i32 to index
        %swap3A_1841 = arith.constant 48 : index
        %swap3A_1842 = tpu.vector_load %arg10[%swap3A_1840, %swap3A_1841] {strides = array<i32>} : memref<128x128xf32, #tpu.memory_space<vmem>>, vector<1x16xf32>,
        %swap3A_1843 = vector.shape_cast %swap3A_1842 : vector<1x16xf32> to vector<16xf32>
        %swap3A_1844 = vector.shape_cast %mul3A_1837 : vector<16xf32> to vector<1x16xf32>
        tpu.vector_store %arg10[%swap3A_1840, %swap3A_1841], %swap3A_1844 {strides = array<i32>} : memref<128x128xf32, #tpu.memory_space<vmem>>, vector<1x16xf32>,
        %add3A_1845 = arith.constant 15 : i32
        %add3A_1846 = arith.addi %mul3A_63, %add3A_1845 : i32
        %get3A_1847 = arith.index_cast %add3A_1846 : i32 to index
        %get3A_1848 = arith.constant 64 : index
        %get3A_1849 = tpu.vector_load %arg10[%get3A_1847, %get3A_1848] {strides = array<i32>} : memref<128x128xf32, #tpu.memory_space<vmem>>, vector<1x16xf32>,
        %get3A_1850 = vector.shape_cast %get3A_1849 : vector<1x16xf32> to vector<16xf32>
        %mul3A_1851 = arith.mulf %get3A_1850, %broadcast_in_dim3A_1788 : vector<16xf32>
        %add3A_1852 = arith.constant 15 : i32
        %add3A_1853 = arith.addi %mul3A_63, %add3A_1852 : i32
        %swap3A_1854 = arith.index_cast %add3A_1853 : i32 to index
        %swap3A_1855 = arith.constant 64 : index
        %swap3A_1856 = tpu.vector_load %arg10[%swap3A_1854, %swap3A_1855] {strides = array<i32>} : memref<128x128xf32, #tpu.memory_space<vmem>>, vector<1x16xf32>,
        %swap3A_1857 = vector.shape_cast %swap3A_1856 : vector<1x16xf32> to vector<16xf32>
        %swap3A_1858 = vector.shape_cast %mul3A_1851 : vector<16xf32> to vector<1x16xf32>
        tpu.vector_store %arg10[%swap3A_1854, %swap3A_1855], %swap3A_1858 {strides = array<i32>} : memref<128x128xf32, #tpu.memory_space<vmem>>, vector<1x16xf32>,
        %add3A_1859 = arith.constant 15 : i32
        %add3A_1860 = arith.addi %mul3A_63, %add3A_1859 : i32
        %get3A_1861 = arith.index_cast %add3A_1860 : i32 to index
        %get3A_1862 = arith.constant 80 : index
        %get3A_1863 = tpu.vector_load %arg10[%get3A_1861, %get3A_1862] {strides = array<i32>} : memref<128x128xf32, #tpu.memory_space<vmem>>, vector<1x16xf32>,
        %get3A_1864 = vector.shape_cast %get3A_1863 : vector<1x16xf32> to vector<16xf32>
        %mul3A_1865 = arith.mulf %get3A_1864, %broadcast_in_dim3A_1788 : vector<16xf32>
        %add3A_1866 = arith.constant 15 : i32
        %add3A_1867 = arith.addi %mul3A_63, %add3A_1866 : i32
        %swap3A_1868 = arith.index_cast %add3A_1867 : i32 to index
        %swap3A_1869 = arith.constant 80 : index
        %swap3A_1870 = tpu.vector_load %arg10[%swap3A_1868, %swap3A_1869] {strides = array<i32>} : memref<128x128xf32, #tpu.memory_space<vmem>>, vector<1x16xf32>,
        %swap3A_1871 = vector.shape_cast %swap3A_1870 : vector<1x16xf32> to vector<16xf32>
        %swap3A_1872 = vector.shape_cast %mul3A_1865 : vector<16xf32> to vector<1x16xf32>
        tpu.vector_store %arg10[%swap3A_1868, %swap3A_1869], %swap3A_1872 {strides = array<i32>} : memref<128x128xf32, #tpu.memory_space<vmem>>, vector<1x16xf32>,
        %add3A_1873 = arith.constant 15 : i32
        %add3A_1874 = arith.addi %mul3A_63, %add3A_1873 : i32
        %get3A_1875 = arith.index_cast %add3A_1874 : i32 to index
        %get3A_1876 = arith.constant 96 : index
        %get3A_1877 = tpu.vector_load %arg10[%get3A_1875, %get3A_1876] {strides = array<i32>} : memref<128x128xf32, #tpu.memory_space<vmem>>, vector<1x16xf32>,
        %get3A_1878 = vector.shape_cast %get3A_1877 : vector<1x16xf32> to vector<16xf32>
        %mul3A_1879 = arith.mulf %get3A_1878, %broadcast_in_dim3A_1788 : vector<16xf32>
        %add3A_1880 = arith.constant 15 : i32
        %add3A_1881 = arith.addi %mul3A_63, %add3A_1880 : i32
        %swap3A_1882 = arith.index_cast %add3A_1881 : i32 to index
        %swap3A_1883 = arith.constant 96 : index
        %swap3A_1884 = tpu.vector_load %arg10[%swap3A_1882, %swap3A_1883] {strides = array<i32>} : memref<128x128xf32, #tpu.memory_space<vmem>>, vector<1x16xf32>,
        %swap3A_1885 = vector.shape_cast %swap3A_1884 : vector<1x16xf32> to vector<16xf32>
        %swap3A_1886 = vector.shape_cast %mul3A_1879 : vector<16xf32> to vector<1x16xf32>
        tpu.vector_store %arg10[%swap3A_1882, %swap3A_1883], %swap3A_1886 {strides = array<i32>} : memref<128x128xf32, #tpu.memory_space<vmem>>, vector<1x16xf32>,
        %add3A_1887 = arith.constant 15 : i32
        %add3A_1888 = arith.addi %mul3A_63, %add3A_1887 : i32
        %get3A_1889 = arith.index_cast %add3A_1888 : i32 to index
        %get3A_1890 = arith.constant 112 : index
        %get3A_1891 = tpu.vector_load %arg10[%get3A_1889, %get3A_1890] {strides = array<i32>} : memref<128x128xf32, #tpu.memory_space<vmem>>, vector<1x16xf32>,
        %get3A_1892 = vector.shape_cast %get3A_1891 : vector<1x16xf32> to vector<16xf32>
        %mul3A_1893 = arith.mulf %get3A_1892, %broadcast_in_dim3A_1788 : vector<16xf32>
        %add3A_1894 = arith.constant 15 : i32
        %add3A_1895 = arith.addi %mul3A_63, %add3A_1894 : i32
        %swap3A_1896 = arith.index_cast %add3A_1895 : i32 to index
        %swap3A_1897 = arith.constant 112 : index
        %swap3A_1898 = tpu.vector_load %arg10[%swap3A_1896, %swap3A_1897] {strides = array<i32>} : memref<128x128xf32, #tpu.memory_space<vmem>>, vector<1x16xf32>,
        %swap3A_1899 = vector.shape_cast %swap3A_1898 : vector<1x16xf32> to vector<16xf32>
        %swap3A_1900 = vector.shape_cast %mul3A_1893 : vector<16xf32> to vector<1x16xf32>
        tpu.vector_store %arg10[%swap3A_1896, %swap3A_1897], %swap3A_1900 {strides = array<i32>} : memref<128x128xf32, #tpu.memory_space<vmem>>, vector<1x16xf32>,
        %scan3A_1901 = arith.constant 0 : i32
        scf.yield %scan3A_1901 : i32
      }
      %scan3A_53 = arith.constant 8 : i32
      "tpu.region"() ({
        %run_scoped3A = tpu.sem_alloc : memref<!tpu.dma_semaphore, #tpu.memory_space<semaphore_mem>>
        %dma_start3A_55 = arith.constant 0 : i32
        %dma_start3A_56 = tpu.memref_slice %arg8[%scan3A_35, %dma_start3A_55] : memref<79x128xi32, #tpu.memory_space<vmem>> -> memref<1x128xi32, #tpu.memory_space<vmem>>
        %dma_start3A_57 = tpu.memref_squeeze %dma_start3A_56 : memref<1x128xi32, #tpu.memory_space<vmem>> -> memref<128xi32, #tpu.memory_space<vmem>>
        %dma_start3A_58 = arith.constant 0 : i32
        %dma_start3A_59 = arith.constant 0 : i32
        %dma_start3A_60 = tpu.memref_slice %arg11[%dma_start3A_58, %dma_start3A_59] : memref<10000x128xf32, #tpu.memory_space<vmem_shared>> -> memref<10000x128xf32, #tpu.memory_space<vmem_shared>>
        tpu.enqueue_indirect_dma source(%arg10 : memref<128x128xf32, #tpu.memory_space<vmem>>) target(%dma_start3A_60 : memref<10000x128xf32, #tpu.memory_space<vmem_shared>>) offsets(%dma_start3A_57 : memref<128xi32, #tpu.memory_space<vmem>>) semaphore(%run_scoped3A : memref<!tpu.dma_semaphore, #tpu.memory_space<semaphore_mem>>) {add = true}
        %dma_wait3A_61 = arith.constant 0 : i32
        %dma_wait3A_62 = tpu.memref_slice %arg8[%scan3A_35, %dma_wait3A_61] : memref<79x128xi32, #tpu.memory_space<vmem>> -> memref<1x128xi32, #tpu.memory_space<vmem>>
        %dma_wait3A_63 = tpu.memref_squeeze %dma_wait3A_62 : memref<1x128xi32, #tpu.memory_space<vmem>> -> memref<128xi32, #tpu.memory_space<vmem>>
        %dma_wait3A_64 = arith.constant 0 : i32
        %dma_wait3A_65 = arith.constant 0 : i32
        %dma_wait3A_66 = tpu.memref_slice %arg11[%dma_wait3A_64, %dma_wait3A_65] : memref<10000x128xf32, #tpu.memory_space<vmem_shared>> -> memref<10000x128xf32, #tpu.memory_space<vmem_shared>>
        tpu.wait_indirect_dma semaphore(%run_scoped3A : memref<!tpu.dma_semaphore, #tpu.memory_space<semaphore_mem>>) src(%arg10 : memref<128x128xf32, #tpu.memory_space<vmem>>) dst(%dma_wait3A_66 : memref<10000x128xf32, #tpu.memory_space<vmem_shared>>)
        tpu.yield
      }) : () -> ()
      %scan3A_54 = arith.constant 0 : i32
      scf.yield %scan3A_54 : i32
    }
    %scan3A_28 = arith.constant 79 : i32
    %barrier3A_29 = arith.constant 0 : index
    tpu.barrier barrier_id(%barrier3A_29)
    "tpu.region"() ({
      %run_scoped3A = tpu.sem_alloc : memref<!tpu.dma_semaphore, #tpu.memory_space<semaphore_mem>>
      %dma_start3A = arith.constant 0 : i32
      %dma_start3A_35 = tpu.memref_slice %arg6[%arg0, %mul3A_9, %dma_start3A] : memref<2x10000x128xf32, #tpu.memory_space<hbm>> -> memref<1x624x128xf32, #tpu.memory_space<hbm>>
      %dma_start3A_36 = tpu.memref_squeeze %dma_start3A_35 : memref<1x624x128xf32, #tpu.memory_space<hbm>> -> memref<624x128xf32, #tpu.memory_space<hbm>>
      %dma_start3A_37 = arith.constant 0 : i32
      %dma_start3A_38 = tpu.memref_slice %arg11[%mul3A_9, %dma_start3A_37] : memref<10000x128xf32, #tpu.memory_space<vmem_shared>> -> memref<624x128xf32, #tpu.memory_space<vmem_shared>>
      tpu.enqueue_dma source(%dma_start3A_38 : memref<624x128xf32, #tpu.memory_space<vmem_shared>>) target(%dma_start3A_36 : memref<624x128xf32, #tpu.memory_space<hbm>>) target_semaphore(%run_scoped3A : memref<!tpu.dma_semaphore, #tpu.memory_space<semaphore_mem>>)
      %dma_wait3A = arith.constant 0 : i32
      %dma_wait3A_39 = tpu.memref_slice %arg6[%arg0, %mul3A_9, %dma_wait3A] : memref<2x10000x128xf32, #tpu.memory_space<hbm>> -> memref<1x624x128xf32, #tpu.memory_space<hbm>>
      %dma_wait3A_40 = tpu.memref_squeeze %dma_wait3A_39 : memref<1x624x128xf32, #tpu.memory_space<hbm>> -> memref<624x128xf32, #tpu.memory_space<hbm>>
      %dma_wait3A_41 = arith.constant 0 : i32
      %dma_wait3A_42 = tpu.memref_slice %arg11[%mul3A_9, %dma_wait3A_41] : memref<10000x128xf32, #tpu.memory_space<vmem_shared>> -> memref<624x128xf32, #tpu.memory_space<vmem_shared>>
      tpu.wait_dma2 semaphore(%run_scoped3A : memref<!tpu.dma_semaphore, #tpu.memory_space<semaphore_mem>>) src(%dma_wait3A_42 : memref<624x128xf32, #tpu.memory_space<vmem_shared>>) dst(%dma_wait3A_40 : memref<624x128xf32, #tpu.memory_space<hbm>>)
      tpu.yield
    }) : () -> ()
    %eq3A_30 = arith.constant 15 : i32
    %eq3A_31 = arith.cmpi eq, %arg1, %eq3A_30 : i32
    %convert_element_type3A_32 = arith.extui %eq3A_31 : i1 to i32
    %cond3A_33 = arith.constant 0 : i32
    %cond3A_34 = arith.cmpi ne, %convert_element_type3A_32, %cond3A_33 : i32
    scf.if %cond3A_34 {
      "tpu.region"() ({
        %run_scoped3A = tpu.sem_alloc : memref<!tpu.dma_semaphore, #tpu.memory_space<semaphore_mem>>
        %dma_start3A = arith.constant 9984 : i32
        %dma_start3A_35 = arith.constant 0 : i32
        %dma_start3A_36 = tpu.memref_slice %arg6[%arg0, %dma_start3A, %dma_start3A_35] : memref<2x10000x128xf32, #tpu.memory_space<hbm>> -> memref<1x16x128xf32, #tpu.memory_space<hbm>>
        %dma_start3A_37 = tpu.memref_squeeze %dma_start3A_36 : memref<1x16x128xf32, #tpu.memory_space<hbm>> -> memref<16x128xf32, #tpu.memory_space<hbm>>
        %dma_start3A_38 = arith.constant 9984 : i32
        %dma_start3A_39 = arith.constant 0 : i32
        %dma_start3A_40 = tpu.memref_slice %arg11[%dma_start3A_38, %dma_start3A_39] : memref<10000x128xf32, #tpu.memory_space<vmem_shared>> -> memref<16x128xf32, #tpu.memory_space<vmem_shared>>
        tpu.enqueue_dma source(%dma_start3A_40 : memref<16x128xf32, #tpu.memory_space<vmem_shared>>) target(%dma_start3A_37 : memref<16x128xf32, #tpu.memory_space<hbm>>) target_semaphore(%run_scoped3A : memref<!tpu.dma_semaphore, #tpu.memory_space<semaphore_mem>>)
        %dma_wait3A = arith.constant 9984 : i32
        %dma_wait3A_41 = arith.constant 0 : i32
        %dma_wait3A_42 = tpu.memref_slice %arg6[%arg0, %dma_wait3A, %dma_wait3A_41] : memref<2x10000x128xf32, #tpu.memory_space<hbm>> -> memref<1x16x128xf32, #tpu.memory_space<hbm>>
        %dma_wait3A_43 = tpu.memref_squeeze %dma_wait3A_42 : memref<1x16x128xf32, #tpu.memory_space<hbm>> -> memref<16x128xf32, #tpu.memory_space<hbm>>
        %dma_wait3A_44 = arith.constant 9984 : i32
        %dma_wait3A_45 = arith.constant 0 : i32
        %dma_wait3A_46 = tpu.memref_slice %arg11[%dma_wait3A_44, %dma_wait3A_45] : memref<10000x128xf32, #tpu.memory_space<vmem_shared>> -> memref<16x128xf32, #tpu.memory_space<vmem_shared>>
        tpu.wait_dma2 semaphore(%run_scoped3A : memref<!tpu.dma_semaphore, #tpu.memory_space<semaphore_mem>>) src(%dma_wait3A_46 : memref<16x128xf32, #tpu.memory_space<vmem_shared>>) dst(%dma_wait3A_43 : memref<16x128xf32, #tpu.memory_space<hbm>>)
        tpu.yield
      }) : () -> ()
    } else {
    }
    return
  }
}

#map = affine_map<(d0, d1) -> (0, 0)>
#map1 = affine_map<(d0, d1) -> (0, 0, 0)>
module attributes {stable_mosaic.version = 14 : i64} {
  func.func @_spmm_body(%arg0: i32, %arg1: i32, %arg2: memref<10000x128xf32, #tpu.memory_space<hbm>>, %arg3: memref<32x79x128xi32, #tpu.memory_space<hbm>>, %arg4: memref<32x79x128xi32, #tpu.memory_space<hbm>>, %arg5: memref<32x79x128xf32, #tpu.memory_space<hbm>>, %arg6: memref<2x10000x128xf32, #tpu.memory_space<hbm>>, %arg7: memref<79x128xi32, #tpu.memory_space<vmem>>, %arg8: memref<79x128xi32, #tpu.memory_space<vmem>>, %arg9: memref<79x128xf32, #tpu.memory_space<vmem>>, %arg10: memref<128x128xf32, #tpu.memory_space<vmem>>, %arg11: memref<10000x128xf32, #tpu.memory_space<vmem_shared>>, %arg12: memref<!tpu.dma_semaphore, #tpu.memory_space<semaphore_mem>>) attributes {dimension_semantics = [#tpu.dimension_semantics<core_parallel>, #tpu.dimension_semantics<subcore_parallel>], iteration_bounds = array<i64: 2, 16>, scalar_prefetch = 0 : i64, scratch_operands = 6 : i64, tpu.core_type = #tpu.core_type<sc_vector_subcore>, window_params = [{transform_indices = #map}, {transform_indices = #map1}, {transform_indices = #map1}, {transform_indices = #map1}, {transform_indices = #map1}]} {
    %mul3A = arith.constant 2 : i32
    %mul3A_0 = arith.muli %arg1, %mul3A : i32
    %add3A = arith.addi %mul3A_0, %arg0 : i32
    %broadcast_in_dim3A = arith.constant 0.000000e+00 : f32
    %broadcast_in_dim3A_1 = vector.broadcast %broadcast_in_dim3A : f32 to vector<16xf32>
    %scan3A = arith.constant 0 : i32
    %scan3A_2 = arith.constant 0 : i32
    %scan3A_3 = arith.constant 128 : i32
    %scan3A_4 = arith.addi %scan3A_2, %scan3A_3 : i32
    %scan3A_5 = arith.constant 1 : i32
    %scan3A_6 = scf.for %scan3A_35 = %scan3A_2 to %scan3A_4 step %scan3A_5 iter_args(%scan3A_36 = %scan3A) -> (i32)  : i32 {
      %swap3A = arith.index_cast %scan3A_35 : i32 to index
      %swap3A_37 = arith.constant 0 : index
      %swap3A_38 = tpu.vector_load %arg10[%swap3A, %swap3A_37] {strides = array<i32>} : memref<128x128xf32, #tpu.memory_space<vmem>>, vector<1x16xf32>,
      %swap3A_39 = vector.shape_cast %swap3A_38 : vector<1x16xf32> to vector<16xf32>
      %swap3A_40 = vector.shape_cast %broadcast_in_dim3A_1 : vector<16xf32> to vector<1x16xf32>
      tpu.vector_store %arg10[%swap3A, %swap3A_37], %swap3A_40 {strides = array<i32>} : memref<128x128xf32, #tpu.memory_space<vmem>>, vector<1x16xf32>,
      %swap3A_41 = arith.index_cast %scan3A_35 : i32 to index
      %swap3A_42 = arith.constant 16 : index
      %swap3A_43 = tpu.vector_load %arg10[%swap3A_41, %swap3A_42] {strides = array<i32>} : memref<128x128xf32, #tpu.memory_space<vmem>>, vector<1x16xf32>,
      %swap3A_44 = vector.shape_cast %swap3A_43 : vector<1x16xf32> to vector<16xf32>
      %swap3A_45 = vector.shape_cast %broadcast_in_dim3A_1 : vector<16xf32> to vector<1x16xf32>
      tpu.vector_store %arg10[%swap3A_41, %swap3A_42], %swap3A_45 {strides = array<i32>} : memref<128x128xf32, #tpu.memory_space<vmem>>, vector<1x16xf32>,
      %swap3A_46 = arith.index_cast %scan3A_35 : i32 to index
      %swap3A_47 = arith.constant 32 : index
      %swap3A_48 = tpu.vector_load %arg10[%swap3A_46, %swap3A_47] {strides = array<i32>} : memref<128x128xf32, #tpu.memory_space<vmem>>, vector<1x16xf32>,
      %swap3A_49 = vector.shape_cast %swap3A_48 : vector<1x16xf32> to vector<16xf32>
      %swap3A_50 = vector.shape_cast %broadcast_in_dim3A_1 : vector<16xf32> to vector<1x16xf32>
      tpu.vector_store %arg10[%swap3A_46, %swap3A_47], %swap3A_50 {strides = array<i32>} : memref<128x128xf32, #tpu.memory_space<vmem>>, vector<1x16xf32>,
      %swap3A_51 = arith.index_cast %scan3A_35 : i32 to index
      %swap3A_52 = arith.constant 48 : index
      %swap3A_53 = tpu.vector_load %arg10[%swap3A_51, %swap3A_52] {strides = array<i32>} : memref<128x128xf32, #tpu.memory_space<vmem>>, vector<1x16xf32>,
      %swap3A_54 = vector.shape_cast %swap3A_53 : vector<1x16xf32> to vector<16xf32>
      %swap3A_55 = vector.shape_cast %broadcast_in_dim3A_1 : vector<16xf32> to vector<1x16xf32>
      tpu.vector_store %arg10[%swap3A_51, %swap3A_52], %swap3A_55 {strides = array<i32>} : memref<128x128xf32, #tpu.memory_space<vmem>>, vector<1x16xf32>,
      %swap3A_56 = arith.index_cast %scan3A_35 : i32 to index
      %swap3A_57 = arith.constant 64 : index
      %swap3A_58 = tpu.vector_load %arg10[%swap3A_56, %swap3A_57] {strides = array<i32>} : memref<128x128xf32, #tpu.memory_space<vmem>>, vector<1x16xf32>,
      %swap3A_59 = vector.shape_cast %swap3A_58 : vector<1x16xf32> to vector<16xf32>
      %swap3A_60 = vector.shape_cast %broadcast_in_dim3A_1 : vector<16xf32> to vector<1x16xf32>
      tpu.vector_store %arg10[%swap3A_56, %swap3A_57], %swap3A_60 {strides = array<i32>} : memref<128x128xf32, #tpu.memory_space<vmem>>, vector<1x16xf32>,
      %swap3A_61 = arith.index_cast %scan3A_35 : i32 to index
      %swap3A_62 = arith.constant 80 : index
      %swap3A_63 = tpu.vector_load %arg10[%swap3A_61, %swap3A_62] {strides = array<i32>} : memref<128x128xf32, #tpu.memory_space<vmem>>, vector<1x16xf32>,
      %swap3A_64 = vector.shape_cast %swap3A_63 : vector<1x16xf32> to vector<16xf32>
      %swap3A_65 = vector.shape_cast %broadcast_in_dim3A_1 : vector<16xf32> to vector<1x16xf32>
      tpu.vector_store %arg10[%swap3A_61, %swap3A_62], %swap3A_65 {strides = array<i32>} : memref<128x128xf32, #tpu.memory_space<vmem>>, vector<1x16xf32>,
      %swap3A_66 = arith.index_cast %scan3A_35 : i32 to index
      %swap3A_67 = arith.constant 96 : index
      %swap3A_68 = tpu.vector_load %arg10[%swap3A_66, %swap3A_67] {strides = array<i32>} : memref<128x128xf32, #tpu.memory_space<vmem>>, vector<1x16xf32>,
      %swap3A_69 = vector.shape_cast %swap3A_68 : vector<1x16xf32> to vector<16xf32>
      %swap3A_70 = vector.shape_cast %broadcast_in_dim3A_1 : vector<16xf32> to vector<1x16xf32>
      tpu.vector_store %arg10[%swap3A_66, %swap3A_67], %swap3A_70 {strides = array<i32>} : memref<128x128xf32, #tpu.memory_space<vmem>>, vector<1x16xf32>,
      %swap3A_71 = arith.index_cast %scan3A_35 : i32 to index
      %swap3A_72 = arith.constant 112 : index
      %swap3A_73 = tpu.vector_load %arg10[%swap3A_71, %swap3A_72] {strides = array<i32>} : memref<128x128xf32, #tpu.memory_space<vmem>>, vector<1x16xf32>,
      %swap3A_74 = vector.shape_cast %swap3A_73 : vector<1x16xf32> to vector<16xf32>
      %swap3A_75 = vector.shape_cast %broadcast_in_dim3A_1 : vector<16xf32> to vector<1x16xf32>
      tpu.vector_store %arg10[%swap3A_71, %swap3A_72], %swap3A_75 {strides = array<i32>} : memref<128x128xf32, #tpu.memory_space<vmem>>, vector<1x16xf32>,
      %scan3A_76 = arith.constant 0 : i32
      scf.yield %scan3A_76 : i32
    }
    %scan3A_7 = arith.constant 128 : i32
    %mul3A_8 = arith.constant 624 : i32
    %mul3A_9 = arith.muli %arg1, %mul3A_8 : i32
    %add3A_10 = arith.constant 0 : i32
    %add3A_11 = arith.addi %mul3A_9, %add3A_10 : i32
    "tpu.region"() ({
      %run_scoped3A = tpu.sem_alloc : memref<!tpu.dma_semaphore, #tpu.memory_space<semaphore_mem>>
      %dma_start3A = arith.constant 0 : i32
      %dma_start3A_35 = arith.constant 0 : i32
      %dma_start3A_36 = tpu.memref_slice %arg10[%dma_start3A, %dma_start3A_35] : memref<128x128xf32, #tpu.memory_space<vmem>> -> memref<128x128xf32, #tpu.memory_space<vmem>>
      %dma_start3A_37 = arith.constant 0 : i32
      %dma_start3A_38 = tpu.memref_slice %arg11[%add3A_11, %dma_start3A_37] : memref<10000x128xf32, #tpu.memory_space<vmem_shared>> -> memref<128x128xf32, #tpu.memory_space<vmem_shared>>
      %dma_start3A_39 = arith.constant 0 : i32
      %dma_start3A_40 = tpu.memref_slice %arg11[%add3A_11, %dma_start3A_39] : memref<10000x128xf32, #tpu.memory_space<vmem_shared>> -> memref<128x128xf32, #tpu.memory_space<vmem_shared>>
      %dma_start3A_41 = arith.constant 0 : i32
      %dma_start3A_42 = arith.constant 0 : i32
      %dma_start3A_43 = tpu.memref_slice %arg10[%dma_start3A_41, %dma_start3A_42] : memref<128x128xf32, #tpu.memory_space<vmem>> -> memref<128x128xf32, #tpu.memory_space<vmem>>
      tpu.enqueue_dma source(%dma_start3A_43 : memref<128x128xf32, #tpu.memory_space<vmem>>) target(%dma_start3A_40 : memref<128x128xf32, #tpu.memory_space<vmem_shared>>) target_semaphore(%run_scoped3A : memref<!tpu.dma_semaphore, #tpu.memory_space<semaphore_mem>>)
      %dma_wait3A = arith.constant 0 : i32
      %dma_wait3A_44 = arith.constant 0 : i32
      %dma_wait3A_45 = tpu.memref_slice %arg10[%dma_wait3A, %dma_wait3A_44] : memref<128x128xf32, #tpu.memory_space<vmem>> -> memref<128x128xf32, #tpu.memory_space<vmem>>
      %dma_wait3A_46 = arith.constant 0 : i32
      %dma_wait3A_47 = tpu.memref_slice %arg11[%add3A_11, %dma_wait3A_46] : memref<10000x128xf32, #tpu.memory_space<vmem_shared>> -> memref<128x128xf32, #tpu.memory_space<vmem_shared>>
      %dma_wait3A_48 = arith.constant 0 : i32
      %dma_wait3A_49 = tpu.memref_slice %arg11[%add3A_11, %dma_wait3A_48] : memref<10000x128xf32, #tpu.memory_space<vmem_shared>> -> memref<128x128xf32, #tpu.memory_space<vmem_shared>>
      %dma_wait3A_50 = arith.constant 0 : i32
      %dma_wait3A_51 = arith.constant 0 : i32
      %dma_wait3A_52 = tpu.memref_slice %arg10[%dma_wait3A_50, %dma_wait3A_51] : memref<128x128xf32, #tpu.memory_space<vmem>> -> memref<128x128xf32, #tpu.memory_space<vmem>>
      tpu.wait_dma2 semaphore(%run_scoped3A : memref<!tpu.dma_semaphore, #tpu.memory_space<semaphore_mem>>) src(%dma_wait3A_52 : memref<128x128xf32, #tpu.memory_space<vmem>>) dst(%dma_wait3A_49 : memref<128x128xf32, #tpu.memory_space<vmem_shared>>)
      tpu.yield
    }) : () -> ()
    %add3A_12 = arith.constant 128 : i32
    %add3A_13 = arith.addi %mul3A_9, %add3A_12 : i32
    "tpu.region"() ({
      %run_scoped3A = tpu.sem_alloc : memref<!tpu.dma_semaphore, #tpu.memory_space<semaphore_mem>>
      %dma_start3A = arith.constant 0 : i32
      %dma_start3A_35 = arith.constant 0 : i32
      %dma_start3A_36 = tpu.memref_slice %arg10[%dma_start3A, %dma_start3A_35] : memref<128x128xf32, #tpu.memory_space<vmem>> -> memref<128x128xf32, #tpu.memory_space<vmem>>
      %dma_start3A_37 = arith.constant 0 : i32
      %dma_start3A_38 = tpu.memref_slice %arg11[%add3A_13, %dma_start3A_37] : memref<10000x128xf32, #tpu.memory_space<vmem_shared>> -> memref<128x128xf32, #tpu.memory_space<vmem_shared>>
      %dma_start3A_39 = arith.constant 0 : i32
      %dma_start3A_40 = tpu.memref_slice %arg11[%add3A_13, %dma_start3A_39] : memref<10000x128xf32, #tpu.memory_space<vmem_shared>> -> memref<128x128xf32, #tpu.memory_space<vmem_shared>>
      %dma_start3A_41 = arith.constant 0 : i32
      %dma_start3A_42 = arith.constant 0 : i32
      %dma_start3A_43 = tpu.memref_slice %arg10[%dma_start3A_41, %dma_start3A_42] : memref<128x128xf32, #tpu.memory_space<vmem>> -> memref<128x128xf32, #tpu.memory_space<vmem>>
      tpu.enqueue_dma source(%dma_start3A_43 : memref<128x128xf32, #tpu.memory_space<vmem>>) target(%dma_start3A_40 : memref<128x128xf32, #tpu.memory_space<vmem_shared>>) target_semaphore(%run_scoped3A : memref<!tpu.dma_semaphore, #tpu.memory_space<semaphore_mem>>)
      %dma_wait3A = arith.constant 0 : i32
      %dma_wait3A_44 = arith.constant 0 : i32
      %dma_wait3A_45 = tpu.memref_slice %arg10[%dma_wait3A, %dma_wait3A_44] : memref<128x128xf32, #tpu.memory_space<vmem>> -> memref<128x128xf32, #tpu.memory_space<vmem>>
      %dma_wait3A_46 = arith.constant 0 : i32
      %dma_wait3A_47 = tpu.memref_slice %arg11[%add3A_13, %dma_wait3A_46] : memref<10000x128xf32, #tpu.memory_space<vmem_shared>> -> memref<128x128xf32, #tpu.memory_space<vmem_shared>>
      %dma_wait3A_48 = arith.constant 0 : i32
      %dma_wait3A_49 = tpu.memref_slice %arg11[%add3A_13, %dma_wait3A_48] : memref<10000x128xf32, #tpu.memory_space<vmem_shared>> -> memref<128x128xf32, #tpu.memory_space<vmem_shared>>
      %dma_wait3A_50 = arith.constant 0 : i32
      %dma_wait3A_51 = arith.constant 0 : i32
      %dma_wait3A_52 = tpu.memref_slice %arg10[%dma_wait3A_50, %dma_wait3A_51] : memref<128x128xf32, #tpu.memory_space<vmem>> -> memref<128x128xf32, #tpu.memory_space<vmem>>
      tpu.wait_dma2 semaphore(%run_scoped3A : memref<!tpu.dma_semaphore, #tpu.memory_space<semaphore_mem>>) src(%dma_wait3A_52 : memref<128x128xf32, #tpu.memory_space<vmem>>) dst(%dma_wait3A_49 : memref<128x128xf32, #tpu.memory_space<vmem_shared>>)
      tpu.yield
    }) : () -> ()
    %add3A_14 = arith.constant 256 : i32
    %add3A_15 = arith.addi %mul3A_9, %add3A_14 : i32
    "tpu.region"() ({
      %run_scoped3A = tpu.sem_alloc : memref<!tpu.dma_semaphore, #tpu.memory_space<semaphore_mem>>
      %dma_start3A = arith.constant 0 : i32
      %dma_start3A_35 = arith.constant 0 : i32
      %dma_start3A_36 = tpu.memref_slice %arg10[%dma_start3A, %dma_start3A_35] : memref<128x128xf32, #tpu.memory_space<vmem>> -> memref<128x128xf32, #tpu.memory_space<vmem>>
      %dma_start3A_37 = arith.constant 0 : i32
      %dma_start3A_38 = tpu.memref_slice %arg11[%add3A_15, %dma_start3A_37] : memref<10000x128xf32, #tpu.memory_space<vmem_shared>> -> memref<128x128xf32, #tpu.memory_space<vmem_shared>>
      %dma_start3A_39 = arith.constant 0 : i32
      %dma_start3A_40 = tpu.memref_slice %arg11[%add3A_15, %dma_start3A_39] : memref<10000x128xf32, #tpu.memory_space<vmem_shared>> -> memref<128x128xf32, #tpu.memory_space<vmem_shared>>
      %dma_start3A_41 = arith.constant 0 : i32
      %dma_start3A_42 = arith.constant 0 : i32
      %dma_start3A_43 = tpu.memref_slice %arg10[%dma_start3A_41, %dma_start3A_42] : memref<128x128xf32, #tpu.memory_space<vmem>> -> memref<128x128xf32, #tpu.memory_space<vmem>>
      tpu.enqueue_dma source(%dma_start3A_43 : memref<128x128xf32, #tpu.memory_space<vmem>>) target(%dma_start3A_40 : memref<128x128xf32, #tpu.memory_space<vmem_shared>>) target_semaphore(%run_scoped3A : memref<!tpu.dma_semaphore, #tpu.memory_space<semaphore_mem>>)
      %dma_wait3A = arith.constant 0 : i32
      %dma_wait3A_44 = arith.constant 0 : i32
      %dma_wait3A_45 = tpu.memref_slice %arg10[%dma_wait3A, %dma_wait3A_44] : memref<128x128xf32, #tpu.memory_space<vmem>> -> memref<128x128xf32, #tpu.memory_space<vmem>>
      %dma_wait3A_46 = arith.constant 0 : i32
      %dma_wait3A_47 = tpu.memref_slice %arg11[%add3A_15, %dma_wait3A_46] : memref<10000x128xf32, #tpu.memory_space<vmem_shared>> -> memref<128x128xf32, #tpu.memory_space<vmem_shared>>
      %dma_wait3A_48 = arith.constant 0 : i32
      %dma_wait3A_49 = tpu.memref_slice %arg11[%add3A_15, %dma_wait3A_48] : memref<10000x128xf32, #tpu.memory_space<vmem_shared>> -> memref<128x128xf32, #tpu.memory_space<vmem_shared>>
      %dma_wait3A_50 = arith.constant 0 : i32
      %dma_wait3A_51 = arith.constant 0 : i32
      %dma_wait3A_52 = tpu.memref_slice %arg10[%dma_wait3A_50, %dma_wait3A_51] : memref<128x128xf32, #tpu.memory_space<vmem>> -> memref<128x128xf32, #tpu.memory_space<vmem>>
      tpu.wait_dma2 semaphore(%run_scoped3A : memref<!tpu.dma_semaphore, #tpu.memory_space<semaphore_mem>>) src(%dma_wait3A_52 : memref<128x128xf32, #tpu.memory_space<vmem>>) dst(%dma_wait3A_49 : memref<128x128xf32, #tpu.memory_space<vmem_shared>>)
      tpu.yield
    }) : () -> ()
    %add3A_16 = arith.constant 384 : i32
    %add3A_17 = arith.addi %mul3A_9, %add3A_16 : i32
    "tpu.region"() ({
      %run_scoped3A = tpu.sem_alloc : memref<!tpu.dma_semaphore, #tpu.memory_space<semaphore_mem>>
      %dma_start3A = arith.constant 0 : i32
      %dma_start3A_35 = arith.constant 0 : i32
      %dma_start3A_36 = tpu.memref_slice %arg10[%dma_start3A, %dma_start3A_35] : memref<128x128xf32, #tpu.memory_space<vmem>> -> memref<128x128xf32, #tpu.memory_space<vmem>>
      %dma_start3A_37 = arith.constant 0 : i32
      %dma_start3A_38 = tpu.memref_slice %arg11[%add3A_17, %dma_start3A_37] : memref<10000x128xf32, #tpu.memory_space<vmem_shared>> -> memref<128x128xf32, #tpu.memory_space<vmem_shared>>
      %dma_start3A_39 = arith.constant 0 : i32
      %dma_start3A_40 = tpu.memref_slice %arg11[%add3A_17, %dma_start3A_39] : memref<10000x128xf32, #tpu.memory_space<vmem_shared>> -> memref<128x128xf32, #tpu.memory_space<vmem_shared>>
      %dma_start3A_41 = arith.constant 0 : i32
      %dma_start3A_42 = arith.constant 0 : i32
      %dma_start3A_43 = tpu.memref_slice %arg10[%dma_start3A_41, %dma_start3A_42] : memref<128x128xf32, #tpu.memory_space<vmem>> -> memref<128x128xf32, #tpu.memory_space<vmem>>
      tpu.enqueue_dma source(%dma_start3A_43 : memref<128x128xf32, #tpu.memory_space<vmem>>) target(%dma_start3A_40 : memref<128x128xf32, #tpu.memory_space<vmem_shared>>) target_semaphore(%run_scoped3A : memref<!tpu.dma_semaphore, #tpu.memory_space<semaphore_mem>>)
      %dma_wait3A = arith.constant 0 : i32
      %dma_wait3A_44 = arith.constant 0 : i32
      %dma_wait3A_45 = tpu.memref_slice %arg10[%dma_wait3A, %dma_wait3A_44] : memref<128x128xf32, #tpu.memory_space<vmem>> -> memref<128x128xf32, #tpu.memory_space<vmem>>
      %dma_wait3A_46 = arith.constant 0 : i32
      %dma_wait3A_47 = tpu.memref_slice %arg11[%add3A_17, %dma_wait3A_46] : memref<10000x128xf32, #tpu.memory_space<vmem_shared>> -> memref<128x128xf32, #tpu.memory_space<vmem_shared>>
      %dma_wait3A_48 = arith.constant 0 : i32
      %dma_wait3A_49 = tpu.memref_slice %arg11[%add3A_17, %dma_wait3A_48] : memref<10000x128xf32, #tpu.memory_space<vmem_shared>> -> memref<128x128xf32, #tpu.memory_space<vmem_shared>>
      %dma_wait3A_50 = arith.constant 0 : i32
      %dma_wait3A_51 = arith.constant 0 : i32
      %dma_wait3A_52 = tpu.memref_slice %arg10[%dma_wait3A_50, %dma_wait3A_51] : memref<128x128xf32, #tpu.memory_space<vmem>> -> memref<128x128xf32, #tpu.memory_space<vmem>>
      tpu.wait_dma2 semaphore(%run_scoped3A : memref<!tpu.dma_semaphore, #tpu.memory_space<semaphore_mem>>) src(%dma_wait3A_52 : memref<128x128xf32, #tpu.memory_space<vmem>>) dst(%dma_wait3A_49 : memref<128x128xf32, #tpu.memory_space<vmem_shared>>)
      tpu.yield
    }) : () -> ()
    %add3A_18 = arith.constant 512 : i32
    %add3A_19 = arith.addi %mul3A_9, %add3A_18 : i32
    "tpu.region"() ({
      %run_scoped3A = tpu.sem_alloc : memref<!tpu.dma_semaphore, #tpu.memory_space<semaphore_mem>>
      %dma_start3A = arith.constant 0 : i32
      %dma_start3A_35 = arith.constant 0 : i32
      %dma_start3A_36 = tpu.memref_slice %arg10[%dma_start3A, %dma_start3A_35] : memref<128x128xf32, #tpu.memory_space<vmem>> -> memref<112x128xf32, #tpu.memory_space<vmem>>
      %dma_start3A_37 = arith.constant 0 : i32
      %dma_start3A_38 = tpu.memref_slice %arg11[%add3A_19, %dma_start3A_37] : memref<10000x128xf32, #tpu.memory_space<vmem_shared>> -> memref<112x128xf32, #tpu.memory_space<vmem_shared>>
      %dma_start3A_39 = arith.constant 0 : i32
      %dma_start3A_40 = tpu.memref_slice %arg11[%add3A_19, %dma_start3A_39] : memref<10000x128xf32, #tpu.memory_space<vmem_shared>> -> memref<112x128xf32, #tpu.memory_space<vmem_shared>>
      %dma_start3A_41 = arith.constant 0 : i32
      %dma_start3A_42 = arith.constant 0 : i32
      %dma_start3A_43 = tpu.memref_slice %arg10[%dma_start3A_41, %dma_start3A_42] : memref<128x128xf32, #tpu.memory_space<vmem>> -> memref<112x128xf32, #tpu.memory_space<vmem>>
      tpu.enqueue_dma source(%dma_start3A_43 : memref<112x128xf32, #tpu.memory_space<vmem>>) target(%dma_start3A_40 : memref<112x128xf32, #tpu.memory_space<vmem_shared>>) target_semaphore(%run_scoped3A : memref<!tpu.dma_semaphore, #tpu.memory_space<semaphore_mem>>)
      %dma_wait3A = arith.constant 0 : i32
      %dma_wait3A_44 = arith.constant 0 : i32
      %dma_wait3A_45 = tpu.memref_slice %arg10[%dma_wait3A, %dma_wait3A_44] : memref<128x128xf32, #tpu.memory_space<vmem>> -> memref<112x128xf32, #tpu.memory_space<vmem>>
      %dma_wait3A_46 = arith.constant 0 : i32
      %dma_wait3A_47 = tpu.memref_slice %arg11[%add3A_19, %dma_wait3A_46] : memref<10000x128xf32, #tpu.memory_space<vmem_shared>> -> memref<112x128xf32, #tpu.memory_space<vmem_shared>>
      %dma_wait3A_48 = arith.constant 0 : i32
      %dma_wait3A_49 = tpu.memref_slice %arg11[%add3A_19, %dma_wait3A_48] : memref<10000x128xf32, #tpu.memory_space<vmem_shared>> -> memref<112x128xf32, #tpu.memory_space<vmem_shared>>
      %dma_wait3A_50 = arith.constant 0 : i32
      %dma_wait3A_51 = arith.constant 0 : i32
      %dma_wait3A_52 = tpu.memref_slice %arg10[%dma_wait3A_50, %dma_wait3A_51] : memref<128x128xf32, #tpu.memory_space<vmem>> -> memref<112x128xf32, #tpu.memory_space<vmem>>
      tpu.wait_dma2 semaphore(%run_scoped3A : memref<!tpu.dma_semaphore, #tpu.memory_space<semaphore_mem>>) src(%dma_wait3A_52 : memref<112x128xf32, #tpu.memory_space<vmem>>) dst(%dma_wait3A_49 : memref<112x128xf32, #tpu.memory_space<vmem_shared>>)
      tpu.yield
    }) : () -> ()
    %eq3A = arith.constant 15 : i32
    %eq3A_20 = arith.cmpi eq, %arg1, %eq3A : i32
    %convert_element_type3A = arith.extui %eq3A_20 : i1 to i32
    %cond3A = arith.constant 0 : i32
    %cond3A_21 = arith.cmpi ne, %convert_element_type3A, %cond3A : i32
    scf.if %cond3A_21 {
      "tpu.region"() ({
        %run_scoped3A = tpu.sem_alloc : memref<!tpu.dma_semaphore, #tpu.memory_space<semaphore_mem>>
        %dma_start3A = arith.constant 0 : i32
        %dma_start3A_35 = arith.constant 0 : i32
        %dma_start3A_36 = tpu.memref_slice %arg10[%dma_start3A, %dma_start3A_35] : memref<128x128xf32, #tpu.memory_space<vmem>> -> memref<16x128xf32, #tpu.memory_space<vmem>>
        %dma_start3A_37 = arith.constant 9984 : i32
        %dma_start3A_38 = arith.constant 0 : i32
        %dma_start3A_39 = tpu.memref_slice %arg11[%dma_start3A_37, %dma_start3A_38] : memref<10000x128xf32, #tpu.memory_space<vmem_shared>> -> memref<16x128xf32, #tpu.memory_space<vmem_shared>>
        %dma_start3A_40 = arith.constant 9984 : i32
        %dma_start3A_41 = arith.constant 0 : i32
        %dma_start3A_42 = tpu.memref_slice %arg11[%dma_start3A_40, %dma_start3A_41] : memref<10000x128xf32, #tpu.memory_space<vmem_shared>> -> memref<16x128xf32, #tpu.memory_space<vmem_shared>>
        %dma_start3A_43 = arith.constant 0 : i32
        %dma_start3A_44 = arith.constant 0 : i32
        %dma_start3A_45 = tpu.memref_slice %arg10[%dma_start3A_43, %dma_start3A_44] : memref<128x128xf32, #tpu.memory_space<vmem>> -> memref<16x128xf32, #tpu.memory_space<vmem>>
        tpu.enqueue_dma source(%dma_start3A_45 : memref<16x128xf32, #tpu.memory_space<vmem>>) target(%dma_start3A_42 : memref<16x128xf32, #tpu.memory_space<vmem_shared>>) target_semaphore(%run_scoped3A : memref<!tpu.dma_semaphore, #tpu.memory_space<semaphore_mem>>)
        %dma_wait3A = arith.constant 0 : i32
        %dma_wait3A_46 = arith.constant 0 : i32
        %dma_wait3A_47 = tpu.memref_slice %arg10[%dma_wait3A, %dma_wait3A_46] : memref<128x128xf32, #tpu.memory_space<vmem>> -> memref<16x128xf32, #tpu.memory_space<vmem>>
        %dma_wait3A_48 = arith.constant 9984 : i32
        %dma_wait3A_49 = arith.constant 0 : i32
        %dma_wait3A_50 = tpu.memref_slice %arg11[%dma_wait3A_48, %dma_wait3A_49] : memref<10000x128xf32, #tpu.memory_space<vmem_shared>> -> memref<16x128xf32, #tpu.memory_space<vmem_shared>>
        %dma_wait3A_51 = arith.constant 9984 : i32
        %dma_wait3A_52 = arith.constant 0 : i32
        %dma_wait3A_53 = tpu.memref_slice %arg11[%dma_wait3A_51, %dma_wait3A_52] : memref<10000x128xf32, #tpu.memory_space<vmem_shared>> -> memref<16x128xf32, #tpu.memory_space<vmem_shared>>
        %dma_wait3A_54 = arith.constant 0 : i32
        %dma_wait3A_55 = arith.constant 0 : i32
        %dma_wait3A_56 = tpu.memref_slice %arg10[%dma_wait3A_54, %dma_wait3A_55] : memref<128x128xf32, #tpu.memory_space<vmem>> -> memref<16x128xf32, #tpu.memory_space<vmem>>
        tpu.wait_dma2 semaphore(%run_scoped3A : memref<!tpu.dma_semaphore, #tpu.memory_space<semaphore_mem>>) src(%dma_wait3A_56 : memref<16x128xf32, #tpu.memory_space<vmem>>) dst(%dma_wait3A_53 : memref<16x128xf32, #tpu.memory_space<vmem_shared>>)
        tpu.yield
      }) : () -> ()
    } else {
    }
    %barrier3A = arith.constant 0 : index
    tpu.barrier barrier_id(%barrier3A)
    "tpu.region"() ({
      %run_scoped3A = tpu.sem_alloc : memref<!tpu.dma_semaphore, #tpu.memory_space<semaphore_mem>>
      %dma_start3A = arith.constant 0 : i32
      %dma_start3A_35 = arith.constant 0 : i32
      %dma_start3A_36 = tpu.memref_slice %arg3[%add3A, %dma_start3A, %dma_start3A_35] : memref<32x79x128xi32, #tpu.memory_space<hbm>> -> memref<1x79x128xi32, #tpu.memory_space<hbm>>
      %dma_start3A_37 = tpu.memref_squeeze %dma_start3A_36 : memref<1x79x128xi32, #tpu.memory_space<hbm>> -> memref<79x128xi32, #tpu.memory_space<hbm>>
      %dma_start3A_38 = arith.constant 0 : i32
      %dma_start3A_39 = arith.constant 0 : i32
      %dma_start3A_40 = tpu.memref_slice %arg3[%add3A, %dma_start3A_38, %dma_start3A_39] : memref<32x79x128xi32, #tpu.memory_space<hbm>> -> memref<1x79x128xi32, #tpu.memory_space<hbm>>
      %dma_start3A_41 = tpu.memref_squeeze %dma_start3A_40 : memref<1x79x128xi32, #tpu.memory_space<hbm>> -> memref<79x128xi32, #tpu.memory_space<hbm>>
      tpu.enqueue_dma source(%dma_start3A_41 : memref<79x128xi32, #tpu.memory_space<hbm>>) target(%arg7 : memref<79x128xi32, #tpu.memory_space<vmem>>) target_semaphore(%run_scoped3A : memref<!tpu.dma_semaphore, #tpu.memory_space<semaphore_mem>>)
      %dma_wait3A = arith.constant 0 : i32
      %dma_wait3A_42 = arith.constant 0 : i32
      %dma_wait3A_43 = tpu.memref_slice %arg3[%add3A, %dma_wait3A, %dma_wait3A_42] : memref<32x79x128xi32, #tpu.memory_space<hbm>> -> memref<1x79x128xi32, #tpu.memory_space<hbm>>
      %dma_wait3A_44 = tpu.memref_squeeze %dma_wait3A_43 : memref<1x79x128xi32, #tpu.memory_space<hbm>> -> memref<79x128xi32, #tpu.memory_space<hbm>>
      %dma_wait3A_45 = arith.constant 0 : i32
      %dma_wait3A_46 = arith.constant 0 : i32
      %dma_wait3A_47 = tpu.memref_slice %arg3[%add3A, %dma_wait3A_45, %dma_wait3A_46] : memref<32x79x128xi32, #tpu.memory_space<hbm>> -> memref<1x79x128xi32, #tpu.memory_space<hbm>>
      %dma_wait3A_48 = tpu.memref_squeeze %dma_wait3A_47 : memref<1x79x128xi32, #tpu.memory_space<hbm>> -> memref<79x128xi32, #tpu.memory_space<hbm>>
      tpu.wait_dma2 semaphore(%run_scoped3A : memref<!tpu.dma_semaphore, #tpu.memory_space<semaphore_mem>>) src(%dma_wait3A_48 : memref<79x128xi32, #tpu.memory_space<hbm>>) dst(%arg7 : memref<79x128xi32, #tpu.memory_space<vmem>>)
      tpu.yield
    }) : () -> ()
    "tpu.region"() ({
      %run_scoped3A = tpu.sem_alloc : memref<!tpu.dma_semaphore, #tpu.memory_space<semaphore_mem>>
      %dma_start3A = arith.constant 0 : i32
      %dma_start3A_35 = arith.constant 0 : i32
      %dma_start3A_36 = tpu.memref_slice %arg4[%add3A, %dma_start3A, %dma_start3A_35] : memref<32x79x128xi32, #tpu.memory_space<hbm>> -> memref<1x79x128xi32, #tpu.memory_space<hbm>>
      %dma_start3A_37 = tpu.memref_squeeze %dma_start3A_36 : memref<1x79x128xi32, #tpu.memory_space<hbm>> -> memref<79x128xi32, #tpu.memory_space<hbm>>
      %dma_start3A_38 = arith.constant 0 : i32
      %dma_start3A_39 = arith.constant 0 : i32
      %dma_start3A_40 = tpu.memref_slice %arg4[%add3A, %dma_start3A_38, %dma_start3A_39] : memref<32x79x128xi32, #tpu.memory_space<hbm>> -> memref<1x79x128xi32, #tpu.memory_space<hbm>>
      %dma_start3A_41 = tpu.memref_squeeze %dma_start3A_40 : memref<1x79x128xi32, #tpu.memory_space<hbm>> -> memref<79x128xi32, #tpu.memory_space<hbm>>
      tpu.enqueue_dma source(%dma_start3A_41 : memref<79x128xi32, #tpu.memory_space<hbm>>) target(%arg8 : memref<79x128xi32, #tpu.memory_space<vmem>>) target_semaphore(%run_scoped3A : memref<!tpu.dma_semaphore, #tpu.memory_space<semaphore_mem>>)
      %dma_wait3A = arith.constant 0 : i32
      %dma_wait3A_42 = arith.constant 0 : i32
      %dma_wait3A_43 = tpu.memref_slice %arg4[%add3A, %dma_wait3A, %dma_wait3A_42] : memref<32x79x128xi32, #tpu.memory_space<hbm>> -> memref<1x79x128xi32, #tpu.memory_space<hbm>>
      %dma_wait3A_44 = tpu.memref_squeeze %dma_wait3A_43 : memref<1x79x128xi32, #tpu.memory_space<hbm>> -> memref<79x128xi32, #tpu.memory_space<hbm>>
      %dma_wait3A_45 = arith.constant 0 : i32
      %dma_wait3A_46 = arith.constant 0 : i32
      %dma_wait3A_47 = tpu.memref_slice %arg4[%add3A, %dma_wait3A_45, %dma_wait3A_46] : memref<32x79x128xi32, #tpu.memory_space<hbm>> -> memref<1x79x128xi32, #tpu.memory_space<hbm>>
      %dma_wait3A_48 = tpu.memref_squeeze %dma_wait3A_47 : memref<1x79x128xi32, #tpu.memory_space<hbm>> -> memref<79x128xi32, #tpu.memory_space<hbm>>
      tpu.wait_dma2 semaphore(%run_scoped3A : memref<!tpu.dma_semaphore, #tpu.memory_space<semaphore_mem>>) src(%dma_wait3A_48 : memref<79x128xi32, #tpu.memory_space<hbm>>) dst(%arg8 : memref<79x128xi32, #tpu.memory_space<vmem>>)
      tpu.yield
    }) : () -> ()
    "tpu.region"() ({
      %run_scoped3A = tpu.sem_alloc : memref<!tpu.dma_semaphore, #tpu.memory_space<semaphore_mem>>
      %dma_start3A = arith.constant 0 : i32
      %dma_start3A_35 = arith.constant 0 : i32
      %dma_start3A_36 = tpu.memref_slice %arg5[%add3A, %dma_start3A, %dma_start3A_35] : memref<32x79x128xf32, #tpu.memory_space<hbm>> -> memref<1x79x128xf32, #tpu.memory_space<hbm>>
      %dma_start3A_37 = tpu.memref_squeeze %dma_start3A_36 : memref<1x79x128xf32, #tpu.memory_space<hbm>> -> memref<79x128xf32, #tpu.memory_space<hbm>>
      %dma_start3A_38 = arith.constant 0 : i32
      %dma_start3A_39 = arith.constant 0 : i32
      %dma_start3A_40 = tpu.memref_slice %arg5[%add3A, %dma_start3A_38, %dma_start3A_39] : memref<32x79x128xf32, #tpu.memory_space<hbm>> -> memref<1x79x128xf32, #tpu.memory_space<hbm>>
      %dma_start3A_41 = tpu.memref_squeeze %dma_start3A_40 : memref<1x79x128xf32, #tpu.memory_space<hbm>> -> memref<79x128xf32, #tpu.memory_space<hbm>>
      tpu.enqueue_dma source(%dma_start3A_41 : memref<79x128xf32, #tpu.memory_space<hbm>>) target(%arg9 : memref<79x128xf32, #tpu.memory_space<vmem>>) target_semaphore(%run_scoped3A : memref<!tpu.dma_semaphore, #tpu.memory_space<semaphore_mem>>)
      %dma_wait3A = arith.constant 0 : i32
      %dma_wait3A_42 = arith.constant 0 : i32
      %dma_wait3A_43 = tpu.memref_slice %arg5[%add3A, %dma_wait3A, %dma_wait3A_42] : memref<32x79x128xf32, #tpu.memory_space<hbm>> -> memref<1x79x128xf32, #tpu.memory_space<hbm>>
      %dma_wait3A_44 = tpu.memref_squeeze %dma_wait3A_43 : memref<1x79x128xf32, #tpu.memory_space<hbm>> -> memref<79x128xf32, #tpu.memory_space<hbm>>
      %dma_wait3A_45 = arith.constant 0 : i32
      %dma_wait3A_46 = arith.constant 0 : i32
      %dma_wait3A_47 = tpu.memref_slice %arg5[%add3A, %dma_wait3A_45, %dma_wait3A_46] : memref<32x79x128xf32, #tpu.memory_space<hbm>> -> memref<1x79x128xf32, #tpu.memory_space<hbm>>
      %dma_wait3A_48 = tpu.memref_squeeze %dma_wait3A_47 : memref<1x79x128xf32, #tpu.memory_space<hbm>> -> memref<79x128xf32, #tpu.memory_space<hbm>>
      tpu.wait_dma2 semaphore(%run_scoped3A : memref<!tpu.dma_semaphore, #tpu.memory_space<semaphore_mem>>) src(%dma_wait3A_48 : memref<79x128xf32, #tpu.memory_space<hbm>>) dst(%arg9 : memref<79x128xf32, #tpu.memory_space<vmem>>)
      tpu.yield
    }) : () -> ()
    %scan3A_22 = arith.constant 0 : i32
    %scan3A_23 = arith.constant 0 : i32
    %scan3A_24 = arith.constant 79 : i32
    %scan3A_25 = arith.addi %scan3A_23, %scan3A_24 : i32
    %scan3A_26 = arith.constant 1 : i32
    %scan3A_27 = scf.for %scan3A_35 = %scan3A_23 to %scan3A_25 step %scan3A_26 iter_args(%scan3A_36 = %scan3A_22) -> (i32)  : i32 {
      %dma_start3A = arith.constant 0 : i32
      %dma_start3A_37 = tpu.memref_slice %arg7[%scan3A_35, %dma_start3A] : memref<79x128xi32, #tpu.memory_space<vmem>> -> memref<1x128xi32, #tpu.memory_space<vmem>>
      %dma_start3A_38 = tpu.memref_squeeze %dma_start3A_37 : memref<1x128xi32, #tpu.memory_space<vmem>> -> memref<128xi32, #tpu.memory_space<vmem>>
      %dma_start3A_39 = arith.constant 0 : i32
      %dma_start3A_40 = arith.constant 0 : i32
      %dma_start3A_41 = tpu.memref_slice %arg2[%dma_start3A_39, %dma_start3A_40] : memref<10000x128xf32, #tpu.memory_space<hbm>> -> memref<10000x128xf32, #tpu.memory_space<hbm>>
      tpu.enqueue_indirect_dma source(%dma_start3A_41 : memref<10000x128xf32, #tpu.memory_space<hbm>>) target(%arg10 : memref<128x128xf32, #tpu.memory_space<vmem>>) offsets(%dma_start3A_38 : memref<128xi32, #tpu.memory_space<vmem>>) semaphore(%arg12 : memref<!tpu.dma_semaphore, #tpu.memory_space<semaphore_mem>>)
      %dma_wait3A = arith.constant 0 : i32
      %dma_wait3A_42 = tpu.memref_slice %arg7[%scan3A_35, %dma_wait3A] : memref<79x128xi32, #tpu.memory_space<vmem>> -> memref<1x128xi32, #tpu.memory_space<vmem>>
      %dma_wait3A_43 = tpu.memref_squeeze %dma_wait3A_42 : memref<1x128xi32, #tpu.memory_space<vmem>> -> memref<128xi32, #tpu.memory_space<vmem>>
      %dma_wait3A_44 = arith.constant 0 : i32
      %dma_wait3A_45 = arith.constant 0 : i32
      %dma_wait3A_46 = tpu.memref_slice %arg2[%dma_wait3A_44, %dma_wait3A_45] : memref<10000x128xf32, #tpu.memory_space<hbm>> -> memref<10000x128xf32, #tpu.memory_space<hbm>>
      tpu.wait_indirect_dma semaphore(%arg12 : memref<!tpu.dma_semaphore, #tpu.memory_space<semaphore_mem>>) src(%dma_wait3A_46 : memref<10000x128xf32, #tpu.memory_space<hbm>>) dst(%arg10 : memref<128x128xf32, #tpu.memory_space<vmem>>)
      %scan3A_47 = arith.constant 0 : i32
      %scan3A_48 = arith.constant 0 : i32
      %scan3A_49 = arith.constant 8 : i32
      %scan3A_50 = arith.addi %scan3A_48, %scan3A_49 : i32
      %scan3A_51 = arith.constant 1 : i32
      %scan3A_52 = scf.for %scan3A_55 = %scan3A_48 to %scan3A_50 step %scan3A_51 iter_args(%scan3A_56 = %scan3A_47) -> (i32)  : i32 {
        %mul3A_57 = arith.constant 16 : i32
        %mul3A_58 = arith.muli %scan3A_55, %mul3A_57 : i32
        %get3A = arith.index_cast %scan3A_35 : i32 to index
        %get3A_59 = arith.index_cast %mul3A_58 : i32 to index
        %get3A_60 = tpu.vector_load %arg9[%get3A, %get3A_59] {strides = array<i32>} : memref<79x128xf32, #tpu.memory_space<vmem>>, vector<1x16xf32>,
        %get3A_61 = vector.shape_cast %get3A_60 : vector<1x16xf32> to vector<16xf32>
        %mul3A_62 = arith.constant 16 : i32
        %mul3A_63 = arith.muli %scan3A_55, %mul3A_62 : i32
        %slice3A = vector.extract_strided_slice %get3A_61 {offsets = [0], sizes = [1], strides = [1]} : vector<16xf32> to vector<1xf32>
        %squeeze3A = vector.extract %slice3A[0] : f32 from vector<1xf32>
        %broadcast_in_dim3A_64 = vector.broadcast %squeeze3A : f32 to vector<16xf32>
        %add3A_65 = arith.constant 0 : i32
        %add3A_66 = arith.addi %mul3A_63, %add3A_65 : i32
        %get3A_67 = arith.index_cast %add3A_66 : i32 to index
        %get3A_68 = arith.constant 0 : index
        %get3A_69 = tpu.vector_load %arg10[%get3A_67, %get3A_68] {strides = array<i32>} : memref<128x128xf32, #tpu.memory_space<vmem>>, vector<1x16xf32>,
        %get3A_70 = vector.shape_cast %get3A_69 : vector<1x16xf32> to vector<16xf32>
        %mul3A_71 = arith.mulf %get3A_70, %broadcast_in_dim3A_64 : vector<16xf32>
        %add3A_72 = arith.constant 0 : i32
        %add3A_73 = arith.addi %mul3A_63, %add3A_72 : i32
        %swap3A = arith.index_cast %add3A_73 : i32 to index
        %swap3A_74 = arith.constant 0 : index
        %swap3A_75 = tpu.vector_load %arg10[%swap3A, %swap3A_74] {strides = array<i32>} : memref<128x128xf32, #tpu.memory_space<vmem>>, vector<1x16xf32>,
        %swap3A_76 = vector.shape_cast %swap3A_75 : vector<1x16xf32> to vector<16xf32>
        %swap3A_77 = vector.shape_cast %mul3A_71 : vector<16xf32> to vector<1x16xf32>
        tpu.vector_store %arg10[%swap3A, %swap3A_74], %swap3A_77 {strides = array<i32>} : memref<128x128xf32, #tpu.memory_space<vmem>>, vector<1x16xf32>,
        %add3A_78 = arith.constant 0 : i32
        %add3A_79 = arith.addi %mul3A_63, %add3A_78 : i32
        %get3A_80 = arith.index_cast %add3A_79 : i32 to index
        %get3A_81 = arith.constant 16 : index
        %get3A_82 = tpu.vector_load %arg10[%get3A_80, %get3A_81] {strides = array<i32>} : memref<128x128xf32, #tpu.memory_space<vmem>>, vector<1x16xf32>,
        %get3A_83 = vector.shape_cast %get3A_82 : vector<1x16xf32> to vector<16xf32>
        %mul3A_84 = arith.mulf %get3A_83, %broadcast_in_dim3A_64 : vector<16xf32>
        %add3A_85 = arith.constant 0 : i32
        %add3A_86 = arith.addi %mul3A_63, %add3A_85 : i32
        %swap3A_87 = arith.index_cast %add3A_86 : i32 to index
        %swap3A_88 = arith.constant 16 : index
        %swap3A_89 = tpu.vector_load %arg10[%swap3A_87, %swap3A_88] {strides = array<i32>} : memref<128x128xf32, #tpu.memory_space<vmem>>, vector<1x16xf32>,
        %swap3A_90 = vector.shape_cast %swap3A_89 : vector<1x16xf32> to vector<16xf32>
        %swap3A_91 = vector.shape_cast %mul3A_84 : vector<16xf32> to vector<1x16xf32>
        tpu.vector_store %arg10[%swap3A_87, %swap3A_88], %swap3A_91 {strides = array<i32>} : memref<128x128xf32, #tpu.memory_space<vmem>>, vector<1x16xf32>,
        %add3A_92 = arith.constant 0 : i32
        %add3A_93 = arith.addi %mul3A_63, %add3A_92 : i32
        %get3A_94 = arith.index_cast %add3A_93 : i32 to index
        %get3A_95 = arith.constant 32 : index
        %get3A_96 = tpu.vector_load %arg10[%get3A_94, %get3A_95] {strides = array<i32>} : memref<128x128xf32, #tpu.memory_space<vmem>>, vector<1x16xf32>,
        %get3A_97 = vector.shape_cast %get3A_96 : vector<1x16xf32> to vector<16xf32>
        %mul3A_98 = arith.mulf %get3A_97, %broadcast_in_dim3A_64 : vector<16xf32>
        %add3A_99 = arith.constant 0 : i32
        %add3A_100 = arith.addi %mul3A_63, %add3A_99 : i32
        %swap3A_101 = arith.index_cast %add3A_100 : i32 to index
        %swap3A_102 = arith.constant 32 : index
        %swap3A_103 = tpu.vector_load %arg10[%swap3A_101, %swap3A_102] {strides = array<i32>} : memref<128x128xf32, #tpu.memory_space<vmem>>, vector<1x16xf32>,
        %swap3A_104 = vector.shape_cast %swap3A_103 : vector<1x16xf32> to vector<16xf32>
        %swap3A_105 = vector.shape_cast %mul3A_98 : vector<16xf32> to vector<1x16xf32>
        tpu.vector_store %arg10[%swap3A_101, %swap3A_102], %swap3A_105 {strides = array<i32>} : memref<128x128xf32, #tpu.memory_space<vmem>>, vector<1x16xf32>,
        %add3A_106 = arith.constant 0 : i32
        %add3A_107 = arith.addi %mul3A_63, %add3A_106 : i32
        %get3A_108 = arith.index_cast %add3A_107 : i32 to index
        %get3A_109 = arith.constant 48 : index
        %get3A_110 = tpu.vector_load %arg10[%get3A_108, %get3A_109] {strides = array<i32>} : memref<128x128xf32, #tpu.memory_space<vmem>>, vector<1x16xf32>,
        %get3A_111 = vector.shape_cast %get3A_110 : vector<1x16xf32> to vector<16xf32>
        %mul3A_112 = arith.mulf %get3A_111, %broadcast_in_dim3A_64 : vector<16xf32>
        %add3A_113 = arith.constant 0 : i32
        %add3A_114 = arith.addi %mul3A_63, %add3A_113 : i32
        %swap3A_115 = arith.index_cast %add3A_114 : i32 to index
        %swap3A_116 = arith.constant 48 : index
        %swap3A_117 = tpu.vector_load %arg10[%swap3A_115, %swap3A_116] {strides = array<i32>} : memref<128x128xf32, #tpu.memory_space<vmem>>, vector<1x16xf32>,
        %swap3A_118 = vector.shape_cast %swap3A_117 : vector<1x16xf32> to vector<16xf32>
        %swap3A_119 = vector.shape_cast %mul3A_112 : vector<16xf32> to vector<1x16xf32>
        tpu.vector_store %arg10[%swap3A_115, %swap3A_116], %swap3A_119 {strides = array<i32>} : memref<128x128xf32, #tpu.memory_space<vmem>>, vector<1x16xf32>,
        %add3A_120 = arith.constant 0 : i32
        %add3A_121 = arith.addi %mul3A_63, %add3A_120 : i32
        %get3A_122 = arith.index_cast %add3A_121 : i32 to index
        %get3A_123 = arith.constant 64 : index
        %get3A_124 = tpu.vector_load %arg10[%get3A_122, %get3A_123] {strides = array<i32>} : memref<128x128xf32, #tpu.memory_space<vmem>>, vector<1x16xf32>,
        %get3A_125 = vector.shape_cast %get3A_124 : vector<1x16xf32> to vector<16xf32>
        %mul3A_126 = arith.mulf %get3A_125, %broadcast_in_dim3A_64 : vector<16xf32>
        %add3A_127 = arith.constant 0 : i32
        %add3A_128 = arith.addi %mul3A_63, %add3A_127 : i32
        %swap3A_129 = arith.index_cast %add3A_128 : i32 to index
        %swap3A_130 = arith.constant 64 : index
        %swap3A_131 = tpu.vector_load %arg10[%swap3A_129, %swap3A_130] {strides = array<i32>} : memref<128x128xf32, #tpu.memory_space<vmem>>, vector<1x16xf32>,
        %swap3A_132 = vector.shape_cast %swap3A_131 : vector<1x16xf32> to vector<16xf32>
        %swap3A_133 = vector.shape_cast %mul3A_126 : vector<16xf32> to vector<1x16xf32>
        tpu.vector_store %arg10[%swap3A_129, %swap3A_130], %swap3A_133 {strides = array<i32>} : memref<128x128xf32, #tpu.memory_space<vmem>>, vector<1x16xf32>,
        %add3A_134 = arith.constant 0 : i32
        %add3A_135 = arith.addi %mul3A_63, %add3A_134 : i32
        %get3A_136 = arith.index_cast %add3A_135 : i32 to index
        %get3A_137 = arith.constant 80 : index
        %get3A_138 = tpu.vector_load %arg10[%get3A_136, %get3A_137] {strides = array<i32>} : memref<128x128xf32, #tpu.memory_space<vmem>>, vector<1x16xf32>,
        %get3A_139 = vector.shape_cast %get3A_138 : vector<1x16xf32> to vector<16xf32>
        %mul3A_140 = arith.mulf %get3A_139, %broadcast_in_dim3A_64 : vector<16xf32>
        %add3A_141 = arith.constant 0 : i32
        %add3A_142 = arith.addi %mul3A_63, %add3A_141 : i32
        %swap3A_143 = arith.index_cast %add3A_142 : i32 to index
        %swap3A_144 = arith.constant 80 : index
        %swap3A_145 = tpu.vector_load %arg10[%swap3A_143, %swap3A_144] {strides = array<i32>} : memref<128x128xf32, #tpu.memory_space<vmem>>, vector<1x16xf32>,
        %swap3A_146 = vector.shape_cast %swap3A_145 : vector<1x16xf32> to vector<16xf32>
        %swap3A_147 = vector.shape_cast %mul3A_140 : vector<16xf32> to vector<1x16xf32>
        tpu.vector_store %arg10[%swap3A_143, %swap3A_144], %swap3A_147 {strides = array<i32>} : memref<128x128xf32, #tpu.memory_space<vmem>>, vector<1x16xf32>,
        %add3A_148 = arith.constant 0 : i32
        %add3A_149 = arith.addi %mul3A_63, %add3A_148 : i32
        %get3A_150 = arith.index_cast %add3A_149 : i32 to index
        %get3A_151 = arith.constant 96 : index
        %get3A_152 = tpu.vector_load %arg10[%get3A_150, %get3A_151] {strides = array<i32>} : memref<128x128xf32, #tpu.memory_space<vmem>>, vector<1x16xf32>,
        %get3A_153 = vector.shape_cast %get3A_152 : vector<1x16xf32> to vector<16xf32>
        %mul3A_154 = arith.mulf %get3A_153, %broadcast_in_dim3A_64 : vector<16xf32>
        %add3A_155 = arith.constant 0 : i32
        %add3A_156 = arith.addi %mul3A_63, %add3A_155 : i32
        %swap3A_157 = arith.index_cast %add3A_156 : i32 to index
        %swap3A_158 = arith.constant 96 : index
        %swap3A_159 = tpu.vector_load %arg10[%swap3A_157, %swap3A_158] {strides = array<i32>} : memref<128x128xf32, #tpu.memory_space<vmem>>, vector<1x16xf32>,
        %swap3A_160 = vector.shape_cast %swap3A_159 : vector<1x16xf32> to vector<16xf32>
        %swap3A_161 = vector.shape_cast %mul3A_154 : vector<16xf32> to vector<1x16xf32>
        tpu.vector_store %arg10[%swap3A_157, %swap3A_158], %swap3A_161 {strides = array<i32>} : memref<128x128xf32, #tpu.memory_space<vmem>>, vector<1x16xf32>,
        %add3A_162 = arith.constant 0 : i32
        %add3A_163 = arith.addi %mul3A_63, %add3A_162 : i32
        %get3A_164 = arith.index_cast %add3A_163 : i32 to index
        %get3A_165 = arith.constant 112 : index
        %get3A_166 = tpu.vector_load %arg10[%get3A_164, %get3A_165] {strides = array<i32>} : memref<128x128xf32, #tpu.memory_space<vmem>>, vector<1x16xf32>,
        %get3A_167 = vector.shape_cast %get3A_166 : vector<1x16xf32> to vector<16xf32>
        %mul3A_168 = arith.mulf %get3A_167, %broadcast_in_dim3A_64 : vector<16xf32>
        %add3A_169 = arith.constant 0 : i32
        %add3A_170 = arith.addi %mul3A_63, %add3A_169 : i32
        %swap3A_171 = arith.index_cast %add3A_170 : i32 to index
        %swap3A_172 = arith.constant 112 : index
        %swap3A_173 = tpu.vector_load %arg10[%swap3A_171, %swap3A_172] {strides = array<i32>} : memref<128x128xf32, #tpu.memory_space<vmem>>, vector<1x16xf32>,
        %swap3A_174 = vector.shape_cast %swap3A_173 : vector<1x16xf32> to vector<16xf32>
        %swap3A_175 = vector.shape_cast %mul3A_168 : vector<16xf32> to vector<1x16xf32>
        tpu.vector_store %arg10[%swap3A_171, %swap3A_172], %swap3A_175 {strides = array<i32>} : memref<128x128xf32, #tpu.memory_space<vmem>>, vector<1x16xf32>,
        %slice3A_176 = vector.extract_strided_slice %get3A_61 {offsets = [1], sizes = [1], strides = [1]} : vector<16xf32> to vector<1xf32>
        %squeeze3A_177 = vector.extract %slice3A_176[0] : f32 from vector<1xf32>
        %broadcast_in_dim3A_178 = vector.broadcast %squeeze3A_177 : f32 to vector<16xf32>
        %add3A_179 = arith.constant 1 : i32
        %add3A_180 = arith.addi %mul3A_63, %add3A_179 : i32
        %get3A_181 = arith.index_cast %add3A_180 : i32 to index
        %get3A_182 = arith.constant 0 : index
        %get3A_183 = tpu.vector_load %arg10[%get3A_181, %get3A_182] {strides = array<i32>} : memref<128x128xf32, #tpu.memory_space<vmem>>, vector<1x16xf32>,
        %get3A_184 = vector.shape_cast %get3A_183 : vector<1x16xf32> to vector<16xf32>
        %mul3A_185 = arith.mulf %get3A_184, %broadcast_in_dim3A_178 : vector<16xf32>
        %add3A_186 = arith.constant 1 : i32
        %add3A_187 = arith.addi %mul3A_63, %add3A_186 : i32
        %swap3A_188 = arith.index_cast %add3A_187 : i32 to index
        %swap3A_189 = arith.constant 0 : index
        %swap3A_190 = tpu.vector_load %arg10[%swap3A_188, %swap3A_189] {strides = array<i32>} : memref<128x128xf32, #tpu.memory_space<vmem>>, vector<1x16xf32>,
        %swap3A_191 = vector.shape_cast %swap3A_190 : vector<1x16xf32> to vector<16xf32>
        %swap3A_192 = vector.shape_cast %mul3A_185 : vector<16xf32> to vector<1x16xf32>
        tpu.vector_store %arg10[%swap3A_188, %swap3A_189], %swap3A_192 {strides = array<i32>} : memref<128x128xf32, #tpu.memory_space<vmem>>, vector<1x16xf32>,
        %add3A_193 = arith.constant 1 : i32
        %add3A_194 = arith.addi %mul3A_63, %add3A_193 : i32
        %get3A_195 = arith.index_cast %add3A_194 : i32 to index
        %get3A_196 = arith.constant 16 : index
        %get3A_197 = tpu.vector_load %arg10[%get3A_195, %get3A_196] {strides = array<i32>} : memref<128x128xf32, #tpu.memory_space<vmem>>, vector<1x16xf32>,
        %get3A_198 = vector.shape_cast %get3A_197 : vector<1x16xf32> to vector<16xf32>
        %mul3A_199 = arith.mulf %get3A_198, %broadcast_in_dim3A_178 : vector<16xf32>
        %add3A_200 = arith.constant 1 : i32
        %add3A_201 = arith.addi %mul3A_63, %add3A_200 : i32
        %swap3A_202 = arith.index_cast %add3A_201 : i32 to index
        %swap3A_203 = arith.constant 16 : index
        %swap3A_204 = tpu.vector_load %arg10[%swap3A_202, %swap3A_203] {strides = array<i32>} : memref<128x128xf32, #tpu.memory_space<vmem>>, vector<1x16xf32>,
        %swap3A_205 = vector.shape_cast %swap3A_204 : vector<1x16xf32> to vector<16xf32>
        %swap3A_206 = vector.shape_cast %mul3A_199 : vector<16xf32> to vector<1x16xf32>
        tpu.vector_store %arg10[%swap3A_202, %swap3A_203], %swap3A_206 {strides = array<i32>} : memref<128x128xf32, #tpu.memory_space<vmem>>, vector<1x16xf32>,
        %add3A_207 = arith.constant 1 : i32
        %add3A_208 = arith.addi %mul3A_63, %add3A_207 : i32
        %get3A_209 = arith.index_cast %add3A_208 : i32 to index
        %get3A_210 = arith.constant 32 : index
        %get3A_211 = tpu.vector_load %arg10[%get3A_209, %get3A_210] {strides = array<i32>} : memref<128x128xf32, #tpu.memory_space<vmem>>, vector<1x16xf32>,
        %get3A_212 = vector.shape_cast %get3A_211 : vector<1x16xf32> to vector<16xf32>
        %mul3A_213 = arith.mulf %get3A_212, %broadcast_in_dim3A_178 : vector<16xf32>
        %add3A_214 = arith.constant 1 : i32
        %add3A_215 = arith.addi %mul3A_63, %add3A_214 : i32
        %swap3A_216 = arith.index_cast %add3A_215 : i32 to index
        %swap3A_217 = arith.constant 32 : index
        %swap3A_218 = tpu.vector_load %arg10[%swap3A_216, %swap3A_217] {strides = array<i32>} : memref<128x128xf32, #tpu.memory_space<vmem>>, vector<1x16xf32>,
        %swap3A_219 = vector.shape_cast %swap3A_218 : vector<1x16xf32> to vector<16xf32>
        %swap3A_220 = vector.shape_cast %mul3A_213 : vector<16xf32> to vector<1x16xf32>
        tpu.vector_store %arg10[%swap3A_216, %swap3A_217], %swap3A_220 {strides = array<i32>} : memref<128x128xf32, #tpu.memory_space<vmem>>, vector<1x16xf32>,
        %add3A_221 = arith.constant 1 : i32
        %add3A_222 = arith.addi %mul3A_63, %add3A_221 : i32
        %get3A_223 = arith.index_cast %add3A_222 : i32 to index
        %get3A_224 = arith.constant 48 : index
        %get3A_225 = tpu.vector_load %arg10[%get3A_223, %get3A_224] {strides = array<i32>} : memref<128x128xf32, #tpu.memory_space<vmem>>, vector<1x16xf32>,
        %get3A_226 = vector.shape_cast %get3A_225 : vector<1x16xf32> to vector<16xf32>
        %mul3A_227 = arith.mulf %get3A_226, %broadcast_in_dim3A_178 : vector<16xf32>
        %add3A_228 = arith.constant 1 : i32
        %add3A_229 = arith.addi %mul3A_63, %add3A_228 : i32
        %swap3A_230 = arith.index_cast %add3A_229 : i32 to index
        %swap3A_231 = arith.constant 48 : index
        %swap3A_232 = tpu.vector_load %arg10[%swap3A_230, %swap3A_231] {strides = array<i32>} : memref<128x128xf32, #tpu.memory_space<vmem>>, vector<1x16xf32>,
        %swap3A_233 = vector.shape_cast %swap3A_232 : vector<1x16xf32> to vector<16xf32>
        %swap3A_234 = vector.shape_cast %mul3A_227 : vector<16xf32> to vector<1x16xf32>
        tpu.vector_store %arg10[%swap3A_230, %swap3A_231], %swap3A_234 {strides = array<i32>} : memref<128x128xf32, #tpu.memory_space<vmem>>, vector<1x16xf32>,
        %add3A_235 = arith.constant 1 : i32
        %add3A_236 = arith.addi %mul3A_63, %add3A_235 : i32
        %get3A_237 = arith.index_cast %add3A_236 : i32 to index
        %get3A_238 = arith.constant 64 : index
        %get3A_239 = tpu.vector_load %arg10[%get3A_237, %get3A_238] {strides = array<i32>} : memref<128x128xf32, #tpu.memory_space<vmem>>, vector<1x16xf32>,
        %get3A_240 = vector.shape_cast %get3A_239 : vector<1x16xf32> to vector<16xf32>
        %mul3A_241 = arith.mulf %get3A_240, %broadcast_in_dim3A_178 : vector<16xf32>
        %add3A_242 = arith.constant 1 : i32
        %add3A_243 = arith.addi %mul3A_63, %add3A_242 : i32
        %swap3A_244 = arith.index_cast %add3A_243 : i32 to index
        %swap3A_245 = arith.constant 64 : index
        %swap3A_246 = tpu.vector_load %arg10[%swap3A_244, %swap3A_245] {strides = array<i32>} : memref<128x128xf32, #tpu.memory_space<vmem>>, vector<1x16xf32>,
        %swap3A_247 = vector.shape_cast %swap3A_246 : vector<1x16xf32> to vector<16xf32>
        %swap3A_248 = vector.shape_cast %mul3A_241 : vector<16xf32> to vector<1x16xf32>
        tpu.vector_store %arg10[%swap3A_244, %swap3A_245], %swap3A_248 {strides = array<i32>} : memref<128x128xf32, #tpu.memory_space<vmem>>, vector<1x16xf32>,
        %add3A_249 = arith.constant 1 : i32
        %add3A_250 = arith.addi %mul3A_63, %add3A_249 : i32
        %get3A_251 = arith.index_cast %add3A_250 : i32 to index
        %get3A_252 = arith.constant 80 : index
        %get3A_253 = tpu.vector_load %arg10[%get3A_251, %get3A_252] {strides = array<i32>} : memref<128x128xf32, #tpu.memory_space<vmem>>, vector<1x16xf32>,
        %get3A_254 = vector.shape_cast %get3A_253 : vector<1x16xf32> to vector<16xf32>
        %mul3A_255 = arith.mulf %get3A_254, %broadcast_in_dim3A_178 : vector<16xf32>
        %add3A_256 = arith.constant 1 : i32
        %add3A_257 = arith.addi %mul3A_63, %add3A_256 : i32
        %swap3A_258 = arith.index_cast %add3A_257 : i32 to index
        %swap3A_259 = arith.constant 80 : index
        %swap3A_260 = tpu.vector_load %arg10[%swap3A_258, %swap3A_259] {strides = array<i32>} : memref<128x128xf32, #tpu.memory_space<vmem>>, vector<1x16xf32>,
        %swap3A_261 = vector.shape_cast %swap3A_260 : vector<1x16xf32> to vector<16xf32>
        %swap3A_262 = vector.shape_cast %mul3A_255 : vector<16xf32> to vector<1x16xf32>
        tpu.vector_store %arg10[%swap3A_258, %swap3A_259], %swap3A_262 {strides = array<i32>} : memref<128x128xf32, #tpu.memory_space<vmem>>, vector<1x16xf32>,
        %add3A_263 = arith.constant 1 : i32
        %add3A_264 = arith.addi %mul3A_63, %add3A_263 : i32
        %get3A_265 = arith.index_cast %add3A_264 : i32 to index
        %get3A_266 = arith.constant 96 : index
        %get3A_267 = tpu.vector_load %arg10[%get3A_265, %get3A_266] {strides = array<i32>} : memref<128x128xf32, #tpu.memory_space<vmem>>, vector<1x16xf32>,
        %get3A_268 = vector.shape_cast %get3A_267 : vector<1x16xf32> to vector<16xf32>
        %mul3A_269 = arith.mulf %get3A_268, %broadcast_in_dim3A_178 : vector<16xf32>
        %add3A_270 = arith.constant 1 : i32
        %add3A_271 = arith.addi %mul3A_63, %add3A_270 : i32
        %swap3A_272 = arith.index_cast %add3A_271 : i32 to index
        %swap3A_273 = arith.constant 96 : index
        %swap3A_274 = tpu.vector_load %arg10[%swap3A_272, %swap3A_273] {strides = array<i32>} : memref<128x128xf32, #tpu.memory_space<vmem>>, vector<1x16xf32>,
        %swap3A_275 = vector.shape_cast %swap3A_274 : vector<1x16xf32> to vector<16xf32>
        %swap3A_276 = vector.shape_cast %mul3A_269 : vector<16xf32> to vector<1x16xf32>
        tpu.vector_store %arg10[%swap3A_272, %swap3A_273], %swap3A_276 {strides = array<i32>} : memref<128x128xf32, #tpu.memory_space<vmem>>, vector<1x16xf32>,
        %add3A_277 = arith.constant 1 : i32
        %add3A_278 = arith.addi %mul3A_63, %add3A_277 : i32
        %get3A_279 = arith.index_cast %add3A_278 : i32 to index
        %get3A_280 = arith.constant 112 : index
        %get3A_281 = tpu.vector_load %arg10[%get3A_279, %get3A_280] {strides = array<i32>} : memref<128x128xf32, #tpu.memory_space<vmem>>, vector<1x16xf32>,
        %get3A_282 = vector.shape_cast %get3A_281 : vector<1x16xf32> to vector<16xf32>
        %mul3A_283 = arith.mulf %get3A_282, %broadcast_in_dim3A_178 : vector<16xf32>
        %add3A_284 = arith.constant 1 : i32
        %add3A_285 = arith.addi %mul3A_63, %add3A_284 : i32
        %swap3A_286 = arith.index_cast %add3A_285 : i32 to index
        %swap3A_287 = arith.constant 112 : index
        %swap3A_288 = tpu.vector_load %arg10[%swap3A_286, %swap3A_287] {strides = array<i32>} : memref<128x128xf32, #tpu.memory_space<vmem>>, vector<1x16xf32>,
        %swap3A_289 = vector.shape_cast %swap3A_288 : vector<1x16xf32> to vector<16xf32>
        %swap3A_290 = vector.shape_cast %mul3A_283 : vector<16xf32> to vector<1x16xf32>
        tpu.vector_store %arg10[%swap3A_286, %swap3A_287], %swap3A_290 {strides = array<i32>} : memref<128x128xf32, #tpu.memory_space<vmem>>, vector<1x16xf32>,
        %slice3A_291 = vector.extract_strided_slice %get3A_61 {offsets = [2], sizes = [1], strides = [1]} : vector<16xf32> to vector<1xf32>
        %squeeze3A_292 = vector.extract %slice3A_291[0] : f32 from vector<1xf32>
        %broadcast_in_dim3A_293 = vector.broadcast %squeeze3A_292 : f32 to vector<16xf32>
        %add3A_294 = arith.constant 2 : i32
        %add3A_295 = arith.addi %mul3A_63, %add3A_294 : i32
        %get3A_296 = arith.index_cast %add3A_295 : i32 to index
        %get3A_297 = arith.constant 0 : index
        %get3A_298 = tpu.vector_load %arg10[%get3A_296, %get3A_297] {strides = array<i32>} : memref<128x128xf32, #tpu.memory_space<vmem>>, vector<1x16xf32>,
        %get3A_299 = vector.shape_cast %get3A_298 : vector<1x16xf32> to vector<16xf32>
        %mul3A_300 = arith.mulf %get3A_299, %broadcast_in_dim3A_293 : vector<16xf32>
        %add3A_301 = arith.constant 2 : i32
        %add3A_302 = arith.addi %mul3A_63, %add3A_301 : i32
        %swap3A_303 = arith.index_cast %add3A_302 : i32 to index
        %swap3A_304 = arith.constant 0 : index
        %swap3A_305 = tpu.vector_load %arg10[%swap3A_303, %swap3A_304] {strides = array<i32>} : memref<128x128xf32, #tpu.memory_space<vmem>>, vector<1x16xf32>,
        %swap3A_306 = vector.shape_cast %swap3A_305 : vector<1x16xf32> to vector<16xf32>
        %swap3A_307 = vector.shape_cast %mul3A_300 : vector<16xf32> to vector<1x16xf32>
        tpu.vector_store %arg10[%swap3A_303, %swap3A_304], %swap3A_307 {strides = array<i32>} : memref<128x128xf32, #tpu.memory_space<vmem>>, vector<1x16xf32>,
        %add3A_308 = arith.constant 2 : i32
        %add3A_309 = arith.addi %mul3A_63, %add3A_308 : i32
        %get3A_310 = arith.index_cast %add3A_309 : i32 to index
        %get3A_311 = arith.constant 16 : index
        %get3A_312 = tpu.vector_load %arg10[%get3A_310, %get3A_311] {strides = array<i32>} : memref<128x128xf32, #tpu.memory_space<vmem>>, vector<1x16xf32>,
        %get3A_313 = vector.shape_cast %get3A_312 : vector<1x16xf32> to vector<16xf32>
        %mul3A_314 = arith.mulf %get3A_313, %broadcast_in_dim3A_293 : vector<16xf32>
        %add3A_315 = arith.constant 2 : i32
        %add3A_316 = arith.addi %mul3A_63, %add3A_315 : i32
        %swap3A_317 = arith.index_cast %add3A_316 : i32 to index
        %swap3A_318 = arith.constant 16 : index
        %swap3A_319 = tpu.vector_load %arg10[%swap3A_317, %swap3A_318] {strides = array<i32>} : memref<128x128xf32, #tpu.memory_space<vmem>>, vector<1x16xf32>,
        %swap3A_320 = vector.shape_cast %swap3A_319 : vector<1x16xf32> to vector<16xf32>
        %swap3A_321 = vector.shape_cast %mul3A_314 : vector<16xf32> to vector<1x16xf32>
        tpu.vector_store %arg10[%swap3A_317, %swap3A_318], %swap3A_321 {strides = array<i32>} : memref<128x128xf32, #tpu.memory_space<vmem>>, vector<1x16xf32>,
        %add3A_322 = arith.constant 2 : i32
        %add3A_323 = arith.addi %mul3A_63, %add3A_322 : i32
        %get3A_324 = arith.index_cast %add3A_323 : i32 to index
        %get3A_325 = arith.constant 32 : index
        %get3A_326 = tpu.vector_load %arg10[%get3A_324, %get3A_325] {strides = array<i32>} : memref<128x128xf32, #tpu.memory_space<vmem>>, vector<1x16xf32>,
        %get3A_327 = vector.shape_cast %get3A_326 : vector<1x16xf32> to vector<16xf32>
        %mul3A_328 = arith.mulf %get3A_327, %broadcast_in_dim3A_293 : vector<16xf32>
        %add3A_329 = arith.constant 2 : i32
        %add3A_330 = arith.addi %mul3A_63, %add3A_329 : i32
        %swap3A_331 = arith.index_cast %add3A_330 : i32 to index
        %swap3A_332 = arith.constant 32 : index
        %swap3A_333 = tpu.vector_load %arg10[%swap3A_331, %swap3A_332] {strides = array<i32>} : memref<128x128xf32, #tpu.memory_space<vmem>>, vector<1x16xf32>,
        %swap3A_334 = vector.shape_cast %swap3A_333 : vector<1x16xf32> to vector<16xf32>
        %swap3A_335 = vector.shape_cast %mul3A_328 : vector<16xf32> to vector<1x16xf32>
        tpu.vector_store %arg10[%swap3A_331, %swap3A_332], %swap3A_335 {strides = array<i32>} : memref<128x128xf32, #tpu.memory_space<vmem>>, vector<1x16xf32>,
        %add3A_336 = arith.constant 2 : i32
        %add3A_337 = arith.addi %mul3A_63, %add3A_336 : i32
        %get3A_338 = arith.index_cast %add3A_337 : i32 to index
        %get3A_339 = arith.constant 48 : index
        %get3A_340 = tpu.vector_load %arg10[%get3A_338, %get3A_339] {strides = array<i32>} : memref<128x128xf32, #tpu.memory_space<vmem>>, vector<1x16xf32>,
        %get3A_341 = vector.shape_cast %get3A_340 : vector<1x16xf32> to vector<16xf32>
        %mul3A_342 = arith.mulf %get3A_341, %broadcast_in_dim3A_293 : vector<16xf32>
        %add3A_343 = arith.constant 2 : i32
        %add3A_344 = arith.addi %mul3A_63, %add3A_343 : i32
        %swap3A_345 = arith.index_cast %add3A_344 : i32 to index
        %swap3A_346 = arith.constant 48 : index
        %swap3A_347 = tpu.vector_load %arg10[%swap3A_345, %swap3A_346] {strides = array<i32>} : memref<128x128xf32, #tpu.memory_space<vmem>>, vector<1x16xf32>,
        %swap3A_348 = vector.shape_cast %swap3A_347 : vector<1x16xf32> to vector<16xf32>
        %swap3A_349 = vector.shape_cast %mul3A_342 : vector<16xf32> to vector<1x16xf32>
        tpu.vector_store %arg10[%swap3A_345, %swap3A_346], %swap3A_349 {strides = array<i32>} : memref<128x128xf32, #tpu.memory_space<vmem>>, vector<1x16xf32>,
        %add3A_350 = arith.constant 2 : i32
        %add3A_351 = arith.addi %mul3A_63, %add3A_350 : i32
        %get3A_352 = arith.index_cast %add3A_351 : i32 to index
        %get3A_353 = arith.constant 64 : index
        %get3A_354 = tpu.vector_load %arg10[%get3A_352, %get3A_353] {strides = array<i32>} : memref<128x128xf32, #tpu.memory_space<vmem>>, vector<1x16xf32>,
        %get3A_355 = vector.shape_cast %get3A_354 : vector<1x16xf32> to vector<16xf32>
        %mul3A_356 = arith.mulf %get3A_355, %broadcast_in_dim3A_293 : vector<16xf32>
        %add3A_357 = arith.constant 2 : i32
        %add3A_358 = arith.addi %mul3A_63, %add3A_357 : i32
        %swap3A_359 = arith.index_cast %add3A_358 : i32 to index
        %swap3A_360 = arith.constant 64 : index
        %swap3A_361 = tpu.vector_load %arg10[%swap3A_359, %swap3A_360] {strides = array<i32>} : memref<128x128xf32, #tpu.memory_space<vmem>>, vector<1x16xf32>,
        %swap3A_362 = vector.shape_cast %swap3A_361 : vector<1x16xf32> to vector<16xf32>
        %swap3A_363 = vector.shape_cast %mul3A_356 : vector<16xf32> to vector<1x16xf32>
        tpu.vector_store %arg10[%swap3A_359, %swap3A_360], %swap3A_363 {strides = array<i32>} : memref<128x128xf32, #tpu.memory_space<vmem>>, vector<1x16xf32>,
        %add3A_364 = arith.constant 2 : i32
        %add3A_365 = arith.addi %mul3A_63, %add3A_364 : i32
        %get3A_366 = arith.index_cast %add3A_365 : i32 to index
        %get3A_367 = arith.constant 80 : index
        %get3A_368 = tpu.vector_load %arg10[%get3A_366, %get3A_367] {strides = array<i32>} : memref<128x128xf32, #tpu.memory_space<vmem>>, vector<1x16xf32>,
        %get3A_369 = vector.shape_cast %get3A_368 : vector<1x16xf32> to vector<16xf32>
        %mul3A_370 = arith.mulf %get3A_369, %broadcast_in_dim3A_293 : vector<16xf32>
        %add3A_371 = arith.constant 2 : i32
        %add3A_372 = arith.addi %mul3A_63, %add3A_371 : i32
        %swap3A_373 = arith.index_cast %add3A_372 : i32 to index
        %swap3A_374 = arith.constant 80 : index
        %swap3A_375 = tpu.vector_load %arg10[%swap3A_373, %swap3A_374] {strides = array<i32>} : memref<128x128xf32, #tpu.memory_space<vmem>>, vector<1x16xf32>,
        %swap3A_376 = vector.shape_cast %swap3A_375 : vector<1x16xf32> to vector<16xf32>
        %swap3A_377 = vector.shape_cast %mul3A_370 : vector<16xf32> to vector<1x16xf32>
        tpu.vector_store %arg10[%swap3A_373, %swap3A_374], %swap3A_377 {strides = array<i32>} : memref<128x128xf32, #tpu.memory_space<vmem>>, vector<1x16xf32>,
        %add3A_378 = arith.constant 2 : i32
        %add3A_379 = arith.addi %mul3A_63, %add3A_378 : i32
        %get3A_380 = arith.index_cast %add3A_379 : i32 to index
        %get3A_381 = arith.constant 96 : index
        %get3A_382 = tpu.vector_load %arg10[%get3A_380, %get3A_381] {strides = array<i32>} : memref<128x128xf32, #tpu.memory_space<vmem>>, vector<1x16xf32>,
        %get3A_383 = vector.shape_cast %get3A_382 : vector<1x16xf32> to vector<16xf32>
        %mul3A_384 = arith.mulf %get3A_383, %broadcast_in_dim3A_293 : vector<16xf32>
        %add3A_385 = arith.constant 2 : i32
        %add3A_386 = arith.addi %mul3A_63, %add3A_385 : i32
        %swap3A_387 = arith.index_cast %add3A_386 : i32 to index
        %swap3A_388 = arith.constant 96 : index
        %swap3A_389 = tpu.vector_load %arg10[%swap3A_387, %swap3A_388] {strides = array<i32>} : memref<128x128xf32, #tpu.memory_space<vmem>>, vector<1x16xf32>,
        %swap3A_390 = vector.shape_cast %swap3A_389 : vector<1x16xf32> to vector<16xf32>
        %swap3A_391 = vector.shape_cast %mul3A_384 : vector<16xf32> to vector<1x16xf32>
        tpu.vector_store %arg10[%swap3A_387, %swap3A_388], %swap3A_391 {strides = array<i32>} : memref<128x128xf32, #tpu.memory_space<vmem>>, vector<1x16xf32>,
        %add3A_392 = arith.constant 2 : i32
        %add3A_393 = arith.addi %mul3A_63, %add3A_392 : i32
        %get3A_394 = arith.index_cast %add3A_393 : i32 to index
        %get3A_395 = arith.constant 112 : index
        %get3A_396 = tpu.vector_load %arg10[%get3A_394, %get3A_395] {strides = array<i32>} : memref<128x128xf32, #tpu.memory_space<vmem>>, vector<1x16xf32>,
        %get3A_397 = vector.shape_cast %get3A_396 : vector<1x16xf32> to vector<16xf32>
        %mul3A_398 = arith.mulf %get3A_397, %broadcast_in_dim3A_293 : vector<16xf32>
        %add3A_399 = arith.constant 2 : i32
        %add3A_400 = arith.addi %mul3A_63, %add3A_399 : i32
        %swap3A_401 = arith.index_cast %add3A_400 : i32 to index
        %swap3A_402 = arith.constant 112 : index
        %swap3A_403 = tpu.vector_load %arg10[%swap3A_401, %swap3A_402] {strides = array<i32>} : memref<128x128xf32, #tpu.memory_space<vmem>>, vector<1x16xf32>,
        %swap3A_404 = vector.shape_cast %swap3A_403 : vector<1x16xf32> to vector<16xf32>
        %swap3A_405 = vector.shape_cast %mul3A_398 : vector<16xf32> to vector<1x16xf32>
        tpu.vector_store %arg10[%swap3A_401, %swap3A_402], %swap3A_405 {strides = array<i32>} : memref<128x128xf32, #tpu.memory_space<vmem>>, vector<1x16xf32>,
        %slice3A_406 = vector.extract_strided_slice %get3A_61 {offsets = [3], sizes = [1], strides = [1]} : vector<16xf32> to vector<1xf32>
        %squeeze3A_407 = vector.extract %slice3A_406[0] : f32 from vector<1xf32>
        %broadcast_in_dim3A_408 = vector.broadcast %squeeze3A_407 : f32 to vector<16xf32>
        %add3A_409 = arith.constant 3 : i32
        %add3A_410 = arith.addi %mul3A_63, %add3A_409 : i32
        %get3A_411 = arith.index_cast %add3A_410 : i32 to index
        %get3A_412 = arith.constant 0 : index
        %get3A_413 = tpu.vector_load %arg10[%get3A_411, %get3A_412] {strides = array<i32>} : memref<128x128xf32, #tpu.memory_space<vmem>>, vector<1x16xf32>,
        %get3A_414 = vector.shape_cast %get3A_413 : vector<1x16xf32> to vector<16xf32>
        %mul3A_415 = arith.mulf %get3A_414, %broadcast_in_dim3A_408 : vector<16xf32>
        %add3A_416 = arith.constant 3 : i32
        %add3A_417 = arith.addi %mul3A_63, %add3A_416 : i32
        %swap3A_418 = arith.index_cast %add3A_417 : i32 to index
        %swap3A_419 = arith.constant 0 : index
        %swap3A_420 = tpu.vector_load %arg10[%swap3A_418, %swap3A_419] {strides = array<i32>} : memref<128x128xf32, #tpu.memory_space<vmem>>, vector<1x16xf32>,
        %swap3A_421 = vector.shape_cast %swap3A_420 : vector<1x16xf32> to vector<16xf32>
        %swap3A_422 = vector.shape_cast %mul3A_415 : vector<16xf32> to vector<1x16xf32>
        tpu.vector_store %arg10[%swap3A_418, %swap3A_419], %swap3A_422 {strides = array<i32>} : memref<128x128xf32, #tpu.memory_space<vmem>>, vector<1x16xf32>,
        %add3A_423 = arith.constant 3 : i32
        %add3A_424 = arith.addi %mul3A_63, %add3A_423 : i32
        %get3A_425 = arith.index_cast %add3A_424 : i32 to index
        %get3A_426 = arith.constant 16 : index
        %get3A_427 = tpu.vector_load %arg10[%get3A_425, %get3A_426] {strides = array<i32>} : memref<128x128xf32, #tpu.memory_space<vmem>>, vector<1x16xf32>,
        %get3A_428 = vector.shape_cast %get3A_427 : vector<1x16xf32> to vector<16xf32>
        %mul3A_429 = arith.mulf %get3A_428, %broadcast_in_dim3A_408 : vector<16xf32>
        %add3A_430 = arith.constant 3 : i32
        %add3A_431 = arith.addi %mul3A_63, %add3A_430 : i32
        %swap3A_432 = arith.index_cast %add3A_431 : i32 to index
        %swap3A_433 = arith.constant 16 : index
        %swap3A_434 = tpu.vector_load %arg10[%swap3A_432, %swap3A_433] {strides = array<i32>} : memref<128x128xf32, #tpu.memory_space<vmem>>, vector<1x16xf32>,
        %swap3A_435 = vector.shape_cast %swap3A_434 : vector<1x16xf32> to vector<16xf32>
        %swap3A_436 = vector.shape_cast %mul3A_429 : vector<16xf32> to vector<1x16xf32>
        tpu.vector_store %arg10[%swap3A_432, %swap3A_433], %swap3A_436 {strides = array<i32>} : memref<128x128xf32, #tpu.memory_space<vmem>>, vector<1x16xf32>,
        %add3A_437 = arith.constant 3 : i32
        %add3A_438 = arith.addi %mul3A_63, %add3A_437 : i32
        %get3A_439 = arith.index_cast %add3A_438 : i32 to index
        %get3A_440 = arith.constant 32 : index
        %get3A_441 = tpu.vector_load %arg10[%get3A_439, %get3A_440] {strides = array<i32>} : memref<128x128xf32, #tpu.memory_space<vmem>>, vector<1x16xf32>,
        %get3A_442 = vector.shape_cast %get3A_441 : vector<1x16xf32> to vector<16xf32>
        %mul3A_443 = arith.mulf %get3A_442, %broadcast_in_dim3A_408 : vector<16xf32>
        %add3A_444 = arith.constant 3 : i32
        %add3A_445 = arith.addi %mul3A_63, %add3A_444 : i32
        %swap3A_446 = arith.index_cast %add3A_445 : i32 to index
        %swap3A_447 = arith.constant 32 : index
        %swap3A_448 = tpu.vector_load %arg10[%swap3A_446, %swap3A_447] {strides = array<i32>} : memref<128x128xf32, #tpu.memory_space<vmem>>, vector<1x16xf32>,
        %swap3A_449 = vector.shape_cast %swap3A_448 : vector<1x16xf32> to vector<16xf32>
        %swap3A_450 = vector.shape_cast %mul3A_443 : vector<16xf32> to vector<1x16xf32>
        tpu.vector_store %arg10[%swap3A_446, %swap3A_447], %swap3A_450 {strides = array<i32>} : memref<128x128xf32, #tpu.memory_space<vmem>>, vector<1x16xf32>,
        %add3A_451 = arith.constant 3 : i32
        %add3A_452 = arith.addi %mul3A_63, %add3A_451 : i32
        %get3A_453 = arith.index_cast %add3A_452 : i32 to index
        %get3A_454 = arith.constant 48 : index
        %get3A_455 = tpu.vector_load %arg10[%get3A_453, %get3A_454] {strides = array<i32>} : memref<128x128xf32, #tpu.memory_space<vmem>>, vector<1x16xf32>,
        %get3A_456 = vector.shape_cast %get3A_455 : vector<1x16xf32> to vector<16xf32>
        %mul3A_457 = arith.mulf %get3A_456, %broadcast_in_dim3A_408 : vector<16xf32>
        %add3A_458 = arith.constant 3 : i32
        %add3A_459 = arith.addi %mul3A_63, %add3A_458 : i32
        %swap3A_460 = arith.index_cast %add3A_459 : i32 to index
        %swap3A_461 = arith.constant 48 : index
        %swap3A_462 = tpu.vector_load %arg10[%swap3A_460, %swap3A_461] {strides = array<i32>} : memref<128x128xf32, #tpu.memory_space<vmem>>, vector<1x16xf32>,
        %swap3A_463 = vector.shape_cast %swap3A_462 : vector<1x16xf32> to vector<16xf32>
        %swap3A_464 = vector.shape_cast %mul3A_457 : vector<16xf32> to vector<1x16xf32>
        tpu.vector_store %arg10[%swap3A_460, %swap3A_461], %swap3A_464 {strides = array<i32>} : memref<128x128xf32, #tpu.memory_space<vmem>>, vector<1x16xf32>,
        %add3A_465 = arith.constant 3 : i32
        %add3A_466 = arith.addi %mul3A_63, %add3A_465 : i32
        %get3A_467 = arith.index_cast %add3A_466 : i32 to index
        %get3A_468 = arith.constant 64 : index
        %get3A_469 = tpu.vector_load %arg10[%get3A_467, %get3A_468] {strides = array<i32>} : memref<128x128xf32, #tpu.memory_space<vmem>>, vector<1x16xf32>,
        %get3A_470 = vector.shape_cast %get3A_469 : vector<1x16xf32> to vector<16xf32>
        %mul3A_471 = arith.mulf %get3A_470, %broadcast_in_dim3A_408 : vector<16xf32>
        %add3A_472 = arith.constant 3 : i32
        %add3A_473 = arith.addi %mul3A_63, %add3A_472 : i32
        %swap3A_474 = arith.index_cast %add3A_473 : i32 to index
        %swap3A_475 = arith.constant 64 : index
        %swap3A_476 = tpu.vector_load %arg10[%swap3A_474, %swap3A_475] {strides = array<i32>} : memref<128x128xf32, #tpu.memory_space<vmem>>, vector<1x16xf32>,
        %swap3A_477 = vector.shape_cast %swap3A_476 : vector<1x16xf32> to vector<16xf32>
        %swap3A_478 = vector.shape_cast %mul3A_471 : vector<16xf32> to vector<1x16xf32>
        tpu.vector_store %arg10[%swap3A_474, %swap3A_475], %swap3A_478 {strides = array<i32>} : memref<128x128xf32, #tpu.memory_space<vmem>>, vector<1x16xf32>,
        %add3A_479 = arith.constant 3 : i32
        %add3A_480 = arith.addi %mul3A_63, %add3A_479 : i32
        %get3A_481 = arith.index_cast %add3A_480 : i32 to index
        %get3A_482 = arith.constant 80 : index
        %get3A_483 = tpu.vector_load %arg10[%get3A_481, %get3A_482] {strides = array<i32>} : memref<128x128xf32, #tpu.memory_space<vmem>>, vector<1x16xf32>,
        %get3A_484 = vector.shape_cast %get3A_483 : vector<1x16xf32> to vector<16xf32>
        %mul3A_485 = arith.mulf %get3A_484, %broadcast_in_dim3A_408 : vector<16xf32>
        %add3A_486 = arith.constant 3 : i32
        %add3A_487 = arith.addi %mul3A_63, %add3A_486 : i32
        %swap3A_488 = arith.index_cast %add3A_487 : i32 to index
        %swap3A_489 = arith.constant 80 : index
        %swap3A_490 = tpu.vector_load %arg10[%swap3A_488, %swap3A_489] {strides = array<i32>} : memref<128x128xf32, #tpu.memory_space<vmem>>, vector<1x16xf32>,
        %swap3A_491 = vector.shape_cast %swap3A_490 : vector<1x16xf32> to vector<16xf32>
        %swap3A_492 = vector.shape_cast %mul3A_485 : vector<16xf32> to vector<1x16xf32>
        tpu.vector_store %arg10[%swap3A_488, %swap3A_489], %swap3A_492 {strides = array<i32>} : memref<128x128xf32, #tpu.memory_space<vmem>>, vector<1x16xf32>,
        %add3A_493 = arith.constant 3 : i32
        %add3A_494 = arith.addi %mul3A_63, %add3A_493 : i32
        %get3A_495 = arith.index_cast %add3A_494 : i32 to index
        %get3A_496 = arith.constant 96 : index
        %get3A_497 = tpu.vector_load %arg10[%get3A_495, %get3A_496] {strides = array<i32>} : memref<128x128xf32, #tpu.memory_space<vmem>>, vector<1x16xf32>,
        %get3A_498 = vector.shape_cast %get3A_497 : vector<1x16xf32> to vector<16xf32>
        %mul3A_499 = arith.mulf %get3A_498, %broadcast_in_dim3A_408 : vector<16xf32>
        %add3A_500 = arith.constant 3 : i32
        %add3A_501 = arith.addi %mul3A_63, %add3A_500 : i32
        %swap3A_502 = arith.index_cast %add3A_501 : i32 to index
        %swap3A_503 = arith.constant 96 : index
        %swap3A_504 = tpu.vector_load %arg10[%swap3A_502, %swap3A_503] {strides = array<i32>} : memref<128x128xf32, #tpu.memory_space<vmem>>, vector<1x16xf32>,
        %swap3A_505 = vector.shape_cast %swap3A_504 : vector<1x16xf32> to vector<16xf32>
        %swap3A_506 = vector.shape_cast %mul3A_499 : vector<16xf32> to vector<1x16xf32>
        tpu.vector_store %arg10[%swap3A_502, %swap3A_503], %swap3A_506 {strides = array<i32>} : memref<128x128xf32, #tpu.memory_space<vmem>>, vector<1x16xf32>,
        %add3A_507 = arith.constant 3 : i32
        %add3A_508 = arith.addi %mul3A_63, %add3A_507 : i32
        %get3A_509 = arith.index_cast %add3A_508 : i32 to index
        %get3A_510 = arith.constant 112 : index
        %get3A_511 = tpu.vector_load %arg10[%get3A_509, %get3A_510] {strides = array<i32>} : memref<128x128xf32, #tpu.memory_space<vmem>>, vector<1x16xf32>,
        %get3A_512 = vector.shape_cast %get3A_511 : vector<1x16xf32> to vector<16xf32>
        %mul3A_513 = arith.mulf %get3A_512, %broadcast_in_dim3A_408 : vector<16xf32>
        %add3A_514 = arith.constant 3 : i32
        %add3A_515 = arith.addi %mul3A_63, %add3A_514 : i32
        %swap3A_516 = arith.index_cast %add3A_515 : i32 to index
        %swap3A_517 = arith.constant 112 : index
        %swap3A_518 = tpu.vector_load %arg10[%swap3A_516, %swap3A_517] {strides = array<i32>} : memref<128x128xf32, #tpu.memory_space<vmem>>, vector<1x16xf32>,
        %swap3A_519 = vector.shape_cast %swap3A_518 : vector<1x16xf32> to vector<16xf32>
        %swap3A_520 = vector.shape_cast %mul3A_513 : vector<16xf32> to vector<1x16xf32>
        tpu.vector_store %arg10[%swap3A_516, %swap3A_517], %swap3A_520 {strides = array<i32>} : memref<128x128xf32, #tpu.memory_space<vmem>>, vector<1x16xf32>,
        %slice3A_521 = vector.extract_strided_slice %get3A_61 {offsets = [4], sizes = [1], strides = [1]} : vector<16xf32> to vector<1xf32>
        %squeeze3A_522 = vector.extract %slice3A_521[0] : f32 from vector<1xf32>
        %broadcast_in_dim3A_523 = vector.broadcast %squeeze3A_522 : f32 to vector<16xf32>
        %add3A_524 = arith.constant 4 : i32
        %add3A_525 = arith.addi %mul3A_63, %add3A_524 : i32
        %get3A_526 = arith.index_cast %add3A_525 : i32 to index
        %get3A_527 = arith.constant 0 : index
        %get3A_528 = tpu.vector_load %arg10[%get3A_526, %get3A_527] {strides = array<i32>} : memref<128x128xf32, #tpu.memory_space<vmem>>, vector<1x16xf32>,
        %get3A_529 = vector.shape_cast %get3A_528 : vector<1x16xf32> to vector<16xf32>
        %mul3A_530 = arith.mulf %get3A_529, %broadcast_in_dim3A_523 : vector<16xf32>
        %add3A_531 = arith.constant 4 : i32
        %add3A_532 = arith.addi %mul3A_63, %add3A_531 : i32
        %swap3A_533 = arith.index_cast %add3A_532 : i32 to index
        %swap3A_534 = arith.constant 0 : index
        %swap3A_535 = tpu.vector_load %arg10[%swap3A_533, %swap3A_534] {strides = array<i32>} : memref<128x128xf32, #tpu.memory_space<vmem>>, vector<1x16xf32>,
        %swap3A_536 = vector.shape_cast %swap3A_535 : vector<1x16xf32> to vector<16xf32>
        %swap3A_537 = vector.shape_cast %mul3A_530 : vector<16xf32> to vector<1x16xf32>
        tpu.vector_store %arg10[%swap3A_533, %swap3A_534], %swap3A_537 {strides = array<i32>} : memref<128x128xf32, #tpu.memory_space<vmem>>, vector<1x16xf32>,
        %add3A_538 = arith.constant 4 : i32
        %add3A_539 = arith.addi %mul3A_63, %add3A_538 : i32
        %get3A_540 = arith.index_cast %add3A_539 : i32 to index
        %get3A_541 = arith.constant 16 : index
        %get3A_542 = tpu.vector_load %arg10[%get3A_540, %get3A_541] {strides = array<i32>} : memref<128x128xf32, #tpu.memory_space<vmem>>, vector<1x16xf32>,
        %get3A_543 = vector.shape_cast %get3A_542 : vector<1x16xf32> to vector<16xf32>
        %mul3A_544 = arith.mulf %get3A_543, %broadcast_in_dim3A_523 : vector<16xf32>
        %add3A_545 = arith.constant 4 : i32
        %add3A_546 = arith.addi %mul3A_63, %add3A_545 : i32
        %swap3A_547 = arith.index_cast %add3A_546 : i32 to index
        %swap3A_548 = arith.constant 16 : index
        %swap3A_549 = tpu.vector_load %arg10[%swap3A_547, %swap3A_548] {strides = array<i32>} : memref<128x128xf32, #tpu.memory_space<vmem>>, vector<1x16xf32>,
        %swap3A_550 = vector.shape_cast %swap3A_549 : vector<1x16xf32> to vector<16xf32>
        %swap3A_551 = vector.shape_cast %mul3A_544 : vector<16xf32> to vector<1x16xf32>
        tpu.vector_store %arg10[%swap3A_547, %swap3A_548], %swap3A_551 {strides = array<i32>} : memref<128x128xf32, #tpu.memory_space<vmem>>, vector<1x16xf32>,
        %add3A_552 = arith.constant 4 : i32
        %add3A_553 = arith.addi %mul3A_63, %add3A_552 : i32
        %get3A_554 = arith.index_cast %add3A_553 : i32 to index
        %get3A_555 = arith.constant 32 : index
        %get3A_556 = tpu.vector_load %arg10[%get3A_554, %get3A_555] {strides = array<i32>} : memref<128x128xf32, #tpu.memory_space<vmem>>, vector<1x16xf32>,
        %get3A_557 = vector.shape_cast %get3A_556 : vector<1x16xf32> to vector<16xf32>
        %mul3A_558 = arith.mulf %get3A_557, %broadcast_in_dim3A_523 : vector<16xf32>
        %add3A_559 = arith.constant 4 : i32
        %add3A_560 = arith.addi %mul3A_63, %add3A_559 : i32
        %swap3A_561 = arith.index_cast %add3A_560 : i32 to index
        %swap3A_562 = arith.constant 32 : index
        %swap3A_563 = tpu.vector_load %arg10[%swap3A_561, %swap3A_562] {strides = array<i32>} : memref<128x128xf32, #tpu.memory_space<vmem>>, vector<1x16xf32>,
        %swap3A_564 = vector.shape_cast %swap3A_563 : vector<1x16xf32> to vector<16xf32>
        %swap3A_565 = vector.shape_cast %mul3A_558 : vector<16xf32> to vector<1x16xf32>
        tpu.vector_store %arg10[%swap3A_561, %swap3A_562], %swap3A_565 {strides = array<i32>} : memref<128x128xf32, #tpu.memory_space<vmem>>, vector<1x16xf32>,
        %add3A_566 = arith.constant 4 : i32
        %add3A_567 = arith.addi %mul3A_63, %add3A_566 : i32
        %get3A_568 = arith.index_cast %add3A_567 : i32 to index
        %get3A_569 = arith.constant 48 : index
        %get3A_570 = tpu.vector_load %arg10[%get3A_568, %get3A_569] {strides = array<i32>} : memref<128x128xf32, #tpu.memory_space<vmem>>, vector<1x16xf32>,
        %get3A_571 = vector.shape_cast %get3A_570 : vector<1x16xf32> to vector<16xf32>
        %mul3A_572 = arith.mulf %get3A_571, %broadcast_in_dim3A_523 : vector<16xf32>
        %add3A_573 = arith.constant 4 : i32
        %add3A_574 = arith.addi %mul3A_63, %add3A_573 : i32
        %swap3A_575 = arith.index_cast %add3A_574 : i32 to index
        %swap3A_576 = arith.constant 48 : index
        %swap3A_577 = tpu.vector_load %arg10[%swap3A_575, %swap3A_576] {strides = array<i32>} : memref<128x128xf32, #tpu.memory_space<vmem>>, vector<1x16xf32>,
        %swap3A_578 = vector.shape_cast %swap3A_577 : vector<1x16xf32> to vector<16xf32>
        %swap3A_579 = vector.shape_cast %mul3A_572 : vector<16xf32> to vector<1x16xf32>
        tpu.vector_store %arg10[%swap3A_575, %swap3A_576], %swap3A_579 {strides = array<i32>} : memref<128x128xf32, #tpu.memory_space<vmem>>, vector<1x16xf32>,
        %add3A_580 = arith.constant 4 : i32
        %add3A_581 = arith.addi %mul3A_63, %add3A_580 : i32
        %get3A_582 = arith.index_cast %add3A_581 : i32 to index
        %get3A_583 = arith.constant 64 : index
        %get3A_584 = tpu.vector_load %arg10[%get3A_582, %get3A_583] {strides = array<i32>} : memref<128x128xf32, #tpu.memory_space<vmem>>, vector<1x16xf32>,
        %get3A_585 = vector.shape_cast %get3A_584 : vector<1x16xf32> to vector<16xf32>
        %mul3A_586 = arith.mulf %get3A_585, %broadcast_in_dim3A_523 : vector<16xf32>
        %add3A_587 = arith.constant 4 : i32
        %add3A_588 = arith.addi %mul3A_63, %add3A_587 : i32
        %swap3A_589 = arith.index_cast %add3A_588 : i32 to index
        %swap3A_590 = arith.constant 64 : index
        %swap3A_591 = tpu.vector_load %arg10[%swap3A_589, %swap3A_590] {strides = array<i32>} : memref<128x128xf32, #tpu.memory_space<vmem>>, vector<1x16xf32>,
        %swap3A_592 = vector.shape_cast %swap3A_591 : vector<1x16xf32> to vector<16xf32>
        %swap3A_593 = vector.shape_cast %mul3A_586 : vector<16xf32> to vector<1x16xf32>
        tpu.vector_store %arg10[%swap3A_589, %swap3A_590], %swap3A_593 {strides = array<i32>} : memref<128x128xf32, #tpu.memory_space<vmem>>, vector<1x16xf32>,
        %add3A_594 = arith.constant 4 : i32
        %add3A_595 = arith.addi %mul3A_63, %add3A_594 : i32
        %get3A_596 = arith.index_cast %add3A_595 : i32 to index
        %get3A_597 = arith.constant 80 : index
        %get3A_598 = tpu.vector_load %arg10[%get3A_596, %get3A_597] {strides = array<i32>} : memref<128x128xf32, #tpu.memory_space<vmem>>, vector<1x16xf32>,
        %get3A_599 = vector.shape_cast %get3A_598 : vector<1x16xf32> to vector<16xf32>
        %mul3A_600 = arith.mulf %get3A_599, %broadcast_in_dim3A_523 : vector<16xf32>
        %add3A_601 = arith.constant 4 : i32
        %add3A_602 = arith.addi %mul3A_63, %add3A_601 : i32
        %swap3A_603 = arith.index_cast %add3A_602 : i32 to index
        %swap3A_604 = arith.constant 80 : index
        %swap3A_605 = tpu.vector_load %arg10[%swap3A_603, %swap3A_604] {strides = array<i32>} : memref<128x128xf32, #tpu.memory_space<vmem>>, vector<1x16xf32>,
        %swap3A_606 = vector.shape_cast %swap3A_605 : vector<1x16xf32> to vector<16xf32>
        %swap3A_607 = vector.shape_cast %mul3A_600 : vector<16xf32> to vector<1x16xf32>
        tpu.vector_store %arg10[%swap3A_603, %swap3A_604], %swap3A_607 {strides = array<i32>} : memref<128x128xf32, #tpu.memory_space<vmem>>, vector<1x16xf32>,
        %add3A_608 = arith.constant 4 : i32
        %add3A_609 = arith.addi %mul3A_63, %add3A_608 : i32
        %get3A_610 = arith.index_cast %add3A_609 : i32 to index
        %get3A_611 = arith.constant 96 : index
        %get3A_612 = tpu.vector_load %arg10[%get3A_610, %get3A_611] {strides = array<i32>} : memref<128x128xf32, #tpu.memory_space<vmem>>, vector<1x16xf32>,
        %get3A_613 = vector.shape_cast %get3A_612 : vector<1x16xf32> to vector<16xf32>
        %mul3A_614 = arith.mulf %get3A_613, %broadcast_in_dim3A_523 : vector<16xf32>
        %add3A_615 = arith.constant 4 : i32
        %add3A_616 = arith.addi %mul3A_63, %add3A_615 : i32
        %swap3A_617 = arith.index_cast %add3A_616 : i32 to index
        %swap3A_618 = arith.constant 96 : index
        %swap3A_619 = tpu.vector_load %arg10[%swap3A_617, %swap3A_618] {strides = array<i32>} : memref<128x128xf32, #tpu.memory_space<vmem>>, vector<1x16xf32>,
        %swap3A_620 = vector.shape_cast %swap3A_619 : vector<1x16xf32> to vector<16xf32>
        %swap3A_621 = vector.shape_cast %mul3A_614 : vector<16xf32> to vector<1x16xf32>
        tpu.vector_store %arg10[%swap3A_617, %swap3A_618], %swap3A_621 {strides = array<i32>} : memref<128x128xf32, #tpu.memory_space<vmem>>, vector<1x16xf32>,
        %add3A_622 = arith.constant 4 : i32
        %add3A_623 = arith.addi %mul3A_63, %add3A_622 : i32
        %get3A_624 = arith.index_cast %add3A_623 : i32 to index
        %get3A_625 = arith.constant 112 : index
        %get3A_626 = tpu.vector_load %arg10[%get3A_624, %get3A_625] {strides = array<i32>} : memref<128x128xf32, #tpu.memory_space<vmem>>, vector<1x16xf32>,
        %get3A_627 = vector.shape_cast %get3A_626 : vector<1x16xf32> to vector<16xf32>
        %mul3A_628 = arith.mulf %get3A_627, %broadcast_in_dim3A_523 : vector<16xf32>
        %add3A_629 = arith.constant 4 : i32
        %add3A_630 = arith.addi %mul3A_63, %add3A_629 : i32
        %swap3A_631 = arith.index_cast %add3A_630 : i32 to index
        %swap3A_632 = arith.constant 112 : index
        %swap3A_633 = tpu.vector_load %arg10[%swap3A_631, %swap3A_632] {strides = array<i32>} : memref<128x128xf32, #tpu.memory_space<vmem>>, vector<1x16xf32>,
        %swap3A_634 = vector.shape_cast %swap3A_633 : vector<1x16xf32> to vector<16xf32>
        %swap3A_635 = vector.shape_cast %mul3A_628 : vector<16xf32> to vector<1x16xf32>
        tpu.vector_store %arg10[%swap3A_631, %swap3A_632], %swap3A_635 {strides = array<i32>} : memref<128x128xf32, #tpu.memory_space<vmem>>, vector<1x16xf32>,
        %slice3A_636 = vector.extract_strided_slice %get3A_61 {offsets = [5], sizes = [1], strides = [1]} : vector<16xf32> to vector<1xf32>
        %squeeze3A_637 = vector.extract %slice3A_636[0] : f32 from vector<1xf32>
        %broadcast_in_dim3A_638 = vector.broadcast %squeeze3A_637 : f32 to vector<16xf32>
        %add3A_639 = arith.constant 5 : i32
        %add3A_640 = arith.addi %mul3A_63, %add3A_639 : i32
        %get3A_641 = arith.index_cast %add3A_640 : i32 to index
        %get3A_642 = arith.constant 0 : index
        %get3A_643 = tpu.vector_load %arg10[%get3A_641, %get3A_642] {strides = array<i32>} : memref<128x128xf32, #tpu.memory_space<vmem>>, vector<1x16xf32>,
        %get3A_644 = vector.shape_cast %get3A_643 : vector<1x16xf32> to vector<16xf32>
        %mul3A_645 = arith.mulf %get3A_644, %broadcast_in_dim3A_638 : vector<16xf32>
        %add3A_646 = arith.constant 5 : i32
        %add3A_647 = arith.addi %mul3A_63, %add3A_646 : i32
        %swap3A_648 = arith.index_cast %add3A_647 : i32 to index
        %swap3A_649 = arith.constant 0 : index
        %swap3A_650 = tpu.vector_load %arg10[%swap3A_648, %swap3A_649] {strides = array<i32>} : memref<128x128xf32, #tpu.memory_space<vmem>>, vector<1x16xf32>,
        %swap3A_651 = vector.shape_cast %swap3A_650 : vector<1x16xf32> to vector<16xf32>
        %swap3A_652 = vector.shape_cast %mul3A_645 : vector<16xf32> to vector<1x16xf32>
        tpu.vector_store %arg10[%swap3A_648, %swap3A_649], %swap3A_652 {strides = array<i32>} : memref<128x128xf32, #tpu.memory_space<vmem>>, vector<1x16xf32>,
        %add3A_653 = arith.constant 5 : i32
        %add3A_654 = arith.addi %mul3A_63, %add3A_653 : i32
        %get3A_655 = arith.index_cast %add3A_654 : i32 to index
        %get3A_656 = arith.constant 16 : index
        %get3A_657 = tpu.vector_load %arg10[%get3A_655, %get3A_656] {strides = array<i32>} : memref<128x128xf32, #tpu.memory_space<vmem>>, vector<1x16xf32>,
        %get3A_658 = vector.shape_cast %get3A_657 : vector<1x16xf32> to vector<16xf32>
        %mul3A_659 = arith.mulf %get3A_658, %broadcast_in_dim3A_638 : vector<16xf32>
        %add3A_660 = arith.constant 5 : i32
        %add3A_661 = arith.addi %mul3A_63, %add3A_660 : i32
        %swap3A_662 = arith.index_cast %add3A_661 : i32 to index
        %swap3A_663 = arith.constant 16 : index
        %swap3A_664 = tpu.vector_load %arg10[%swap3A_662, %swap3A_663] {strides = array<i32>} : memref<128x128xf32, #tpu.memory_space<vmem>>, vector<1x16xf32>,
        %swap3A_665 = vector.shape_cast %swap3A_664 : vector<1x16xf32> to vector<16xf32>
        %swap3A_666 = vector.shape_cast %mul3A_659 : vector<16xf32> to vector<1x16xf32>
        tpu.vector_store %arg10[%swap3A_662, %swap3A_663], %swap3A_666 {strides = array<i32>} : memref<128x128xf32, #tpu.memory_space<vmem>>, vector<1x16xf32>,
        %add3A_667 = arith.constant 5 : i32
        %add3A_668 = arith.addi %mul3A_63, %add3A_667 : i32
        %get3A_669 = arith.index_cast %add3A_668 : i32 to index
        %get3A_670 = arith.constant 32 : index
        %get3A_671 = tpu.vector_load %arg10[%get3A_669, %get3A_670] {strides = array<i32>} : memref<128x128xf32, #tpu.memory_space<vmem>>, vector<1x16xf32>,
        %get3A_672 = vector.shape_cast %get3A_671 : vector<1x16xf32> to vector<16xf32>
        %mul3A_673 = arith.mulf %get3A_672, %broadcast_in_dim3A_638 : vector<16xf32>
        %add3A_674 = arith.constant 5 : i32
        %add3A_675 = arith.addi %mul3A_63, %add3A_674 : i32
        %swap3A_676 = arith.index_cast %add3A_675 : i32 to index
        %swap3A_677 = arith.constant 32 : index
        %swap3A_678 = tpu.vector_load %arg10[%swap3A_676, %swap3A_677] {strides = array<i32>} : memref<128x128xf32, #tpu.memory_space<vmem>>, vector<1x16xf32>,
        %swap3A_679 = vector.shape_cast %swap3A_678 : vector<1x16xf32> to vector<16xf32>
        %swap3A_680 = vector.shape_cast %mul3A_673 : vector<16xf32> to vector<1x16xf32>
        tpu.vector_store %arg10[%swap3A_676, %swap3A_677], %swap3A_680 {strides = array<i32>} : memref<128x128xf32, #tpu.memory_space<vmem>>, vector<1x16xf32>,
        %add3A_681 = arith.constant 5 : i32
        %add3A_682 = arith.addi %mul3A_63, %add3A_681 : i32
        %get3A_683 = arith.index_cast %add3A_682 : i32 to index
        %get3A_684 = arith.constant 48 : index
        %get3A_685 = tpu.vector_load %arg10[%get3A_683, %get3A_684] {strides = array<i32>} : memref<128x128xf32, #tpu.memory_space<vmem>>, vector<1x16xf32>,
        %get3A_686 = vector.shape_cast %get3A_685 : vector<1x16xf32> to vector<16xf32>
        %mul3A_687 = arith.mulf %get3A_686, %broadcast_in_dim3A_638 : vector<16xf32>
        %add3A_688 = arith.constant 5 : i32
        %add3A_689 = arith.addi %mul3A_63, %add3A_688 : i32
        %swap3A_690 = arith.index_cast %add3A_689 : i32 to index
        %swap3A_691 = arith.constant 48 : index
        %swap3A_692 = tpu.vector_load %arg10[%swap3A_690, %swap3A_691] {strides = array<i32>} : memref<128x128xf32, #tpu.memory_space<vmem>>, vector<1x16xf32>,
        %swap3A_693 = vector.shape_cast %swap3A_692 : vector<1x16xf32> to vector<16xf32>
        %swap3A_694 = vector.shape_cast %mul3A_687 : vector<16xf32> to vector<1x16xf32>
        tpu.vector_store %arg10[%swap3A_690, %swap3A_691], %swap3A_694 {strides = array<i32>} : memref<128x128xf32, #tpu.memory_space<vmem>>, vector<1x16xf32>,
        %add3A_695 = arith.constant 5 : i32
        %add3A_696 = arith.addi %mul3A_63, %add3A_695 : i32
        %get3A_697 = arith.index_cast %add3A_696 : i32 to index
        %get3A_698 = arith.constant 64 : index
        %get3A_699 = tpu.vector_load %arg10[%get3A_697, %get3A_698] {strides = array<i32>} : memref<128x128xf32, #tpu.memory_space<vmem>>, vector<1x16xf32>,
        %get3A_700 = vector.shape_cast %get3A_699 : vector<1x16xf32> to vector<16xf32>
        %mul3A_701 = arith.mulf %get3A_700, %broadcast_in_dim3A_638 : vector<16xf32>
        %add3A_702 = arith.constant 5 : i32
        %add3A_703 = arith.addi %mul3A_63, %add3A_702 : i32
        %swap3A_704 = arith.index_cast %add3A_703 : i32 to index
        %swap3A_705 = arith.constant 64 : index
        %swap3A_706 = tpu.vector_load %arg10[%swap3A_704, %swap3A_705] {strides = array<i32>} : memref<128x128xf32, #tpu.memory_space<vmem>>, vector<1x16xf32>,
        %swap3A_707 = vector.shape_cast %swap3A_706 : vector<1x16xf32> to vector<16xf32>
        %swap3A_708 = vector.shape_cast %mul3A_701 : vector<16xf32> to vector<1x16xf32>
        tpu.vector_store %arg10[%swap3A_704, %swap3A_705], %swap3A_708 {strides = array<i32>} : memref<128x128xf32, #tpu.memory_space<vmem>>, vector<1x16xf32>,
        %add3A_709 = arith.constant 5 : i32
        %add3A_710 = arith.addi %mul3A_63, %add3A_709 : i32
        %get3A_711 = arith.index_cast %add3A_710 : i32 to index
        %get3A_712 = arith.constant 80 : index
        %get3A_713 = tpu.vector_load %arg10[%get3A_711, %get3A_712] {strides = array<i32>} : memref<128x128xf32, #tpu.memory_space<vmem>>, vector<1x16xf32>,
        %get3A_714 = vector.shape_cast %get3A_713 : vector<1x16xf32> to vector<16xf32>
        %mul3A_715 = arith.mulf %get3A_714, %broadcast_in_dim3A_638 : vector<16xf32>
        %add3A_716 = arith.constant 5 : i32
        %add3A_717 = arith.addi %mul3A_63, %add3A_716 : i32
        %swap3A_718 = arith.index_cast %add3A_717 : i32 to index
        %swap3A_719 = arith.constant 80 : index
        %swap3A_720 = tpu.vector_load %arg10[%swap3A_718, %swap3A_719] {strides = array<i32>} : memref<128x128xf32, #tpu.memory_space<vmem>>, vector<1x16xf32>,
        %swap3A_721 = vector.shape_cast %swap3A_720 : vector<1x16xf32> to vector<16xf32>
        %swap3A_722 = vector.shape_cast %mul3A_715 : vector<16xf32> to vector<1x16xf32>
        tpu.vector_store %arg10[%swap3A_718, %swap3A_719], %swap3A_722 {strides = array<i32>} : memref<128x128xf32, #tpu.memory_space<vmem>>, vector<1x16xf32>,
        %add3A_723 = arith.constant 5 : i32
        %add3A_724 = arith.addi %mul3A_63, %add3A_723 : i32
        %get3A_725 = arith.index_cast %add3A_724 : i32 to index
        %get3A_726 = arith.constant 96 : index
        %get3A_727 = tpu.vector_load %arg10[%get3A_725, %get3A_726] {strides = array<i32>} : memref<128x128xf32, #tpu.memory_space<vmem>>, vector<1x16xf32>,
        %get3A_728 = vector.shape_cast %get3A_727 : vector<1x16xf32> to vector<16xf32>
        %mul3A_729 = arith.mulf %get3A_728, %broadcast_in_dim3A_638 : vector<16xf32>
        %add3A_730 = arith.constant 5 : i32
        %add3A_731 = arith.addi %mul3A_63, %add3A_730 : i32
        %swap3A_732 = arith.index_cast %add3A_731 : i32 to index
        %swap3A_733 = arith.constant 96 : index
        %swap3A_734 = tpu.vector_load %arg10[%swap3A_732, %swap3A_733] {strides = array<i32>} : memref<128x128xf32, #tpu.memory_space<vmem>>, vector<1x16xf32>,
        %swap3A_735 = vector.shape_cast %swap3A_734 : vector<1x16xf32> to vector<16xf32>
        %swap3A_736 = vector.shape_cast %mul3A_729 : vector<16xf32> to vector<1x16xf32>
        tpu.vector_store %arg10[%swap3A_732, %swap3A_733], %swap3A_736 {strides = array<i32>} : memref<128x128xf32, #tpu.memory_space<vmem>>, vector<1x16xf32>,
        %add3A_737 = arith.constant 5 : i32
        %add3A_738 = arith.addi %mul3A_63, %add3A_737 : i32
        %get3A_739 = arith.index_cast %add3A_738 : i32 to index
        %get3A_740 = arith.constant 112 : index
        %get3A_741 = tpu.vector_load %arg10[%get3A_739, %get3A_740] {strides = array<i32>} : memref<128x128xf32, #tpu.memory_space<vmem>>, vector<1x16xf32>,
        %get3A_742 = vector.shape_cast %get3A_741 : vector<1x16xf32> to vector<16xf32>
        %mul3A_743 = arith.mulf %get3A_742, %broadcast_in_dim3A_638 : vector<16xf32>
        %add3A_744 = arith.constant 5 : i32
        %add3A_745 = arith.addi %mul3A_63, %add3A_744 : i32
        %swap3A_746 = arith.index_cast %add3A_745 : i32 to index
        %swap3A_747 = arith.constant 112 : index
        %swap3A_748 = tpu.vector_load %arg10[%swap3A_746, %swap3A_747] {strides = array<i32>} : memref<128x128xf32, #tpu.memory_space<vmem>>, vector<1x16xf32>,
        %swap3A_749 = vector.shape_cast %swap3A_748 : vector<1x16xf32> to vector<16xf32>
        %swap3A_750 = vector.shape_cast %mul3A_743 : vector<16xf32> to vector<1x16xf32>
        tpu.vector_store %arg10[%swap3A_746, %swap3A_747], %swap3A_750 {strides = array<i32>} : memref<128x128xf32, #tpu.memory_space<vmem>>, vector<1x16xf32>,
        %slice3A_751 = vector.extract_strided_slice %get3A_61 {offsets = [6], sizes = [1], strides = [1]} : vector<16xf32> to vector<1xf32>
        %squeeze3A_752 = vector.extract %slice3A_751[0] : f32 from vector<1xf32>
        %broadcast_in_dim3A_753 = vector.broadcast %squeeze3A_752 : f32 to vector<16xf32>
        %add3A_754 = arith.constant 6 : i32
        %add3A_755 = arith.addi %mul3A_63, %add3A_754 : i32
        %get3A_756 = arith.index_cast %add3A_755 : i32 to index
        %get3A_757 = arith.constant 0 : index
        %get3A_758 = tpu.vector_load %arg10[%get3A_756, %get3A_757] {strides = array<i32>} : memref<128x128xf32, #tpu.memory_space<vmem>>, vector<1x16xf32>,
        %get3A_759 = vector.shape_cast %get3A_758 : vector<1x16xf32> to vector<16xf32>
        %mul3A_760 = arith.mulf %get3A_759, %broadcast_in_dim3A_753 : vector<16xf32>
        %add3A_761 = arith.constant 6 : i32
        %add3A_762 = arith.addi %mul3A_63, %add3A_761 : i32
        %swap3A_763 = arith.index_cast %add3A_762 : i32 to index
        %swap3A_764 = arith.constant 0 : index
        %swap3A_765 = tpu.vector_load %arg10[%swap3A_763, %swap3A_764] {strides = array<i32>} : memref<128x128xf32, #tpu.memory_space<vmem>>, vector<1x16xf32>,
        %swap3A_766 = vector.shape_cast %swap3A_765 : vector<1x16xf32> to vector<16xf32>
        %swap3A_767 = vector.shape_cast %mul3A_760 : vector<16xf32> to vector<1x16xf32>
        tpu.vector_store %arg10[%swap3A_763, %swap3A_764], %swap3A_767 {strides = array<i32>} : memref<128x128xf32, #tpu.memory_space<vmem>>, vector<1x16xf32>,
        %add3A_768 = arith.constant 6 : i32
        %add3A_769 = arith.addi %mul3A_63, %add3A_768 : i32
        %get3A_770 = arith.index_cast %add3A_769 : i32 to index
        %get3A_771 = arith.constant 16 : index
        %get3A_772 = tpu.vector_load %arg10[%get3A_770, %get3A_771] {strides = array<i32>} : memref<128x128xf32, #tpu.memory_space<vmem>>, vector<1x16xf32>,
        %get3A_773 = vector.shape_cast %get3A_772 : vector<1x16xf32> to vector<16xf32>
        %mul3A_774 = arith.mulf %get3A_773, %broadcast_in_dim3A_753 : vector<16xf32>
        %add3A_775 = arith.constant 6 : i32
        %add3A_776 = arith.addi %mul3A_63, %add3A_775 : i32
        %swap3A_777 = arith.index_cast %add3A_776 : i32 to index
        %swap3A_778 = arith.constant 16 : index
        %swap3A_779 = tpu.vector_load %arg10[%swap3A_777, %swap3A_778] {strides = array<i32>} : memref<128x128xf32, #tpu.memory_space<vmem>>, vector<1x16xf32>,
        %swap3A_780 = vector.shape_cast %swap3A_779 : vector<1x16xf32> to vector<16xf32>
        %swap3A_781 = vector.shape_cast %mul3A_774 : vector<16xf32> to vector<1x16xf32>
        tpu.vector_store %arg10[%swap3A_777, %swap3A_778], %swap3A_781 {strides = array<i32>} : memref<128x128xf32, #tpu.memory_space<vmem>>, vector<1x16xf32>,
        %add3A_782 = arith.constant 6 : i32
        %add3A_783 = arith.addi %mul3A_63, %add3A_782 : i32
        %get3A_784 = arith.index_cast %add3A_783 : i32 to index
        %get3A_785 = arith.constant 32 : index
        %get3A_786 = tpu.vector_load %arg10[%get3A_784, %get3A_785] {strides = array<i32>} : memref<128x128xf32, #tpu.memory_space<vmem>>, vector<1x16xf32>,
        %get3A_787 = vector.shape_cast %get3A_786 : vector<1x16xf32> to vector<16xf32>
        %mul3A_788 = arith.mulf %get3A_787, %broadcast_in_dim3A_753 : vector<16xf32>
        %add3A_789 = arith.constant 6 : i32
        %add3A_790 = arith.addi %mul3A_63, %add3A_789 : i32
        %swap3A_791 = arith.index_cast %add3A_790 : i32 to index
        %swap3A_792 = arith.constant 32 : index
        %swap3A_793 = tpu.vector_load %arg10[%swap3A_791, %swap3A_792] {strides = array<i32>} : memref<128x128xf32, #tpu.memory_space<vmem>>, vector<1x16xf32>,
        %swap3A_794 = vector.shape_cast %swap3A_793 : vector<1x16xf32> to vector<16xf32>
        %swap3A_795 = vector.shape_cast %mul3A_788 : vector<16xf32> to vector<1x16xf32>
        tpu.vector_store %arg10[%swap3A_791, %swap3A_792], %swap3A_795 {strides = array<i32>} : memref<128x128xf32, #tpu.memory_space<vmem>>, vector<1x16xf32>,
        %add3A_796 = arith.constant 6 : i32
        %add3A_797 = arith.addi %mul3A_63, %add3A_796 : i32
        %get3A_798 = arith.index_cast %add3A_797 : i32 to index
        %get3A_799 = arith.constant 48 : index
        %get3A_800 = tpu.vector_load %arg10[%get3A_798, %get3A_799] {strides = array<i32>} : memref<128x128xf32, #tpu.memory_space<vmem>>, vector<1x16xf32>,
        %get3A_801 = vector.shape_cast %get3A_800 : vector<1x16xf32> to vector<16xf32>
        %mul3A_802 = arith.mulf %get3A_801, %broadcast_in_dim3A_753 : vector<16xf32>
        %add3A_803 = arith.constant 6 : i32
        %add3A_804 = arith.addi %mul3A_63, %add3A_803 : i32
        %swap3A_805 = arith.index_cast %add3A_804 : i32 to index
        %swap3A_806 = arith.constant 48 : index
        %swap3A_807 = tpu.vector_load %arg10[%swap3A_805, %swap3A_806] {strides = array<i32>} : memref<128x128xf32, #tpu.memory_space<vmem>>, vector<1x16xf32>,
        %swap3A_808 = vector.shape_cast %swap3A_807 : vector<1x16xf32> to vector<16xf32>
        %swap3A_809 = vector.shape_cast %mul3A_802 : vector<16xf32> to vector<1x16xf32>
        tpu.vector_store %arg10[%swap3A_805, %swap3A_806], %swap3A_809 {strides = array<i32>} : memref<128x128xf32, #tpu.memory_space<vmem>>, vector<1x16xf32>,
        %add3A_810 = arith.constant 6 : i32
        %add3A_811 = arith.addi %mul3A_63, %add3A_810 : i32
        %get3A_812 = arith.index_cast %add3A_811 : i32 to index
        %get3A_813 = arith.constant 64 : index
        %get3A_814 = tpu.vector_load %arg10[%get3A_812, %get3A_813] {strides = array<i32>} : memref<128x128xf32, #tpu.memory_space<vmem>>, vector<1x16xf32>,
        %get3A_815 = vector.shape_cast %get3A_814 : vector<1x16xf32> to vector<16xf32>
        %mul3A_816 = arith.mulf %get3A_815, %broadcast_in_dim3A_753 : vector<16xf32>
        %add3A_817 = arith.constant 6 : i32
        %add3A_818 = arith.addi %mul3A_63, %add3A_817 : i32
        %swap3A_819 = arith.index_cast %add3A_818 : i32 to index
        %swap3A_820 = arith.constant 64 : index
        %swap3A_821 = tpu.vector_load %arg10[%swap3A_819, %swap3A_820] {strides = array<i32>} : memref<128x128xf32, #tpu.memory_space<vmem>>, vector<1x16xf32>,
        %swap3A_822 = vector.shape_cast %swap3A_821 : vector<1x16xf32> to vector<16xf32>
        %swap3A_823 = vector.shape_cast %mul3A_816 : vector<16xf32> to vector<1x16xf32>
        tpu.vector_store %arg10[%swap3A_819, %swap3A_820], %swap3A_823 {strides = array<i32>} : memref<128x128xf32, #tpu.memory_space<vmem>>, vector<1x16xf32>,
        %add3A_824 = arith.constant 6 : i32
        %add3A_825 = arith.addi %mul3A_63, %add3A_824 : i32
        %get3A_826 = arith.index_cast %add3A_825 : i32 to index
        %get3A_827 = arith.constant 80 : index
        %get3A_828 = tpu.vector_load %arg10[%get3A_826, %get3A_827] {strides = array<i32>} : memref<128x128xf32, #tpu.memory_space<vmem>>, vector<1x16xf32>,
        %get3A_829 = vector.shape_cast %get3A_828 : vector<1x16xf32> to vector<16xf32>
        %mul3A_830 = arith.mulf %get3A_829, %broadcast_in_dim3A_753 : vector<16xf32>
        %add3A_831 = arith.constant 6 : i32
        %add3A_832 = arith.addi %mul3A_63, %add3A_831 : i32
        %swap3A_833 = arith.index_cast %add3A_832 : i32 to index
        %swap3A_834 = arith.constant 80 : index
        %swap3A_835 = tpu.vector_load %arg10[%swap3A_833, %swap3A_834] {strides = array<i32>} : memref<128x128xf32, #tpu.memory_space<vmem>>, vector<1x16xf32>,
        %swap3A_836 = vector.shape_cast %swap3A_835 : vector<1x16xf32> to vector<16xf32>
        %swap3A_837 = vector.shape_cast %mul3A_830 : vector<16xf32> to vector<1x16xf32>
        tpu.vector_store %arg10[%swap3A_833, %swap3A_834], %swap3A_837 {strides = array<i32>} : memref<128x128xf32, #tpu.memory_space<vmem>>, vector<1x16xf32>,
        %add3A_838 = arith.constant 6 : i32
        %add3A_839 = arith.addi %mul3A_63, %add3A_838 : i32
        %get3A_840 = arith.index_cast %add3A_839 : i32 to index
        %get3A_841 = arith.constant 96 : index
        %get3A_842 = tpu.vector_load %arg10[%get3A_840, %get3A_841] {strides = array<i32>} : memref<128x128xf32, #tpu.memory_space<vmem>>, vector<1x16xf32>,
        %get3A_843 = vector.shape_cast %get3A_842 : vector<1x16xf32> to vector<16xf32>
        %mul3A_844 = arith.mulf %get3A_843, %broadcast_in_dim3A_753 : vector<16xf32>
        %add3A_845 = arith.constant 6 : i32
        %add3A_846 = arith.addi %mul3A_63, %add3A_845 : i32
        %swap3A_847 = arith.index_cast %add3A_846 : i32 to index
        %swap3A_848 = arith.constant 96 : index
        %swap3A_849 = tpu.vector_load %arg10[%swap3A_847, %swap3A_848] {strides = array<i32>} : memref<128x128xf32, #tpu.memory_space<vmem>>, vector<1x16xf32>,
        %swap3A_850 = vector.shape_cast %swap3A_849 : vector<1x16xf32> to vector<16xf32>
        %swap3A_851 = vector.shape_cast %mul3A_844 : vector<16xf32> to vector<1x16xf32>
        tpu.vector_store %arg10[%swap3A_847, %swap3A_848], %swap3A_851 {strides = array<i32>} : memref<128x128xf32, #tpu.memory_space<vmem>>, vector<1x16xf32>,
        %add3A_852 = arith.constant 6 : i32
        %add3A_853 = arith.addi %mul3A_63, %add3A_852 : i32
        %get3A_854 = arith.index_cast %add3A_853 : i32 to index
        %get3A_855 = arith.constant 112 : index
        %get3A_856 = tpu.vector_load %arg10[%get3A_854, %get3A_855] {strides = array<i32>} : memref<128x128xf32, #tpu.memory_space<vmem>>, vector<1x16xf32>,
        %get3A_857 = vector.shape_cast %get3A_856 : vector<1x16xf32> to vector<16xf32>
        %mul3A_858 = arith.mulf %get3A_857, %broadcast_in_dim3A_753 : vector<16xf32>
        %add3A_859 = arith.constant 6 : i32
        %add3A_860 = arith.addi %mul3A_63, %add3A_859 : i32
        %swap3A_861 = arith.index_cast %add3A_860 : i32 to index
        %swap3A_862 = arith.constant 112 : index
        %swap3A_863 = tpu.vector_load %arg10[%swap3A_861, %swap3A_862] {strides = array<i32>} : memref<128x128xf32, #tpu.memory_space<vmem>>, vector<1x16xf32>,
        %swap3A_864 = vector.shape_cast %swap3A_863 : vector<1x16xf32> to vector<16xf32>
        %swap3A_865 = vector.shape_cast %mul3A_858 : vector<16xf32> to vector<1x16xf32>
        tpu.vector_store %arg10[%swap3A_861, %swap3A_862], %swap3A_865 {strides = array<i32>} : memref<128x128xf32, #tpu.memory_space<vmem>>, vector<1x16xf32>,
        %slice3A_866 = vector.extract_strided_slice %get3A_61 {offsets = [7], sizes = [1], strides = [1]} : vector<16xf32> to vector<1xf32>
        %squeeze3A_867 = vector.extract %slice3A_866[0] : f32 from vector<1xf32>
        %broadcast_in_dim3A_868 = vector.broadcast %squeeze3A_867 : f32 to vector<16xf32>
        %add3A_869 = arith.constant 7 : i32
        %add3A_870 = arith.addi %mul3A_63, %add3A_869 : i32
        %get3A_871 = arith.index_cast %add3A_870 : i32 to index
        %get3A_872 = arith.constant 0 : index
        %get3A_873 = tpu.vector_load %arg10[%get3A_871, %get3A_872] {strides = array<i32>} : memref<128x128xf32, #tpu.memory_space<vmem>>, vector<1x16xf32>,
        %get3A_874 = vector.shape_cast %get3A_873 : vector<1x16xf32> to vector<16xf32>
        %mul3A_875 = arith.mulf %get3A_874, %broadcast_in_dim3A_868 : vector<16xf32>
        %add3A_876 = arith.constant 7 : i32
        %add3A_877 = arith.addi %mul3A_63, %add3A_876 : i32
        %swap3A_878 = arith.index_cast %add3A_877 : i32 to index
        %swap3A_879 = arith.constant 0 : index
        %swap3A_880 = tpu.vector_load %arg10[%swap3A_878, %swap3A_879] {strides = array<i32>} : memref<128x128xf32, #tpu.memory_space<vmem>>, vector<1x16xf32>,
        %swap3A_881 = vector.shape_cast %swap3A_880 : vector<1x16xf32> to vector<16xf32>
        %swap3A_882 = vector.shape_cast %mul3A_875 : vector<16xf32> to vector<1x16xf32>
        tpu.vector_store %arg10[%swap3A_878, %swap3A_879], %swap3A_882 {strides = array<i32>} : memref<128x128xf32, #tpu.memory_space<vmem>>, vector<1x16xf32>,
        %add3A_883 = arith.constant 7 : i32
        %add3A_884 = arith.addi %mul3A_63, %add3A_883 : i32
        %get3A_885 = arith.index_cast %add3A_884 : i32 to index
        %get3A_886 = arith.constant 16 : index
        %get3A_887 = tpu.vector_load %arg10[%get3A_885, %get3A_886] {strides = array<i32>} : memref<128x128xf32, #tpu.memory_space<vmem>>, vector<1x16xf32>,
        %get3A_888 = vector.shape_cast %get3A_887 : vector<1x16xf32> to vector<16xf32>
        %mul3A_889 = arith.mulf %get3A_888, %broadcast_in_dim3A_868 : vector<16xf32>
        %add3A_890 = arith.constant 7 : i32
        %add3A_891 = arith.addi %mul3A_63, %add3A_890 : i32
        %swap3A_892 = arith.index_cast %add3A_891 : i32 to index
        %swap3A_893 = arith.constant 16 : index
        %swap3A_894 = tpu.vector_load %arg10[%swap3A_892, %swap3A_893] {strides = array<i32>} : memref<128x128xf32, #tpu.memory_space<vmem>>, vector<1x16xf32>,
        %swap3A_895 = vector.shape_cast %swap3A_894 : vector<1x16xf32> to vector<16xf32>
        %swap3A_896 = vector.shape_cast %mul3A_889 : vector<16xf32> to vector<1x16xf32>
        tpu.vector_store %arg10[%swap3A_892, %swap3A_893], %swap3A_896 {strides = array<i32>} : memref<128x128xf32, #tpu.memory_space<vmem>>, vector<1x16xf32>,
        %add3A_897 = arith.constant 7 : i32
        %add3A_898 = arith.addi %mul3A_63, %add3A_897 : i32
        %get3A_899 = arith.index_cast %add3A_898 : i32 to index
        %get3A_900 = arith.constant 32 : index
        %get3A_901 = tpu.vector_load %arg10[%get3A_899, %get3A_900] {strides = array<i32>} : memref<128x128xf32, #tpu.memory_space<vmem>>, vector<1x16xf32>,
        %get3A_902 = vector.shape_cast %get3A_901 : vector<1x16xf32> to vector<16xf32>
        %mul3A_903 = arith.mulf %get3A_902, %broadcast_in_dim3A_868 : vector<16xf32>
        %add3A_904 = arith.constant 7 : i32
        %add3A_905 = arith.addi %mul3A_63, %add3A_904 : i32
        %swap3A_906 = arith.index_cast %add3A_905 : i32 to index
        %swap3A_907 = arith.constant 32 : index
        %swap3A_908 = tpu.vector_load %arg10[%swap3A_906, %swap3A_907] {strides = array<i32>} : memref<128x128xf32, #tpu.memory_space<vmem>>, vector<1x16xf32>,
        %swap3A_909 = vector.shape_cast %swap3A_908 : vector<1x16xf32> to vector<16xf32>
        %swap3A_910 = vector.shape_cast %mul3A_903 : vector<16xf32> to vector<1x16xf32>
        tpu.vector_store %arg10[%swap3A_906, %swap3A_907], %swap3A_910 {strides = array<i32>} : memref<128x128xf32, #tpu.memory_space<vmem>>, vector<1x16xf32>,
        %add3A_911 = arith.constant 7 : i32
        %add3A_912 = arith.addi %mul3A_63, %add3A_911 : i32
        %get3A_913 = arith.index_cast %add3A_912 : i32 to index
        %get3A_914 = arith.constant 48 : index
        %get3A_915 = tpu.vector_load %arg10[%get3A_913, %get3A_914] {strides = array<i32>} : memref<128x128xf32, #tpu.memory_space<vmem>>, vector<1x16xf32>,
        %get3A_916 = vector.shape_cast %get3A_915 : vector<1x16xf32> to vector<16xf32>
        %mul3A_917 = arith.mulf %get3A_916, %broadcast_in_dim3A_868 : vector<16xf32>
        %add3A_918 = arith.constant 7 : i32
        %add3A_919 = arith.addi %mul3A_63, %add3A_918 : i32
        %swap3A_920 = arith.index_cast %add3A_919 : i32 to index
        %swap3A_921 = arith.constant 48 : index
        %swap3A_922 = tpu.vector_load %arg10[%swap3A_920, %swap3A_921] {strides = array<i32>} : memref<128x128xf32, #tpu.memory_space<vmem>>, vector<1x16xf32>,
        %swap3A_923 = vector.shape_cast %swap3A_922 : vector<1x16xf32> to vector<16xf32>
        %swap3A_924 = vector.shape_cast %mul3A_917 : vector<16xf32> to vector<1x16xf32>
        tpu.vector_store %arg10[%swap3A_920, %swap3A_921], %swap3A_924 {strides = array<i32>} : memref<128x128xf32, #tpu.memory_space<vmem>>, vector<1x16xf32>,
        %add3A_925 = arith.constant 7 : i32
        %add3A_926 = arith.addi %mul3A_63, %add3A_925 : i32
        %get3A_927 = arith.index_cast %add3A_926 : i32 to index
        %get3A_928 = arith.constant 64 : index
        %get3A_929 = tpu.vector_load %arg10[%get3A_927, %get3A_928] {strides = array<i32>} : memref<128x128xf32, #tpu.memory_space<vmem>>, vector<1x16xf32>,
        %get3A_930 = vector.shape_cast %get3A_929 : vector<1x16xf32> to vector<16xf32>
        %mul3A_931 = arith.mulf %get3A_930, %broadcast_in_dim3A_868 : vector<16xf32>
        %add3A_932 = arith.constant 7 : i32
        %add3A_933 = arith.addi %mul3A_63, %add3A_932 : i32
        %swap3A_934 = arith.index_cast %add3A_933 : i32 to index
        %swap3A_935 = arith.constant 64 : index
        %swap3A_936 = tpu.vector_load %arg10[%swap3A_934, %swap3A_935] {strides = array<i32>} : memref<128x128xf32, #tpu.memory_space<vmem>>, vector<1x16xf32>,
        %swap3A_937 = vector.shape_cast %swap3A_936 : vector<1x16xf32> to vector<16xf32>
        %swap3A_938 = vector.shape_cast %mul3A_931 : vector<16xf32> to vector<1x16xf32>
        tpu.vector_store %arg10[%swap3A_934, %swap3A_935], %swap3A_938 {strides = array<i32>} : memref<128x128xf32, #tpu.memory_space<vmem>>, vector<1x16xf32>,
        %add3A_939 = arith.constant 7 : i32
        %add3A_940 = arith.addi %mul3A_63, %add3A_939 : i32
        %get3A_941 = arith.index_cast %add3A_940 : i32 to index
        %get3A_942 = arith.constant 80 : index
        %get3A_943 = tpu.vector_load %arg10[%get3A_941, %get3A_942] {strides = array<i32>} : memref<128x128xf32, #tpu.memory_space<vmem>>, vector<1x16xf32>,
        %get3A_944 = vector.shape_cast %get3A_943 : vector<1x16xf32> to vector<16xf32>
        %mul3A_945 = arith.mulf %get3A_944, %broadcast_in_dim3A_868 : vector<16xf32>
        %add3A_946 = arith.constant 7 : i32
        %add3A_947 = arith.addi %mul3A_63, %add3A_946 : i32
        %swap3A_948 = arith.index_cast %add3A_947 : i32 to index
        %swap3A_949 = arith.constant 80 : index
        %swap3A_950 = tpu.vector_load %arg10[%swap3A_948, %swap3A_949] {strides = array<i32>} : memref<128x128xf32, #tpu.memory_space<vmem>>, vector<1x16xf32>,
        %swap3A_951 = vector.shape_cast %swap3A_950 : vector<1x16xf32> to vector<16xf32>
        %swap3A_952 = vector.shape_cast %mul3A_945 : vector<16xf32> to vector<1x16xf32>
        tpu.vector_store %arg10[%swap3A_948, %swap3A_949], %swap3A_952 {strides = array<i32>} : memref<128x128xf32, #tpu.memory_space<vmem>>, vector<1x16xf32>,
        %add3A_953 = arith.constant 7 : i32
        %add3A_954 = arith.addi %mul3A_63, %add3A_953 : i32
        %get3A_955 = arith.index_cast %add3A_954 : i32 to index
        %get3A_956 = arith.constant 96 : index
        %get3A_957 = tpu.vector_load %arg10[%get3A_955, %get3A_956] {strides = array<i32>} : memref<128x128xf32, #tpu.memory_space<vmem>>, vector<1x16xf32>,
        %get3A_958 = vector.shape_cast %get3A_957 : vector<1x16xf32> to vector<16xf32>
        %mul3A_959 = arith.mulf %get3A_958, %broadcast_in_dim3A_868 : vector<16xf32>
        %add3A_960 = arith.constant 7 : i32
        %add3A_961 = arith.addi %mul3A_63, %add3A_960 : i32
        %swap3A_962 = arith.index_cast %add3A_961 : i32 to index
        %swap3A_963 = arith.constant 96 : index
        %swap3A_964 = tpu.vector_load %arg10[%swap3A_962, %swap3A_963] {strides = array<i32>} : memref<128x128xf32, #tpu.memory_space<vmem>>, vector<1x16xf32>,
        %swap3A_965 = vector.shape_cast %swap3A_964 : vector<1x16xf32> to vector<16xf32>
        %swap3A_966 = vector.shape_cast %mul3A_959 : vector<16xf32> to vector<1x16xf32>
        tpu.vector_store %arg10[%swap3A_962, %swap3A_963], %swap3A_966 {strides = array<i32>} : memref<128x128xf32, #tpu.memory_space<vmem>>, vector<1x16xf32>,
        %add3A_967 = arith.constant 7 : i32
        %add3A_968 = arith.addi %mul3A_63, %add3A_967 : i32
        %get3A_969 = arith.index_cast %add3A_968 : i32 to index
        %get3A_970 = arith.constant 112 : index
        %get3A_971 = tpu.vector_load %arg10[%get3A_969, %get3A_970] {strides = array<i32>} : memref<128x128xf32, #tpu.memory_space<vmem>>, vector<1x16xf32>,
        %get3A_972 = vector.shape_cast %get3A_971 : vector<1x16xf32> to vector<16xf32>
        %mul3A_973 = arith.mulf %get3A_972, %broadcast_in_dim3A_868 : vector<16xf32>
        %add3A_974 = arith.constant 7 : i32
        %add3A_975 = arith.addi %mul3A_63, %add3A_974 : i32
        %swap3A_976 = arith.index_cast %add3A_975 : i32 to index
        %swap3A_977 = arith.constant 112 : index
        %swap3A_978 = tpu.vector_load %arg10[%swap3A_976, %swap3A_977] {strides = array<i32>} : memref<128x128xf32, #tpu.memory_space<vmem>>, vector<1x16xf32>,
        %swap3A_979 = vector.shape_cast %swap3A_978 : vector<1x16xf32> to vector<16xf32>
        %swap3A_980 = vector.shape_cast %mul3A_973 : vector<16xf32> to vector<1x16xf32>
        tpu.vector_store %arg10[%swap3A_976, %swap3A_977], %swap3A_980 {strides = array<i32>} : memref<128x128xf32, #tpu.memory_space<vmem>>, vector<1x16xf32>,
        %slice3A_981 = vector.extract_strided_slice %get3A_61 {offsets = [8], sizes = [1], strides = [1]} : vector<16xf32> to vector<1xf32>
        %squeeze3A_982 = vector.extract %slice3A_981[0] : f32 from vector<1xf32>
        %broadcast_in_dim3A_983 = vector.broadcast %squeeze3A_982 : f32 to vector<16xf32>
        %add3A_984 = arith.constant 8 : i32
        %add3A_985 = arith.addi %mul3A_63, %add3A_984 : i32
        %get3A_986 = arith.index_cast %add3A_985 : i32 to index
        %get3A_987 = arith.constant 0 : index
        %get3A_988 = tpu.vector_load %arg10[%get3A_986, %get3A_987] {strides = array<i32>} : memref<128x128xf32, #tpu.memory_space<vmem>>, vector<1x16xf32>,
        %get3A_989 = vector.shape_cast %get3A_988 : vector<1x16xf32> to vector<16xf32>
        %mul3A_990 = arith.mulf %get3A_989, %broadcast_in_dim3A_983 : vector<16xf32>
        %add3A_991 = arith.constant 8 : i32
        %add3A_992 = arith.addi %mul3A_63, %add3A_991 : i32
        %swap3A_993 = arith.index_cast %add3A_992 : i32 to index
        %swap3A_994 = arith.constant 0 : index
        %swap3A_995 = tpu.vector_load %arg10[%swap3A_993, %swap3A_994] {strides = array<i32>} : memref<128x128xf32, #tpu.memory_space<vmem>>, vector<1x16xf32>,
        %swap3A_996 = vector.shape_cast %swap3A_995 : vector<1x16xf32> to vector<16xf32>
        %swap3A_997 = vector.shape_cast %mul3A_990 : vector<16xf32> to vector<1x16xf32>
        tpu.vector_store %arg10[%swap3A_993, %swap3A_994], %swap3A_997 {strides = array<i32>} : memref<128x128xf32, #tpu.memory_space<vmem>>, vector<1x16xf32>,
        %add3A_998 = arith.constant 8 : i32
        %add3A_999 = arith.addi %mul3A_63, %add3A_998 : i32
        %get3A_1000 = arith.index_cast %add3A_999 : i32 to index
        %get3A_1001 = arith.constant 16 : index
        %get3A_1002 = tpu.vector_load %arg10[%get3A_1000, %get3A_1001] {strides = array<i32>} : memref<128x128xf32, #tpu.memory_space<vmem>>, vector<1x16xf32>,
        %get3A_1003 = vector.shape_cast %get3A_1002 : vector<1x16xf32> to vector<16xf32>
        %mul3A_1004 = arith.mulf %get3A_1003, %broadcast_in_dim3A_983 : vector<16xf32>
        %add3A_1005 = arith.constant 8 : i32
        %add3A_1006 = arith.addi %mul3A_63, %add3A_1005 : i32
        %swap3A_1007 = arith.index_cast %add3A_1006 : i32 to index
        %swap3A_1008 = arith.constant 16 : index
        %swap3A_1009 = tpu.vector_load %arg10[%swap3A_1007, %swap3A_1008] {strides = array<i32>} : memref<128x128xf32, #tpu.memory_space<vmem>>, vector<1x16xf32>,
        %swap3A_1010 = vector.shape_cast %swap3A_1009 : vector<1x16xf32> to vector<16xf32>
        %swap3A_1011 = vector.shape_cast %mul3A_1004 : vector<16xf32> to vector<1x16xf32>
        tpu.vector_store %arg10[%swap3A_1007, %swap3A_1008], %swap3A_1011 {strides = array<i32>} : memref<128x128xf32, #tpu.memory_space<vmem>>, vector<1x16xf32>,
        %add3A_1012 = arith.constant 8 : i32
        %add3A_1013 = arith.addi %mul3A_63, %add3A_1012 : i32
        %get3A_1014 = arith.index_cast %add3A_1013 : i32 to index
        %get3A_1015 = arith.constant 32 : index
        %get3A_1016 = tpu.vector_load %arg10[%get3A_1014, %get3A_1015] {strides = array<i32>} : memref<128x128xf32, #tpu.memory_space<vmem>>, vector<1x16xf32>,
        %get3A_1017 = vector.shape_cast %get3A_1016 : vector<1x16xf32> to vector<16xf32>
        %mul3A_1018 = arith.mulf %get3A_1017, %broadcast_in_dim3A_983 : vector<16xf32>
        %add3A_1019 = arith.constant 8 : i32
        %add3A_1020 = arith.addi %mul3A_63, %add3A_1019 : i32
        %swap3A_1021 = arith.index_cast %add3A_1020 : i32 to index
        %swap3A_1022 = arith.constant 32 : index
        %swap3A_1023 = tpu.vector_load %arg10[%swap3A_1021, %swap3A_1022] {strides = array<i32>} : memref<128x128xf32, #tpu.memory_space<vmem>>, vector<1x16xf32>,
        %swap3A_1024 = vector.shape_cast %swap3A_1023 : vector<1x16xf32> to vector<16xf32>
        %swap3A_1025 = vector.shape_cast %mul3A_1018 : vector<16xf32> to vector<1x16xf32>
        tpu.vector_store %arg10[%swap3A_1021, %swap3A_1022], %swap3A_1025 {strides = array<i32>} : memref<128x128xf32, #tpu.memory_space<vmem>>, vector<1x16xf32>,
        %add3A_1026 = arith.constant 8 : i32
        %add3A_1027 = arith.addi %mul3A_63, %add3A_1026 : i32
        %get3A_1028 = arith.index_cast %add3A_1027 : i32 to index
        %get3A_1029 = arith.constant 48 : index
        %get3A_1030 = tpu.vector_load %arg10[%get3A_1028, %get3A_1029] {strides = array<i32>} : memref<128x128xf32, #tpu.memory_space<vmem>>, vector<1x16xf32>,
        %get3A_1031 = vector.shape_cast %get3A_1030 : vector<1x16xf32> to vector<16xf32>
        %mul3A_1032 = arith.mulf %get3A_1031, %broadcast_in_dim3A_983 : vector<16xf32>
        %add3A_1033 = arith.constant 8 : i32
        %add3A_1034 = arith.addi %mul3A_63, %add3A_1033 : i32
        %swap3A_1035 = arith.index_cast %add3A_1034 : i32 to index
        %swap3A_1036 = arith.constant 48 : index
        %swap3A_1037 = tpu.vector_load %arg10[%swap3A_1035, %swap3A_1036] {strides = array<i32>} : memref<128x128xf32, #tpu.memory_space<vmem>>, vector<1x16xf32>,
        %swap3A_1038 = vector.shape_cast %swap3A_1037 : vector<1x16xf32> to vector<16xf32>
        %swap3A_1039 = vector.shape_cast %mul3A_1032 : vector<16xf32> to vector<1x16xf32>
        tpu.vector_store %arg10[%swap3A_1035, %swap3A_1036], %swap3A_1039 {strides = array<i32>} : memref<128x128xf32, #tpu.memory_space<vmem>>, vector<1x16xf32>,
        %add3A_1040 = arith.constant 8 : i32
        %add3A_1041 = arith.addi %mul3A_63, %add3A_1040 : i32
        %get3A_1042 = arith.index_cast %add3A_1041 : i32 to index
        %get3A_1043 = arith.constant 64 : index
        %get3A_1044 = tpu.vector_load %arg10[%get3A_1042, %get3A_1043] {strides = array<i32>} : memref<128x128xf32, #tpu.memory_space<vmem>>, vector<1x16xf32>,
        %get3A_1045 = vector.shape_cast %get3A_1044 : vector<1x16xf32> to vector<16xf32>
        %mul3A_1046 = arith.mulf %get3A_1045, %broadcast_in_dim3A_983 : vector<16xf32>
        %add3A_1047 = arith.constant 8 : i32
        %add3A_1048 = arith.addi %mul3A_63, %add3A_1047 : i32
        %swap3A_1049 = arith.index_cast %add3A_1048 : i32 to index
        %swap3A_1050 = arith.constant 64 : index
        %swap3A_1051 = tpu.vector_load %arg10[%swap3A_1049, %swap3A_1050] {strides = array<i32>} : memref<128x128xf32, #tpu.memory_space<vmem>>, vector<1x16xf32>,
        %swap3A_1052 = vector.shape_cast %swap3A_1051 : vector<1x16xf32> to vector<16xf32>
        %swap3A_1053 = vector.shape_cast %mul3A_1046 : vector<16xf32> to vector<1x16xf32>
        tpu.vector_store %arg10[%swap3A_1049, %swap3A_1050], %swap3A_1053 {strides = array<i32>} : memref<128x128xf32, #tpu.memory_space<vmem>>, vector<1x16xf32>,
        %add3A_1054 = arith.constant 8 : i32
        %add3A_1055 = arith.addi %mul3A_63, %add3A_1054 : i32
        %get3A_1056 = arith.index_cast %add3A_1055 : i32 to index
        %get3A_1057 = arith.constant 80 : index
        %get3A_1058 = tpu.vector_load %arg10[%get3A_1056, %get3A_1057] {strides = array<i32>} : memref<128x128xf32, #tpu.memory_space<vmem>>, vector<1x16xf32>,
        %get3A_1059 = vector.shape_cast %get3A_1058 : vector<1x16xf32> to vector<16xf32>
        %mul3A_1060 = arith.mulf %get3A_1059, %broadcast_in_dim3A_983 : vector<16xf32>
        %add3A_1061 = arith.constant 8 : i32
        %add3A_1062 = arith.addi %mul3A_63, %add3A_1061 : i32
        %swap3A_1063 = arith.index_cast %add3A_1062 : i32 to index
        %swap3A_1064 = arith.constant 80 : index
        %swap3A_1065 = tpu.vector_load %arg10[%swap3A_1063, %swap3A_1064] {strides = array<i32>} : memref<128x128xf32, #tpu.memory_space<vmem>>, vector<1x16xf32>,
        %swap3A_1066 = vector.shape_cast %swap3A_1065 : vector<1x16xf32> to vector<16xf32>
        %swap3A_1067 = vector.shape_cast %mul3A_1060 : vector<16xf32> to vector<1x16xf32>
        tpu.vector_store %arg10[%swap3A_1063, %swap3A_1064], %swap3A_1067 {strides = array<i32>} : memref<128x128xf32, #tpu.memory_space<vmem>>, vector<1x16xf32>,
        %add3A_1068 = arith.constant 8 : i32
        %add3A_1069 = arith.addi %mul3A_63, %add3A_1068 : i32
        %get3A_1070 = arith.index_cast %add3A_1069 : i32 to index
        %get3A_1071 = arith.constant 96 : index
        %get3A_1072 = tpu.vector_load %arg10[%get3A_1070, %get3A_1071] {strides = array<i32>} : memref<128x128xf32, #tpu.memory_space<vmem>>, vector<1x16xf32>,
        %get3A_1073 = vector.shape_cast %get3A_1072 : vector<1x16xf32> to vector<16xf32>
        %mul3A_1074 = arith.mulf %get3A_1073, %broadcast_in_dim3A_983 : vector<16xf32>
        %add3A_1075 = arith.constant 8 : i32
        %add3A_1076 = arith.addi %mul3A_63, %add3A_1075 : i32
        %swap3A_1077 = arith.index_cast %add3A_1076 : i32 to index
        %swap3A_1078 = arith.constant 96 : index
        %swap3A_1079 = tpu.vector_load %arg10[%swap3A_1077, %swap3A_1078] {strides = array<i32>} : memref<128x128xf32, #tpu.memory_space<vmem>>, vector<1x16xf32>,
        %swap3A_1080 = vector.shape_cast %swap3A_1079 : vector<1x16xf32> to vector<16xf32>
        %swap3A_1081 = vector.shape_cast %mul3A_1074 : vector<16xf32> to vector<1x16xf32>
        tpu.vector_store %arg10[%swap3A_1077, %swap3A_1078], %swap3A_1081 {strides = array<i32>} : memref<128x128xf32, #tpu.memory_space<vmem>>, vector<1x16xf32>,
        %add3A_1082 = arith.constant 8 : i32
        %add3A_1083 = arith.addi %mul3A_63, %add3A_1082 : i32
        %get3A_1084 = arith.index_cast %add3A_1083 : i32 to index
        %get3A_1085 = arith.constant 112 : index
        %get3A_1086 = tpu.vector_load %arg10[%get3A_1084, %get3A_1085] {strides = array<i32>} : memref<128x128xf32, #tpu.memory_space<vmem>>, vector<1x16xf32>,
        %get3A_1087 = vector.shape_cast %get3A_1086 : vector<1x16xf32> to vector<16xf32>
        %mul3A_1088 = arith.mulf %get3A_1087, %broadcast_in_dim3A_983 : vector<16xf32>
        %add3A_1089 = arith.constant 8 : i32
        %add3A_1090 = arith.addi %mul3A_63, %add3A_1089 : i32
        %swap3A_1091 = arith.index_cast %add3A_1090 : i32 to index
        %swap3A_1092 = arith.constant 112 : index
        %swap3A_1093 = tpu.vector_load %arg10[%swap3A_1091, %swap3A_1092] {strides = array<i32>} : memref<128x128xf32, #tpu.memory_space<vmem>>, vector<1x16xf32>,
        %swap3A_1094 = vector.shape_cast %swap3A_1093 : vector<1x16xf32> to vector<16xf32>
        %swap3A_1095 = vector.shape_cast %mul3A_1088 : vector<16xf32> to vector<1x16xf32>
        tpu.vector_store %arg10[%swap3A_1091, %swap3A_1092], %swap3A_1095 {strides = array<i32>} : memref<128x128xf32, #tpu.memory_space<vmem>>, vector<1x16xf32>,
        %slice3A_1096 = vector.extract_strided_slice %get3A_61 {offsets = [9], sizes = [1], strides = [1]} : vector<16xf32> to vector<1xf32>
        %squeeze3A_1097 = vector.extract %slice3A_1096[0] : f32 from vector<1xf32>
        %broadcast_in_dim3A_1098 = vector.broadcast %squeeze3A_1097 : f32 to vector<16xf32>
        %add3A_1099 = arith.constant 9 : i32
        %add3A_1100 = arith.addi %mul3A_63, %add3A_1099 : i32
        %get3A_1101 = arith.index_cast %add3A_1100 : i32 to index
        %get3A_1102 = arith.constant 0 : index
        %get3A_1103 = tpu.vector_load %arg10[%get3A_1101, %get3A_1102] {strides = array<i32>} : memref<128x128xf32, #tpu.memory_space<vmem>>, vector<1x16xf32>,
        %get3A_1104 = vector.shape_cast %get3A_1103 : vector<1x16xf32> to vector<16xf32>
        %mul3A_1105 = arith.mulf %get3A_1104, %broadcast_in_dim3A_1098 : vector<16xf32>
        %add3A_1106 = arith.constant 9 : i32
        %add3A_1107 = arith.addi %mul3A_63, %add3A_1106 : i32
        %swap3A_1108 = arith.index_cast %add3A_1107 : i32 to index
        %swap3A_1109 = arith.constant 0 : index
        %swap3A_1110 = tpu.vector_load %arg10[%swap3A_1108, %swap3A_1109] {strides = array<i32>} : memref<128x128xf32, #tpu.memory_space<vmem>>, vector<1x16xf32>,
        %swap3A_1111 = vector.shape_cast %swap3A_1110 : vector<1x16xf32> to vector<16xf32>
        %swap3A_1112 = vector.shape_cast %mul3A_1105 : vector<16xf32> to vector<1x16xf32>
        tpu.vector_store %arg10[%swap3A_1108, %swap3A_1109], %swap3A_1112 {strides = array<i32>} : memref<128x128xf32, #tpu.memory_space<vmem>>, vector<1x16xf32>,
        %add3A_1113 = arith.constant 9 : i32
        %add3A_1114 = arith.addi %mul3A_63, %add3A_1113 : i32
        %get3A_1115 = arith.index_cast %add3A_1114 : i32 to index
        %get3A_1116 = arith.constant 16 : index
        %get3A_1117 = tpu.vector_load %arg10[%get3A_1115, %get3A_1116] {strides = array<i32>} : memref<128x128xf32, #tpu.memory_space<vmem>>, vector<1x16xf32>,
        %get3A_1118 = vector.shape_cast %get3A_1117 : vector<1x16xf32> to vector<16xf32>
        %mul3A_1119 = arith.mulf %get3A_1118, %broadcast_in_dim3A_1098 : vector<16xf32>
        %add3A_1120 = arith.constant 9 : i32
        %add3A_1121 = arith.addi %mul3A_63, %add3A_1120 : i32
        %swap3A_1122 = arith.index_cast %add3A_1121 : i32 to index
        %swap3A_1123 = arith.constant 16 : index
        %swap3A_1124 = tpu.vector_load %arg10[%swap3A_1122, %swap3A_1123] {strides = array<i32>} : memref<128x128xf32, #tpu.memory_space<vmem>>, vector<1x16xf32>,
        %swap3A_1125 = vector.shape_cast %swap3A_1124 : vector<1x16xf32> to vector<16xf32>
        %swap3A_1126 = vector.shape_cast %mul3A_1119 : vector<16xf32> to vector<1x16xf32>
        tpu.vector_store %arg10[%swap3A_1122, %swap3A_1123], %swap3A_1126 {strides = array<i32>} : memref<128x128xf32, #tpu.memory_space<vmem>>, vector<1x16xf32>,
        %add3A_1127 = arith.constant 9 : i32
        %add3A_1128 = arith.addi %mul3A_63, %add3A_1127 : i32
        %get3A_1129 = arith.index_cast %add3A_1128 : i32 to index
        %get3A_1130 = arith.constant 32 : index
        %get3A_1131 = tpu.vector_load %arg10[%get3A_1129, %get3A_1130] {strides = array<i32>} : memref<128x128xf32, #tpu.memory_space<vmem>>, vector<1x16xf32>,
        %get3A_1132 = vector.shape_cast %get3A_1131 : vector<1x16xf32> to vector<16xf32>
        %mul3A_1133 = arith.mulf %get3A_1132, %broadcast_in_dim3A_1098 : vector<16xf32>
        %add3A_1134 = arith.constant 9 : i32
        %add3A_1135 = arith.addi %mul3A_63, %add3A_1134 : i32
        %swap3A_1136 = arith.index_cast %add3A_1135 : i32 to index
        %swap3A_1137 = arith.constant 32 : index
        %swap3A_1138 = tpu.vector_load %arg10[%swap3A_1136, %swap3A_1137] {strides = array<i32>} : memref<128x128xf32, #tpu.memory_space<vmem>>, vector<1x16xf32>,
        %swap3A_1139 = vector.shape_cast %swap3A_1138 : vector<1x16xf32> to vector<16xf32>
        %swap3A_1140 = vector.shape_cast %mul3A_1133 : vector<16xf32> to vector<1x16xf32>
        tpu.vector_store %arg10[%swap3A_1136, %swap3A_1137], %swap3A_1140 {strides = array<i32>} : memref<128x128xf32, #tpu.memory_space<vmem>>, vector<1x16xf32>,
        %add3A_1141 = arith.constant 9 : i32
        %add3A_1142 = arith.addi %mul3A_63, %add3A_1141 : i32
        %get3A_1143 = arith.index_cast %add3A_1142 : i32 to index
        %get3A_1144 = arith.constant 48 : index
        %get3A_1145 = tpu.vector_load %arg10[%get3A_1143, %get3A_1144] {strides = array<i32>} : memref<128x128xf32, #tpu.memory_space<vmem>>, vector<1x16xf32>,
        %get3A_1146 = vector.shape_cast %get3A_1145 : vector<1x16xf32> to vector<16xf32>
        %mul3A_1147 = arith.mulf %get3A_1146, %broadcast_in_dim3A_1098 : vector<16xf32>
        %add3A_1148 = arith.constant 9 : i32
        %add3A_1149 = arith.addi %mul3A_63, %add3A_1148 : i32
        %swap3A_1150 = arith.index_cast %add3A_1149 : i32 to index
        %swap3A_1151 = arith.constant 48 : index
        %swap3A_1152 = tpu.vector_load %arg10[%swap3A_1150, %swap3A_1151] {strides = array<i32>} : memref<128x128xf32, #tpu.memory_space<vmem>>, vector<1x16xf32>,
        %swap3A_1153 = vector.shape_cast %swap3A_1152 : vector<1x16xf32> to vector<16xf32>
        %swap3A_1154 = vector.shape_cast %mul3A_1147 : vector<16xf32> to vector<1x16xf32>
        tpu.vector_store %arg10[%swap3A_1150, %swap3A_1151], %swap3A_1154 {strides = array<i32>} : memref<128x128xf32, #tpu.memory_space<vmem>>, vector<1x16xf32>,
        %add3A_1155 = arith.constant 9 : i32
        %add3A_1156 = arith.addi %mul3A_63, %add3A_1155 : i32
        %get3A_1157 = arith.index_cast %add3A_1156 : i32 to index
        %get3A_1158 = arith.constant 64 : index
        %get3A_1159 = tpu.vector_load %arg10[%get3A_1157, %get3A_1158] {strides = array<i32>} : memref<128x128xf32, #tpu.memory_space<vmem>>, vector<1x16xf32>,
        %get3A_1160 = vector.shape_cast %get3A_1159 : vector<1x16xf32> to vector<16xf32>
        %mul3A_1161 = arith.mulf %get3A_1160, %broadcast_in_dim3A_1098 : vector<16xf32>
        %add3A_1162 = arith.constant 9 : i32
        %add3A_1163 = arith.addi %mul3A_63, %add3A_1162 : i32
        %swap3A_1164 = arith.index_cast %add3A_1163 : i32 to index
        %swap3A_1165 = arith.constant 64 : index
        %swap3A_1166 = tpu.vector_load %arg10[%swap3A_1164, %swap3A_1165] {strides = array<i32>} : memref<128x128xf32, #tpu.memory_space<vmem>>, vector<1x16xf32>,
        %swap3A_1167 = vector.shape_cast %swap3A_1166 : vector<1x16xf32> to vector<16xf32>
        %swap3A_1168 = vector.shape_cast %mul3A_1161 : vector<16xf32> to vector<1x16xf32>
        tpu.vector_store %arg10[%swap3A_1164, %swap3A_1165], %swap3A_1168 {strides = array<i32>} : memref<128x128xf32, #tpu.memory_space<vmem>>, vector<1x16xf32>,
        %add3A_1169 = arith.constant 9 : i32
        %add3A_1170 = arith.addi %mul3A_63, %add3A_1169 : i32
        %get3A_1171 = arith.index_cast %add3A_1170 : i32 to index
        %get3A_1172 = arith.constant 80 : index
        %get3A_1173 = tpu.vector_load %arg10[%get3A_1171, %get3A_1172] {strides = array<i32>} : memref<128x128xf32, #tpu.memory_space<vmem>>, vector<1x16xf32>,
        %get3A_1174 = vector.shape_cast %get3A_1173 : vector<1x16xf32> to vector<16xf32>
        %mul3A_1175 = arith.mulf %get3A_1174, %broadcast_in_dim3A_1098 : vector<16xf32>
        %add3A_1176 = arith.constant 9 : i32
        %add3A_1177 = arith.addi %mul3A_63, %add3A_1176 : i32
        %swap3A_1178 = arith.index_cast %add3A_1177 : i32 to index
        %swap3A_1179 = arith.constant 80 : index
        %swap3A_1180 = tpu.vector_load %arg10[%swap3A_1178, %swap3A_1179] {strides = array<i32>} : memref<128x128xf32, #tpu.memory_space<vmem>>, vector<1x16xf32>,
        %swap3A_1181 = vector.shape_cast %swap3A_1180 : vector<1x16xf32> to vector<16xf32>
        %swap3A_1182 = vector.shape_cast %mul3A_1175 : vector<16xf32> to vector<1x16xf32>
        tpu.vector_store %arg10[%swap3A_1178, %swap3A_1179], %swap3A_1182 {strides = array<i32>} : memref<128x128xf32, #tpu.memory_space<vmem>>, vector<1x16xf32>,
        %add3A_1183 = arith.constant 9 : i32
        %add3A_1184 = arith.addi %mul3A_63, %add3A_1183 : i32
        %get3A_1185 = arith.index_cast %add3A_1184 : i32 to index
        %get3A_1186 = arith.constant 96 : index
        %get3A_1187 = tpu.vector_load %arg10[%get3A_1185, %get3A_1186] {strides = array<i32>} : memref<128x128xf32, #tpu.memory_space<vmem>>, vector<1x16xf32>,
        %get3A_1188 = vector.shape_cast %get3A_1187 : vector<1x16xf32> to vector<16xf32>
        %mul3A_1189 = arith.mulf %get3A_1188, %broadcast_in_dim3A_1098 : vector<16xf32>
        %add3A_1190 = arith.constant 9 : i32
        %add3A_1191 = arith.addi %mul3A_63, %add3A_1190 : i32
        %swap3A_1192 = arith.index_cast %add3A_1191 : i32 to index
        %swap3A_1193 = arith.constant 96 : index
        %swap3A_1194 = tpu.vector_load %arg10[%swap3A_1192, %swap3A_1193] {strides = array<i32>} : memref<128x128xf32, #tpu.memory_space<vmem>>, vector<1x16xf32>,
        %swap3A_1195 = vector.shape_cast %swap3A_1194 : vector<1x16xf32> to vector<16xf32>
        %swap3A_1196 = vector.shape_cast %mul3A_1189 : vector<16xf32> to vector<1x16xf32>
        tpu.vector_store %arg10[%swap3A_1192, %swap3A_1193], %swap3A_1196 {strides = array<i32>} : memref<128x128xf32, #tpu.memory_space<vmem>>, vector<1x16xf32>,
        %add3A_1197 = arith.constant 9 : i32
        %add3A_1198 = arith.addi %mul3A_63, %add3A_1197 : i32
        %get3A_1199 = arith.index_cast %add3A_1198 : i32 to index
        %get3A_1200 = arith.constant 112 : index
        %get3A_1201 = tpu.vector_load %arg10[%get3A_1199, %get3A_1200] {strides = array<i32>} : memref<128x128xf32, #tpu.memory_space<vmem>>, vector<1x16xf32>,
        %get3A_1202 = vector.shape_cast %get3A_1201 : vector<1x16xf32> to vector<16xf32>
        %mul3A_1203 = arith.mulf %get3A_1202, %broadcast_in_dim3A_1098 : vector<16xf32>
        %add3A_1204 = arith.constant 9 : i32
        %add3A_1205 = arith.addi %mul3A_63, %add3A_1204 : i32
        %swap3A_1206 = arith.index_cast %add3A_1205 : i32 to index
        %swap3A_1207 = arith.constant 112 : index
        %swap3A_1208 = tpu.vector_load %arg10[%swap3A_1206, %swap3A_1207] {strides = array<i32>} : memref<128x128xf32, #tpu.memory_space<vmem>>, vector<1x16xf32>,
        %swap3A_1209 = vector.shape_cast %swap3A_1208 : vector<1x16xf32> to vector<16xf32>
        %swap3A_1210 = vector.shape_cast %mul3A_1203 : vector<16xf32> to vector<1x16xf32>
        tpu.vector_store %arg10[%swap3A_1206, %swap3A_1207], %swap3A_1210 {strides = array<i32>} : memref<128x128xf32, #tpu.memory_space<vmem>>, vector<1x16xf32>,
        %slice3A_1211 = vector.extract_strided_slice %get3A_61 {offsets = [10], sizes = [1], strides = [1]} : vector<16xf32> to vector<1xf32>
        %squeeze3A_1212 = vector.extract %slice3A_1211[0] : f32 from vector<1xf32>
        %broadcast_in_dim3A_1213 = vector.broadcast %squeeze3A_1212 : f32 to vector<16xf32>
        %add3A_1214 = arith.constant 10 : i32
        %add3A_1215 = arith.addi %mul3A_63, %add3A_1214 : i32
        %get3A_1216 = arith.index_cast %add3A_1215 : i32 to index
        %get3A_1217 = arith.constant 0 : index
        %get3A_1218 = tpu.vector_load %arg10[%get3A_1216, %get3A_1217] {strides = array<i32>} : memref<128x128xf32, #tpu.memory_space<vmem>>, vector<1x16xf32>,
        %get3A_1219 = vector.shape_cast %get3A_1218 : vector<1x16xf32> to vector<16xf32>
        %mul3A_1220 = arith.mulf %get3A_1219, %broadcast_in_dim3A_1213 : vector<16xf32>
        %add3A_1221 = arith.constant 10 : i32
        %add3A_1222 = arith.addi %mul3A_63, %add3A_1221 : i32
        %swap3A_1223 = arith.index_cast %add3A_1222 : i32 to index
        %swap3A_1224 = arith.constant 0 : index
        %swap3A_1225 = tpu.vector_load %arg10[%swap3A_1223, %swap3A_1224] {strides = array<i32>} : memref<128x128xf32, #tpu.memory_space<vmem>>, vector<1x16xf32>,
        %swap3A_1226 = vector.shape_cast %swap3A_1225 : vector<1x16xf32> to vector<16xf32>
        %swap3A_1227 = vector.shape_cast %mul3A_1220 : vector<16xf32> to vector<1x16xf32>
        tpu.vector_store %arg10[%swap3A_1223, %swap3A_1224], %swap3A_1227 {strides = array<i32>} : memref<128x128xf32, #tpu.memory_space<vmem>>, vector<1x16xf32>,
        %add3A_1228 = arith.constant 10 : i32
        %add3A_1229 = arith.addi %mul3A_63, %add3A_1228 : i32
        %get3A_1230 = arith.index_cast %add3A_1229 : i32 to index
        %get3A_1231 = arith.constant 16 : index
        %get3A_1232 = tpu.vector_load %arg10[%get3A_1230, %get3A_1231] {strides = array<i32>} : memref<128x128xf32, #tpu.memory_space<vmem>>, vector<1x16xf32>,
        %get3A_1233 = vector.shape_cast %get3A_1232 : vector<1x16xf32> to vector<16xf32>
        %mul3A_1234 = arith.mulf %get3A_1233, %broadcast_in_dim3A_1213 : vector<16xf32>
        %add3A_1235 = arith.constant 10 : i32
        %add3A_1236 = arith.addi %mul3A_63, %add3A_1235 : i32
        %swap3A_1237 = arith.index_cast %add3A_1236 : i32 to index
        %swap3A_1238 = arith.constant 16 : index
        %swap3A_1239 = tpu.vector_load %arg10[%swap3A_1237, %swap3A_1238] {strides = array<i32>} : memref<128x128xf32, #tpu.memory_space<vmem>>, vector<1x16xf32>,
        %swap3A_1240 = vector.shape_cast %swap3A_1239 : vector<1x16xf32> to vector<16xf32>
        %swap3A_1241 = vector.shape_cast %mul3A_1234 : vector<16xf32> to vector<1x16xf32>
        tpu.vector_store %arg10[%swap3A_1237, %swap3A_1238], %swap3A_1241 {strides = array<i32>} : memref<128x128xf32, #tpu.memory_space<vmem>>, vector<1x16xf32>,
        %add3A_1242 = arith.constant 10 : i32
        %add3A_1243 = arith.addi %mul3A_63, %add3A_1242 : i32
        %get3A_1244 = arith.index_cast %add3A_1243 : i32 to index
        %get3A_1245 = arith.constant 32 : index
        %get3A_1246 = tpu.vector_load %arg10[%get3A_1244, %get3A_1245] {strides = array<i32>} : memref<128x128xf32, #tpu.memory_space<vmem>>, vector<1x16xf32>,
        %get3A_1247 = vector.shape_cast %get3A_1246 : vector<1x16xf32> to vector<16xf32>
        %mul3A_1248 = arith.mulf %get3A_1247, %broadcast_in_dim3A_1213 : vector<16xf32>
        %add3A_1249 = arith.constant 10 : i32
        %add3A_1250 = arith.addi %mul3A_63, %add3A_1249 : i32
        %swap3A_1251 = arith.index_cast %add3A_1250 : i32 to index
        %swap3A_1252 = arith.constant 32 : index
        %swap3A_1253 = tpu.vector_load %arg10[%swap3A_1251, %swap3A_1252] {strides = array<i32>} : memref<128x128xf32, #tpu.memory_space<vmem>>, vector<1x16xf32>,
        %swap3A_1254 = vector.shape_cast %swap3A_1253 : vector<1x16xf32> to vector<16xf32>
        %swap3A_1255 = vector.shape_cast %mul3A_1248 : vector<16xf32> to vector<1x16xf32>
        tpu.vector_store %arg10[%swap3A_1251, %swap3A_1252], %swap3A_1255 {strides = array<i32>} : memref<128x128xf32, #tpu.memory_space<vmem>>, vector<1x16xf32>,
        %add3A_1256 = arith.constant 10 : i32
        %add3A_1257 = arith.addi %mul3A_63, %add3A_1256 : i32
        %get3A_1258 = arith.index_cast %add3A_1257 : i32 to index
        %get3A_1259 = arith.constant 48 : index
        %get3A_1260 = tpu.vector_load %arg10[%get3A_1258, %get3A_1259] {strides = array<i32>} : memref<128x128xf32, #tpu.memory_space<vmem>>, vector<1x16xf32>,
        %get3A_1261 = vector.shape_cast %get3A_1260 : vector<1x16xf32> to vector<16xf32>
        %mul3A_1262 = arith.mulf %get3A_1261, %broadcast_in_dim3A_1213 : vector<16xf32>
        %add3A_1263 = arith.constant 10 : i32
        %add3A_1264 = arith.addi %mul3A_63, %add3A_1263 : i32
        %swap3A_1265 = arith.index_cast %add3A_1264 : i32 to index
        %swap3A_1266 = arith.constant 48 : index
        %swap3A_1267 = tpu.vector_load %arg10[%swap3A_1265, %swap3A_1266] {strides = array<i32>} : memref<128x128xf32, #tpu.memory_space<vmem>>, vector<1x16xf32>,
        %swap3A_1268 = vector.shape_cast %swap3A_1267 : vector<1x16xf32> to vector<16xf32>
        %swap3A_1269 = vector.shape_cast %mul3A_1262 : vector<16xf32> to vector<1x16xf32>
        tpu.vector_store %arg10[%swap3A_1265, %swap3A_1266], %swap3A_1269 {strides = array<i32>} : memref<128x128xf32, #tpu.memory_space<vmem>>, vector<1x16xf32>,
        %add3A_1270 = arith.constant 10 : i32
        %add3A_1271 = arith.addi %mul3A_63, %add3A_1270 : i32
        %get3A_1272 = arith.index_cast %add3A_1271 : i32 to index
        %get3A_1273 = arith.constant 64 : index
        %get3A_1274 = tpu.vector_load %arg10[%get3A_1272, %get3A_1273] {strides = array<i32>} : memref<128x128xf32, #tpu.memory_space<vmem>>, vector<1x16xf32>,
        %get3A_1275 = vector.shape_cast %get3A_1274 : vector<1x16xf32> to vector<16xf32>
        %mul3A_1276 = arith.mulf %get3A_1275, %broadcast_in_dim3A_1213 : vector<16xf32>
        %add3A_1277 = arith.constant 10 : i32
        %add3A_1278 = arith.addi %mul3A_63, %add3A_1277 : i32
        %swap3A_1279 = arith.index_cast %add3A_1278 : i32 to index
        %swap3A_1280 = arith.constant 64 : index
        %swap3A_1281 = tpu.vector_load %arg10[%swap3A_1279, %swap3A_1280] {strides = array<i32>} : memref<128x128xf32, #tpu.memory_space<vmem>>, vector<1x16xf32>,
        %swap3A_1282 = vector.shape_cast %swap3A_1281 : vector<1x16xf32> to vector<16xf32>
        %swap3A_1283 = vector.shape_cast %mul3A_1276 : vector<16xf32> to vector<1x16xf32>
        tpu.vector_store %arg10[%swap3A_1279, %swap3A_1280], %swap3A_1283 {strides = array<i32>} : memref<128x128xf32, #tpu.memory_space<vmem>>, vector<1x16xf32>,
        %add3A_1284 = arith.constant 10 : i32
        %add3A_1285 = arith.addi %mul3A_63, %add3A_1284 : i32
        %get3A_1286 = arith.index_cast %add3A_1285 : i32 to index
        %get3A_1287 = arith.constant 80 : index
        %get3A_1288 = tpu.vector_load %arg10[%get3A_1286, %get3A_1287] {strides = array<i32>} : memref<128x128xf32, #tpu.memory_space<vmem>>, vector<1x16xf32>,
        %get3A_1289 = vector.shape_cast %get3A_1288 : vector<1x16xf32> to vector<16xf32>
        %mul3A_1290 = arith.mulf %get3A_1289, %broadcast_in_dim3A_1213 : vector<16xf32>
        %add3A_1291 = arith.constant 10 : i32
        %add3A_1292 = arith.addi %mul3A_63, %add3A_1291 : i32
        %swap3A_1293 = arith.index_cast %add3A_1292 : i32 to index
        %swap3A_1294 = arith.constant 80 : index
        %swap3A_1295 = tpu.vector_load %arg10[%swap3A_1293, %swap3A_1294] {strides = array<i32>} : memref<128x128xf32, #tpu.memory_space<vmem>>, vector<1x16xf32>,
        %swap3A_1296 = vector.shape_cast %swap3A_1295 : vector<1x16xf32> to vector<16xf32>
        %swap3A_1297 = vector.shape_cast %mul3A_1290 : vector<16xf32> to vector<1x16xf32>
        tpu.vector_store %arg10[%swap3A_1293, %swap3A_1294], %swap3A_1297 {strides = array<i32>} : memref<128x128xf32, #tpu.memory_space<vmem>>, vector<1x16xf32>,
        %add3A_1298 = arith.constant 10 : i32
        %add3A_1299 = arith.addi %mul3A_63, %add3A_1298 : i32
        %get3A_1300 = arith.index_cast %add3A_1299 : i32 to index
        %get3A_1301 = arith.constant 96 : index
        %get3A_1302 = tpu.vector_load %arg10[%get3A_1300, %get3A_1301] {strides = array<i32>} : memref<128x128xf32, #tpu.memory_space<vmem>>, vector<1x16xf32>,
        %get3A_1303 = vector.shape_cast %get3A_1302 : vector<1x16xf32> to vector<16xf32>
        %mul3A_1304 = arith.mulf %get3A_1303, %broadcast_in_dim3A_1213 : vector<16xf32>
        %add3A_1305 = arith.constant 10 : i32
        %add3A_1306 = arith.addi %mul3A_63, %add3A_1305 : i32
        %swap3A_1307 = arith.index_cast %add3A_1306 : i32 to index
        %swap3A_1308 = arith.constant 96 : index
        %swap3A_1309 = tpu.vector_load %arg10[%swap3A_1307, %swap3A_1308] {strides = array<i32>} : memref<128x128xf32, #tpu.memory_space<vmem>>, vector<1x16xf32>,
        %swap3A_1310 = vector.shape_cast %swap3A_1309 : vector<1x16xf32> to vector<16xf32>
        %swap3A_1311 = vector.shape_cast %mul3A_1304 : vector<16xf32> to vector<1x16xf32>
        tpu.vector_store %arg10[%swap3A_1307, %swap3A_1308], %swap3A_1311 {strides = array<i32>} : memref<128x128xf32, #tpu.memory_space<vmem>>, vector<1x16xf32>,
        %add3A_1312 = arith.constant 10 : i32
        %add3A_1313 = arith.addi %mul3A_63, %add3A_1312 : i32
        %get3A_1314 = arith.index_cast %add3A_1313 : i32 to index
        %get3A_1315 = arith.constant 112 : index
        %get3A_1316 = tpu.vector_load %arg10[%get3A_1314, %get3A_1315] {strides = array<i32>} : memref<128x128xf32, #tpu.memory_space<vmem>>, vector<1x16xf32>,
        %get3A_1317 = vector.shape_cast %get3A_1316 : vector<1x16xf32> to vector<16xf32>
        %mul3A_1318 = arith.mulf %get3A_1317, %broadcast_in_dim3A_1213 : vector<16xf32>
        %add3A_1319 = arith.constant 10 : i32
        %add3A_1320 = arith.addi %mul3A_63, %add3A_1319 : i32
        %swap3A_1321 = arith.index_cast %add3A_1320 : i32 to index
        %swap3A_1322 = arith.constant 112 : index
        %swap3A_1323 = tpu.vector_load %arg10[%swap3A_1321, %swap3A_1322] {strides = array<i32>} : memref<128x128xf32, #tpu.memory_space<vmem>>, vector<1x16xf32>,
        %swap3A_1324 = vector.shape_cast %swap3A_1323 : vector<1x16xf32> to vector<16xf32>
        %swap3A_1325 = vector.shape_cast %mul3A_1318 : vector<16xf32> to vector<1x16xf32>
        tpu.vector_store %arg10[%swap3A_1321, %swap3A_1322], %swap3A_1325 {strides = array<i32>} : memref<128x128xf32, #tpu.memory_space<vmem>>, vector<1x16xf32>,
        %slice3A_1326 = vector.extract_strided_slice %get3A_61 {offsets = [11], sizes = [1], strides = [1]} : vector<16xf32> to vector<1xf32>
        %squeeze3A_1327 = vector.extract %slice3A_1326[0] : f32 from vector<1xf32>
        %broadcast_in_dim3A_1328 = vector.broadcast %squeeze3A_1327 : f32 to vector<16xf32>
        %add3A_1329 = arith.constant 11 : i32
        %add3A_1330 = arith.addi %mul3A_63, %add3A_1329 : i32
        %get3A_1331 = arith.index_cast %add3A_1330 : i32 to index
        %get3A_1332 = arith.constant 0 : index
        %get3A_1333 = tpu.vector_load %arg10[%get3A_1331, %get3A_1332] {strides = array<i32>} : memref<128x128xf32, #tpu.memory_space<vmem>>, vector<1x16xf32>,
        %get3A_1334 = vector.shape_cast %get3A_1333 : vector<1x16xf32> to vector<16xf32>
        %mul3A_1335 = arith.mulf %get3A_1334, %broadcast_in_dim3A_1328 : vector<16xf32>
        %add3A_1336 = arith.constant 11 : i32
        %add3A_1337 = arith.addi %mul3A_63, %add3A_1336 : i32
        %swap3A_1338 = arith.index_cast %add3A_1337 : i32 to index
        %swap3A_1339 = arith.constant 0 : index
        %swap3A_1340 = tpu.vector_load %arg10[%swap3A_1338, %swap3A_1339] {strides = array<i32>} : memref<128x128xf32, #tpu.memory_space<vmem>>, vector<1x16xf32>,
        %swap3A_1341 = vector.shape_cast %swap3A_1340 : vector<1x16xf32> to vector<16xf32>
        %swap3A_1342 = vector.shape_cast %mul3A_1335 : vector<16xf32> to vector<1x16xf32>
        tpu.vector_store %arg10[%swap3A_1338, %swap3A_1339], %swap3A_1342 {strides = array<i32>} : memref<128x128xf32, #tpu.memory_space<vmem>>, vector<1x16xf32>,
        %add3A_1343 = arith.constant 11 : i32
        %add3A_1344 = arith.addi %mul3A_63, %add3A_1343 : i32
        %get3A_1345 = arith.index_cast %add3A_1344 : i32 to index
        %get3A_1346 = arith.constant 16 : index
        %get3A_1347 = tpu.vector_load %arg10[%get3A_1345, %get3A_1346] {strides = array<i32>} : memref<128x128xf32, #tpu.memory_space<vmem>>, vector<1x16xf32>,
        %get3A_1348 = vector.shape_cast %get3A_1347 : vector<1x16xf32> to vector<16xf32>
        %mul3A_1349 = arith.mulf %get3A_1348, %broadcast_in_dim3A_1328 : vector<16xf32>
        %add3A_1350 = arith.constant 11 : i32
        %add3A_1351 = arith.addi %mul3A_63, %add3A_1350 : i32
        %swap3A_1352 = arith.index_cast %add3A_1351 : i32 to index
        %swap3A_1353 = arith.constant 16 : index
        %swap3A_1354 = tpu.vector_load %arg10[%swap3A_1352, %swap3A_1353] {strides = array<i32>} : memref<128x128xf32, #tpu.memory_space<vmem>>, vector<1x16xf32>,
        %swap3A_1355 = vector.shape_cast %swap3A_1354 : vector<1x16xf32> to vector<16xf32>
        %swap3A_1356 = vector.shape_cast %mul3A_1349 : vector<16xf32> to vector<1x16xf32>
        tpu.vector_store %arg10[%swap3A_1352, %swap3A_1353], %swap3A_1356 {strides = array<i32>} : memref<128x128xf32, #tpu.memory_space<vmem>>, vector<1x16xf32>,
        %add3A_1357 = arith.constant 11 : i32
        %add3A_1358 = arith.addi %mul3A_63, %add3A_1357 : i32
        %get3A_1359 = arith.index_cast %add3A_1358 : i32 to index
        %get3A_1360 = arith.constant 32 : index
        %get3A_1361 = tpu.vector_load %arg10[%get3A_1359, %get3A_1360] {strides = array<i32>} : memref<128x128xf32, #tpu.memory_space<vmem>>, vector<1x16xf32>,
        %get3A_1362 = vector.shape_cast %get3A_1361 : vector<1x16xf32> to vector<16xf32>
        %mul3A_1363 = arith.mulf %get3A_1362, %broadcast_in_dim3A_1328 : vector<16xf32>
        %add3A_1364 = arith.constant 11 : i32
        %add3A_1365 = arith.addi %mul3A_63, %add3A_1364 : i32
        %swap3A_1366 = arith.index_cast %add3A_1365 : i32 to index
        %swap3A_1367 = arith.constant 32 : index
        %swap3A_1368 = tpu.vector_load %arg10[%swap3A_1366, %swap3A_1367] {strides = array<i32>} : memref<128x128xf32, #tpu.memory_space<vmem>>, vector<1x16xf32>,
        %swap3A_1369 = vector.shape_cast %swap3A_1368 : vector<1x16xf32> to vector<16xf32>
        %swap3A_1370 = vector.shape_cast %mul3A_1363 : vector<16xf32> to vector<1x16xf32>
        tpu.vector_store %arg10[%swap3A_1366, %swap3A_1367], %swap3A_1370 {strides = array<i32>} : memref<128x128xf32, #tpu.memory_space<vmem>>, vector<1x16xf32>,
        %add3A_1371 = arith.constant 11 : i32
        %add3A_1372 = arith.addi %mul3A_63, %add3A_1371 : i32
        %get3A_1373 = arith.index_cast %add3A_1372 : i32 to index
        %get3A_1374 = arith.constant 48 : index
        %get3A_1375 = tpu.vector_load %arg10[%get3A_1373, %get3A_1374] {strides = array<i32>} : memref<128x128xf32, #tpu.memory_space<vmem>>, vector<1x16xf32>,
        %get3A_1376 = vector.shape_cast %get3A_1375 : vector<1x16xf32> to vector<16xf32>
        %mul3A_1377 = arith.mulf %get3A_1376, %broadcast_in_dim3A_1328 : vector<16xf32>
        %add3A_1378 = arith.constant 11 : i32
        %add3A_1379 = arith.addi %mul3A_63, %add3A_1378 : i32
        %swap3A_1380 = arith.index_cast %add3A_1379 : i32 to index
        %swap3A_1381 = arith.constant 48 : index
        %swap3A_1382 = tpu.vector_load %arg10[%swap3A_1380, %swap3A_1381] {strides = array<i32>} : memref<128x128xf32, #tpu.memory_space<vmem>>, vector<1x16xf32>,
        %swap3A_1383 = vector.shape_cast %swap3A_1382 : vector<1x16xf32> to vector<16xf32>
        %swap3A_1384 = vector.shape_cast %mul3A_1377 : vector<16xf32> to vector<1x16xf32>
        tpu.vector_store %arg10[%swap3A_1380, %swap3A_1381], %swap3A_1384 {strides = array<i32>} : memref<128x128xf32, #tpu.memory_space<vmem>>, vector<1x16xf32>,
        %add3A_1385 = arith.constant 11 : i32
        %add3A_1386 = arith.addi %mul3A_63, %add3A_1385 : i32
        %get3A_1387 = arith.index_cast %add3A_1386 : i32 to index
        %get3A_1388 = arith.constant 64 : index
        %get3A_1389 = tpu.vector_load %arg10[%get3A_1387, %get3A_1388] {strides = array<i32>} : memref<128x128xf32, #tpu.memory_space<vmem>>, vector<1x16xf32>,
        %get3A_1390 = vector.shape_cast %get3A_1389 : vector<1x16xf32> to vector<16xf32>
        %mul3A_1391 = arith.mulf %get3A_1390, %broadcast_in_dim3A_1328 : vector<16xf32>
        %add3A_1392 = arith.constant 11 : i32
        %add3A_1393 = arith.addi %mul3A_63, %add3A_1392 : i32
        %swap3A_1394 = arith.index_cast %add3A_1393 : i32 to index
        %swap3A_1395 = arith.constant 64 : index
        %swap3A_1396 = tpu.vector_load %arg10[%swap3A_1394, %swap3A_1395] {strides = array<i32>} : memref<128x128xf32, #tpu.memory_space<vmem>>, vector<1x16xf32>,
        %swap3A_1397 = vector.shape_cast %swap3A_1396 : vector<1x16xf32> to vector<16xf32>
        %swap3A_1398 = vector.shape_cast %mul3A_1391 : vector<16xf32> to vector<1x16xf32>
        tpu.vector_store %arg10[%swap3A_1394, %swap3A_1395], %swap3A_1398 {strides = array<i32>} : memref<128x128xf32, #tpu.memory_space<vmem>>, vector<1x16xf32>,
        %add3A_1399 = arith.constant 11 : i32
        %add3A_1400 = arith.addi %mul3A_63, %add3A_1399 : i32
        %get3A_1401 = arith.index_cast %add3A_1400 : i32 to index
        %get3A_1402 = arith.constant 80 : index
        %get3A_1403 = tpu.vector_load %arg10[%get3A_1401, %get3A_1402] {strides = array<i32>} : memref<128x128xf32, #tpu.memory_space<vmem>>, vector<1x16xf32>,
        %get3A_1404 = vector.shape_cast %get3A_1403 : vector<1x16xf32> to vector<16xf32>
        %mul3A_1405 = arith.mulf %get3A_1404, %broadcast_in_dim3A_1328 : vector<16xf32>
        %add3A_1406 = arith.constant 11 : i32
        %add3A_1407 = arith.addi %mul3A_63, %add3A_1406 : i32
        %swap3A_1408 = arith.index_cast %add3A_1407 : i32 to index
        %swap3A_1409 = arith.constant 80 : index
        %swap3A_1410 = tpu.vector_load %arg10[%swap3A_1408, %swap3A_1409] {strides = array<i32>} : memref<128x128xf32, #tpu.memory_space<vmem>>, vector<1x16xf32>,
        %swap3A_1411 = vector.shape_cast %swap3A_1410 : vector<1x16xf32> to vector<16xf32>
        %swap3A_1412 = vector.shape_cast %mul3A_1405 : vector<16xf32> to vector<1x16xf32>
        tpu.vector_store %arg10[%swap3A_1408, %swap3A_1409], %swap3A_1412 {strides = array<i32>} : memref<128x128xf32, #tpu.memory_space<vmem>>, vector<1x16xf32>,
        %add3A_1413 = arith.constant 11 : i32
        %add3A_1414 = arith.addi %mul3A_63, %add3A_1413 : i32
        %get3A_1415 = arith.index_cast %add3A_1414 : i32 to index
        %get3A_1416 = arith.constant 96 : index
        %get3A_1417 = tpu.vector_load %arg10[%get3A_1415, %get3A_1416] {strides = array<i32>} : memref<128x128xf32, #tpu.memory_space<vmem>>, vector<1x16xf32>,
        %get3A_1418 = vector.shape_cast %get3A_1417 : vector<1x16xf32> to vector<16xf32>
        %mul3A_1419 = arith.mulf %get3A_1418, %broadcast_in_dim3A_1328 : vector<16xf32>
        %add3A_1420 = arith.constant 11 : i32
        %add3A_1421 = arith.addi %mul3A_63, %add3A_1420 : i32
        %swap3A_1422 = arith.index_cast %add3A_1421 : i32 to index
        %swap3A_1423 = arith.constant 96 : index
        %swap3A_1424 = tpu.vector_load %arg10[%swap3A_1422, %swap3A_1423] {strides = array<i32>} : memref<128x128xf32, #tpu.memory_space<vmem>>, vector<1x16xf32>,
        %swap3A_1425 = vector.shape_cast %swap3A_1424 : vector<1x16xf32> to vector<16xf32>
        %swap3A_1426 = vector.shape_cast %mul3A_1419 : vector<16xf32> to vector<1x16xf32>
        tpu.vector_store %arg10[%swap3A_1422, %swap3A_1423], %swap3A_1426 {strides = array<i32>} : memref<128x128xf32, #tpu.memory_space<vmem>>, vector<1x16xf32>,
        %add3A_1427 = arith.constant 11 : i32
        %add3A_1428 = arith.addi %mul3A_63, %add3A_1427 : i32
        %get3A_1429 = arith.index_cast %add3A_1428 : i32 to index
        %get3A_1430 = arith.constant 112 : index
        %get3A_1431 = tpu.vector_load %arg10[%get3A_1429, %get3A_1430] {strides = array<i32>} : memref<128x128xf32, #tpu.memory_space<vmem>>, vector<1x16xf32>,
        %get3A_1432 = vector.shape_cast %get3A_1431 : vector<1x16xf32> to vector<16xf32>
        %mul3A_1433 = arith.mulf %get3A_1432, %broadcast_in_dim3A_1328 : vector<16xf32>
        %add3A_1434 = arith.constant 11 : i32
        %add3A_1435 = arith.addi %mul3A_63, %add3A_1434 : i32
        %swap3A_1436 = arith.index_cast %add3A_1435 : i32 to index
        %swap3A_1437 = arith.constant 112 : index
        %swap3A_1438 = tpu.vector_load %arg10[%swap3A_1436, %swap3A_1437] {strides = array<i32>} : memref<128x128xf32, #tpu.memory_space<vmem>>, vector<1x16xf32>,
        %swap3A_1439 = vector.shape_cast %swap3A_1438 : vector<1x16xf32> to vector<16xf32>
        %swap3A_1440 = vector.shape_cast %mul3A_1433 : vector<16xf32> to vector<1x16xf32>
        tpu.vector_store %arg10[%swap3A_1436, %swap3A_1437], %swap3A_1440 {strides = array<i32>} : memref<128x128xf32, #tpu.memory_space<vmem>>, vector<1x16xf32>,
        %slice3A_1441 = vector.extract_strided_slice %get3A_61 {offsets = [12], sizes = [1], strides = [1]} : vector<16xf32> to vector<1xf32>
        %squeeze3A_1442 = vector.extract %slice3A_1441[0] : f32 from vector<1xf32>
        %broadcast_in_dim3A_1443 = vector.broadcast %squeeze3A_1442 : f32 to vector<16xf32>
        %add3A_1444 = arith.constant 12 : i32
        %add3A_1445 = arith.addi %mul3A_63, %add3A_1444 : i32
        %get3A_1446 = arith.index_cast %add3A_1445 : i32 to index
        %get3A_1447 = arith.constant 0 : index
        %get3A_1448 = tpu.vector_load %arg10[%get3A_1446, %get3A_1447] {strides = array<i32>} : memref<128x128xf32, #tpu.memory_space<vmem>>, vector<1x16xf32>,
        %get3A_1449 = vector.shape_cast %get3A_1448 : vector<1x16xf32> to vector<16xf32>
        %mul3A_1450 = arith.mulf %get3A_1449, %broadcast_in_dim3A_1443 : vector<16xf32>
        %add3A_1451 = arith.constant 12 : i32
        %add3A_1452 = arith.addi %mul3A_63, %add3A_1451 : i32
        %swap3A_1453 = arith.index_cast %add3A_1452 : i32 to index
        %swap3A_1454 = arith.constant 0 : index
        %swap3A_1455 = tpu.vector_load %arg10[%swap3A_1453, %swap3A_1454] {strides = array<i32>} : memref<128x128xf32, #tpu.memory_space<vmem>>, vector<1x16xf32>,
        %swap3A_1456 = vector.shape_cast %swap3A_1455 : vector<1x16xf32> to vector<16xf32>
        %swap3A_1457 = vector.shape_cast %mul3A_1450 : vector<16xf32> to vector<1x16xf32>
        tpu.vector_store %arg10[%swap3A_1453, %swap3A_1454], %swap3A_1457 {strides = array<i32>} : memref<128x128xf32, #tpu.memory_space<vmem>>, vector<1x16xf32>,
        %add3A_1458 = arith.constant 12 : i32
        %add3A_1459 = arith.addi %mul3A_63, %add3A_1458 : i32
        %get3A_1460 = arith.index_cast %add3A_1459 : i32 to index
        %get3A_1461 = arith.constant 16 : index
        %get3A_1462 = tpu.vector_load %arg10[%get3A_1460, %get3A_1461] {strides = array<i32>} : memref<128x128xf32, #tpu.memory_space<vmem>>, vector<1x16xf32>,
        %get3A_1463 = vector.shape_cast %get3A_1462 : vector<1x16xf32> to vector<16xf32>
        %mul3A_1464 = arith.mulf %get3A_1463, %broadcast_in_dim3A_1443 : vector<16xf32>
        %add3A_1465 = arith.constant 12 : i32
        %add3A_1466 = arith.addi %mul3A_63, %add3A_1465 : i32
        %swap3A_1467 = arith.index_cast %add3A_1466 : i32 to index
        %swap3A_1468 = arith.constant 16 : index
        %swap3A_1469 = tpu.vector_load %arg10[%swap3A_1467, %swap3A_1468] {strides = array<i32>} : memref<128x128xf32, #tpu.memory_space<vmem>>, vector<1x16xf32>,
        %swap3A_1470 = vector.shape_cast %swap3A_1469 : vector<1x16xf32> to vector<16xf32>
        %swap3A_1471 = vector.shape_cast %mul3A_1464 : vector<16xf32> to vector<1x16xf32>
        tpu.vector_store %arg10[%swap3A_1467, %swap3A_1468], %swap3A_1471 {strides = array<i32>} : memref<128x128xf32, #tpu.memory_space<vmem>>, vector<1x16xf32>,
        %add3A_1472 = arith.constant 12 : i32
        %add3A_1473 = arith.addi %mul3A_63, %add3A_1472 : i32
        %get3A_1474 = arith.index_cast %add3A_1473 : i32 to index
        %get3A_1475 = arith.constant 32 : index
        %get3A_1476 = tpu.vector_load %arg10[%get3A_1474, %get3A_1475] {strides = array<i32>} : memref<128x128xf32, #tpu.memory_space<vmem>>, vector<1x16xf32>,
        %get3A_1477 = vector.shape_cast %get3A_1476 : vector<1x16xf32> to vector<16xf32>
        %mul3A_1478 = arith.mulf %get3A_1477, %broadcast_in_dim3A_1443 : vector<16xf32>
        %add3A_1479 = arith.constant 12 : i32
        %add3A_1480 = arith.addi %mul3A_63, %add3A_1479 : i32
        %swap3A_1481 = arith.index_cast %add3A_1480 : i32 to index
        %swap3A_1482 = arith.constant 32 : index
        %swap3A_1483 = tpu.vector_load %arg10[%swap3A_1481, %swap3A_1482] {strides = array<i32>} : memref<128x128xf32, #tpu.memory_space<vmem>>, vector<1x16xf32>,
        %swap3A_1484 = vector.shape_cast %swap3A_1483 : vector<1x16xf32> to vector<16xf32>
        %swap3A_1485 = vector.shape_cast %mul3A_1478 : vector<16xf32> to vector<1x16xf32>
        tpu.vector_store %arg10[%swap3A_1481, %swap3A_1482], %swap3A_1485 {strides = array<i32>} : memref<128x128xf32, #tpu.memory_space<vmem>>, vector<1x16xf32>,
        %add3A_1486 = arith.constant 12 : i32
        %add3A_1487 = arith.addi %mul3A_63, %add3A_1486 : i32
        %get3A_1488 = arith.index_cast %add3A_1487 : i32 to index
        %get3A_1489 = arith.constant 48 : index
        %get3A_1490 = tpu.vector_load %arg10[%get3A_1488, %get3A_1489] {strides = array<i32>} : memref<128x128xf32, #tpu.memory_space<vmem>>, vector<1x16xf32>,
        %get3A_1491 = vector.shape_cast %get3A_1490 : vector<1x16xf32> to vector<16xf32>
        %mul3A_1492 = arith.mulf %get3A_1491, %broadcast_in_dim3A_1443 : vector<16xf32>
        %add3A_1493 = arith.constant 12 : i32
        %add3A_1494 = arith.addi %mul3A_63, %add3A_1493 : i32
        %swap3A_1495 = arith.index_cast %add3A_1494 : i32 to index
        %swap3A_1496 = arith.constant 48 : index
        %swap3A_1497 = tpu.vector_load %arg10[%swap3A_1495, %swap3A_1496] {strides = array<i32>} : memref<128x128xf32, #tpu.memory_space<vmem>>, vector<1x16xf32>,
        %swap3A_1498 = vector.shape_cast %swap3A_1497 : vector<1x16xf32> to vector<16xf32>
        %swap3A_1499 = vector.shape_cast %mul3A_1492 : vector<16xf32> to vector<1x16xf32>
        tpu.vector_store %arg10[%swap3A_1495, %swap3A_1496], %swap3A_1499 {strides = array<i32>} : memref<128x128xf32, #tpu.memory_space<vmem>>, vector<1x16xf32>,
        %add3A_1500 = arith.constant 12 : i32
        %add3A_1501 = arith.addi %mul3A_63, %add3A_1500 : i32
        %get3A_1502 = arith.index_cast %add3A_1501 : i32 to index
        %get3A_1503 = arith.constant 64 : index
        %get3A_1504 = tpu.vector_load %arg10[%get3A_1502, %get3A_1503] {strides = array<i32>} : memref<128x128xf32, #tpu.memory_space<vmem>>, vector<1x16xf32>,
        %get3A_1505 = vector.shape_cast %get3A_1504 : vector<1x16xf32> to vector<16xf32>
        %mul3A_1506 = arith.mulf %get3A_1505, %broadcast_in_dim3A_1443 : vector<16xf32>
        %add3A_1507 = arith.constant 12 : i32
        %add3A_1508 = arith.addi %mul3A_63, %add3A_1507 : i32
        %swap3A_1509 = arith.index_cast %add3A_1508 : i32 to index
        %swap3A_1510 = arith.constant 64 : index
        %swap3A_1511 = tpu.vector_load %arg10[%swap3A_1509, %swap3A_1510] {strides = array<i32>} : memref<128x128xf32, #tpu.memory_space<vmem>>, vector<1x16xf32>,
        %swap3A_1512 = vector.shape_cast %swap3A_1511 : vector<1x16xf32> to vector<16xf32>
        %swap3A_1513 = vector.shape_cast %mul3A_1506 : vector<16xf32> to vector<1x16xf32>
        tpu.vector_store %arg10[%swap3A_1509, %swap3A_1510], %swap3A_1513 {strides = array<i32>} : memref<128x128xf32, #tpu.memory_space<vmem>>, vector<1x16xf32>,
        %add3A_1514 = arith.constant 12 : i32
        %add3A_1515 = arith.addi %mul3A_63, %add3A_1514 : i32
        %get3A_1516 = arith.index_cast %add3A_1515 : i32 to index
        %get3A_1517 = arith.constant 80 : index
        %get3A_1518 = tpu.vector_load %arg10[%get3A_1516, %get3A_1517] {strides = array<i32>} : memref<128x128xf32, #tpu.memory_space<vmem>>, vector<1x16xf32>,
        %get3A_1519 = vector.shape_cast %get3A_1518 : vector<1x16xf32> to vector<16xf32>
        %mul3A_1520 = arith.mulf %get3A_1519, %broadcast_in_dim3A_1443 : vector<16xf32>
        %add3A_1521 = arith.constant 12 : i32
        %add3A_1522 = arith.addi %mul3A_63, %add3A_1521 : i32
        %swap3A_1523 = arith.index_cast %add3A_1522 : i32 to index
        %swap3A_1524 = arith.constant 80 : index
        %swap3A_1525 = tpu.vector_load %arg10[%swap3A_1523, %swap3A_1524] {strides = array<i32>} : memref<128x128xf32, #tpu.memory_space<vmem>>, vector<1x16xf32>,
        %swap3A_1526 = vector.shape_cast %swap3A_1525 : vector<1x16xf32> to vector<16xf32>
        %swap3A_1527 = vector.shape_cast %mul3A_1520 : vector<16xf32> to vector<1x16xf32>
        tpu.vector_store %arg10[%swap3A_1523, %swap3A_1524], %swap3A_1527 {strides = array<i32>} : memref<128x128xf32, #tpu.memory_space<vmem>>, vector<1x16xf32>,
        %add3A_1528 = arith.constant 12 : i32
        %add3A_1529 = arith.addi %mul3A_63, %add3A_1528 : i32
        %get3A_1530 = arith.index_cast %add3A_1529 : i32 to index
        %get3A_1531 = arith.constant 96 : index
        %get3A_1532 = tpu.vector_load %arg10[%get3A_1530, %get3A_1531] {strides = array<i32>} : memref<128x128xf32, #tpu.memory_space<vmem>>, vector<1x16xf32>,
        %get3A_1533 = vector.shape_cast %get3A_1532 : vector<1x16xf32> to vector<16xf32>
        %mul3A_1534 = arith.mulf %get3A_1533, %broadcast_in_dim3A_1443 : vector<16xf32>
        %add3A_1535 = arith.constant 12 : i32
        %add3A_1536 = arith.addi %mul3A_63, %add3A_1535 : i32
        %swap3A_1537 = arith.index_cast %add3A_1536 : i32 to index
        %swap3A_1538 = arith.constant 96 : index
        %swap3A_1539 = tpu.vector_load %arg10[%swap3A_1537, %swap3A_1538] {strides = array<i32>} : memref<128x128xf32, #tpu.memory_space<vmem>>, vector<1x16xf32>,
        %swap3A_1540 = vector.shape_cast %swap3A_1539 : vector<1x16xf32> to vector<16xf32>
        %swap3A_1541 = vector.shape_cast %mul3A_1534 : vector<16xf32> to vector<1x16xf32>
        tpu.vector_store %arg10[%swap3A_1537, %swap3A_1538], %swap3A_1541 {strides = array<i32>} : memref<128x128xf32, #tpu.memory_space<vmem>>, vector<1x16xf32>,
        %add3A_1542 = arith.constant 12 : i32
        %add3A_1543 = arith.addi %mul3A_63, %add3A_1542 : i32
        %get3A_1544 = arith.index_cast %add3A_1543 : i32 to index
        %get3A_1545 = arith.constant 112 : index
        %get3A_1546 = tpu.vector_load %arg10[%get3A_1544, %get3A_1545] {strides = array<i32>} : memref<128x128xf32, #tpu.memory_space<vmem>>, vector<1x16xf32>,
        %get3A_1547 = vector.shape_cast %get3A_1546 : vector<1x16xf32> to vector<16xf32>
        %mul3A_1548 = arith.mulf %get3A_1547, %broadcast_in_dim3A_1443 : vector<16xf32>
        %add3A_1549 = arith.constant 12 : i32
        %add3A_1550 = arith.addi %mul3A_63, %add3A_1549 : i32
        %swap3A_1551 = arith.index_cast %add3A_1550 : i32 to index
        %swap3A_1552 = arith.constant 112 : index
        %swap3A_1553 = tpu.vector_load %arg10[%swap3A_1551, %swap3A_1552] {strides = array<i32>} : memref<128x128xf32, #tpu.memory_space<vmem>>, vector<1x16xf32>,
        %swap3A_1554 = vector.shape_cast %swap3A_1553 : vector<1x16xf32> to vector<16xf32>
        %swap3A_1555 = vector.shape_cast %mul3A_1548 : vector<16xf32> to vector<1x16xf32>
        tpu.vector_store %arg10[%swap3A_1551, %swap3A_1552], %swap3A_1555 {strides = array<i32>} : memref<128x128xf32, #tpu.memory_space<vmem>>, vector<1x16xf32>,
        %slice3A_1556 = vector.extract_strided_slice %get3A_61 {offsets = [13], sizes = [1], strides = [1]} : vector<16xf32> to vector<1xf32>
        %squeeze3A_1557 = vector.extract %slice3A_1556[0] : f32 from vector<1xf32>
        %broadcast_in_dim3A_1558 = vector.broadcast %squeeze3A_1557 : f32 to vector<16xf32>
        %add3A_1559 = arith.constant 13 : i32
        %add3A_1560 = arith.addi %mul3A_63, %add3A_1559 : i32
        %get3A_1561 = arith.index_cast %add3A_1560 : i32 to index
        %get3A_1562 = arith.constant 0 : index
        %get3A_1563 = tpu.vector_load %arg10[%get3A_1561, %get3A_1562] {strides = array<i32>} : memref<128x128xf32, #tpu.memory_space<vmem>>, vector<1x16xf32>,
        %get3A_1564 = vector.shape_cast %get3A_1563 : vector<1x16xf32> to vector<16xf32>
        %mul3A_1565 = arith.mulf %get3A_1564, %broadcast_in_dim3A_1558 : vector<16xf32>
        %add3A_1566 = arith.constant 13 : i32
        %add3A_1567 = arith.addi %mul3A_63, %add3A_1566 : i32
        %swap3A_1568 = arith.index_cast %add3A_1567 : i32 to index
        %swap3A_1569 = arith.constant 0 : index
        %swap3A_1570 = tpu.vector_load %arg10[%swap3A_1568, %swap3A_1569] {strides = array<i32>} : memref<128x128xf32, #tpu.memory_space<vmem>>, vector<1x16xf32>,
        %swap3A_1571 = vector.shape_cast %swap3A_1570 : vector<1x16xf32> to vector<16xf32>
        %swap3A_1572 = vector.shape_cast %mul3A_1565 : vector<16xf32> to vector<1x16xf32>
        tpu.vector_store %arg10[%swap3A_1568, %swap3A_1569], %swap3A_1572 {strides = array<i32>} : memref<128x128xf32, #tpu.memory_space<vmem>>, vector<1x16xf32>,
        %add3A_1573 = arith.constant 13 : i32
        %add3A_1574 = arith.addi %mul3A_63, %add3A_1573 : i32
        %get3A_1575 = arith.index_cast %add3A_1574 : i32 to index
        %get3A_1576 = arith.constant 16 : index
        %get3A_1577 = tpu.vector_load %arg10[%get3A_1575, %get3A_1576] {strides = array<i32>} : memref<128x128xf32, #tpu.memory_space<vmem>>, vector<1x16xf32>,
        %get3A_1578 = vector.shape_cast %get3A_1577 : vector<1x16xf32> to vector<16xf32>
        %mul3A_1579 = arith.mulf %get3A_1578, %broadcast_in_dim3A_1558 : vector<16xf32>
        %add3A_1580 = arith.constant 13 : i32
        %add3A_1581 = arith.addi %mul3A_63, %add3A_1580 : i32
        %swap3A_1582 = arith.index_cast %add3A_1581 : i32 to index
        %swap3A_1583 = arith.constant 16 : index
        %swap3A_1584 = tpu.vector_load %arg10[%swap3A_1582, %swap3A_1583] {strides = array<i32>} : memref<128x128xf32, #tpu.memory_space<vmem>>, vector<1x16xf32>,
        %swap3A_1585 = vector.shape_cast %swap3A_1584 : vector<1x16xf32> to vector<16xf32>
        %swap3A_1586 = vector.shape_cast %mul3A_1579 : vector<16xf32> to vector<1x16xf32>
        tpu.vector_store %arg10[%swap3A_1582, %swap3A_1583], %swap3A_1586 {strides = array<i32>} : memref<128x128xf32, #tpu.memory_space<vmem>>, vector<1x16xf32>,
        %add3A_1587 = arith.constant 13 : i32
        %add3A_1588 = arith.addi %mul3A_63, %add3A_1587 : i32
        %get3A_1589 = arith.index_cast %add3A_1588 : i32 to index
        %get3A_1590 = arith.constant 32 : index
        %get3A_1591 = tpu.vector_load %arg10[%get3A_1589, %get3A_1590] {strides = array<i32>} : memref<128x128xf32, #tpu.memory_space<vmem>>, vector<1x16xf32>,
        %get3A_1592 = vector.shape_cast %get3A_1591 : vector<1x16xf32> to vector<16xf32>
        %mul3A_1593 = arith.mulf %get3A_1592, %broadcast_in_dim3A_1558 : vector<16xf32>
        %add3A_1594 = arith.constant 13 : i32
        %add3A_1595 = arith.addi %mul3A_63, %add3A_1594 : i32
        %swap3A_1596 = arith.index_cast %add3A_1595 : i32 to index
        %swap3A_1597 = arith.constant 32 : index
        %swap3A_1598 = tpu.vector_load %arg10[%swap3A_1596, %swap3A_1597] {strides = array<i32>} : memref<128x128xf32, #tpu.memory_space<vmem>>, vector<1x16xf32>,
        %swap3A_1599 = vector.shape_cast %swap3A_1598 : vector<1x16xf32> to vector<16xf32>
        %swap3A_1600 = vector.shape_cast %mul3A_1593 : vector<16xf32> to vector<1x16xf32>
        tpu.vector_store %arg10[%swap3A_1596, %swap3A_1597], %swap3A_1600 {strides = array<i32>} : memref<128x128xf32, #tpu.memory_space<vmem>>, vector<1x16xf32>,
        %add3A_1601 = arith.constant 13 : i32
        %add3A_1602 = arith.addi %mul3A_63, %add3A_1601 : i32
        %get3A_1603 = arith.index_cast %add3A_1602 : i32 to index
        %get3A_1604 = arith.constant 48 : index
        %get3A_1605 = tpu.vector_load %arg10[%get3A_1603, %get3A_1604] {strides = array<i32>} : memref<128x128xf32, #tpu.memory_space<vmem>>, vector<1x16xf32>,
        %get3A_1606 = vector.shape_cast %get3A_1605 : vector<1x16xf32> to vector<16xf32>
        %mul3A_1607 = arith.mulf %get3A_1606, %broadcast_in_dim3A_1558 : vector<16xf32>
        %add3A_1608 = arith.constant 13 : i32
        %add3A_1609 = arith.addi %mul3A_63, %add3A_1608 : i32
        %swap3A_1610 = arith.index_cast %add3A_1609 : i32 to index
        %swap3A_1611 = arith.constant 48 : index
        %swap3A_1612 = tpu.vector_load %arg10[%swap3A_1610, %swap3A_1611] {strides = array<i32>} : memref<128x128xf32, #tpu.memory_space<vmem>>, vector<1x16xf32>,
        %swap3A_1613 = vector.shape_cast %swap3A_1612 : vector<1x16xf32> to vector<16xf32>
        %swap3A_1614 = vector.shape_cast %mul3A_1607 : vector<16xf32> to vector<1x16xf32>
        tpu.vector_store %arg10[%swap3A_1610, %swap3A_1611], %swap3A_1614 {strides = array<i32>} : memref<128x128xf32, #tpu.memory_space<vmem>>, vector<1x16xf32>,
        %add3A_1615 = arith.constant 13 : i32
        %add3A_1616 = arith.addi %mul3A_63, %add3A_1615 : i32
        %get3A_1617 = arith.index_cast %add3A_1616 : i32 to index
        %get3A_1618 = arith.constant 64 : index
        %get3A_1619 = tpu.vector_load %arg10[%get3A_1617, %get3A_1618] {strides = array<i32>} : memref<128x128xf32, #tpu.memory_space<vmem>>, vector<1x16xf32>,
        %get3A_1620 = vector.shape_cast %get3A_1619 : vector<1x16xf32> to vector<16xf32>
        %mul3A_1621 = arith.mulf %get3A_1620, %broadcast_in_dim3A_1558 : vector<16xf32>
        %add3A_1622 = arith.constant 13 : i32
        %add3A_1623 = arith.addi %mul3A_63, %add3A_1622 : i32
        %swap3A_1624 = arith.index_cast %add3A_1623 : i32 to index
        %swap3A_1625 = arith.constant 64 : index
        %swap3A_1626 = tpu.vector_load %arg10[%swap3A_1624, %swap3A_1625] {strides = array<i32>} : memref<128x128xf32, #tpu.memory_space<vmem>>, vector<1x16xf32>,
        %swap3A_1627 = vector.shape_cast %swap3A_1626 : vector<1x16xf32> to vector<16xf32>
        %swap3A_1628 = vector.shape_cast %mul3A_1621 : vector<16xf32> to vector<1x16xf32>
        tpu.vector_store %arg10[%swap3A_1624, %swap3A_1625], %swap3A_1628 {strides = array<i32>} : memref<128x128xf32, #tpu.memory_space<vmem>>, vector<1x16xf32>,
        %add3A_1629 = arith.constant 13 : i32
        %add3A_1630 = arith.addi %mul3A_63, %add3A_1629 : i32
        %get3A_1631 = arith.index_cast %add3A_1630 : i32 to index
        %get3A_1632 = arith.constant 80 : index
        %get3A_1633 = tpu.vector_load %arg10[%get3A_1631, %get3A_1632] {strides = array<i32>} : memref<128x128xf32, #tpu.memory_space<vmem>>, vector<1x16xf32>,
        %get3A_1634 = vector.shape_cast %get3A_1633 : vector<1x16xf32> to vector<16xf32>
        %mul3A_1635 = arith.mulf %get3A_1634, %broadcast_in_dim3A_1558 : vector<16xf32>
        %add3A_1636 = arith.constant 13 : i32
        %add3A_1637 = arith.addi %mul3A_63, %add3A_1636 : i32
        %swap3A_1638 = arith.index_cast %add3A_1637 : i32 to index
        %swap3A_1639 = arith.constant 80 : index
        %swap3A_1640 = tpu.vector_load %arg10[%swap3A_1638, %swap3A_1639] {strides = array<i32>} : memref<128x128xf32, #tpu.memory_space<vmem>>, vector<1x16xf32>,
        %swap3A_1641 = vector.shape_cast %swap3A_1640 : vector<1x16xf32> to vector<16xf32>
        %swap3A_1642 = vector.shape_cast %mul3A_1635 : vector<16xf32> to vector<1x16xf32>
        tpu.vector_store %arg10[%swap3A_1638, %swap3A_1639], %swap3A_1642 {strides = array<i32>} : memref<128x128xf32, #tpu.memory_space<vmem>>, vector<1x16xf32>,
        %add3A_1643 = arith.constant 13 : i32
        %add3A_1644 = arith.addi %mul3A_63, %add3A_1643 : i32
        %get3A_1645 = arith.index_cast %add3A_1644 : i32 to index
        %get3A_1646 = arith.constant 96 : index
        %get3A_1647 = tpu.vector_load %arg10[%get3A_1645, %get3A_1646] {strides = array<i32>} : memref<128x128xf32, #tpu.memory_space<vmem>>, vector<1x16xf32>,
        %get3A_1648 = vector.shape_cast %get3A_1647 : vector<1x16xf32> to vector<16xf32>
        %mul3A_1649 = arith.mulf %get3A_1648, %broadcast_in_dim3A_1558 : vector<16xf32>
        %add3A_1650 = arith.constant 13 : i32
        %add3A_1651 = arith.addi %mul3A_63, %add3A_1650 : i32
        %swap3A_1652 = arith.index_cast %add3A_1651 : i32 to index
        %swap3A_1653 = arith.constant 96 : index
        %swap3A_1654 = tpu.vector_load %arg10[%swap3A_1652, %swap3A_1653] {strides = array<i32>} : memref<128x128xf32, #tpu.memory_space<vmem>>, vector<1x16xf32>,
        %swap3A_1655 = vector.shape_cast %swap3A_1654 : vector<1x16xf32> to vector<16xf32>
        %swap3A_1656 = vector.shape_cast %mul3A_1649 : vector<16xf32> to vector<1x16xf32>
        tpu.vector_store %arg10[%swap3A_1652, %swap3A_1653], %swap3A_1656 {strides = array<i32>} : memref<128x128xf32, #tpu.memory_space<vmem>>, vector<1x16xf32>,
        %add3A_1657 = arith.constant 13 : i32
        %add3A_1658 = arith.addi %mul3A_63, %add3A_1657 : i32
        %get3A_1659 = arith.index_cast %add3A_1658 : i32 to index
        %get3A_1660 = arith.constant 112 : index
        %get3A_1661 = tpu.vector_load %arg10[%get3A_1659, %get3A_1660] {strides = array<i32>} : memref<128x128xf32, #tpu.memory_space<vmem>>, vector<1x16xf32>,
        %get3A_1662 = vector.shape_cast %get3A_1661 : vector<1x16xf32> to vector<16xf32>
        %mul3A_1663 = arith.mulf %get3A_1662, %broadcast_in_dim3A_1558 : vector<16xf32>
        %add3A_1664 = arith.constant 13 : i32
        %add3A_1665 = arith.addi %mul3A_63, %add3A_1664 : i32
        %swap3A_1666 = arith.index_cast %add3A_1665 : i32 to index
        %swap3A_1667 = arith.constant 112 : index
        %swap3A_1668 = tpu.vector_load %arg10[%swap3A_1666, %swap3A_1667] {strides = array<i32>} : memref<128x128xf32, #tpu.memory_space<vmem>>, vector<1x16xf32>,
        %swap3A_1669 = vector.shape_cast %swap3A_1668 : vector<1x16xf32> to vector<16xf32>
        %swap3A_1670 = vector.shape_cast %mul3A_1663 : vector<16xf32> to vector<1x16xf32>
        tpu.vector_store %arg10[%swap3A_1666, %swap3A_1667], %swap3A_1670 {strides = array<i32>} : memref<128x128xf32, #tpu.memory_space<vmem>>, vector<1x16xf32>,
        %slice3A_1671 = vector.extract_strided_slice %get3A_61 {offsets = [14], sizes = [1], strides = [1]} : vector<16xf32> to vector<1xf32>
        %squeeze3A_1672 = vector.extract %slice3A_1671[0] : f32 from vector<1xf32>
        %broadcast_in_dim3A_1673 = vector.broadcast %squeeze3A_1672 : f32 to vector<16xf32>
        %add3A_1674 = arith.constant 14 : i32
        %add3A_1675 = arith.addi %mul3A_63, %add3A_1674 : i32
        %get3A_1676 = arith.index_cast %add3A_1675 : i32 to index
        %get3A_1677 = arith.constant 0 : index
        %get3A_1678 = tpu.vector_load %arg10[%get3A_1676, %get3A_1677] {strides = array<i32>} : memref<128x128xf32, #tpu.memory_space<vmem>>, vector<1x16xf32>,
        %get3A_1679 = vector.shape_cast %get3A_1678 : vector<1x16xf32> to vector<16xf32>
        %mul3A_1680 = arith.mulf %get3A_1679, %broadcast_in_dim3A_1673 : vector<16xf32>
        %add3A_1681 = arith.constant 14 : i32
        %add3A_1682 = arith.addi %mul3A_63, %add3A_1681 : i32
        %swap3A_1683 = arith.index_cast %add3A_1682 : i32 to index
        %swap3A_1684 = arith.constant 0 : index
        %swap3A_1685 = tpu.vector_load %arg10[%swap3A_1683, %swap3A_1684] {strides = array<i32>} : memref<128x128xf32, #tpu.memory_space<vmem>>, vector<1x16xf32>,
        %swap3A_1686 = vector.shape_cast %swap3A_1685 : vector<1x16xf32> to vector<16xf32>
        %swap3A_1687 = vector.shape_cast %mul3A_1680 : vector<16xf32> to vector<1x16xf32>
        tpu.vector_store %arg10[%swap3A_1683, %swap3A_1684], %swap3A_1687 {strides = array<i32>} : memref<128x128xf32, #tpu.memory_space<vmem>>, vector<1x16xf32>,
        %add3A_1688 = arith.constant 14 : i32
        %add3A_1689 = arith.addi %mul3A_63, %add3A_1688 : i32
        %get3A_1690 = arith.index_cast %add3A_1689 : i32 to index
        %get3A_1691 = arith.constant 16 : index
        %get3A_1692 = tpu.vector_load %arg10[%get3A_1690, %get3A_1691] {strides = array<i32>} : memref<128x128xf32, #tpu.memory_space<vmem>>, vector<1x16xf32>,
        %get3A_1693 = vector.shape_cast %get3A_1692 : vector<1x16xf32> to vector<16xf32>
        %mul3A_1694 = arith.mulf %get3A_1693, %broadcast_in_dim3A_1673 : vector<16xf32>
        %add3A_1695 = arith.constant 14 : i32
        %add3A_1696 = arith.addi %mul3A_63, %add3A_1695 : i32
        %swap3A_1697 = arith.index_cast %add3A_1696 : i32 to index
        %swap3A_1698 = arith.constant 16 : index
        %swap3A_1699 = tpu.vector_load %arg10[%swap3A_1697, %swap3A_1698] {strides = array<i32>} : memref<128x128xf32, #tpu.memory_space<vmem>>, vector<1x16xf32>,
        %swap3A_1700 = vector.shape_cast %swap3A_1699 : vector<1x16xf32> to vector<16xf32>
        %swap3A_1701 = vector.shape_cast %mul3A_1694 : vector<16xf32> to vector<1x16xf32>
        tpu.vector_store %arg10[%swap3A_1697, %swap3A_1698], %swap3A_1701 {strides = array<i32>} : memref<128x128xf32, #tpu.memory_space<vmem>>, vector<1x16xf32>,
        %add3A_1702 = arith.constant 14 : i32
        %add3A_1703 = arith.addi %mul3A_63, %add3A_1702 : i32
        %get3A_1704 = arith.index_cast %add3A_1703 : i32 to index
        %get3A_1705 = arith.constant 32 : index
        %get3A_1706 = tpu.vector_load %arg10[%get3A_1704, %get3A_1705] {strides = array<i32>} : memref<128x128xf32, #tpu.memory_space<vmem>>, vector<1x16xf32>,
        %get3A_1707 = vector.shape_cast %get3A_1706 : vector<1x16xf32> to vector<16xf32>
        %mul3A_1708 = arith.mulf %get3A_1707, %broadcast_in_dim3A_1673 : vector<16xf32>
        %add3A_1709 = arith.constant 14 : i32
        %add3A_1710 = arith.addi %mul3A_63, %add3A_1709 : i32
        %swap3A_1711 = arith.index_cast %add3A_1710 : i32 to index
        %swap3A_1712 = arith.constant 32 : index
        %swap3A_1713 = tpu.vector_load %arg10[%swap3A_1711, %swap3A_1712] {strides = array<i32>} : memref<128x128xf32, #tpu.memory_space<vmem>>, vector<1x16xf32>,
        %swap3A_1714 = vector.shape_cast %swap3A_1713 : vector<1x16xf32> to vector<16xf32>
        %swap3A_1715 = vector.shape_cast %mul3A_1708 : vector<16xf32> to vector<1x16xf32>
        tpu.vector_store %arg10[%swap3A_1711, %swap3A_1712], %swap3A_1715 {strides = array<i32>} : memref<128x128xf32, #tpu.memory_space<vmem>>, vector<1x16xf32>,
        %add3A_1716 = arith.constant 14 : i32
        %add3A_1717 = arith.addi %mul3A_63, %add3A_1716 : i32
        %get3A_1718 = arith.index_cast %add3A_1717 : i32 to index
        %get3A_1719 = arith.constant 48 : index
        %get3A_1720 = tpu.vector_load %arg10[%get3A_1718, %get3A_1719] {strides = array<i32>} : memref<128x128xf32, #tpu.memory_space<vmem>>, vector<1x16xf32>,
        %get3A_1721 = vector.shape_cast %get3A_1720 : vector<1x16xf32> to vector<16xf32>
        %mul3A_1722 = arith.mulf %get3A_1721, %broadcast_in_dim3A_1673 : vector<16xf32>
        %add3A_1723 = arith.constant 14 : i32
        %add3A_1724 = arith.addi %mul3A_63, %add3A_1723 : i32
        %swap3A_1725 = arith.index_cast %add3A_1724 : i32 to index
        %swap3A_1726 = arith.constant 48 : index
        %swap3A_1727 = tpu.vector_load %arg10[%swap3A_1725, %swap3A_1726] {strides = array<i32>} : memref<128x128xf32, #tpu.memory_space<vmem>>, vector<1x16xf32>,
        %swap3A_1728 = vector.shape_cast %swap3A_1727 : vector<1x16xf32> to vector<16xf32>
        %swap3A_1729 = vector.shape_cast %mul3A_1722 : vector<16xf32> to vector<1x16xf32>
        tpu.vector_store %arg10[%swap3A_1725, %swap3A_1726], %swap3A_1729 {strides = array<i32>} : memref<128x128xf32, #tpu.memory_space<vmem>>, vector<1x16xf32>,
        %add3A_1730 = arith.constant 14 : i32
        %add3A_1731 = arith.addi %mul3A_63, %add3A_1730 : i32
        %get3A_1732 = arith.index_cast %add3A_1731 : i32 to index
        %get3A_1733 = arith.constant 64 : index
        %get3A_1734 = tpu.vector_load %arg10[%get3A_1732, %get3A_1733] {strides = array<i32>} : memref<128x128xf32, #tpu.memory_space<vmem>>, vector<1x16xf32>,
        %get3A_1735 = vector.shape_cast %get3A_1734 : vector<1x16xf32> to vector<16xf32>
        %mul3A_1736 = arith.mulf %get3A_1735, %broadcast_in_dim3A_1673 : vector<16xf32>
        %add3A_1737 = arith.constant 14 : i32
        %add3A_1738 = arith.addi %mul3A_63, %add3A_1737 : i32
        %swap3A_1739 = arith.index_cast %add3A_1738 : i32 to index
        %swap3A_1740 = arith.constant 64 : index
        %swap3A_1741 = tpu.vector_load %arg10[%swap3A_1739, %swap3A_1740] {strides = array<i32>} : memref<128x128xf32, #tpu.memory_space<vmem>>, vector<1x16xf32>,
        %swap3A_1742 = vector.shape_cast %swap3A_1741 : vector<1x16xf32> to vector<16xf32>
        %swap3A_1743 = vector.shape_cast %mul3A_1736 : vector<16xf32> to vector<1x16xf32>
        tpu.vector_store %arg10[%swap3A_1739, %swap3A_1740], %swap3A_1743 {strides = array<i32>} : memref<128x128xf32, #tpu.memory_space<vmem>>, vector<1x16xf32>,
        %add3A_1744 = arith.constant 14 : i32
        %add3A_1745 = arith.addi %mul3A_63, %add3A_1744 : i32
        %get3A_1746 = arith.index_cast %add3A_1745 : i32 to index
        %get3A_1747 = arith.constant 80 : index
        %get3A_1748 = tpu.vector_load %arg10[%get3A_1746, %get3A_1747] {strides = array<i32>} : memref<128x128xf32, #tpu.memory_space<vmem>>, vector<1x16xf32>,
        %get3A_1749 = vector.shape_cast %get3A_1748 : vector<1x16xf32> to vector<16xf32>
        %mul3A_1750 = arith.mulf %get3A_1749, %broadcast_in_dim3A_1673 : vector<16xf32>
        %add3A_1751 = arith.constant 14 : i32
        %add3A_1752 = arith.addi %mul3A_63, %add3A_1751 : i32
        %swap3A_1753 = arith.index_cast %add3A_1752 : i32 to index
        %swap3A_1754 = arith.constant 80 : index
        %swap3A_1755 = tpu.vector_load %arg10[%swap3A_1753, %swap3A_1754] {strides = array<i32>} : memref<128x128xf32, #tpu.memory_space<vmem>>, vector<1x16xf32>,
        %swap3A_1756 = vector.shape_cast %swap3A_1755 : vector<1x16xf32> to vector<16xf32>
        %swap3A_1757 = vector.shape_cast %mul3A_1750 : vector<16xf32> to vector<1x16xf32>
        tpu.vector_store %arg10[%swap3A_1753, %swap3A_1754], %swap3A_1757 {strides = array<i32>} : memref<128x128xf32, #tpu.memory_space<vmem>>, vector<1x16xf32>,
        %add3A_1758 = arith.constant 14 : i32
        %add3A_1759 = arith.addi %mul3A_63, %add3A_1758 : i32
        %get3A_1760 = arith.index_cast %add3A_1759 : i32 to index
        %get3A_1761 = arith.constant 96 : index
        %get3A_1762 = tpu.vector_load %arg10[%get3A_1760, %get3A_1761] {strides = array<i32>} : memref<128x128xf32, #tpu.memory_space<vmem>>, vector<1x16xf32>,
        %get3A_1763 = vector.shape_cast %get3A_1762 : vector<1x16xf32> to vector<16xf32>
        %mul3A_1764 = arith.mulf %get3A_1763, %broadcast_in_dim3A_1673 : vector<16xf32>
        %add3A_1765 = arith.constant 14 : i32
        %add3A_1766 = arith.addi %mul3A_63, %add3A_1765 : i32
        %swap3A_1767 = arith.index_cast %add3A_1766 : i32 to index
        %swap3A_1768 = arith.constant 96 : index
        %swap3A_1769 = tpu.vector_load %arg10[%swap3A_1767, %swap3A_1768] {strides = array<i32>} : memref<128x128xf32, #tpu.memory_space<vmem>>, vector<1x16xf32>,
        %swap3A_1770 = vector.shape_cast %swap3A_1769 : vector<1x16xf32> to vector<16xf32>
        %swap3A_1771 = vector.shape_cast %mul3A_1764 : vector<16xf32> to vector<1x16xf32>
        tpu.vector_store %arg10[%swap3A_1767, %swap3A_1768], %swap3A_1771 {strides = array<i32>} : memref<128x128xf32, #tpu.memory_space<vmem>>, vector<1x16xf32>,
        %add3A_1772 = arith.constant 14 : i32
        %add3A_1773 = arith.addi %mul3A_63, %add3A_1772 : i32
        %get3A_1774 = arith.index_cast %add3A_1773 : i32 to index
        %get3A_1775 = arith.constant 112 : index
        %get3A_1776 = tpu.vector_load %arg10[%get3A_1774, %get3A_1775] {strides = array<i32>} : memref<128x128xf32, #tpu.memory_space<vmem>>, vector<1x16xf32>,
        %get3A_1777 = vector.shape_cast %get3A_1776 : vector<1x16xf32> to vector<16xf32>
        %mul3A_1778 = arith.mulf %get3A_1777, %broadcast_in_dim3A_1673 : vector<16xf32>
        %add3A_1779 = arith.constant 14 : i32
        %add3A_1780 = arith.addi %mul3A_63, %add3A_1779 : i32
        %swap3A_1781 = arith.index_cast %add3A_1780 : i32 to index
        %swap3A_1782 = arith.constant 112 : index
        %swap3A_1783 = tpu.vector_load %arg10[%swap3A_1781, %swap3A_1782] {strides = array<i32>} : memref<128x128xf32, #tpu.memory_space<vmem>>, vector<1x16xf32>,
        %swap3A_1784 = vector.shape_cast %swap3A_1783 : vector<1x16xf32> to vector<16xf32>
        %swap3A_1785 = vector.shape_cast %mul3A_1778 : vector<16xf32> to vector<1x16xf32>
        tpu.vector_store %arg10[%swap3A_1781, %swap3A_1782], %swap3A_1785 {strides = array<i32>} : memref<128x128xf32, #tpu.memory_space<vmem>>, vector<1x16xf32>,
        %slice3A_1786 = vector.extract_strided_slice %get3A_61 {offsets = [15], sizes = [1], strides = [1]} : vector<16xf32> to vector<1xf32>
        %squeeze3A_1787 = vector.extract %slice3A_1786[0] : f32 from vector<1xf32>
        %broadcast_in_dim3A_1788 = vector.broadcast %squeeze3A_1787 : f32 to vector<16xf32>
        %add3A_1789 = arith.constant 15 : i32
        %add3A_1790 = arith.addi %mul3A_63, %add3A_1789 : i32
        %get3A_1791 = arith.index_cast %add3A_1790 : i32 to index
        %get3A_1792 = arith.constant 0 : index
        %get3A_1793 = tpu.vector_load %arg10[%get3A_1791, %get3A_1792] {strides = array<i32>} : memref<128x128xf32, #tpu.memory_space<vmem>>, vector<1x16xf32>,
        %get3A_1794 = vector.shape_cast %get3A_1793 : vector<1x16xf32> to vector<16xf32>
        %mul3A_1795 = arith.mulf %get3A_1794, %broadcast_in_dim3A_1788 : vector<16xf32>
        %add3A_1796 = arith.constant 15 : i32
        %add3A_1797 = arith.addi %mul3A_63, %add3A_1796 : i32
        %swap3A_1798 = arith.index_cast %add3A_1797 : i32 to index
        %swap3A_1799 = arith.constant 0 : index
        %swap3A_1800 = tpu.vector_load %arg10[%swap3A_1798, %swap3A_1799] {strides = array<i32>} : memref<128x128xf32, #tpu.memory_space<vmem>>, vector<1x16xf32>,
        %swap3A_1801 = vector.shape_cast %swap3A_1800 : vector<1x16xf32> to vector<16xf32>
        %swap3A_1802 = vector.shape_cast %mul3A_1795 : vector<16xf32> to vector<1x16xf32>
        tpu.vector_store %arg10[%swap3A_1798, %swap3A_1799], %swap3A_1802 {strides = array<i32>} : memref<128x128xf32, #tpu.memory_space<vmem>>, vector<1x16xf32>,
        %add3A_1803 = arith.constant 15 : i32
        %add3A_1804 = arith.addi %mul3A_63, %add3A_1803 : i32
        %get3A_1805 = arith.index_cast %add3A_1804 : i32 to index
        %get3A_1806 = arith.constant 16 : index
        %get3A_1807 = tpu.vector_load %arg10[%get3A_1805, %get3A_1806] {strides = array<i32>} : memref<128x128xf32, #tpu.memory_space<vmem>>, vector<1x16xf32>,
        %get3A_1808 = vector.shape_cast %get3A_1807 : vector<1x16xf32> to vector<16xf32>
        %mul3A_1809 = arith.mulf %get3A_1808, %broadcast_in_dim3A_1788 : vector<16xf32>
        %add3A_1810 = arith.constant 15 : i32
        %add3A_1811 = arith.addi %mul3A_63, %add3A_1810 : i32
        %swap3A_1812 = arith.index_cast %add3A_1811 : i32 to index
        %swap3A_1813 = arith.constant 16 : index
        %swap3A_1814 = tpu.vector_load %arg10[%swap3A_1812, %swap3A_1813] {strides = array<i32>} : memref<128x128xf32, #tpu.memory_space<vmem>>, vector<1x16xf32>,
        %swap3A_1815 = vector.shape_cast %swap3A_1814 : vector<1x16xf32> to vector<16xf32>
        %swap3A_1816 = vector.shape_cast %mul3A_1809 : vector<16xf32> to vector<1x16xf32>
        tpu.vector_store %arg10[%swap3A_1812, %swap3A_1813], %swap3A_1816 {strides = array<i32>} : memref<128x128xf32, #tpu.memory_space<vmem>>, vector<1x16xf32>,
        %add3A_1817 = arith.constant 15 : i32
        %add3A_1818 = arith.addi %mul3A_63, %add3A_1817 : i32
        %get3A_1819 = arith.index_cast %add3A_1818 : i32 to index
        %get3A_1820 = arith.constant 32 : index
        %get3A_1821 = tpu.vector_load %arg10[%get3A_1819, %get3A_1820] {strides = array<i32>} : memref<128x128xf32, #tpu.memory_space<vmem>>, vector<1x16xf32>,
        %get3A_1822 = vector.shape_cast %get3A_1821 : vector<1x16xf32> to vector<16xf32>
        %mul3A_1823 = arith.mulf %get3A_1822, %broadcast_in_dim3A_1788 : vector<16xf32>
        %add3A_1824 = arith.constant 15 : i32
        %add3A_1825 = arith.addi %mul3A_63, %add3A_1824 : i32
        %swap3A_1826 = arith.index_cast %add3A_1825 : i32 to index
        %swap3A_1827 = arith.constant 32 : index
        %swap3A_1828 = tpu.vector_load %arg10[%swap3A_1826, %swap3A_1827] {strides = array<i32>} : memref<128x128xf32, #tpu.memory_space<vmem>>, vector<1x16xf32>,
        %swap3A_1829 = vector.shape_cast %swap3A_1828 : vector<1x16xf32> to vector<16xf32>
        %swap3A_1830 = vector.shape_cast %mul3A_1823 : vector<16xf32> to vector<1x16xf32>
        tpu.vector_store %arg10[%swap3A_1826, %swap3A_1827], %swap3A_1830 {strides = array<i32>} : memref<128x128xf32, #tpu.memory_space<vmem>>, vector<1x16xf32>,
        %add3A_1831 = arith.constant 15 : i32
        %add3A_1832 = arith.addi %mul3A_63, %add3A_1831 : i32
        %get3A_1833 = arith.index_cast %add3A_1832 : i32 to index
        %get3A_1834 = arith.constant 48 : index
        %get3A_1835 = tpu.vector_load %arg10[%get3A_1833, %get3A_1834] {strides = array<i32>} : memref<128x128xf32, #tpu.memory_space<vmem>>, vector<1x16xf32>,
        %get3A_1836 = vector.shape_cast %get3A_1835 : vector<1x16xf32> to vector<16xf32>
        %mul3A_1837 = arith.mulf %get3A_1836, %broadcast_in_dim3A_1788 : vector<16xf32>
        %add3A_1838 = arith.constant 15 : i32
        %add3A_1839 = arith.addi %mul3A_63, %add3A_1838 : i32
        %swap3A_1840 = arith.index_cast %add3A_1839 : i32 to index
        %swap3A_1841 = arith.constant 48 : index
        %swap3A_1842 = tpu.vector_load %arg10[%swap3A_1840, %swap3A_1841] {strides = array<i32>} : memref<128x128xf32, #tpu.memory_space<vmem>>, vector<1x16xf32>,
        %swap3A_1843 = vector.shape_cast %swap3A_1842 : vector<1x16xf32> to vector<16xf32>
        %swap3A_1844 = vector.shape_cast %mul3A_1837 : vector<16xf32> to vector<1x16xf32>
        tpu.vector_store %arg10[%swap3A_1840, %swap3A_1841], %swap3A_1844 {strides = array<i32>} : memref<128x128xf32, #tpu.memory_space<vmem>>, vector<1x16xf32>,
        %add3A_1845 = arith.constant 15 : i32
        %add3A_1846 = arith.addi %mul3A_63, %add3A_1845 : i32
        %get3A_1847 = arith.index_cast %add3A_1846 : i32 to index
        %get3A_1848 = arith.constant 64 : index
        %get3A_1849 = tpu.vector_load %arg10[%get3A_1847, %get3A_1848] {strides = array<i32>} : memref<128x128xf32, #tpu.memory_space<vmem>>, vector<1x16xf32>,
        %get3A_1850 = vector.shape_cast %get3A_1849 : vector<1x16xf32> to vector<16xf32>
        %mul3A_1851 = arith.mulf %get3A_1850, %broadcast_in_dim3A_1788 : vector<16xf32>
        %add3A_1852 = arith.constant 15 : i32
        %add3A_1853 = arith.addi %mul3A_63, %add3A_1852 : i32
        %swap3A_1854 = arith.index_cast %add3A_1853 : i32 to index
        %swap3A_1855 = arith.constant 64 : index
        %swap3A_1856 = tpu.vector_load %arg10[%swap3A_1854, %swap3A_1855] {strides = array<i32>} : memref<128x128xf32, #tpu.memory_space<vmem>>, vector<1x16xf32>,
        %swap3A_1857 = vector.shape_cast %swap3A_1856 : vector<1x16xf32> to vector<16xf32>
        %swap3A_1858 = vector.shape_cast %mul3A_1851 : vector<16xf32> to vector<1x16xf32>
        tpu.vector_store %arg10[%swap3A_1854, %swap3A_1855], %swap3A_1858 {strides = array<i32>} : memref<128x128xf32, #tpu.memory_space<vmem>>, vector<1x16xf32>,
        %add3A_1859 = arith.constant 15 : i32
        %add3A_1860 = arith.addi %mul3A_63, %add3A_1859 : i32
        %get3A_1861 = arith.index_cast %add3A_1860 : i32 to index
        %get3A_1862 = arith.constant 80 : index
        %get3A_1863 = tpu.vector_load %arg10[%get3A_1861, %get3A_1862] {strides = array<i32>} : memref<128x128xf32, #tpu.memory_space<vmem>>, vector<1x16xf32>,
        %get3A_1864 = vector.shape_cast %get3A_1863 : vector<1x16xf32> to vector<16xf32>
        %mul3A_1865 = arith.mulf %get3A_1864, %broadcast_in_dim3A_1788 : vector<16xf32>
        %add3A_1866 = arith.constant 15 : i32
        %add3A_1867 = arith.addi %mul3A_63, %add3A_1866 : i32
        %swap3A_1868 = arith.index_cast %add3A_1867 : i32 to index
        %swap3A_1869 = arith.constant 80 : index
        %swap3A_1870 = tpu.vector_load %arg10[%swap3A_1868, %swap3A_1869] {strides = array<i32>} : memref<128x128xf32, #tpu.memory_space<vmem>>, vector<1x16xf32>,
        %swap3A_1871 = vector.shape_cast %swap3A_1870 : vector<1x16xf32> to vector<16xf32>
        %swap3A_1872 = vector.shape_cast %mul3A_1865 : vector<16xf32> to vector<1x16xf32>
        tpu.vector_store %arg10[%swap3A_1868, %swap3A_1869], %swap3A_1872 {strides = array<i32>} : memref<128x128xf32, #tpu.memory_space<vmem>>, vector<1x16xf32>,
        %add3A_1873 = arith.constant 15 : i32
        %add3A_1874 = arith.addi %mul3A_63, %add3A_1873 : i32
        %get3A_1875 = arith.index_cast %add3A_1874 : i32 to index
        %get3A_1876 = arith.constant 96 : index
        %get3A_1877 = tpu.vector_load %arg10[%get3A_1875, %get3A_1876] {strides = array<i32>} : memref<128x128xf32, #tpu.memory_space<vmem>>, vector<1x16xf32>,
        %get3A_1878 = vector.shape_cast %get3A_1877 : vector<1x16xf32> to vector<16xf32>
        %mul3A_1879 = arith.mulf %get3A_1878, %broadcast_in_dim3A_1788 : vector<16xf32>
        %add3A_1880 = arith.constant 15 : i32
        %add3A_1881 = arith.addi %mul3A_63, %add3A_1880 : i32
        %swap3A_1882 = arith.index_cast %add3A_1881 : i32 to index
        %swap3A_1883 = arith.constant 96 : index
        %swap3A_1884 = tpu.vector_load %arg10[%swap3A_1882, %swap3A_1883] {strides = array<i32>} : memref<128x128xf32, #tpu.memory_space<vmem>>, vector<1x16xf32>,
        %swap3A_1885 = vector.shape_cast %swap3A_1884 : vector<1x16xf32> to vector<16xf32>
        %swap3A_1886 = vector.shape_cast %mul3A_1879 : vector<16xf32> to vector<1x16xf32>
        tpu.vector_store %arg10[%swap3A_1882, %swap3A_1883], %swap3A_1886 {strides = array<i32>} : memref<128x128xf32, #tpu.memory_space<vmem>>, vector<1x16xf32>,
        %add3A_1887 = arith.constant 15 : i32
        %add3A_1888 = arith.addi %mul3A_63, %add3A_1887 : i32
        %get3A_1889 = arith.index_cast %add3A_1888 : i32 to index
        %get3A_1890 = arith.constant 112 : index
        %get3A_1891 = tpu.vector_load %arg10[%get3A_1889, %get3A_1890] {strides = array<i32>} : memref<128x128xf32, #tpu.memory_space<vmem>>, vector<1x16xf32>,
        %get3A_1892 = vector.shape_cast %get3A_1891 : vector<1x16xf32> to vector<16xf32>
        %mul3A_1893 = arith.mulf %get3A_1892, %broadcast_in_dim3A_1788 : vector<16xf32>
        %add3A_1894 = arith.constant 15 : i32
        %add3A_1895 = arith.addi %mul3A_63, %add3A_1894 : i32
        %swap3A_1896 = arith.index_cast %add3A_1895 : i32 to index
        %swap3A_1897 = arith.constant 112 : index
        %swap3A_1898 = tpu.vector_load %arg10[%swap3A_1896, %swap3A_1897] {strides = array<i32>} : memref<128x128xf32, #tpu.memory_space<vmem>>, vector<1x16xf32>,
        %swap3A_1899 = vector.shape_cast %swap3A_1898 : vector<1x16xf32> to vector<16xf32>
        %swap3A_1900 = vector.shape_cast %mul3A_1893 : vector<16xf32> to vector<1x16xf32>
        tpu.vector_store %arg10[%swap3A_1896, %swap3A_1897], %swap3A_1900 {strides = array<i32>} : memref<128x128xf32, #tpu.memory_space<vmem>>, vector<1x16xf32>,
        %scan3A_1901 = arith.constant 0 : i32
        scf.yield %scan3A_1901 : i32
      }
      %scan3A_53 = arith.constant 8 : i32
      "tpu.region"() ({
        %run_scoped3A = tpu.sem_alloc : memref<!tpu.dma_semaphore, #tpu.memory_space<semaphore_mem>>
        %dma_start3A_55 = arith.constant 0 : i32
        %dma_start3A_56 = tpu.memref_slice %arg8[%scan3A_35, %dma_start3A_55] : memref<79x128xi32, #tpu.memory_space<vmem>> -> memref<1x128xi32, #tpu.memory_space<vmem>>
        %dma_start3A_57 = tpu.memref_squeeze %dma_start3A_56 : memref<1x128xi32, #tpu.memory_space<vmem>> -> memref<128xi32, #tpu.memory_space<vmem>>
        %dma_start3A_58 = arith.constant 0 : i32
        %dma_start3A_59 = arith.constant 0 : i32
        %dma_start3A_60 = tpu.memref_slice %arg11[%dma_start3A_58, %dma_start3A_59] : memref<10000x128xf32, #tpu.memory_space<vmem_shared>> -> memref<10000x128xf32, #tpu.memory_space<vmem_shared>>
        tpu.enqueue_indirect_dma source(%arg10 : memref<128x128xf32, #tpu.memory_space<vmem>>) target(%dma_start3A_60 : memref<10000x128xf32, #tpu.memory_space<vmem_shared>>) offsets(%dma_start3A_57 : memref<128xi32, #tpu.memory_space<vmem>>) semaphore(%run_scoped3A : memref<!tpu.dma_semaphore, #tpu.memory_space<semaphore_mem>>) {add = true}
        %dma_wait3A_61 = arith.constant 0 : i32
        %dma_wait3A_62 = tpu.memref_slice %arg8[%scan3A_35, %dma_wait3A_61] : memref<79x128xi32, #tpu.memory_space<vmem>> -> memref<1x128xi32, #tpu.memory_space<vmem>>
        %dma_wait3A_63 = tpu.memref_squeeze %dma_wait3A_62 : memref<1x128xi32, #tpu.memory_space<vmem>> -> memref<128xi32, #tpu.memory_space<vmem>>
        %dma_wait3A_64 = arith.constant 0 : i32
        %dma_wait3A_65 = arith.constant 0 : i32
        %dma_wait3A_66 = tpu.memref_slice %arg11[%dma_wait3A_64, %dma_wait3A_65] : memref<10000x128xf32, #tpu.memory_space<vmem_shared>> -> memref<10000x128xf32, #tpu.memory_space<vmem_shared>>
        tpu.wait_indirect_dma semaphore(%run_scoped3A : memref<!tpu.dma_semaphore, #tpu.memory_space<semaphore_mem>>) src(%arg10 : memref<128x128xf32, #tpu.memory_space<vmem>>) dst(%dma_wait3A_66 : memref<10000x128xf32, #tpu.memory_space<vmem_shared>>)
        tpu.yield
      }) : () -> ()
      %scan3A_54 = arith.constant 0 : i32
      scf.yield %scan3A_54 : i32
    }
    %scan3A_28 = arith.constant 79 : i32
    %barrier3A_29 = arith.constant 0 : index
    tpu.barrier barrier_id(%barrier3A_29)
    "tpu.region"() ({
      %run_scoped3A = tpu.sem_alloc : memref<!tpu.dma_semaphore, #tpu.memory_space<semaphore_mem>>
      %dma_start3A = arith.constant 0 : i32
      %dma_start3A_35 = tpu.memref_slice %arg6[%arg0, %mul3A_9, %dma_start3A] : memref<2x10000x128xf32, #tpu.memory_space<hbm>> -> memref<1x624x128xf32, #tpu.memory_space<hbm>>
      %dma_start3A_36 = tpu.memref_squeeze %dma_start3A_35 : memref<1x624x128xf32, #tpu.memory_space<hbm>> -> memref<624x128xf32, #tpu.memory_space<hbm>>
      %dma_start3A_37 = arith.constant 0 : i32
      %dma_start3A_38 = tpu.memref_slice %arg11[%mul3A_9, %dma_start3A_37] : memref<10000x128xf32, #tpu.memory_space<vmem_shared>> -> memref<624x128xf32, #tpu.memory_space<vmem_shared>>
      tpu.enqueue_dma source(%dma_start3A_38 : memref<624x128xf32, #tpu.memory_space<vmem_shared>>) target(%dma_start3A_36 : memref<624x128xf32, #tpu.memory_space<hbm>>) target_semaphore(%run_scoped3A : memref<!tpu.dma_semaphore, #tpu.memory_space<semaphore_mem>>)
      %dma_wait3A = arith.constant 0 : i32
      %dma_wait3A_39 = tpu.memref_slice %arg6[%arg0, %mul3A_9, %dma_wait3A] : memref<2x10000x128xf32, #tpu.memory_space<hbm>> -> memref<1x624x128xf32, #tpu.memory_space<hbm>>
      %dma_wait3A_40 = tpu.memref_squeeze %dma_wait3A_39 : memref<1x624x128xf32, #tpu.memory_space<hbm>> -> memref<624x128xf32, #tpu.memory_space<hbm>>
      %dma_wait3A_41 = arith.constant 0 : i32
      %dma_wait3A_42 = tpu.memref_slice %arg11[%mul3A_9, %dma_wait3A_41] : memref<10000x128xf32, #tpu.memory_space<vmem_shared>> -> memref<624x128xf32, #tpu.memory_space<vmem_shared>>
      tpu.wait_dma2 semaphore(%run_scoped3A : memref<!tpu.dma_semaphore, #tpu.memory_space<semaphore_mem>>) src(%dma_wait3A_42 : memref<624x128xf32, #tpu.memory_space<vmem_shared>>) dst(%dma_wait3A_40 : memref<624x128xf32, #tpu.memory_space<hbm>>)
      tpu.yield
    }) : () -> ()
    %eq3A_30 = arith.constant 15 : i32
    %eq3A_31 = arith.cmpi eq, %arg1, %eq3A_30 : i32
    %convert_element_type3A_32 = arith.extui %eq3A_31 : i1 to i32
    %cond3A_33 = arith.constant 0 : i32
    %cond3A_34 = arith.cmpi ne, %convert_element_type3A_32, %cond3A_33 : i32
    scf.if %cond3A_34 {
      "tpu.region"() ({
        %run_scoped3A = tpu.sem_alloc : memref<!tpu.dma_semaphore, #tpu.memory_space<semaphore_mem>>
        %dma_start3A = arith.constant 9984 : i32
        %dma_start3A_35 = arith.constant 0 : i32
        %dma_start3A_36 = tpu.memref_slice %arg6[%arg0, %dma_start3A, %dma_start3A_35] : memref<2x10000x128xf32, #tpu.memory_space<hbm>> -> memref<1x16x128xf32, #tpu.memory_space<hbm>>
        %dma_start3A_37 = tpu.memref_squeeze %dma_start3A_36 : memref<1x16x128xf32, #tpu.memory_space<hbm>> -> memref<16x128xf32, #tpu.memory_space<hbm>>
        %dma_start3A_38 = arith.constant 9984 : i32
        %dma_start3A_39 = arith.constant 0 : i32
        %dma_start3A_40 = tpu.memref_slice %arg11[%dma_start3A_38, %dma_start3A_39] : memref<10000x128xf32, #tpu.memory_space<vmem_shared>> -> memref<16x128xf32, #tpu.memory_space<vmem_shared>>
        tpu.enqueue_dma source(%dma_start3A_40 : memref<16x128xf32, #tpu.memory_space<vmem_shared>>) target(%dma_start3A_37 : memref<16x128xf32, #tpu.memory_space<hbm>>) target_semaphore(%run_scoped3A : memref<!tpu.dma_semaphore, #tpu.memory_space<semaphore_mem>>)
        %dma_wait3A = arith.constant 9984 : i32
        %dma_wait3A_41 = arith.constant 0 : i32
        %dma_wait3A_42 = tpu.memref_slice %arg6[%arg0, %dma_wait3A, %dma_wait3A_41] : memref<2x10000x128xf32, #tpu.memory_space<hbm>> -> memref<1x16x128xf32, #tpu.memory_space<hbm>>
        %dma_wait3A_43 = tpu.memref_squeeze %dma_wait3A_42 : memref<1x16x128xf32, #tpu.memory_space<hbm>> -> memref<16x128xf32, #tpu.memory_space<hbm>>
        %dma_wait3A_44 = arith.constant 9984 : i32
        %dma_wait3A_45 = arith.constant 0 : i32
        %dma_wait3A_46 = tpu.memref_slice %arg11[%dma_wait3A_44, %dma_wait3A_45] : memref<10000x128xf32, #tpu.memory_space<vmem_shared>> -> memref<16x128xf32, #tpu.memory_space<vmem_shared>>
        tpu.wait_dma2 semaphore(%run_scoped3A : memref<!tpu.dma_semaphore, #tpu.memory_space<semaphore_mem>>) src(%dma_wait3A_46 : memref<16x128xf32, #tpu.memory_space<vmem_shared>>) dst(%dma_wait3A_43 : memref<16x128xf32, #tpu.memory_space<hbm>>)
        tpu.yield
      }) : () -> ()
    } else {
    }
    return
  }
}

module attributes {stable_mosaic.version = 14 : i64} {
  func.func @_fuse_body(%arg0: i32, %arg1: memref<2x1000x128xf32, #tpu.memory_space<vmem>>, %arg2: memref<1x128xf32, #tpu.memory_space<vmem>>, %arg3: memref<128x128xf32, #tpu.memory_space<vmem>>, %arg4: memref<1000x128xf32, #tpu.memory_space<vmem>>) attributes {dimension_semantics = [#tpu.dimension_semantics<arbitrary>], iteration_bounds = array<i64: 10>, scalar_prefetch = 0 : i64, scratch_operands = 0 : i64, tpu.core_type = #tpu.core_type<tc>, window_params = [{transform_indices = @transform_0, window_bounds = array<i64: 2, 1000, 128>}, {pipeline_mode = #tpu.pipeline_mode<synchronous>, transform_indices = @transform_1, window_bounds = array<i64: 1, 128>}, {pipeline_mode = #tpu.pipeline_mode<synchronous>, transform_indices = @transform_2, window_bounds = array<i64: 128, 128>}, {transform_indices = @transform_3, window_bounds = array<i64: 1000, 128>}]} {
    %get3A = arith.constant 0 : index
    %get3A_0 = arith.constant 0 : index
    %get3A_1 = arith.constant 0 : index
    %get3A_2 = vector.load %arg1[%get3A, %get3A_0, %get3A_1] : memref<2x1000x128xf32, #tpu.memory_space<vmem>>, vector<1x1000x128xf32>
    %get3A_3 = vector.shape_cast %get3A_2 : vector<1x1000x128xf32> to vector<1000x128xf32>
    %get3A_4 = arith.constant 1 : index
    %get3A_5 = arith.constant 0 : index
    %get3A_6 = arith.constant 0 : index
    %get3A_7 = vector.load %arg1[%get3A_4, %get3A_5, %get3A_6] : memref<2x1000x128xf32, #tpu.memory_space<vmem>>, vector<1x1000x128xf32>
    %get3A_8 = vector.shape_cast %get3A_7 : vector<1x1000x128xf32> to vector<1000x128xf32>
    %add3A = arith.addf %get3A_3, %get3A_8 : vector<1000x128xf32>
    %get3A_9 = arith.constant 0 : index
    %get3A_10 = arith.constant 0 : index
    %get3A_11 = vector.load %arg2[%get3A_9, %get3A_10] : memref<1x128xf32, #tpu.memory_space<vmem>>, vector<1x128xf32>
    %add3A_12 = vector.broadcast %get3A_11 : vector<1x128xf32> to vector<1000x128xf32>
    %add3A_13 = arith.addf %add3A, %add3A_12 : vector<1000x128xf32>
    %max3A = arith.constant 0.000000e+00 : f32
    %max3A_14 = vector.broadcast %max3A : f32 to vector<1000x128xf32>
    %max3A_15 = arith.maximumf %add3A_13, %max3A_14 : vector<1000x128xf32>
    %get3A_16 = arith.constant 0 : index
    %get3A_17 = arith.constant 0 : index
    %get3A_18 = vector.load %arg3[%get3A_16, %get3A_17] : memref<128x128xf32, #tpu.memory_space<vmem>>, vector<128x128xf32>
    %dot_general3A = arith.constant dense<0.000000e+00> : vector<1000x128xf32>
    %dot_general3A_19 = tpu.matmul %max3A_15, %get3A_18, %dot_general3A {dimension_numbers = #tpu.dot_dimension_numbers<[1], [0], [0], [1], [0, 0, 1, 1], [], []>, transpose_lhs_hint = false} : vector<1000x128xf32>, vector<128x128xf32>, vector<1000x128xf32> -> vector<1000x128xf32>
    %swap3A = arith.constant 0 : index
    %swap3A_20 = arith.constant 0 : index
    %swap3A_21 = vector.load %arg4[%swap3A, %swap3A_20] : memref<1000x128xf32, #tpu.memory_space<vmem>>, vector<1000x128xf32>
    tpu.vector_store %arg4[%swap3A, %swap3A_20], %dot_general3A_19 {strides = array<i32>} : memref<1000x128xf32, #tpu.memory_space<vmem>>, vector<1000x128xf32>,
    return
  }
  func.func @transform_0(%arg0: i32) -> (i32, i32, i32) {
    %c0_i32 = arith.constant 0 : i32
    %c0_i32_0 = arith.constant 0 : i32
    %c0_i32_1 = arith.constant 0 : i32
    return %c0_i32, %arg0, %c0_i32_0 : i32, i32, i32
  }
  func.func @transform_1(%arg0: i32) -> (i32, i32) {
    %c0_i32 = arith.constant 0 : i32
    %c0_i32_0 = arith.constant 0 : i32
    %c0_i32_1 = arith.constant 0 : i32
    return %c0_i32, %c0_i32_0 : i32, i32
  }
  func.func @transform_2(%arg0: i32) -> (i32, i32) {
    %c0_i32 = arith.constant 0 : i32
    %c0_i32_0 = arith.constant 0 : i32
    %c0_i32_1 = arith.constant 0 : i32
    return %c0_i32, %c0_i32_0 : i32, i32
  }
  func.func @transform_3(%arg0: i32) -> (i32, i32) {
    %c0_i32 = arith.constant 0 : i32
    %c0_i32_0 = arith.constant 0 : i32
    return %arg0, %c0_i32 : i32, i32
  }
}

module attributes {stable_mosaic.version = 14 : i64} {
  func.func @_mm_body(%arg0: i32, %arg1: memref<1000x128xf32, #tpu.memory_space<vmem>>, %arg2: memref<128x128xf32, #tpu.memory_space<vmem>>, %arg3: memref<1000x128xf32, #tpu.memory_space<vmem>>) attributes {dimension_semantics = [#tpu.dimension_semantics<arbitrary>], iteration_bounds = array<i64: 10>, scalar_prefetch = 0 : i64, scratch_operands = 0 : i64, tpu.core_type = #tpu.core_type<tc>, window_params = [{transform_indices = @transform_0, window_bounds = array<i64: 1000, 128>}, {pipeline_mode = #tpu.pipeline_mode<synchronous>, transform_indices = @transform_1, window_bounds = array<i64: 128, 128>}, {transform_indices = @transform_2, window_bounds = array<i64: 1000, 128>}]} {
    %get3A = arith.constant 0 : index
    %get3A_0 = arith.constant 0 : index
    %get3A_1 = vector.load %arg1[%get3A, %get3A_0] : memref<1000x128xf32, #tpu.memory_space<vmem>>, vector<1000x128xf32>
    %get3A_2 = arith.constant 0 : index
    %get3A_3 = arith.constant 0 : index
    %get3A_4 = vector.load %arg2[%get3A_2, %get3A_3] : memref<128x128xf32, #tpu.memory_space<vmem>>, vector<128x128xf32>
    %dot_general3A = arith.constant dense<0.000000e+00> : vector<1000x128xf32>
    %dot_general3A_5 = tpu.matmul %get3A_1, %get3A_4, %dot_general3A {dimension_numbers = #tpu.dot_dimension_numbers<[1], [0], [0], [1], [0, 0, 1, 1], [], []>, transpose_lhs_hint = false} : vector<1000x128xf32>, vector<128x128xf32>, vector<1000x128xf32> -> vector<1000x128xf32>
    %swap3A = arith.constant 0 : index
    %swap3A_6 = arith.constant 0 : index
    %swap3A_7 = vector.load %arg3[%swap3A, %swap3A_6] : memref<1000x128xf32, #tpu.memory_space<vmem>>, vector<1000x128xf32>
    tpu.vector_store %arg3[%swap3A, %swap3A_6], %dot_general3A_5 {strides = array<i32>} : memref<1000x128xf32, #tpu.memory_space<vmem>>, vector<1000x128xf32>,
    return
  }
  func.func @transform_0(%arg0: i32) -> (i32, i32) {
    %c0_i32 = arith.constant 0 : i32
    %c0_i32_0 = arith.constant 0 : i32
    return %arg0, %c0_i32 : i32, i32
  }
  func.func @transform_1(%arg0: i32) -> (i32, i32) {
    %c0_i32 = arith.constant 0 : i32
    %c0_i32_0 = arith.constant 0 : i32
    %c0_i32_1 = arith.constant 0 : i32
    return %c0_i32, %c0_i32_0 : i32, i32
  }
  func.func @transform_2(%arg0: i32) -> (i32, i32) {
    %c0_i32 = arith.constant 0 : i32
    %c0_i32_0 = arith.constant 0 : i32
    return %arg0, %c0_i32 : i32, i32
  }
}

module attributes {stable_mosaic.version = 14 : i64} {
  func.func @_final_body(%arg0: i32, %arg1: memref<2x1000x128xf32, #tpu.memory_space<vmem>>, %arg2: memref<1x128xf32, #tpu.memory_space<vmem>>, %arg3: memref<1000x128xf32, #tpu.memory_space<vmem>>) attributes {dimension_semantics = [#tpu.dimension_semantics<arbitrary>], iteration_bounds = array<i64: 10>, scalar_prefetch = 0 : i64, scratch_operands = 0 : i64, tpu.core_type = #tpu.core_type<tc>, window_params = [{transform_indices = @transform_0, window_bounds = array<i64: 2, 1000, 128>}, {pipeline_mode = #tpu.pipeline_mode<synchronous>, transform_indices = @transform_1, window_bounds = array<i64: 1, 128>}, {transform_indices = @transform_2, window_bounds = array<i64: 1000, 128>}]} {
    %get3A = arith.constant 0 : index
    %get3A_0 = arith.constant 0 : index
    %get3A_1 = arith.constant 0 : index
    %get3A_2 = vector.load %arg1[%get3A, %get3A_0, %get3A_1] : memref<2x1000x128xf32, #tpu.memory_space<vmem>>, vector<1x1000x128xf32>
    %get3A_3 = vector.shape_cast %get3A_2 : vector<1x1000x128xf32> to vector<1000x128xf32>
    %get3A_4 = arith.constant 1 : index
    %get3A_5 = arith.constant 0 : index
    %get3A_6 = arith.constant 0 : index
    %get3A_7 = vector.load %arg1[%get3A_4, %get3A_5, %get3A_6] : memref<2x1000x128xf32, #tpu.memory_space<vmem>>, vector<1x1000x128xf32>
    %get3A_8 = vector.shape_cast %get3A_7 : vector<1x1000x128xf32> to vector<1000x128xf32>
    %add3A = arith.addf %get3A_3, %get3A_8 : vector<1000x128xf32>
    %get3A_9 = arith.constant 0 : index
    %get3A_10 = arith.constant 0 : index
    %get3A_11 = vector.load %arg2[%get3A_9, %get3A_10] : memref<1x128xf32, #tpu.memory_space<vmem>>, vector<1x128xf32>
    %add3A_12 = vector.broadcast %get3A_11 : vector<1x128xf32> to vector<1000x128xf32>
    %add3A_13 = arith.addf %add3A, %add3A_12 : vector<1000x128xf32>
    %swap3A = arith.constant 0 : index
    %swap3A_14 = arith.constant 0 : index
    %swap3A_15 = vector.load %arg3[%swap3A, %swap3A_14] : memref<1000x128xf32, #tpu.memory_space<vmem>>, vector<1000x128xf32>
    tpu.vector_store %arg3[%swap3A, %swap3A_14], %add3A_13 {strides = array<i32>} : memref<1000x128xf32, #tpu.memory_space<vmem>>, vector<1000x128xf32>,
    return
  }
  func.func @transform_0(%arg0: i32) -> (i32, i32, i32) {
    %c0_i32 = arith.constant 0 : i32
    %c0_i32_0 = arith.constant 0 : i32
    %c0_i32_1 = arith.constant 0 : i32
    return %c0_i32, %arg0, %c0_i32_0 : i32, i32, i32
  }
  func.func @transform_1(%arg0: i32) -> (i32, i32) {
    %c0_i32 = arith.constant 0 : i32
    %c0_i32_0 = arith.constant 0 : i32
    %c0_i32_1 = arith.constant 0 : i32
    return %c0_i32, %c0_i32_0 : i32, i32
  }
  func.func @transform_2(%arg0: i32) -> (i32, i32) {
    %c0_i32 = arith.constant 0 : i32
    %c0_i32_0 = arith.constant 0 : i32
    return %arg0, %c0_i32 : i32, i32
  }
}

</mosaic_0001>

<sc_bundles>
// kernel: kernel.10.cloned.1.call-start
scs
__scs_entry_jumppad:
0x0: {  	(pc) =	sbr.rel $0x88, $3  }
0x1: {  	(tag) =	ssettag $0x0;
	lr =	simm.s32 $0x1  }
0x2: {  	[smem:$0x3F9A] =	sst lr;
	_ =	strace $0xD0000000  }
0x3: {  	_ = 	snop  }
0x4: {  	_ = 	snop  }
0x5: {  	_ = 	snop  }
0x6: {  	_ = 	snop  }
0x7: {  	_ = 	snop  }
__scs_overlays_trampoline_lowered:
0x8: {  	[smem:$0x3FA9] =	sst s0  }
0x9: {  	[smem:$0x3FAA] =	sst s1  }
0xa: {  	[smem:$0x3FAB] =	sst s2  }
0xb: {  	[smem:$0x3FAC] =	sst s3  }
0xc: {  	[smem:$0x3FAD] =	sst s4  }
0xd: {  	[smem:$0x3FAE] =	sst s5  }
0xe: {  	[smem:$0x3FAF] =	sst s6  }
0xf: {  	[smem:$0x3FB0] =	sst s7  }
0x10: {  	[smem:$0x3FB1] =	sst s8  }
0x11: {  	[smem:$0x3FB2] =	sst s9;
	s0 =	simm.s32 @!p0 $0x0  }
0x12: {  	s1 =	sld [smem:$0x3F98];
	s0 =	simm.s32 @p0 $0x1  }
0x13: {  	[smem:$0x3FB3] =	sst s0;
	s0 =	simm.s32 @!p1 $0x0  }
0x14: {  	s2 =	sld [smem:$0x3F97];
	s0 =	simm.s32 @p1 $0x1  }
0x15: {  	[smem:$0x3FB4] =	sst s0;
	s0 =	simm.s32 @!p2 $0x0  }
0x16: {  	s3 =	sld [smem:$0x3FDB];
	s0 =	simm.s32 @p2 $0x1  }
0x17: {  	s4 =	simm.s32 $0x1BF5;
	[smem:$0x3FB6] =	sst s0  }
0x18: {  	s0 =	sld [smem:$0x3F99];
	_ =	swait.ge [sflag:s4], $0x0  }
0x19: {  	s7 =	sld [smem:$0x3F9A]  }
0x1a: {  	s8 =	sadd.s32 $0xFFFFE003, lr  }
0x1b: {  	s9 =	sadd.s32 $0xFFFFFEF7, lr;
	s5 =	simm.s32 $0xFFFFFFFF;
	p2 =	slt.u32 s8, $0xFFFFF086  }
0x1c: {  	p1 =	slt.u32 s9, $0xF7A;
	s5 =	simm.s32 @!p2 $0x0  }
0x1d: {  	s5 =	simm.s32 @p1 $0x1;
	p0 =	seq.s32 s7, s2  }
0x1e: {  	s7 =	smul.u32 @!p0 $0xF7A, s2;
	p2 =	seq.s32 @!p0 s5, $0x0  }
0x1f: {  	s9 =	smul.u32 $0xF7A, s1;
	s8 =	simm.s32 @!p0 $0x1BF5;
	p2 =	por !p2, p0  }
0x20: {  	[sflag:s8] =	ssyncset.s32 @!p0 $0xFFFFF086;
	s6 =	sadd.s32 @!p0 s3, s7;
	s7 =	simm.s32 @!p0 $0x108  }
0x21: {  	s3 =	sadd.s32 s3, s9;
	s6 =	sadd.s32 @!p0 $0x88, s6;
	s7 =	simm.s32 @p2 $0x1082  }
0x22: {  	[simem:s7], [sflag:s8] =	dma.local @!p0 [hbm:s6], $0xF7A  }
0x23: {  	s9 =	sor.u32 $0xD0000000, s2;
	s6 =	simm.s32 $0x108;
	_ =	swait.ge @!p0 [sflag:s8], $0x0  }
0x24: {  	s3 =	sadd.s32 $0x88, s3;
	s6 =	simm.s32 @!p1 $0x1082;
	[sflag:s4] =	ssyncset.s32 $0xFFFFF086  }
0x25: {  	[simem:s6], [sflag:s4] =	dma.local [hbm:s3], $0xF7A  }
0x26: {  	[smem:$0x3F9A] =	sst s1;
	(tag) =	ssettag s2;
	_ =	strace s9  }
0x27: {  	s1 =	sld [smem:$0x3FAA]  }
0x28: {  	s2 =	sld [smem:$0x3FAB]  }
0x29: {  	s4 =	sld [smem:$0x3FAD]  }
0x2a: {  	p0 =	seq.s32 s5, $0x0;
	s5 =	sld [smem:$0x3FAE]  }
0x2b: {  	s6 =	sld [smem:$0x3FAF]  }
0x2c: {  	s7 =	sld [smem:$0x3FB0]  }
0x2d: {  	s3 =	simm.s32 $0x108;
	s8 =	sld [smem:$0x3FB1]  }
0x2e: {  	s3 =	simm.s32 @!p0 $0x1082;
	s9 =	sld [smem:$0x3FB2]  }
0x2f: {  	lr =	sadd.s32 s0, s3;
	s0 =	sld [smem:$0x3FA9]  }
0x30: {  	s3 =	sld [smem:$0x3FAC]  }
0x31: {  	[smem:$0x3FB5] =	sst s10  }
0x32: {  	s10 =	sld [smem:$0x3FB3];
	_ =	sdelay $0x3  }
0x33: {  	p0 =	seq.s32 s10, $0x1;
	s10 =	sld [smem:$0x3FB5];
	_ =	sdelay $0x3  }
0x34: {  	[smem:$0x3FB5] =	sst s10  }
0x35: {  	s10 =	sld [smem:$0x3FB4];
	_ =	sdelay $0x3  }
0x36: {  	p1 =	seq.s32 s10, $0x1;
	s10 =	sld [smem:$0x3FB5];
	_ =	sdelay $0x3  }
0x37: {  	[smem:$0x3FB5] =	sst s10  }
0x38: {  	s10 =	sld [smem:$0x3FB6]  }
0x39: {  	_ = 	snop;
	(pc) =	sbr.ind lr, $3  }
0x3a: {  	_ = 	snop  }
0x3b: {  	_ = 	snop  }
0x3c: {  	p2 =	seq.s32 s10, $0x1;
	s10 =	sld [smem:$0x3FB5]  }
0x3d: {  	_ =	shalt  }
0x3e: {  	_ =	shalt  }
0x3f: {  	_ =	shalt  }
0x40: {  	_ =	shalt  }
0x41: {  	_ =	shalt  }
0x42: {  	_ =	shalt  }
0x43: {  	_ =	shalt  }
0x44: {  	_ =	shalt  }
0x45: {  	_ =	shalt  }
0x46: {  	_ =	shalt  }
0x47: {  	_ =	shalt  }
0x48: {  	_ =	shalt  }
0x49: {  	_ =	shalt  }
0x4a: {  	_ =	shalt  }
0x4b: {  	_ =	shalt  }
0x4c: {  	_ =	shalt  }
0x4d: {  	_ =	shalt  }
0x4e: {  	_ =	shalt  }
0x4f: {  	_ =	shalt  }
0x50: {  	_ =	shalt  }
0x51: {  	_ =	shalt  }
0x52: {  	_ =	shalt  }
0x53: {  	_ =	shalt  }
0x54: {  	_ =	shalt  }
0x55: {  	_ =	shalt  }
0x56: {  	_ =	shalt  }
0x57: {  	_ =	shalt  }
0x58: {  	_ =	shalt  }
0x59: {  	_ =	shalt  }
0x5a: {  	_ =	shalt  }
0x5b: {  	_ =	shalt  }
0x5c: {  	_ =	shalt  }
0x5d: {  	_ =	shalt  }
0x5e: {  	_ =	shalt  }
0x5f: {  	_ =	shalt  }
0x60: {  	_ =	shalt  }
0x61: {  	_ =	shalt  }
0x62: {  	_ =	shalt  }
0x63: {  	_ =	shalt  }
0x64: {  	_ =	shalt  }
0x65: {  	_ =	shalt  }
0x66: {  	_ =	shalt  }
0x67: {  	_ =	shalt  }
0x68: {  	_ =	shalt  }
0x69: {  	_ =	shalt  }
0x6a: {  	_ =	shalt  }
0x6b: {  	_ =	shalt  }
0x6c: {  	_ =	shalt  }
0x6d: {  	_ =	shalt  }
0x6e: {  	_ =	shalt  }
0x6f: {  	_ =	shalt  }
0x70: {  	_ =	shalt  }
0x71: {  	_ =	shalt  }
0x72: {  	_ =	shalt  }
0x73: {  	_ =	shalt  }
0x74: {  	_ =	shalt  }
0x75: {  	_ =	shalt  }
0x76: {  	_ =	shalt  }
0x77: {  	_ =	shalt  }
0x78: {  	_ =	shalt  }
0x79: {  	_ =	shalt  }
0x7a: {  	_ =	shalt  }
0x7b: {  	_ =	shalt  }
0x7c: {  	_ =	shalt  }
0x7d: {  	_ =	shalt  }
0x7e: {  	_ =	shalt  }
0x7f: {  	_ =	shalt  }
0x80: {  	_ =	shalt  }
0x81: {  	_ =	shalt  }
0x82: {  	_ =	shalt  }
0x83: {  	_ =	shalt  }
0x84: {  	_ =	shalt  }
0x85: {  	_ =	shalt  }
0x86: {  	_ =	shalt  }
0x87: {  	_ =	shalt  }
.Lfunc_end0:
.L_simem_size_0:
called_computation.1_lowered:
.L_overlay_start_0:
0x88: {  	s2 =	sld [smem:$0x3FD9]  }
0x89: {  	s3 =	sld [smem:$0x3FFE];
	_ =	sdelay $0x1  }
0x8a: {  	s1 =	srdreg.scid  }
0x8b: {  	s0 =	sand.u32 $0x1, s1  }
0x8c: {  	s17 =	sshll.u32 s0, $0xA;
	s2 =	sadd.s32 s3, s2  }
0x8d: {  	s2 =	sadd.s32 s2, s17  }
0x8e: {  	[smem:$0x3FC1] =	sst s2  }
0x8f: {  	_ = 	snop  }
0x90: {  	s2 =	sld [smem:$0x3FD0];
	(tm) =	ssettm $0x1  }
0x91: {  	s18 =	sld [smem:$0x3FFB];
	_ =	sdelay $0x3  }
0x92: {  	_ =	strace s18  }
0x93: {  	s3 =	sld [smem:$0x3FFC];
	_ =	sdelay $0x3  }
0x94: {  	_ =	strace s3  }
0x95: {  	s3 =	sld [smem:$0x3FFD];
	_ =	sdelay $0x3  }
0x96: {  	_ =	strace s3  }
0x97: {  	_ =	strace $0x8FFFFFFF  }
0x98: {  	s19 =	sld [smem:$0x3FDB];
	_ =	sdelay $0x1  }
0x99: {  	s4 =	simm.s32 $_scs_section_size  }
0x9a: {  	s5 =	simm.s32 $_size__tile_overlayer_lowered;
	s6 =	simm.s32 $_tile_overlayer_lowered  }
0x9b: {  	s22 =	simm.s32 $0x1BFF;
	s21 =	sshll.u32 s6, $0x1;
	s3 =	sadd.s32 s4, s19  }
0x9c: {  	s7 =	simm.s32 $0x0;
	s20 =	sshll.u32 s5, $0x1;
	s5 =	sadd.s32 s21, s3  }
0x9d: {  	[timem:s7], [sflag:s22] =	dma.local [hbm:s5], s20  }
0x9e: {  	_ =	swait.ge [sflag:s22], s20  }
0x9f: {  	s4 =	ssub.s32 $0x0, s20;
	[sflag:s22] =	ssyncset.done $0x0  }
0xa0: {  	[sflag:s22] =	ssyncadd.s32 s4;
	_ =	sdelay $0x1  }
0xa1: {  	s23 =	simm.s32 $0x1B8B  }
0xa2: {  	_ =	swait.ge [sflag:s23], $0x1  }
0xa3: {  	[sflag:s23] =	ssyncset.done $0x0  }
0xa4: {  	s25 =	simm.s32 $0x1B8E;
	s24 =	sld [smem:$0x3FFE];
	[sflag:s23] =	ssyncadd.s32 $0xFFFFFFFF  }
0xa5: {  	s26 =	simm.s32 $execute0_lowered;
	[smem:$0x3FD2] =	sst s25  }
0xa6: {  	s5 =	sshll.u32 s26, $0x1;
	_ =	strace $0x80000049;
	[dreg:$0x1] =	wrdreg $0xFFFFFFFF  }
0xa7: {  	s28 =	simm.s32 $_size_execute0_lowered;
	s3 =	sadd.s32 s3, s5;
	[dreg:$0x0] =	wrdreg $0x0  }
0xa8: {  	s5 =	sshll.u32 s28, $0x1;
	[dreg:$0x2] =	wrdreg s3  }
0xa9: {  	[dreg:$0x3] =	wrdreg s5  }
0xaa: {  	[dreg:$0x4] =	wrdreg $0xC0  }
0xab: {  	_ =	task [dreg:s7], $0x5FFFF  }
0xac: {  	[dreg:$0x1] =	wrdreg $0xFFFFFFFF  }
0xad: {  	[dreg:$0x0] =	wrdreg $0x60  }
0xae: {  	[dreg:$0x2] =	wrdreg s2  }
0xaf: {  	[dreg:$0x3] =	wrdreg s24  }
0xb0: {  	[dreg:$0x4] =	wrdreg $0xB8000  }
0xb1: {  	[dreg:$0x5] =	wrdreg $0x9  }
0xb2: {  	_ =	task.clear_ibuf [dreg:s7], $0x6FFFF;
	_ =	strace $0x90000049  }
0xb3: {  	s29 =	simm.s32 $0x9;
	_ =	strace $0x8000004B  }
0xb4: {  	_ =	swait.ge [sflag:s29], $0x1  }
0xb5: {  	[sflag:s29] =	ssyncadd.s32 $0xFFFFFFFF  }
0xb6: {  	_ =	strace $0x9000004B  }
0xb7: {  	_ =	sfence  }
0xb8: {  	s30 =	sld [smem:$0x0];
	_ =	sdelay $0x2  }
0xb9: {  	s31 =	sshll.u32 s1, $0xD;
	s1 =	sshrl.u32 s1, $0x2  }
0xba: {  	s3 =	sand.u32 $0x4000, s31;
	s1 =	sadd.s32 s1, s30  }
0xbb: {  	s0 =	sor.u32 s3, s0;
	s1 =	sshll.u32 s1, $0x11  }
0xbc: {  	s0 =	sor.u32 s1, s0  }
0xbd: {  	s0 =	sadd.s32 $0x8F2B, s0  }
0xbe: {  	[sflag:s0] =	ssyncadd.remote.s32 $0x1  }
0xbf: {  	_ =	sfence.sel $0xFFFF  }
0xc0: {  	[dreg:$0x0] =	wrdreg $0xFFFFFFFF;
	(pc) =	sbr.abs _section_cstart, $3  }
0xc1: {  	[dreg:$0x1] =	wrdreg $0xFFFFFFFF  }
0xc2: {  	_ =	task.clear_ibuf [dreg:s7], $0x2FFFF;
	_ =	strace $0x9FFFFFFF  }
0xc3: {  	(tm) =	ssettm $0x7FFFFFFF  }
tec
execute0_lowered:
.L_overlay_start_1:
0x0: {  	(tag) =	ssettag $0x1  }
0x1: {  	s1 =	rddreg [dreg:$0x0]  }
0x2: {  	s2 =	srdreg.scid;
	s5 =	rddreg [dreg:$0x1]  }
0x3: {  	s0 =	stileid.u32;
	s3 =	rddreg [dreg:$0x2];
	s4 =	simm.s32 $0x0  }
0x4: {  	s19 =	simm.s32 $0x2800;
	s20 =	simm.s32 $0x5000;
	s21 =	simm.s32 $0x80  }
0x5: {  	s22 =	simm.s32 $0x1;
	s6 =	sand.u32 $0x1, s2;
	s2 =	rddreg [dreg:$0x3]  }
0x6: {  	s28 =	sshll.u32 s0, $0x1;
	[smem:$0x7FF] =	sst s4;
	s8 =	smul.u32 $0x4E000, s0  }
0x7: {  	s15 =	sadd.s32 $0x1FA00, s5;
	s12 =	smul.u32 $0x13800, s0;
	s10 =	sadd.s32 $0x138000, s3  }
0x8: {  	s7 =	sor.u32 s6, s28;
	s29 =	ssub.s32 $0x2, s6;
	s14 =	smul.u32 $0x138800, s6  }
0x9: {  	p0 =	sne.s32 s0, $0xF;
	s7 =	smul.u32 $0x500, s7;
	s31 =	sshrl.u32 s29, $0x1  }
0xa: {  	_ =	strace $0x8000004A;
	s30 =	sshrl.u32 s8, $0x2;
	s16 =	ssub.s32 s29, s31  }
0xb: {  	s17 =	sadd.s32 s12, s14;
	s18 =	sshrl.u32 s14, $0x3;
	s13 =	sadd.s32 s7, s5  }
0xc: {  	s5 =	sadd.s32 s30, s3;
	s17 =	sshrl.u32 s17, $0x3;
	s16 =	smax.u32 s16, $0x1  }
0xd: {  	s6 =	sadd.s32 $0x4000, s5;
	s7 =	sadd.s32 $0x8000, s5;
	s8 =	sadd.s32 $0xC000, s5  }
0xe: {  	s9 =	sadd.s32 $0x10000, s5;
	s11 =	sadd.s32 $0xBA00, s13;
	s12 =	sadd.s32 $0x15A00, s13  }
0xf: {  	s13 =	sadd.s32 $0x1A00, s13;
	s14 =	sadd.s32 s15, s17;
	s15 =	sadd.s32 s15, s18  }
0x10: {  	v0 =	vimm.f32 $0.0e+00;
	s17 =	simm.s32 $0x7800;
	s18 =	simm.s32 $0x2;
	s15 =	sadd.s32 $0x27000, s15  }
.LBB2_1:
0x11: {  	s23 =	simm.s32 $0x0;
	s24 =	simm.s32 $0x200  }
.LBB2_2:
0x12: {  	p1 =	sne.s32 s24, $0xFE00;
	[tilespmem:s23+$0x7870] =	vst v0  }
0x13: {  	[tilespmem:s23+$0x7800] =	vst v0  }
0x14: {  	[tilespmem:s23+$0x7810] =	vst v0  }
.Ltmp0:
0x15: {  	[tilespmem:s23+$0x7820] =	vst v0;
	(pc) =	sbr.rel @p1 .LBB2_2-.Ltmp0, $4  }
0x16: {  	[tilespmem:s23+$0x7830] =	vst v0  }
0x17: {  	[tilespmem:s23+$0x7840] =	vst v0  }
0x18: {  	[tilespmem:s23+$0x7850] =	vst v0  }
0x19: {  	[tilespmem:s23+$0x7860] =	vst v0;
	s23 =	sshra.s32 s24, $0x2;
	s24 =	sadd.s32 $0x200, s24  }
0x1a: {  	[tilespmem:s23+$0x7870] =	vst v0  }
0x1b: {  	[tilespmem:s23+$0x7800] =	vst v0  }
0x1c: {  	[tilespmem:s23+$0x7810] =	vst v0  }
0x1d: {  	[tilespmem:s23+$0x7820] =	vst v0  }
0x1e: {  	[tilespmem:s23+$0x7830] =	vst v0  }
0x1f: {  	[tilespmem:s23+$0x7840] =	vst v0  }
0x20: {  	[tilespmem:s23+$0x7850] =	vst v0  }
0x21: {  	[tilespmem:s23+$0x7860] =	vst v0  }
0x22: {  	[spmem:s5] =	stream.linear.scatter [tilespmem:s17], [sflag:$0x2], $0x4000, $0x38;
	[tilespmem:$0x1F080] =	vst v63  }
0x23: {  	_ =	swait.ge [sflag:s18], $0x4000  }
0x24: {  	[sflag:s18] =	ssyncset.done $0x0  }
0x25: {  	[sflag:s18] =	ssyncadd.s32 $0xFFFFC000  }
0x26: {  	[spmem:s6] =	stream.linear.scatter [tilespmem:s17], [sflag:$0x2], $0x4000, $0x38;
	[tilespmem:$0x1F080] =	vst v63  }
0x27: {  	_ =	swait.ge [sflag:s18], $0x4000  }
0x28: {  	[sflag:s18] =	ssyncset.done $0x0  }
0x29: {  	[sflag:s18] =	ssyncadd.s32 $0xFFFFC000  }
0x2a: {  	[spmem:s7] =	stream.linear.scatter [tilespmem:s17], [sflag:$0x2], $0x4000, $0x38;
	[tilespmem:$0x1F080] =	vst v63  }
0x2b: {  	_ =	swait.ge [sflag:s18], $0x4000  }
0x2c: {  	[sflag:s18] =	ssyncset.done $0x0  }
0x2d: {  	[sflag:s18] =	ssyncadd.s32 $0xFFFFC000  }
0x2e: {  	[spmem:s8] =	stream.linear.scatter [tilespmem:s17], [sflag:$0x2], $0x4000, $0x38;
	[tilespmem:$0x1F080] =	vst v63  }
0x2f: {  	_ =	swait.ge [sflag:s18], $0x4000  }
0x30: {  	[sflag:s18] =	ssyncset.done $0x0  }
0x31: {  	[sflag:s18] =	ssyncadd.s32 $0xFFFFC000  }
0x32: {  	[spmem:s9] =	stream.linear.scatter [tilespmem:s17], [sflag:$0x2], $0x3800, $0x38;
	[tilespmem:$0x1F080] =	vst v63  }
0x33: {  	_ =	swait.ge [sflag:s18], $0x3800  }
0x34: {  	[sflag:s18] =	ssyncset.done $0x0  }
0x35: {  	s23 =	simm.s32 @!p0 $0x7800;
	[sflag:s18] =	ssyncadd.s32 $0xFFFFC800  }
0x36: {  	[spmem:s10] =	stream.linear.scatter @!p0 [tilespmem:s23], [sflag:$0x2], $0x800, $0x38;
	[tilespmem:$0x1F080] =	vst v63  }
0x37: {  	s23 =	simm.s32 @!p0 $0x2  }
0x38: {  	_ =	swait.ge @!p0 [sflag:s23], $0x800  }
0x39: {  	[sflag:s23] =	ssyncset.done @!p0 $0x0  }
0x3a: {  	[sflag:s23] =	ssyncadd.s32 @!p0 $0xFFFFF800  }
0x3b: {  	s23 =	simm.s32 $0x0;
	[bflag:$0x0] =	sbarrier.arrive $0xFFFF  }
0x3c: {  	[tilespmem:s23], [sflag:$0x2] =	stream.linear.gather [hbm4b:s11+s23], $0x2780, $0x38;
	[tilespmem:$0x1F080] =	vst v63  }
0x3d: {  	_ =	swait.ge [sflag:s18], $0x2780  }
0x3e: {  	[sflag:s18] =	ssyncset.done $0x0  }
0x3f: {  	[sflag:s18] =	ssyncadd.s32 $0xFFFFD880  }
0x40: {  	[tilespmem:s19], [sflag:$0x2] =	stream.linear.gather [hbm4b:s12+s23], $0x2780, $0x38;
	[tilespmem:$0x1F080] =	vst v63  }
0x41: {  	_ =	swait.ge [sflag:s18], $0x2780  }
0x42: {  	[sflag:s18] =	ssyncset.done $0x0  }
0x43: {  	[sflag:s18] =	ssyncadd.s32 $0xFFFFD880  }
0x44: {  	[tilespmem:s20], [sflag:$0x2] =	stream.linear.gather [hbm4b:s13+s23], $0x2780, $0x38;
	[tilespmem:$0x1F080] =	vst v63  }
0x45: {  	_ =	swait.ge [sflag:s18], $0x2780  }
0x46: {  	[sflag:s18] =	ssyncset.done $0x0  }
0x47: {  	[sflag:s18] =	ssyncadd.s32 $0xFFFFD880  }
.LBB2_4:
0x48: {  	s24 =	sshll.u32 s23, $0x7  }
0x49: {  	[tilespmem:s17], [sflag:$0x1] =	stream.indirect.gather [hbm4b:s1+s21], $0x80, s24, s21, $0xb8;
	[tilespmem:$0x1F080] =	vst v63  }
0x4a: {  	s25 =	sadd.s32 $0x5000, s24  }
0x4b: {  	_ =	swait.ge [sflag:s22], $0x4000;
	v1 =	vmov s25  }
0x4c: {  	[sflag:s22] =	ssyncset.done $0x0  }
0x4d: {  	s25 =	simm.s32 $0x0;
	[sflag:s22] =	ssyncadd.s32 $0xFFFFC000  }
.LBB2_5:
0x4e: {  	s26 =	sshll.u32 s25, $0x4  }
0x4f: {  	s26 =	sand.u32 $0x3FFFFFF0, s26  }
0x50: {  	s31 =	sshll.u32 s25, $0xB;
	v2 =	vld.idx.msk [tilespmem:v1+s26+$0x0 ss:$0x1], $0xffff  }
0x51: {  	s26 =	sand.u32 $0x3FFFF800, s31  }
0x52: {  	v3 =	vld [tilespmem:s26+$0x7800]  }
0x53: {  	v4 =	vld [tilespmem:s26+$0x7810]  }
0x54: {  	v5 =	vld [tilespmem:s26+$0x7820]  }
0x55: {  	v7 =	vld [tilespmem:s26+$0x7830];
	v6 =	vbroadcast v2, $0x0  }
0x56: {  	v8 =	vld [tilespmem:s26+$0x7840]  }
0x57: {  	v9 =	vld [tilespmem:s26+$0x7850];
	v3 =	vmul.f32 v6, v3  }
0x58: {  	v10 =	vld [tilespmem:s26+$0x7860];
	v4 =	vmul.f32 v4, v6  }
0x59: {  	v24 =	vld [tilespmem:s26+$0x7870];
	[tilespmem:s26+$0x7800] =	vst v3;
	v3 =	vmul.f32 v5, v6  }
0x5a: {  	v26 =	vld [tilespmem:s26+$0x7880];
	v25 =	vmul.f32 v7, v6;
	[tilespmem:s26+$0x7810] =	vst v4  }
0x5b: {  	v27 =	vld [tilespmem:s26+$0x7890];
	[tilespmem:s26+$0x7820] =	vst v3;
	v3 =	vmul.f32 v8, v6  }
0x5c: {  	v29 =	vld [tilespmem:s26+$0x78A0];
	v28 =	vmul.f32 v9, v6;
	[tilespmem:s26+$0x7830] =	vst v25  }
0x5d: {  	v11 =	vld [tilespmem:s26+$0x78B0];
	v30 =	vbroadcast v2, $0x1;
	[tilespmem:s26+$0x7840] =	vst v3;
	v3 =	vmul.f32 v10, v6  }
0x5e: {  	v32 =	vld [tilespmem:s26+$0x78C0];
	v31 =	vmul.f32 v24, v6;
	[tilespmem:s26+$0x7850] =	vst v28  }
0x5f: {  	v33 =	vld [tilespmem:s26+$0x78D0];
	[tilespmem:s26+$0x7860] =	vst v3;
	v3 =	vmul.f32 v26, v30  }
0x60: {  	v35 =	vld [tilespmem:s26+$0x78E0];
	v34 =	vmul.f32 v27, v30;
	[tilespmem:s26+$0x7870] =	vst v31  }
0x61: {  	v36 =	vld [tilespmem:s26+$0x78F0];
	[tilespmem:s26+$0x7880] =	vst v3;
	v3 =	vmul.f32 v29, v30  }
0x62: {  	v38 =	vld [tilespmem:s26+$0x7900];
	v37 =	vmul.f32 v11, v30;
	[tilespmem:s26+$0x7890] =	vst v34  }
0x63: {  	v39 =	vld [tilespmem:s26+$0x7910];
	[tilespmem:s26+$0x78A0] =	vst v3;
	v3 =	vmul.f32 v32, v30  }
0x64: {  	v41 =	vld [tilespmem:s26+$0x7920];
	v40 =	vmul.f32 v33, v30;
	[tilespmem:s26+$0x78B0] =	vst v37  }
0x65: {  	v43 =	vld [tilespmem:s26+$0x7930];
	v42 =	vbroadcast v2, $0x2;
	[tilespmem:s26+$0x78C0] =	vst v3;
	v3 =	vmul.f32 v35, v30  }
0x66: {  	v45 =	vld [tilespmem:s26+$0x7940];
	v44 =	vmul.f32 v36, v30;
	[tilespmem:s26+$0x78D0] =	vst v40  }
0x67: {  	v46 =	vld [tilespmem:s26+$0x7950];
	[tilespmem:s26+$0x78E0] =	vst v3;
	v3 =	vmul.f32 v38, v42  }
0x68: {  	v48 =	vld [tilespmem:s26+$0x7960];
	v47 =	vmul.f32 v39, v42;
	[tilespmem:s26+$0x78F0] =	vst v44  }
0x69: {  	v49 =	vld [tilespmem:s26+$0x7970];
	[tilespmem:s26+$0x7900] =	vst v3;
	v3 =	vmul.f32 v41, v42  }
0x6a: {  	v51 =	vld [tilespmem:s26+$0x7980];
	v50 =	vmul.f32 v43, v42;
	[tilespmem:s26+$0x7910] =	vst v47  }
0x6b: {  	v52 =	vld [tilespmem:s26+$0x7990];
	[tilespmem:s26+$0x7920] =	vst v3;
	v3 =	vmul.f32 v45, v42  }
0x6c: {  	v54 =	vld [tilespmem:s26+$0x79A0];
	v53 =	vmul.f32 v46, v42;
	[tilespmem:s26+$0x7930] =	vst v50  }
0x6d: {  	v56 =	vld [tilespmem:s26+$0x79B0];
	v55 =	vbroadcast v2, $0x3;
	[tilespmem:s26+$0x7940] =	vst v3;
	v3 =	vmul.f32 v48, v42  }
0x6e: {  	v58 =	vld [tilespmem:s26+$0x79C0];
	v57 =	vmul.f32 v49, v42;
	[tilespmem:s26+$0x7950] =	vst v53  }
0x6f: {  	v59 =	vld [tilespmem:s26+$0x79D0];
	[tilespmem:s26+$0x7960] =	vst v3;
	v3 =	vmul.f32 v51, v55  }
0x70: {  	v61 =	vld [tilespmem:s26+$0x79E0];
	v60 =	vmul.f32 v52, v55;
	[tilespmem:s26+$0x7970] =	vst v57  }
0x71: {  	v62 =	vld [tilespmem:s26+$0x79F0];
	[tilespmem:s26+$0x7980] =	vst v3;
	v3 =	vmul.f32 v54, v55  }
0x72: {  	v12 =	vld [tilespmem:s26+$0x7A00];
	v63 =	vmul.f32 v56, v55;
	[tilespmem:s26+$0x7990] =	vst v60  }
0x73: {  	v13 =	vld [tilespmem:s26+$0x7A10];
	[tilespmem:s26+$0x79A0] =	vst v3;
	v3 =	vmul.f32 v58, v55  }
0x74: {  	v15 =	vld [tilespmem:s26+$0x7A20];
	v14 =	vmul.f32 v59, v55;
	[tilespmem:s26+$0x79B0] =	vst v63  }
0x75: {  	v17 =	vld [tilespmem:s26+$0x7A30];
	v16 =	vbroadcast v2, $0x4;
	[tilespmem:s26+$0x79C0] =	vst v3;
	v3 =	vmul.f32 v61, v55  }
0x76: {  	v19 =	vld [tilespmem:s26+$0x7A40];
	v18 =	vmul.f32 v62, v55;
	[tilespmem:s26+$0x79D0] =	vst v14  }
0x77: {  	v20 =	vld [tilespmem:s26+$0x7A50];
	[tilespmem:s26+$0x79E0] =	vst v3;
	v3 =	vmul.f32 v12, v16  }
0x78: {  	v22 =	vld [tilespmem:s26+$0x7A60];
	v21 =	vmul.f32 v13, v16;
	[tilespmem:s26+$0x79F0] =	vst v18  }
0x79: {  	v23 =	vld [tilespmem:s26+$0x7A70];
	[tilespmem:s26+$0x7A00] =	vst v3;
	v3 =	vmul.f32 v15, v16  }
0x7a: {  	v24 =	vmul.f32 v17, v16;
	[tilespmem:s26+$0x7A10] =	vst v21;
	v25 =	vld [tilespmem:s26+$0x7A80]  }
0x7b: {  	v33 =	vld [tilespmem:s26+$0x7AD0];
	[tilespmem:s26+$0x7A20] =	vst v3;
	v3 =	vmul.f32 v19, v16  }
0x7c: {  	v27 =	vmul.f32 v20, v16;
	[tilespmem:s26+$0x7A30] =	vst v24;
	v28 =	vld [tilespmem:s26+$0x7AA0]  }
0x7d: {  	v36 =	vld [tilespmem:s26+$0x7AF0];
	v29 =	vbroadcast v2, $0x5;
	[tilespmem:s26+$0x7A40] =	vst v3;
	v3 =	vmul.f32 v22, v16  }
0x7e: {  	[tilespmem:s26+$0x7A50] =	vst v27;
	v31 =	vmul.f32 v23, v16;
	v32 =	vld [tilespmem:s26+$0x7AC0]  }
0x7f: {  	v26 =	vld [tilespmem:s26+$0x7A90];
	[tilespmem:s26+$0x7A60] =	vst v3;
	v3 =	vmul.f32 v25, v29  }
0x80: {  	[tilespmem:s26+$0x7A70] =	vst v31;
	v40 =	vmul.f32 v33, v29;
	v35 =	vld [tilespmem:s26+$0x7AE0]  }
0x81: {  	v30 =	vld [tilespmem:s26+$0x7AB0];
	[tilespmem:s26+$0x7A80] =	vst v3;
	v3 =	vmul.f32 v28, v29  }
0x82: {  	v44 =	vmul.f32 v36, v29;
	[tilespmem:s26+$0x7AD0] =	vst v40;
	v38 =	vld [tilespmem:s26+$0x7B00]  }
0x83: {  	v39 =	vld [tilespmem:s26+$0x7B10];
	[tilespmem:s26+$0x7AA0] =	vst v3;
	v3 =	vmul.f32 v32, v29  }
0x84: {  	v34 =	vmul.f32 v26, v29;
	[tilespmem:s26+$0x7AF0] =	vst v44;
	v41 =	vld [tilespmem:s26+$0x7B20]  }
0x85: {  	v43 =	vld [tilespmem:s26+$0x7B30];
	v42 =	vbroadcast v2, $0x6;
	[tilespmem:s26+$0x7AC0] =	vst v3;
	v3 =	vmul.f32 v35, v29  }
0x86: {  	[tilespmem:s26+$0x7A90] =	vst v34;
	v37 =	vmul.f32 v30, v29;
	v45 =	vld [tilespmem:s26+$0x7B40]  }
0x87: {  	v46 =	vld [tilespmem:s26+$0x7B50];
	[tilespmem:s26+$0x7AE0] =	vst v3;
	v3 =	vmul.f32 v38, v42  }
0x88: {  	[tilespmem:s26+$0x7AB0] =	vst v37;
	v48 =	vld [tilespmem:s26+$0x7B60];
	v47 =	vmul.f32 v39, v42  }
0x89: {  	v49 =	vld [tilespmem:s26+$0x7B70];
	[tilespmem:s26+$0x7B00] =	vst v3;
	v3 =	vmul.f32 v41, v42  }
0x8a: {  	v50 =	vmul.f32 v43, v42;
	v51 =	vld [tilespmem:s26+$0x7B80];
	[tilespmem:s26+$0x7B10] =	vst v47  }
0x8b: {  	v52 =	vld [tilespmem:s26+$0x7B90];
	[tilespmem:s26+$0x7B20] =	vst v3;
	v3 =	vmul.f32 v45, v42  }
0x8c: {  	v53 =	vmul.f32 v46, v42;
	[tilespmem:s26+$0x7B30] =	vst v50;
	v54 =	vld [tilespmem:s26+$0x7BA0]  }
0x8d: {  	v56 =	vld [tilespmem:s26+$0x7BB0];
	v55 =	vbroadcast v2, $0x7;
	[tilespmem:s26+$0x7B40] =	vst v3;
	v3 =	vmul.f32 v48, v42  }
0x8e: {  	v57 =	vmul.f32 v49, v42;
	[tilespmem:s26+$0x7B50] =	vst v53;
	v58 =	vld [tilespmem:s26+$0x7BC0]  }
0x8f: {  	v59 =	vld [tilespmem:s26+$0x7BD0];
	[tilespmem:s26+$0x7B60] =	vst v3;
	v3 =	vmul.f32 v51, v55  }
0x90: {  	[tilespmem:s26+$0x7B70] =	vst v57;
	v61 =	vld [tilespmem:s26+$0x7BE0];
	v60 =	vmul.f32 v52, v55  }
0x91: {  	v62 =	vld [tilespmem:s26+$0x7BF0];
	[tilespmem:s26+$0x7B80] =	vst v3;
	v3 =	vmul.f32 v54, v55  }
0x92: {  	v63 =	vmul.f32 v56, v55;
	v12 =	vld [tilespmem:s26+$0x7C00];
	[tilespmem:s26+$0x7B90] =	vst v60  }
0x93: {  	v13 =	vld [tilespmem:s26+$0x7C10];
	[tilespmem:s26+$0x7BA0] =	vst v3;
	v3 =	vmul.f32 v58, v55  }
0x94: {  	v14 =	vmul.f32 v59, v55;
	[tilespmem:s26+$0x7BB0] =	vst v63;
	v15 =	vld [tilespmem:s26+$0x7C20]  }
0x95: {  	v17 =	vld [tilespmem:s26+$0x7C30];
	v16 =	vbroadcast v2, $0x8;
	[tilespmem:s26+$0x7BC0] =	vst v3;
	v3 =	vmul.f32 v61, v55  }
0x96: {  	v18 =	vmul.f32 v62, v55;
	[tilespmem:s26+$0x7BD0] =	vst v14;
	v19 =	vld [tilespmem:s26+$0x7C40]  }
0x97: {  	v20 =	vld [tilespmem:s26+$0x7C50];
	[tilespmem:s26+$0x7BE0] =	vst v3;
	v3 =	vmul.f32 v12, v16  }
0x98: {  	[tilespmem:s26+$0x7BF0] =	vst v18;
	v22 =	vld [tilespmem:s26+$0x7C60];
	v21 =	vmul.f32 v13, v16  }
0x99: {  	v23 =	vld [tilespmem:s26+$0x7C70];
	[tilespmem:s26+$0x7C00] =	vst v3;
	v3 =	vmul.f32 v15, v16  }
0x9a: {  	v24 =	vmul.f32 v17, v16;
	v25 =	vld [tilespmem:s26+$0x7C80];
	[tilespmem:s26+$0x7C10] =	vst v21  }
0x9b: {  	v26 =	vld [tilespmem:s26+$0x7C90];
	[tilespmem:s26+$0x7C20] =	vst v3;
	v3 =	vmul.f32 v19, v16  }
0x9c: {  	v27 =	vmul.f32 v20, v16;
	[tilespmem:s26+$0x7C30] =	vst v24;
	v28 =	vld [tilespmem:s26+$0x7CA0]  }
0x9d: {  	v30 =	vld [tilespmem:s26+$0x7CB0];
	v29 =	vbroadcast v2, $0x9;
	[tilespmem:s26+$0x7C40] =	vst v3;
	v3 =	vmul.f32 v22, v16  }
0x9e: {  	v31 =	vmul.f32 v23, v16;
	[tilespmem:s26+$0x7C50] =	vst v27;
	v32 =	vld [tilespmem:s26+$0x7CC0]  }
0x9f: {  	v33 =	vld [tilespmem:s26+$0x7CD0];
	[tilespmem:s26+$0x7C60] =	vst v3;
	v3 =	vmul.f32 v25, v29  }
0xa0: {  	[tilespmem:s26+$0x7C70] =	vst v31;
	v35 =	vld [tilespmem:s26+$0x7CE0];
	v34 =	vmul.f32 v26, v29  }
0xa1: {  	v36 =	vld [tilespmem:s26+$0x7CF0];
	[tilespmem:s26+$0x7C80] =	vst v3;
	v3 =	vmul.f32 v28, v29  }
0xa2: {  	v37 =	vmul.f32 v30, v29;
	v38 =	vld [tilespmem:s26+$0x7D00];
	[tilespmem:s26+$0x7C90] =	vst v34  }
0xa3: {  	v39 =	vld [tilespmem:s26+$0x7D10];
	[tilespmem:s26+$0x7CA0] =	vst v3;
	v3 =	vmul.f32 v32, v29  }
0xa4: {  	v40 =	vmul.f32 v33, v29;
	[tilespmem:s26+$0x7CB0] =	vst v37;
	v41 =	vld [tilespmem:s26+$0x7D20]  }
0xa5: {  	v43 =	vld [tilespmem:s26+$0x7D30];
	v42 =	vbroadcast v2, $0xA;
	[tilespmem:s26+$0x7CC0] =	vst v3;
	v3 =	vmul.f32 v35, v29  }
0xa6: {  	v44 =	vmul.f32 v36, v29;
	[tilespmem:s26+$0x7CD0] =	vst v40;
	v45 =	vld [tilespmem:s26+$0x7D40]  }
0xa7: {  	v46 =	vld [tilespmem:s26+$0x7D50];
	[tilespmem:s26+$0x7CE0] =	vst v3;
	v3 =	vmul.f32 v38, v42  }
0xa8: {  	[tilespmem:s26+$0x7CF0] =	vst v44;
	v48 =	vld [tilespmem:s26+$0x7D60];
	v47 =	vmul.f32 v39, v42  }
0xa9: {  	v49 =	vld [tilespmem:s26+$0x7D70];
	[tilespmem:s26+$0x7D00] =	vst v3;
	v3 =	vmul.f32 v41, v42  }
0xaa: {  	v50 =	vmul.f32 v43, v42;
	v51 =	vld [tilespmem:s26+$0x7D80];
	[tilespmem:s26+$0x7D10] =	vst v47  }
0xab: {  	v52 =	vld [tilespmem:s26+$0x7D90];
	[tilespmem:s26+$0x7D20] =	vst v3;
	v3 =	vmul.f32 v45, v42  }
0xac: {  	v53 =	vmul.f32 v46, v42;
	[tilespmem:s26+$0x7D30] =	vst v50;
	v54 =	vld [tilespmem:s26+$0x7DA0]  }
0xad: {  	v56 =	vld [tilespmem:s26+$0x7DB0];
	v55 =	vbroadcast v2, $0xB;
	[tilespmem:s26+$0x7D40] =	vst v3;
	v3 =	vmul.f32 v48, v42  }
0xae: {  	v57 =	vmul.f32 v49, v42;
	[tilespmem:s26+$0x7D50] =	vst v53;
	v58 =	vld [tilespmem:s26+$0x7DC0]  }
0xaf: {  	v59 =	vld [tilespmem:s26+$0x7DD0];
	[tilespmem:s26+$0x7D60] =	vst v3;
	v3 =	vmul.f32 v51, v55  }
0xb0: {  	[tilespmem:s26+$0x7D70] =	vst v57;
	v61 =	vld [tilespmem:s26+$0x7DE0];
	v60 =	vmul.f32 v52, v55  }
0xb1: {  	v62 =	vld [tilespmem:s26+$0x7DF0];
	[tilespmem:s26+$0x7D80] =	vst v3;
	v3 =	vmul.f32 v54, v55  }
0xb2: {  	v63 =	vmul.f32 v56, v55;
	v12 =	vld [tilespmem:s26+$0x7E00];
	[tilespmem:s26+$0x7D90] =	vst v60  }
0xb3: {  	v13 =	vld [tilespmem:s26+$0x7E10];
	[tilespmem:s26+$0x7DA0] =	vst v3;
	v3 =	vmul.f32 v58, v55  }
0xb4: {  	v14 =	vmul.f32 v59, v55;
	[tilespmem:s26+$0x7DB0] =	vst v63;
	v15 =	vld [tilespmem:s26+$0x7E20]  }
0xb5: {  	v17 =	vld [tilespmem:s26+$0x7E30];
	v16 =	vbroadcast v2, $0xC;
	[tilespmem:s26+$0x7DC0] =	vst v3;
	v3 =	vmul.f32 v61, v55  }
0xb6: {  	v18 =	vmul.f32 v62, v55;
	[tilespmem:s26+$0x7DD0] =	vst v14;
	v19 =	vld [tilespmem:s26+$0x7E40]  }
0xb7: {  	v20 =	vld [tilespmem:s26+$0x7E50];
	[tilespmem:s26+$0x7DE0] =	vst v3;
	v3 =	vmul.f32 v12, v16  }
0xb8: {  	[tilespmem:s26+$0x7DF0] =	vst v18;
	v22 =	vld [tilespmem:s26+$0x7E60];
	v21 =	vmul.f32 v13, v16  }
0xb9: {  	v23 =	vld [tilespmem:s26+$0x7E70];
	[tilespmem:s26+$0x7E00] =	vst v3;
	v3 =	vmul.f32 v15, v16  }
0xba: {  	v24 =	vmul.f32 v17, v16;
	v25 =	vld [tilespmem:s26+$0x7E80];
	[tilespmem:s26+$0x7E10] =	vst v21  }
0xbb: {  	v26 =	vld [tilespmem:s26+$0x7E90];
	[tilespmem:s26+$0x7E20] =	vst v3;
	v3 =	vmul.f32 v19, v16  }
0xbc: {  	v27 =	vmul.f32 v20, v16;
	[tilespmem:s26+$0x7E30] =	vst v24;
	v28 =	vld [tilespmem:s26+$0x7EA0]  }
0xbd: {  	v30 =	vld [tilespmem:s26+$0x7EB0];
	v29 =	vbroadcast v2, $0xD;
	[tilespmem:s26+$0x7E40] =	vst v3;
	v3 =	vmul.f32 v22, v16  }
0xbe: {  	v31 =	vmul.f32 v23, v16;
	[tilespmem:s26+$0x7E50] =	vst v27;
	v32 =	vld [tilespmem:s26+$0x7EC0]  }
0xbf: {  	v33 =	vld [tilespmem:s26+$0x7ED0];
	[tilespmem:s26+$0x7E60] =	vst v3;
	v3 =	vmul.f32 v25, v29  }
0xc0: {  	[tilespmem:s26+$0x7E70] =	vst v31;
	v35 =	vld [tilespmem:s26+$0x7EE0];
	v34 =	vmul.f32 v26, v29  }
0xc1: {  	v36 =	vld [tilespmem:s26+$0x7EF0];
	[tilespmem:s26+$0x7E80] =	vst v3;
	v3 =	vmul.f32 v28, v29  }
0xc2: {  	v37 =	vmul.f32 v30, v29;
	v38 =	vld [tilespmem:s26+$0x7F00];
	[tilespmem:s26+$0x7E90] =	vst v34  }
0xc3: {  	v39 =	vld [tilespmem:s26+$0x7F10];
	[tilespmem:s26+$0x7EA0] =	vst v3;
	v3 =	vmul.f32 v32, v29  }
0xc4: {  	v40 =	vmul.f32 v33, v29;
	[tilespmem:s26+$0x7EB0] =	vst v37;
	v41 =	vld [tilespmem:s26+$0x7F20]  }
0xc5: {  	v43 =	vld [tilespmem:s26+$0x7F30];
	v42 =	vbroadcast v2, $0xE;
	[tilespmem:s26+$0x7EC0] =	vst v3;
	v3 =	vmul.f32 v35, v29  }
0xc6: {  	v44 =	vmul.f32 v36, v29;
	[tilespmem:s26+$0x7ED0] =	vst v40;
	v45 =	vld [tilespmem:s26+$0x7F40]  }
0xc7: {  	v46 =	vld [tilespmem:s26+$0x7F50];
	[tilespmem:s26+$0x7EE0] =	vst v3;
	v3 =	vmul.f32 v38, v42  }
0xc8: {  	[tilespmem:s26+$0x7EF0] =	vst v44;
	v48 =	vld [tilespmem:s26+$0x7F60];
	v47 =	vmul.f32 v39, v42  }
0xc9: {  	v49 =	vld [tilespmem:s26+$0x7F70];
	[tilespmem:s26+$0x7F00] =	vst v3;
	v3 =	vmul.f32 v41, v42  }
0xca: {  	v50 =	vmul.f32 v43, v42;
	v51 =	vld [tilespmem:s26+$0x7F80];
	[tilespmem:s26+$0x7F10] =	vst v47  }
0xcb: {  	v52 =	vld [tilespmem:s26+$0x7F90];
	[tilespmem:s26+$0x7F20] =	vst v3;
	v3 =	vmul.f32 v45, v42  }
0xcc: {  	v53 =	vmul.f32 v46, v42;
	[tilespmem:s26+$0x7F30] =	vst v50;
	v54 =	vld [tilespmem:s26+$0x7FA0]  }
0xcd: {  	v2 =	vbroadcast v2, $0xF;
	v58 =	vld [tilespmem:s26+$0x7FD0];
	[tilespmem:s26+$0x7F40] =	vst v3;
	v3 =	vmul.f32 v48, v42  }
0xce: {  	v57 =	vld [tilespmem:s26+$0x7FC0];
	v56 =	vmul.f32 v49, v42;
	[tilespmem:s26+$0x7F50] =	vst v53  }
0xcf: {  	v55 =	vld [tilespmem:s26+$0x7FB0];
	[tilespmem:s26+$0x7F60] =	vst v3;
	v3 =	vmul.f32 v51, v2  }
0xd0: {  	v60 =	vld [tilespmem:s26+$0x7FE0];
	v59 =	vmul.f32 v52, v2;
	[tilespmem:s26+$0x7F70] =	vst v56  }
0xd1: {  	v61 =	vld [tilespmem:s26+$0x7FF0];
	[tilespmem:s26+$0x7F80] =	vst v3;
	v3 =	vmul.f32 v54, v2  }
0xd2: {  	[tilespmem:s26+$0x7F90] =	vst v59;
	v63 =	vmul.f32 v58, v2  }
0xd3: {  	p1 =	sne.s32 s25, $0x7;
	[tilespmem:s26+$0x7FA0] =	vst v3;
	v3 =	vmul.f32 v57, v2  }
.Ltmp1:
0xd4: {  	v62 =	vmul.f32 v55, v2;
	[tilespmem:s26+$0x7FD0] =	vst v63;
	(pc) =	sbr.rel @p1 .LBB2_5-.Ltmp1, $4  }
0xd5: {  	[tilespmem:s26+$0x7FC0] =	vst v3;
	v3 =	vmul.f32 v60, v2  }
0xd6: {  	[tilespmem:s26+$0x7FB0] =	vst v62;
	v2 =	vmul.f32 v61, v2  }
0xd7: {  	[tilespmem:s26+$0x7FE0] =	vst v3  }
0xd8: {  	s25 =	sadd.s32 $0x1, s25;
	[tilespmem:s26+$0x7FF0] =	vst v2  }
0xd9: {  	s23 =	sadd.s32 $0x1, s23  }
0xda: {  	p1 =	sne.s32 s23, $0x4F  }
.Ltmp2:
0xdb: {  	s24 =	sadd.s32 $0x2800, s24;
	(pc) =	sbr.rel @p1 .LBB2_4-.Ltmp2, $4  }
0xdc: {  	[spmem:s3] =	stream.indirect.scatter.add.f32 [tilespmem:s17], [sflag:$0x2], $0x80, s24, s21, $0xb8;
	[tilespmem:$0x1F080] =	vst v63  }
0xdd: {  	_ =	swait.ge [sflag:s18], $0x4000  }
0xde: {  	[sflag:s18] =	ssyncset.done $0x0  }
0xdf: {  	[sflag:s18] =	ssyncadd.s32 $0xFFFFC000  }
0xe0: {  	s23 =	sshll.u32 s0, $0x6  }
0xe1: {  	[bflag:$0x0] =	sbarrier.arrive $0xFFFF;
	s24 =	sshrl.u32 s5, $0x3;
	s23 =	sor.u32 $0x1C02, s23  }
0xe2: {  	[hbm:s14], [sflag:s23] =	dma.local [spmem:s24], $0x2700  }
0xe3: {  	_ =	swait.ge [sflag:s18], $0x2700  }
0xe4: {  	s4 =	sadd.s32 $0x1, s4;
	[sflag:s18] =	ssyncset.done $0x0  }
0xe5: {  	p1 =	sne.s32 s4, s16;
	s24 =	sshrl.u32 @!p0 s10, $0x3;
	[sflag:s18] =	ssyncadd.s32 $0xFFFFD900  }
0xe6: {  	[hbm:s15], [sflag:s23] =	dma.local @!p0 [spmem:s24], $0x100  }
.Ltmp3:
0xe7: {  	_ = 	snop;
	(pc) =	sbr.rel @p1 .LBB2_1-.Ltmp3, $4  }
0xe8: {  	s23 =	simm.s32 @!p0 $0x2  }
0xe9: {  	_ =	swait.ge @!p0 [sflag:s23], $0x100  }
0xea: {  	[sflag:s23] =	ssyncset.done @!p0 $0x0  }
0xeb: {  	[sflag:s23] =	ssyncadd.s32 @!p0 $0xFFFFFF00  }
0xec: {  	_ =	sfence.sel $0x180000  }
0xed: {  	[bflag:$0x0] =	sbarrier.arrive $0xFFFF  }
0xee: {  	p0 =	sne.s32 s0, $0x0;
	_ =	strace $0x9000004A  }
0xef: {  	s0 =	sadd.s32 @!p0 $0x100000, s2;
	[bflag:$0x2] =	sbarrier.arrive $0xFFFF  }
0xf0: {  	[sflag:s0] =	ssyncadd.tile.s32 @!p0 $0x1;
	_ =	shalt  }
.Lfunc_end2:
_tile_overlayer_lowered:
.L_overlay_start_2:
0xf1: {  	(tag) =	ssettag $0x2  }
0xf2: {  	s0 =	rddreg [dreg:$0x0];
	s2 =	stileid.u32  }
0xf3: {  	s1 =	rddreg [dreg:$0x1];
	p0 =	sne.s32 s2, $0x0  }
0xf4: {  	s3 =	rddreg [dreg:$0x2];
	[bflag:$0x3] =	sbarrier.arrive $0xFFFF;
	s2 =	simm.s32 @!p0 $0x1C02  }
0xf5: {  	[timem:s3], [sflag:s2] =	dma.local @!p0 [hbm:s0], s1  }
0xf6: {  	s0 =	simm.s32 @!p0 $0x2  }
0xf7: {  	_ =	swait.ge @!p0 [sflag:s0], s1  }
0xf8: {  	s1 =	ssub.s32 @!p0 $0x0, s1;
	[sflag:s0] =	ssyncset.done @!p0 $0x0  }
0xf9: {  	[sflag:s0] =	ssyncadd.s32 @!p0 s1  }
0xfa: {  	[bflag:$0x3] =	sbarrier.arrive $0xFFFF  }
0xfb: {  	_ =	shalt  }

// kernel: kernel.7.cloned.1.call-start
scs
__scs_entry_jumppad:
0x0: {  	(pc) =	sbr.rel $0x88, $3  }
0x1: {  	(tag) =	ssettag $0x0;
	lr =	simm.s32 $0x1  }
0x2: {  	[smem:$0x3F9A] =	sst lr;
	_ =	strace $0xD0000000  }
0x3: {  	_ = 	snop  }
0x4: {  	_ = 	snop  }
0x5: {  	_ = 	snop  }
0x6: {  	_ = 	snop  }
0x7: {  	_ = 	snop  }
__scs_overlays_trampoline_lowered:
0x8: {  	[smem:$0x3FA9] =	sst s0  }
0x9: {  	[smem:$0x3FAA] =	sst s1  }
0xa: {  	[smem:$0x3FAB] =	sst s2  }
0xb: {  	[smem:$0x3FAC] =	sst s3  }
0xc: {  	[smem:$0x3FAD] =	sst s4  }
0xd: {  	[smem:$0x3FAE] =	sst s5  }
0xe: {  	[smem:$0x3FAF] =	sst s6  }
0xf: {  	[smem:$0x3FB0] =	sst s7  }
0x10: {  	[smem:$0x3FB1] =	sst s8  }
0x11: {  	[smem:$0x3FB2] =	sst s9;
	s0 =	simm.s32 @!p0 $0x0  }
0x12: {  	s1 =	sld [smem:$0x3F98];
	s0 =	simm.s32 @p0 $0x1  }
0x13: {  	[smem:$0x3FB3] =	sst s0;
	s0 =	simm.s32 @!p1 $0x0  }
0x14: {  	s2 =	sld [smem:$0x3F97];
	s0 =	simm.s32 @p1 $0x1  }
0x15: {  	[smem:$0x3FB4] =	sst s0;
	s0 =	simm.s32 @!p2 $0x0  }
0x16: {  	s3 =	sld [smem:$0x3FDB];
	s0 =	simm.s32 @p2 $0x1  }
0x17: {  	s4 =	simm.s32 $0x1BF5;
	[smem:$0x3FB6] =	sst s0  }
0x18: {  	s0 =	sld [smem:$0x3F99];
	_ =	swait.ge [sflag:s4], $0x0  }
0x19: {  	s7 =	sld [smem:$0x3F9A]  }
0x1a: {  	s8 =	sadd.s32 $0xFFFFE003, lr  }
0x1b: {  	s9 =	sadd.s32 $0xFFFFFEF7, lr;
	s5 =	simm.s32 $0xFFFFFFFF;
	p2 =	slt.u32 s8, $0xFFFFF086  }
0x1c: {  	p1 =	slt.u32 s9, $0xF7A;
	s5 =	simm.s32 @!p2 $0x0  }
0x1d: {  	s5 =	simm.s32 @p1 $0x1;
	p0 =	seq.s32 s7, s2  }
0x1e: {  	s7 =	smul.u32 @!p0 $0xF7A, s2;
	p2 =	seq.s32 @!p0 s5, $0x0  }
0x1f: {  	s9 =	smul.u32 $0xF7A, s1;
	s8 =	simm.s32 @!p0 $0x1BF5;
	p2 =	por !p2, p0  }
0x20: {  	[sflag:s8] =	ssyncset.s32 @!p0 $0xFFFFF086;
	s6 =	sadd.s32 @!p0 s3, s7;
	s7 =	simm.s32 @!p0 $0x108  }
0x21: {  	s3 =	sadd.s32 s3, s9;
	s6 =	sadd.s32 @!p0 $0x88, s6;
	s7 =	simm.s32 @p2 $0x1082  }
0x22: {  	[simem:s7], [sflag:s8] =	dma.local @!p0 [hbm:s6], $0xF7A  }
0x23: {  	s9 =	sor.u32 $0xD0000000, s2;
	s6 =	simm.s32 $0x108;
	_ =	swait.ge @!p0 [sflag:s8], $0x0  }
0x24: {  	s3 =	sadd.s32 $0x88, s3;
	s6 =	simm.s32 @!p1 $0x1082;
	[sflag:s4] =	ssyncset.s32 $0xFFFFF086  }
0x25: {  	[simem:s6], [sflag:s4] =	dma.local [hbm:s3], $0xF7A  }
0x26: {  	[smem:$0x3F9A] =	sst s1;
	(tag) =	ssettag s2;
	_ =	strace s9  }
0x27: {  	s1 =	sld [smem:$0x3FAA]  }
0x28: {  	s2 =	sld [smem:$0x3FAB]  }
0x29: {  	s4 =	sld [smem:$0x3FAD]  }
0x2a: {  	p0 =	seq.s32 s5, $0x0;
	s5 =	sld [smem:$0x3FAE]  }
0x2b: {  	s6 =	sld [smem:$0x3FAF]  }
0x2c: {  	s7 =	sld [smem:$0x3FB0]  }
0x2d: {  	s3 =	simm.s32 $0x108;
	s8 =	sld [smem:$0x3FB1]  }
0x2e: {  	s3 =	simm.s32 @!p0 $0x1082;
	s9 =	sld [smem:$0x3FB2]  }
0x2f: {  	lr =	sadd.s32 s0, s3;
	s0 =	sld [smem:$0x3FA9]  }
0x30: {  	s3 =	sld [smem:$0x3FAC]  }
0x31: {  	[smem:$0x3FB5] =	sst s10  }
0x32: {  	s10 =	sld [smem:$0x3FB3];
	_ =	sdelay $0x3  }
0x33: {  	p0 =	seq.s32 s10, $0x1;
	s10 =	sld [smem:$0x3FB5];
	_ =	sdelay $0x3  }
0x34: {  	[smem:$0x3FB5] =	sst s10  }
0x35: {  	s10 =	sld [smem:$0x3FB4];
	_ =	sdelay $0x3  }
0x36: {  	p1 =	seq.s32 s10, $0x1;
	s10 =	sld [smem:$0x3FB5];
	_ =	sdelay $0x3  }
0x37: {  	[smem:$0x3FB5] =	sst s10  }
0x38: {  	s10 =	sld [smem:$0x3FB6]  }
0x39: {  	_ = 	snop;
	(pc) =	sbr.ind lr, $3  }
0x3a: {  	_ = 	snop  }
0x3b: {  	_ = 	snop  }
0x3c: {  	p2 =	seq.s32 s10, $0x1;
	s10 =	sld [smem:$0x3FB5]  }
0x3d: {  	_ =	shalt  }
0x3e: {  	_ =	shalt  }
0x3f: {  	_ =	shalt  }
0x40: {  	_ =	shalt  }
0x41: {  	_ =	shalt  }
0x42: {  	_ =	shalt  }
0x43: {  	_ =	shalt  }
0x44: {  	_ =	shalt  }
0x45: {  	_ =	shalt  }
0x46: {  	_ =	shalt  }
0x47: {  	_ =	shalt  }
0x48: {  	_ =	shalt  }
0x49: {  	_ =	shalt  }
0x4a: {  	_ =	shalt  }
0x4b: {  	_ =	shalt  }
0x4c: {  	_ =	shalt  }
0x4d: {  	_ =	shalt  }
0x4e: {  	_ =	shalt  }
0x4f: {  	_ =	shalt  }
0x50: {  	_ =	shalt  }
0x51: {  	_ =	shalt  }
0x52: {  	_ =	shalt  }
0x53: {  	_ =	shalt  }
0x54: {  	_ =	shalt  }
0x55: {  	_ =	shalt  }
0x56: {  	_ =	shalt  }
0x57: {  	_ =	shalt  }
0x58: {  	_ =	shalt  }
0x59: {  	_ =	shalt  }
0x5a: {  	_ =	shalt  }
0x5b: {  	_ =	shalt  }
0x5c: {  	_ =	shalt  }
0x5d: {  	_ =	shalt  }
0x5e: {  	_ =	shalt  }
0x5f: {  	_ =	shalt  }
0x60: {  	_ =	shalt  }
0x61: {  	_ =	shalt  }
0x62: {  	_ =	shalt  }
0x63: {  	_ =	shalt  }
0x64: {  	_ =	shalt  }
0x65: {  	_ =	shalt  }
0x66: {  	_ =	shalt  }
0x67: {  	_ =	shalt  }
0x68: {  	_ =	shalt  }
0x69: {  	_ =	shalt  }
0x6a: {  	_ =	shalt  }
0x6b: {  	_ =	shalt  }
0x6c: {  	_ =	shalt  }
0x6d: {  	_ =	shalt  }
0x6e: {  	_ =	shalt  }
0x6f: {  	_ =	shalt  }
0x70: {  	_ =	shalt  }
0x71: {  	_ =	shalt  }
0x72: {  	_ =	shalt  }
0x73: {  	_ =	shalt  }
0x74: {  	_ =	shalt  }
0x75: {  	_ =	shalt  }
0x76: {  	_ =	shalt  }
0x77: {  	_ =	shalt  }
0x78: {  	_ =	shalt  }
0x79: {  	_ =	shalt  }
0x7a: {  	_ =	shalt  }
0x7b: {  	_ =	shalt  }
0x7c: {  	_ =	shalt  }
0x7d: {  	_ =	shalt  }
0x7e: {  	_ =	shalt  }
0x7f: {  	_ =	shalt  }
0x80: {  	_ =	shalt  }
0x81: {  	_ =	shalt  }
0x82: {  	_ =	shalt  }
0x83: {  	_ =	shalt  }
0x84: {  	_ =	shalt  }
0x85: {  	_ =	shalt  }
0x86: {  	_ =	shalt  }
0x87: {  	_ =	shalt  }
.Lfunc_end0:
.L_simem_size_0:
called_computation_lowered:
.L_overlay_start_0:
0x88: {  	s2 =	sld [smem:$0x3FD9]  }
0x89: {  	s3 =	sld [smem:$0x3FFE];
	_ =	sdelay $0x1  }
0x8a: {  	s1 =	srdreg.scid  }
0x8b: {  	s0 =	sand.u32 $0x1, s1  }
0x8c: {  	s17 =	sshll.u32 s0, $0xA;
	s2 =	sadd.s32 s3, s2  }
0x8d: {  	s2 =	sadd.s32 s2, s17  }
0x8e: {  	[smem:$0x3FC1] =	sst s2  }
0x8f: {  	_ = 	snop  }
0x90: {  	s2 =	sld [smem:$0x3FD0];
	(tm) =	ssettm $0x1  }
0x91: {  	s18 =	sld [smem:$0x3FFB];
	_ =	sdelay $0x3  }
0x92: {  	_ =	strace s18  }
0x93: {  	s3 =	sld [smem:$0x3FFC];
	_ =	sdelay $0x3  }
0x94: {  	_ =	strace s3  }
0x95: {  	s3 =	sld [smem:$0x3FFD];
	_ =	sdelay $0x3  }
0x96: {  	_ =	strace s3  }
0x97: {  	_ =	strace $0x8FFFFFFF  }
0x98: {  	s19 =	sld [smem:$0x3FDB];
	_ =	sdelay $0x1  }
0x99: {  	s4 =	simm.s32 $_scs_section_size  }
0x9a: {  	s5 =	simm.s32 $_size__tile_overlayer_lowered;
	s6 =	simm.s32 $_tile_overlayer_lowered  }
0x9b: {  	s22 =	simm.s32 $0x1BFF;
	s21 =	sshll.u32 s6, $0x1;
	s3 =	sadd.s32 s4, s19  }
0x9c: {  	s7 =	simm.s32 $0x0;
	s20 =	sshll.u32 s5, $0x1;
	s5 =	sadd.s32 s21, s3  }
0x9d: {  	[timem:s7], [sflag:s22] =	dma.local [hbm:s5], s20  }
0x9e: {  	_ =	swait.ge [sflag:s22], s20  }
0x9f: {  	s4 =	ssub.s32 $0x0, s20;
	[sflag:s22] =	ssyncset.done $0x0  }
0xa0: {  	[sflag:s22] =	ssyncadd.s32 s4;
	_ =	sdelay $0x1  }
0xa1: {  	s23 =	simm.s32 $0x1B8B  }
0xa2: {  	_ =	swait.ge [sflag:s23], $0x1  }
0xa3: {  	[sflag:s23] =	ssyncset.done $0x0  }
0xa4: {  	s25 =	simm.s32 $0x1B8E;
	s24 =	sld [smem:$0x3FFE];
	[sflag:s23] =	ssyncadd.s32 $0xFFFFFFFF  }
0xa5: {  	s26 =	simm.s32 $execute0_lowered;
	[smem:$0x3FD2] =	sst s25  }
0xa6: {  	s5 =	sshll.u32 s26, $0x1;
	_ =	strace $0x80000046;
	[dreg:$0x1] =	wrdreg $0xFFFFFFFF  }
0xa7: {  	s28 =	simm.s32 $_size_execute0_lowered;
	s3 =	sadd.s32 s3, s5;
	[dreg:$0x0] =	wrdreg $0x0  }
0xa8: {  	s5 =	sshll.u32 s28, $0x1;
	[dreg:$0x2] =	wrdreg s3  }
0xa9: {  	[dreg:$0x3] =	wrdreg s5  }
0xaa: {  	[dreg:$0x4] =	wrdreg $0xC0  }
0xab: {  	_ =	task [dreg:s7], $0x5FFFF  }
0xac: {  	[dreg:$0x1] =	wrdreg $0xFFFFFFFF  }
0xad: {  	[dreg:$0x0] =	wrdreg $0x60  }
0xae: {  	[dreg:$0x2] =	wrdreg s2  }
0xaf: {  	[dreg:$0x3] =	wrdreg s24  }
0xb0: {  	[dreg:$0x4] =	wrdreg $0xB8000  }
0xb1: {  	[dreg:$0x5] =	wrdreg $0x9  }
0xb2: {  	_ =	task.clear_ibuf [dreg:s7], $0x6FFFF;
	_ =	strace $0x90000046  }
0xb3: {  	s29 =	simm.s32 $0x9;
	_ =	strace $0x80000048  }
0xb4: {  	_ =	swait.ge [sflag:s29], $0x1  }
0xb5: {  	[sflag:s29] =	ssyncadd.s32 $0xFFFFFFFF  }
0xb6: {  	_ =	strace $0x90000048  }
0xb7: {  	_ =	sfence  }
0xb8: {  	s30 =	sld [smem:$0x0];
	_ =	sdelay $0x2  }
0xb9: {  	s31 =	sshll.u32 s1, $0xD;
	s1 =	sshrl.u32 s1, $0x2  }
0xba: {  	s3 =	sand.u32 $0x4000, s31;
	s1 =	sadd.s32 s1, s30  }
0xbb: {  	s0 =	sor.u32 s3, s0;
	s1 =	sshll.u32 s1, $0x11  }
0xbc: {  	s0 =	sor.u32 s1, s0  }
0xbd: {  	s0 =	sadd.s32 $0x8F2B, s0  }
0xbe: {  	[sflag:s0] =	ssyncadd.remote.s32 $0x1  }
0xbf: {  	_ =	sfence.sel $0xFFFF  }
0xc0: {  	[dreg:$0x0] =	wrdreg $0xFFFFFFFF;
	(pc) =	sbr.abs _section_cstart, $3  }
0xc1: {  	[dreg:$0x1] =	wrdreg $0xFFFFFFFF  }
0xc2: {  	_ =	task.clear_ibuf [dreg:s7], $0x2FFFF;
	_ =	strace $0x9FFFFFFF  }
0xc3: {  	(tm) =	ssettm $0x7FFFFFFF  }
tec
execute0_lowered:
.L_overlay_start_1:
0x0: {  	(tag) =	ssettag $0x1  }
0x1: {  	s1 =	rddreg [dreg:$0x0]  }
0x2: {  	s2 =	srdreg.scid;
	s5 =	rddreg [dreg:$0x1]  }
0x3: {  	s0 =	stileid.u32;
	s3 =	rddreg [dreg:$0x2];
	s4 =	simm.s32 $0x0  }
0x4: {  	s19 =	simm.s32 $0x2800;
	s20 =	simm.s32 $0x5000;
	s21 =	simm.s32 $0x80  }
0x5: {  	s22 =	simm.s32 $0x1;
	s6 =	sand.u32 $0x1, s2;
	s2 =	rddreg [dreg:$0x3]  }
0x6: {  	s28 =	sshll.u32 s0, $0x1;
	[smem:$0x7FF] =	sst s4;
	s8 =	smul.u32 $0x4E000, s0  }
0x7: {  	s15 =	sadd.s32 $0x1FA00, s5;
	s12 =	smul.u32 $0x13800, s0;
	s10 =	sadd.s32 $0x138000, s3  }
0x8: {  	s7 =	sor.u32 s6, s28;
	s29 =	ssub.s32 $0x2, s6;
	s14 =	smul.u32 $0x138800, s6  }
0x9: {  	p0 =	sne.s32 s0, $0xF;
	s7 =	smul.u32 $0x500, s7;
	s31 =	sshrl.u32 s29, $0x1  }
0xa: {  	_ =	strace $0x80000047;
	s30 =	sshrl.u32 s8, $0x2;
	s16 =	ssub.s32 s29, s31  }
0xb: {  	s17 =	sadd.s32 s12, s14;
	s18 =	sshrl.u32 s14, $0x3;
	s13 =	sadd.s32 s7, s5  }
0xc: {  	s5 =	sadd.s32 s30, s3;
	s17 =	sshrl.u32 s17, $0x3;
	s16 =	smax.u32 s16, $0x1  }
0xd: {  	s6 =	sadd.s32 $0x4000, s5;
	s7 =	sadd.s32 $0x8000, s5;
	s8 =	sadd.s32 $0xC000, s5  }
0xe: {  	s9 =	sadd.s32 $0x10000, s5;
	s11 =	sadd.s32 $0xBA00, s13;
	s12 =	sadd.s32 $0x15A00, s13  }
0xf: {  	s13 =	sadd.s32 $0x1A00, s13;
	s14 =	sadd.s32 s15, s17;
	s15 =	sadd.s32 s15, s18  }
0x10: {  	v0 =	vimm.f32 $0.0e+00;
	s17 =	simm.s32 $0x7800;
	s18 =	simm.s32 $0x2;
	s15 =	sadd.s32 $0x27000, s15  }
.LBB2_1:
0x11: {  	s23 =	simm.s32 $0x0;
	s24 =	simm.s32 $0x200  }
.LBB2_2:
0x12: {  	p1 =	sne.s32 s24, $0xFE00;
	[tilespmem:s23+$0x7870] =	vst v0  }
0x13: {  	[tilespmem:s23+$0x7800] =	vst v0  }
0x14: {  	[tilespmem:s23+$0x7810] =	vst v0  }
.Ltmp0:
0x15: {  	[tilespmem:s23+$0x7820] =	vst v0;
	(pc) =	sbr.rel @p1 .LBB2_2-.Ltmp0, $4  }
0x16: {  	[tilespmem:s23+$0x7830] =	vst v0  }
0x17: {  	[tilespmem:s23+$0x7840] =	vst v0  }
0x18: {  	[tilespmem:s23+$0x7850] =	vst v0  }
0x19: {  	[tilespmem:s23+$0x7860] =	vst v0;
	s23 =	sshra.s32 s24, $0x2;
	s24 =	sadd.s32 $0x200, s24  }
0x1a: {  	[tilespmem:s23+$0x7870] =	vst v0  }
0x1b: {  	[tilespmem:s23+$0x7800] =	vst v0  }
0x1c: {  	[tilespmem:s23+$0x7810] =	vst v0  }
0x1d: {  	[tilespmem:s23+$0x7820] =	vst v0  }
0x1e: {  	[tilespmem:s23+$0x7830] =	vst v0  }
0x1f: {  	[tilespmem:s23+$0x7840] =	vst v0  }
0x20: {  	[tilespmem:s23+$0x7850] =	vst v0  }
0x21: {  	[tilespmem:s23+$0x7860] =	vst v0  }
0x22: {  	[spmem:s5] =	stream.linear.scatter [tilespmem:s17], [sflag:$0x2], $0x4000, $0x38;
	[tilespmem:$0x1F080] =	vst v63  }
0x23: {  	_ =	swait.ge [sflag:s18], $0x4000  }
0x24: {  	[sflag:s18] =	ssyncset.done $0x0  }
0x25: {  	[sflag:s18] =	ssyncadd.s32 $0xFFFFC000  }
0x26: {  	[spmem:s6] =	stream.linear.scatter [tilespmem:s17], [sflag:$0x2], $0x4000, $0x38;
	[tilespmem:$0x1F080] =	vst v63  }
0x27: {  	_ =	swait.ge [sflag:s18], $0x4000  }
0x28: {  	[sflag:s18] =	ssyncset.done $0x0  }
0x29: {  	[sflag:s18] =	ssyncadd.s32 $0xFFFFC000  }
0x2a: {  	[spmem:s7] =	stream.linear.scatter [tilespmem:s17], [sflag:$0x2], $0x4000, $0x38;
	[tilespmem:$0x1F080] =	vst v63  }
0x2b: {  	_ =	swait.ge [sflag:s18], $0x4000  }
0x2c: {  	[sflag:s18] =	ssyncset.done $0x0  }
0x2d: {  	[sflag:s18] =	ssyncadd.s32 $0xFFFFC000  }
0x2e: {  	[spmem:s8] =	stream.linear.scatter [tilespmem:s17], [sflag:$0x2], $0x4000, $0x38;
	[tilespmem:$0x1F080] =	vst v63  }
0x2f: {  	_ =	swait.ge [sflag:s18], $0x4000  }
0x30: {  	[sflag:s18] =	ssyncset.done $0x0  }
0x31: {  	[sflag:s18] =	ssyncadd.s32 $0xFFFFC000  }
0x32: {  	[spmem:s9] =	stream.linear.scatter [tilespmem:s17], [sflag:$0x2], $0x3800, $0x38;
	[tilespmem:$0x1F080] =	vst v63  }
0x33: {  	_ =	swait.ge [sflag:s18], $0x3800  }
0x34: {  	[sflag:s18] =	ssyncset.done $0x0  }
0x35: {  	s23 =	simm.s32 @!p0 $0x7800;
	[sflag:s18] =	ssyncadd.s32 $0xFFFFC800  }
0x36: {  	[spmem:s10] =	stream.linear.scatter @!p0 [tilespmem:s23], [sflag:$0x2], $0x800, $0x38;
	[tilespmem:$0x1F080] =	vst v63  }
0x37: {  	s23 =	simm.s32 @!p0 $0x2  }
0x38: {  	_ =	swait.ge @!p0 [sflag:s23], $0x800  }
0x39: {  	[sflag:s23] =	ssyncset.done @!p0 $0x0  }
0x3a: {  	[sflag:s23] =	ssyncadd.s32 @!p0 $0xFFFFF800  }
0x3b: {  	s23 =	simm.s32 $0x0;
	[bflag:$0x0] =	sbarrier.arrive $0xFFFF  }
0x3c: {  	[tilespmem:s23], [sflag:$0x2] =	stream.linear.gather [hbm4b:s11+s23], $0x2780, $0x38;
	[tilespmem:$0x1F080] =	vst v63  }
0x3d: {  	_ =	swait.ge [sflag:s18], $0x2780  }
0x3e: {  	[sflag:s18] =	ssyncset.done $0x0  }
0x3f: {  	[sflag:s18] =	ssyncadd.s32 $0xFFFFD880  }
0x40: {  	[tilespmem:s19], [sflag:$0x2] =	stream.linear.gather [hbm4b:s12+s23], $0x2780, $0x38;
	[tilespmem:$0x1F080] =	vst v63  }
0x41: {  	_ =	swait.ge [sflag:s18], $0x2780  }
0x42: {  	[sflag:s18] =	ssyncset.done $0x0  }
0x43: {  	[sflag:s18] =	ssyncadd.s32 $0xFFFFD880  }
0x44: {  	[tilespmem:s20], [sflag:$0x2] =	stream.linear.gather [hbm4b:s13+s23], $0x2780, $0x38;
	[tilespmem:$0x1F080] =	vst v63  }
0x45: {  	_ =	swait.ge [sflag:s18], $0x2780  }
0x46: {  	[sflag:s18] =	ssyncset.done $0x0  }
0x47: {  	[sflag:s18] =	ssyncadd.s32 $0xFFFFD880  }
.LBB2_4:
0x48: {  	s24 =	sshll.u32 s23, $0x7  }
0x49: {  	[tilespmem:s17], [sflag:$0x1] =	stream.indirect.gather [hbm4b:s1+s21], $0x80, s24, s21, $0xb8;
	[tilespmem:$0x1F080] =	vst v63  }
0x4a: {  	s25 =	sadd.s32 $0x5000, s24  }
0x4b: {  	_ =	swait.ge [sflag:s22], $0x4000;
	v1 =	vmov s25  }
0x4c: {  	[sflag:s22] =	ssyncset.done $0x0  }
0x4d: {  	s25 =	simm.s32 $0x0;
	[sflag:s22] =	ssyncadd.s32 $0xFFFFC000  }
.LBB2_5:
0x4e: {  	s26 =	sshll.u32 s25, $0x4  }
0x4f: {  	s26 =	sand.u32 $0x3FFFFFF0, s26  }
0x50: {  	s31 =	sshll.u32 s25, $0xB;
	v2 =	vld.idx.msk [tilespmem:v1+s26+$0x0 ss:$0x1], $0xffff  }
0x51: {  	s26 =	sand.u32 $0x3FFFF800, s31  }
0x52: {  	v3 =	vld [tilespmem:s26+$0x7800]  }
0x53: {  	v4 =	vld [tilespmem:s26+$0x7810]  }
0x54: {  	v5 =	vld [tilespmem:s26+$0x7820]  }
0x55: {  	v7 =	vld [tilespmem:s26+$0x7830];
	v6 =	vbroadcast v2, $0x0  }
0x56: {  	v8 =	vld [tilespmem:s26+$0x7840]  }
0x57: {  	v9 =	vld [tilespmem:s26+$0x7850];
	v3 =	vmul.f32 v6, v3  }
0x58: {  	v10 =	vld [tilespmem:s26+$0x7860];
	v4 =	vmul.f32 v4, v6  }
0x59: {  	v24 =	vld [tilespmem:s26+$0x7870];
	[tilespmem:s26+$0x7800] =	vst v3;
	v3 =	vmul.f32 v5, v6  }
0x5a: {  	v26 =	vld [tilespmem:s26+$0x7880];
	v25 =	vmul.f32 v7, v6;
	[tilespmem:s26+$0x7810] =	vst v4  }
0x5b: {  	v27 =	vld [tilespmem:s26+$0x7890];
	[tilespmem:s26+$0x7820] =	vst v3;
	v3 =	vmul.f32 v8, v6  }
0x5c: {  	v29 =	vld [tilespmem:s26+$0x78A0];
	v28 =	vmul.f32 v9, v6;
	[tilespmem:s26+$0x7830] =	vst v25  }
0x5d: {  	v11 =	vld [tilespmem:s26+$0x78B0];
	v30 =	vbroadcast v2, $0x1;
	[tilespmem:s26+$0x7840] =	vst v3;
	v3 =	vmul.f32 v10, v6  }
0x5e: {  	v32 =	vld [tilespmem:s26+$0x78C0];
	v31 =	vmul.f32 v24, v6;
	[tilespmem:s26+$0x7850] =	vst v28  }
0x5f: {  	v33 =	vld [tilespmem:s26+$0x78D0];
	[tilespmem:s26+$0x7860] =	vst v3;
	v3 =	vmul.f32 v26, v30  }
0x60: {  	v35 =	vld [tilespmem:s26+$0x78E0];
	v34 =	vmul.f32 v27, v30;
	[tilespmem:s26+$0x7870] =	vst v31  }
0x61: {  	v36 =	vld [tilespmem:s26+$0x78F0];
	[tilespmem:s26+$0x7880] =	vst v3;
	v3 =	vmul.f32 v29, v30  }
0x62: {  	v38 =	vld [tilespmem:s26+$0x7900];
	v37 =	vmul.f32 v11, v30;
	[tilespmem:s26+$0x7890] =	vst v34  }
0x63: {  	v39 =	vld [tilespmem:s26+$0x7910];
	[tilespmem:s26+$0x78A0] =	vst v3;
	v3 =	vmul.f32 v32, v30  }
0x64: {  	v41 =	vld [tilespmem:s26+$0x7920];
	v40 =	vmul.f32 v33, v30;
	[tilespmem:s26+$0x78B0] =	vst v37  }
0x65: {  	v43 =	vld [tilespmem:s26+$0x7930];
	v42 =	vbroadcast v2, $0x2;
	[tilespmem:s26+$0x78C0] =	vst v3;
	v3 =	vmul.f32 v35, v30  }
0x66: {  	v45 =	vld [tilespmem:s26+$0x7940];
	v44 =	vmul.f32 v36, v30;
	[tilespmem:s26+$0x78D0] =	vst v40  }
0x67: {  	v46 =	vld [tilespmem:s26+$0x7950];
	[tilespmem:s26+$0x78E0] =	vst v3;
	v3 =	vmul.f32 v38, v42  }
0x68: {  	v48 =	vld [tilespmem:s26+$0x7960];
	v47 =	vmul.f32 v39, v42;
	[tilespmem:s26+$0x78F0] =	vst v44  }
0x69: {  	v49 =	vld [tilespmem:s26+$0x7970];
	[tilespmem:s26+$0x7900] =	vst v3;
	v3 =	vmul.f32 v41, v42  }
0x6a: {  	v51 =	vld [tilespmem:s26+$0x7980];
	v50 =	vmul.f32 v43, v42;
	[tilespmem:s26+$0x7910] =	vst v47  }
0x6b: {  	v52 =	vld [tilespmem:s26+$0x7990];
	[tilespmem:s26+$0x7920] =	vst v3;
	v3 =	vmul.f32 v45, v42  }
0x6c: {  	v54 =	vld [tilespmem:s26+$0x79A0];
	v53 =	vmul.f32 v46, v42;
	[tilespmem:s26+$0x7930] =	vst v50  }
0x6d: {  	v56 =	vld [tilespmem:s26+$0x79B0];
	v55 =	vbroadcast v2, $0x3;
	[tilespmem:s26+$0x7940] =	vst v3;
	v3 =	vmul.f32 v48, v42  }
0x6e: {  	v58 =	vld [tilespmem:s26+$0x79C0];
	v57 =	vmul.f32 v49, v42;
	[tilespmem:s26+$0x7950] =	vst v53  }
0x6f: {  	v59 =	vld [tilespmem:s26+$0x79D0];
	[tilespmem:s26+$0x7960] =	vst v3;
	v3 =	vmul.f32 v51, v55  }
0x70: {  	v61 =	vld [tilespmem:s26+$0x79E0];
	v60 =	vmul.f32 v52, v55;
	[tilespmem:s26+$0x7970] =	vst v57  }
0x71: {  	v62 =	vld [tilespmem:s26+$0x79F0];
	[tilespmem:s26+$0x7980] =	vst v3;
	v3 =	vmul.f32 v54, v55  }
0x72: {  	v12 =	vld [tilespmem:s26+$0x7A00];
	v63 =	vmul.f32 v56, v55;
	[tilespmem:s26+$0x7990] =	vst v60  }
0x73: {  	v13 =	vld [tilespmem:s26+$0x7A10];
	[tilespmem:s26+$0x79A0] =	vst v3;
	v3 =	vmul.f32 v58, v55  }
0x74: {  	v15 =	vld [tilespmem:s26+$0x7A20];
	v14 =	vmul.f32 v59, v55;
	[tilespmem:s26+$0x79B0] =	vst v63  }
0x75: {  	v17 =	vld [tilespmem:s26+$0x7A30];
	v16 =	vbroadcast v2, $0x4;
	[tilespmem:s26+$0x79C0] =	vst v3;
	v3 =	vmul.f32 v61, v55  }
0x76: {  	v19 =	vld [tilespmem:s26+$0x7A40];
	v18 =	vmul.f32 v62, v55;
	[tilespmem:s26+$0x79D0] =	vst v14  }
0x77: {  	v20 =	vld [tilespmem:s26+$0x7A50];
	[tilespmem:s26+$0x79E0] =	vst v3;
	v3 =	vmul.f32 v12, v16  }
0x78: {  	v22 =	vld [tilespmem:s26+$0x7A60];
	v21 =	vmul.f32 v13, v16;
	[tilespmem:s26+$0x79F0] =	vst v18  }
0x79: {  	v23 =	vld [tilespmem:s26+$0x7A70];
	[tilespmem:s26+$0x7A00] =	vst v3;
	v3 =	vmul.f32 v15, v16  }
0x7a: {  	v24 =	vmul.f32 v17, v16;
	[tilespmem:s26+$0x7A10] =	vst v21;
	v25 =	vld [tilespmem:s26+$0x7A80]  }
0x7b: {  	v33 =	vld [tilespmem:s26+$0x7AD0];
	[tilespmem:s26+$0x7A20] =	vst v3;
	v3 =	vmul.f32 v19, v16  }
0x7c: {  	v27 =	vmul.f32 v20, v16;
	[tilespmem:s26+$0x7A30] =	vst v24;
	v28 =	vld [tilespmem:s26+$0x7AA0]  }
0x7d: {  	v36 =	vld [tilespmem:s26+$0x7AF0];
	v29 =	vbroadcast v2, $0x5;
	[tilespmem:s26+$0x7A40] =	vst v3;
	v3 =	vmul.f32 v22, v16  }
0x7e: {  	[tilespmem:s26+$0x7A50] =	vst v27;
	v31 =	vmul.f32 v23, v16;
	v32 =	vld [tilespmem:s26+$0x7AC0]  }
0x7f: {  	v26 =	vld [tilespmem:s26+$0x7A90];
	[tilespmem:s26+$0x7A60] =	vst v3;
	v3 =	vmul.f32 v25, v29  }
0x80: {  	[tilespmem:s26+$0x7A70] =	vst v31;
	v40 =	vmul.f32 v33, v29;
	v35 =	vld [tilespmem:s26+$0x7AE0]  }
0x81: {  	v30 =	vld [tilespmem:s26+$0x7AB0];
	[tilespmem:s26+$0x7A80] =	vst v3;
	v3 =	vmul.f32 v28, v29  }
0x82: {  	v44 =	vmul.f32 v36, v29;
	[tilespmem:s26+$0x7AD0] =	vst v40;
	v38 =	vld [tilespmem:s26+$0x7B00]  }
0x83: {  	v39 =	vld [tilespmem:s26+$0x7B10];
	[tilespmem:s26+$0x7AA0] =	vst v3;
	v3 =	vmul.f32 v32, v29  }
0x84: {  	v34 =	vmul.f32 v26, v29;
	[tilespmem:s26+$0x7AF0] =	vst v44;
	v41 =	vld [tilespmem:s26+$0x7B20]  }
0x85: {  	v43 =	vld [tilespmem:s26+$0x7B30];
	v42 =	vbroadcast v2, $0x6;
	[tilespmem:s26+$0x7AC0] =	vst v3;
	v3 =	vmul.f32 v35, v29  }
0x86: {  	[tilespmem:s26+$0x7A90] =	vst v34;
	v37 =	vmul.f32 v30, v29;
	v45 =	vld [tilespmem:s26+$0x7B40]  }
0x87: {  	v46 =	vld [tilespmem:s26+$0x7B50];
	[tilespmem:s26+$0x7AE0] =	vst v3;
	v3 =	vmul.f32 v38, v42  }
0x88: {  	[tilespmem:s26+$0x7AB0] =	vst v37;
	v48 =	vld [tilespmem:s26+$0x7B60];
	v47 =	vmul.f32 v39, v42  }
0x89: {  	v49 =	vld [tilespmem:s26+$0x7B70];
	[tilespmem:s26+$0x7B00] =	vst v3;
	v3 =	vmul.f32 v41, v42  }
0x8a: {  	v50 =	vmul.f32 v43, v42;
	v51 =	vld [tilespmem:s26+$0x7B80];
	[tilespmem:s26+$0x7B10] =	vst v47  }
0x8b: {  	v52 =	vld [tilespmem:s26+$0x7B90];
	[tilespmem:s26+$0x7B20] =	vst v3;
	v3 =	vmul.f32 v45, v42  }
0x8c: {  	v53 =	vmul.f32 v46, v42;
	[tilespmem:s26+$0x7B30] =	vst v50;
	v54 =	vld [tilespmem:s26+$0x7BA0]  }
0x8d: {  	v56 =	vld [tilespmem:s26+$0x7BB0];
	v55 =	vbroadcast v2, $0x7;
	[tilespmem:s26+$0x7B40] =	vst v3;
	v3 =	vmul.f32 v48, v42  }
0x8e: {  	v57 =	vmul.f32 v49, v42;
	[tilespmem:s26+$0x7B50] =	vst v53;
	v58 =	vld [tilespmem:s26+$0x7BC0]  }
0x8f: {  	v59 =	vld [tilespmem:s26+$0x7BD0];
	[tilespmem:s26+$0x7B60] =	vst v3;
	v3 =	vmul.f32 v51, v55  }
0x90: {  	[tilespmem:s26+$0x7B70] =	vst v57;
	v61 =	vld [tilespmem:s26+$0x7BE0];
	v60 =	vmul.f32 v52, v55  }
0x91: {  	v62 =	vld [tilespmem:s26+$0x7BF0];
	[tilespmem:s26+$0x7B80] =	vst v3;
	v3 =	vmul.f32 v54, v55  }
0x92: {  	v63 =	vmul.f32 v56, v55;
	v12 =	vld [tilespmem:s26+$0x7C00];
	[tilespmem:s26+$0x7B90] =	vst v60  }
0x93: {  	v13 =	vld [tilespmem:s26+$0x7C10];
	[tilespmem:s26+$0x7BA0] =	vst v3;
	v3 =	vmul.f32 v58, v55  }
0x94: {  	v14 =	vmul.f32 v59, v55;
	[tilespmem:s26+$0x7BB0] =	vst v63;
	v15 =	vld [tilespmem:s26+$0x7C20]  }
0x95: {  	v17 =	vld [tilespmem:s26+$0x7C30];
	v16 =	vbroadcast v2, $0x8;
	[tilespmem:s26+$0x7BC0] =	vst v3;
	v3 =	vmul.f32 v61, v55  }
0x96: {  	v18 =	vmul.f32 v62, v55;
	[tilespmem:s26+$0x7BD0] =	vst v14;
	v19 =	vld [tilespmem:s26+$0x7C40]  }
0x97: {  	v20 =	vld [tilespmem:s26+$0x7C50];
	[tilespmem:s26+$0x7BE0] =	vst v3;
	v3 =	vmul.f32 v12, v16  }
0x98: {  	[tilespmem:s26+$0x7BF0] =	vst v18;
	v22 =	vld [tilespmem:s26+$0x7C60];
	v21 =	vmul.f32 v13, v16  }
0x99: {  	v23 =	vld [tilespmem:s26+$0x7C70];
	[tilespmem:s26+$0x7C00] =	vst v3;
	v3 =	vmul.f32 v15, v16  }
0x9a: {  	v24 =	vmul.f32 v17, v16;
	v25 =	vld [tilespmem:s26+$0x7C80];
	[tilespmem:s26+$0x7C10] =	vst v21  }
0x9b: {  	v26 =	vld [tilespmem:s26+$0x7C90];
	[tilespmem:s26+$0x7C20] =	vst v3;
	v3 =	vmul.f32 v19, v16  }
0x9c: {  	v27 =	vmul.f32 v20, v16;
	[tilespmem:s26+$0x7C30] =	vst v24;
	v28 =	vld [tilespmem:s26+$0x7CA0]  }
0x9d: {  	v30 =	vld [tilespmem:s26+$0x7CB0];
	v29 =	vbroadcast v2, $0x9;
	[tilespmem:s26+$0x7C40] =	vst v3;
	v3 =	vmul.f32 v22, v16  }
0x9e: {  	v31 =	vmul.f32 v23, v16;
	[tilespmem:s26+$0x7C50] =	vst v27;
	v32 =	vld [tilespmem:s26+$0x7CC0]  }
0x9f: {  	v33 =	vld [tilespmem:s26+$0x7CD0];
	[tilespmem:s26+$0x7C60] =	vst v3;
	v3 =	vmul.f32 v25, v29  }
0xa0: {  	[tilespmem:s26+$0x7C70] =	vst v31;
	v35 =	vld [tilespmem:s26+$0x7CE0];
	v34 =	vmul.f32 v26, v29  }
0xa1: {  	v36 =	vld [tilespmem:s26+$0x7CF0];
	[tilespmem:s26+$0x7C80] =	vst v3;
	v3 =	vmul.f32 v28, v29  }
0xa2: {  	v37 =	vmul.f32 v30, v29;
	v38 =	vld [tilespmem:s26+$0x7D00];
	[tilespmem:s26+$0x7C90] =	vst v34  }
0xa3: {  	v39 =	vld [tilespmem:s26+$0x7D10];
	[tilespmem:s26+$0x7CA0] =	vst v3;
	v3 =	vmul.f32 v32, v29  }
0xa4: {  	v40 =	vmul.f32 v33, v29;
	[tilespmem:s26+$0x7CB0] =	vst v37;
	v41 =	vld [tilespmem:s26+$0x7D20]  }
0xa5: {  	v43 =	vld [tilespmem:s26+$0x7D30];
	v42 =	vbroadcast v2, $0xA;
	[tilespmem:s26+$0x7CC0] =	vst v3;
	v3 =	vmul.f32 v35, v29  }
0xa6: {  	v44 =	vmul.f32 v36, v29;
	[tilespmem:s26+$0x7CD0] =	vst v40;
	v45 =	vld [tilespmem:s26+$0x7D40]  }
0xa7: {  	v46 =	vld [tilespmem:s26+$0x7D50];
	[tilespmem:s26+$0x7CE0] =	vst v3;
	v3 =	vmul.f32 v38, v42  }
0xa8: {  	[tilespmem:s26+$0x7CF0] =	vst v44;
	v48 =	vld [tilespmem:s26+$0x7D60];
	v47 =	vmul.f32 v39, v42  }
0xa9: {  	v49 =	vld [tilespmem:s26+$0x7D70];
	[tilespmem:s26+$0x7D00] =	vst v3;
	v3 =	vmul.f32 v41, v42  }
0xaa: {  	v50 =	vmul.f32 v43, v42;
	v51 =	vld [tilespmem:s26+$0x7D80];
	[tilespmem:s26+$0x7D10] =	vst v47  }
0xab: {  	v52 =	vld [tilespmem:s26+$0x7D90];
	[tilespmem:s26+$0x7D20] =	vst v3;
	v3 =	vmul.f32 v45, v42  }
0xac: {  	v53 =	vmul.f32 v46, v42;
	[tilespmem:s26+$0x7D30] =	vst v50;
	v54 =	vld [tilespmem:s26+$0x7DA0]  }
0xad: {  	v56 =	vld [tilespmem:s26+$0x7DB0];
	v55 =	vbroadcast v2, $0xB;
	[tilespmem:s26+$0x7D40] =	vst v3;
	v3 =	vmul.f32 v48, v42  }
0xae: {  	v57 =	vmul.f32 v49, v42;
	[tilespmem:s26+$0x7D50] =	vst v53;
	v58 =	vld [tilespmem:s26+$0x7DC0]  }
0xaf: {  	v59 =	vld [tilespmem:s26+$0x7DD0];
	[tilespmem:s26+$0x7D60] =	vst v3;
	v3 =	vmul.f32 v51, v55  }
0xb0: {  	[tilespmem:s26+$0x7D70] =	vst v57;
	v61 =	vld [tilespmem:s26+$0x7DE0];
	v60 =	vmul.f32 v52, v55  }
0xb1: {  	v62 =	vld [tilespmem:s26+$0x7DF0];
	[tilespmem:s26+$0x7D80] =	vst v3;
	v3 =	vmul.f32 v54, v55  }
0xb2: {  	v63 =	vmul.f32 v56, v55;
	v12 =	vld [tilespmem:s26+$0x7E00];
	[tilespmem:s26+$0x7D90] =	vst v60  }
0xb3: {  	v13 =	vld [tilespmem:s26+$0x7E10];
	[tilespmem:s26+$0x7DA0] =	vst v3;
	v3 =	vmul.f32 v58, v55  }
0xb4: {  	v14 =	vmul.f32 v59, v55;
	[tilespmem:s26+$0x7DB0] =	vst v63;
	v15 =	vld [tilespmem:s26+$0x7E20]  }
0xb5: {  	v17 =	vld [tilespmem:s26+$0x7E30];
	v16 =	vbroadcast v2, $0xC;
	[tilespmem:s26+$0x7DC0] =	vst v3;
	v3 =	vmul.f32 v61, v55  }
0xb6: {  	v18 =	vmul.f32 v62, v55;
	[tilespmem:s26+$0x7DD0] =	vst v14;
	v19 =	vld [tilespmem:s26+$0x7E40]  }
0xb7: {  	v20 =	vld [tilespmem:s26+$0x7E50];
	[tilespmem:s26+$0x7DE0] =	vst v3;
	v3 =	vmul.f32 v12, v16  }
0xb8: {  	[tilespmem:s26+$0x7DF0] =	vst v18;
	v22 =	vld [tilespmem:s26+$0x7E60];
	v21 =	vmul.f32 v13, v16  }
0xb9: {  	v23 =	vld [tilespmem:s26+$0x7E70];
	[tilespmem:s26+$0x7E00] =	vst v3;
	v3 =	vmul.f32 v15, v16  }
0xba: {  	v24 =	vmul.f32 v17, v16;
	v25 =	vld [tilespmem:s26+$0x7E80];
	[tilespmem:s26+$0x7E10] =	vst v21  }
0xbb: {  	v26 =	vld [tilespmem:s26+$0x7E90];
	[tilespmem:s26+$0x7E20] =	vst v3;
	v3 =	vmul.f32 v19, v16  }
0xbc: {  	v27 =	vmul.f32 v20, v16;
	[tilespmem:s26+$0x7E30] =	vst v24;
	v28 =	vld [tilespmem:s26+$0x7EA0]  }
0xbd: {  	v30 =	vld [tilespmem:s26+$0x7EB0];
	v29 =	vbroadcast v2, $0xD;
	[tilespmem:s26+$0x7E40] =	vst v3;
	v3 =	vmul.f32 v22, v16  }
0xbe: {  	v31 =	vmul.f32 v23, v16;
	[tilespmem:s26+$0x7E50] =	vst v27;
	v32 =	vld [tilespmem:s26+$0x7EC0]  }
0xbf: {  	v33 =	vld [tilespmem:s26+$0x7ED0];
	[tilespmem:s26+$0x7E60] =	vst v3;
	v3 =	vmul.f32 v25, v29  }
0xc0: {  	[tilespmem:s26+$0x7E70] =	vst v31;
	v35 =	vld [tilespmem:s26+$0x7EE0];
	v34 =	vmul.f32 v26, v29  }
0xc1: {  	v36 =	vld [tilespmem:s26+$0x7EF0];
	[tilespmem:s26+$0x7E80] =	vst v3;
	v3 =	vmul.f32 v28, v29  }
0xc2: {  	v37 =	vmul.f32 v30, v29;
	v38 =	vld [tilespmem:s26+$0x7F00];
	[tilespmem:s26+$0x7E90] =	vst v34  }
0xc3: {  	v39 =	vld [tilespmem:s26+$0x7F10];
	[tilespmem:s26+$0x7EA0] =	vst v3;
	v3 =	vmul.f32 v32, v29  }
0xc4: {  	v40 =	vmul.f32 v33, v29;
	[tilespmem:s26+$0x7EB0] =	vst v37;
	v41 =	vld [tilespmem:s26+$0x7F20]  }
0xc5: {  	v43 =	vld [tilespmem:s26+$0x7F30];
	v42 =	vbroadcast v2, $0xE;
	[tilespmem:s26+$0x7EC0] =	vst v3;
	v3 =	vmul.f32 v35, v29  }
0xc6: {  	v44 =	vmul.f32 v36, v29;
	[tilespmem:s26+$0x7ED0] =	vst v40;
	v45 =	vld [tilespmem:s26+$0x7F40]  }
0xc7: {  	v46 =	vld [tilespmem:s26+$0x7F50];
	[tilespmem:s26+$0x7EE0] =	vst v3;
	v3 =	vmul.f32 v38, v42  }
0xc8: {  	[tilespmem:s26+$0x7EF0] =	vst v44;
	v48 =	vld [tilespmem:s26+$0x7F60];
	v47 =	vmul.f32 v39, v42  }
0xc9: {  	v49 =	vld [tilespmem:s26+$0x7F70];
	[tilespmem:s26+$0x7F00] =	vst v3;
	v3 =	vmul.f32 v41, v42  }
0xca: {  	v50 =	vmul.f32 v43, v42;
	v51 =	vld [tilespmem:s26+$0x7F80];
	[tilespmem:s26+$0x7F10] =	vst v47  }
0xcb: {  	v52 =	vld [tilespmem:s26+$0x7F90];
	[tilespmem:s26+$0x7F20] =	vst v3;
	v3 =	vmul.f32 v45, v42  }
0xcc: {  	v53 =	vmul.f32 v46, v42;
	[tilespmem:s26+$0x7F30] =	vst v50;
	v54 =	vld [tilespmem:s26+$0x7FA0]  }
0xcd: {  	v2 =	vbroadcast v2, $0xF;
	v58 =	vld [tilespmem:s26+$0x7FD0];
	[tilespmem:s26+$0x7F40] =	vst v3;
	v3 =	vmul.f32 v48, v42  }
0xce: {  	v57 =	vld [tilespmem:s26+$0x7FC0];
	v56 =	vmul.f32 v49, v42;
	[tilespmem:s26+$0x7F50] =	vst v53  }
0xcf: {  	v55 =	vld [tilespmem:s26+$0x7FB0];
	[tilespmem:s26+$0x7F60] =	vst v3;
	v3 =	vmul.f32 v51, v2  }
0xd0: {  	v60 =	vld [tilespmem:s26+$0x7FE0];
	v59 =	vmul.f32 v52, v2;
	[tilespmem:s26+$0x7F70] =	vst v56  }
0xd1: {  	v61 =	vld [tilespmem:s26+$0x7FF0];
	[tilespmem:s26+$0x7F80] =	vst v3;
	v3 =	vmul.f32 v54, v2  }
0xd2: {  	[tilespmem:s26+$0x7F90] =	vst v59;
	v63 =	vmul.f32 v58, v2  }
0xd3: {  	p1 =	sne.s32 s25, $0x7;
	[tilespmem:s26+$0x7FA0] =	vst v3;
	v3 =	vmul.f32 v57, v2  }
.Ltmp1:
0xd4: {  	v62 =	vmul.f32 v55, v2;
	[tilespmem:s26+$0x7FD0] =	vst v63;
	(pc) =	sbr.rel @p1 .LBB2_5-.Ltmp1, $4  }
0xd5: {  	[tilespmem:s26+$0x7FC0] =	vst v3;
	v3 =	vmul.f32 v60, v2  }
0xd6: {  	[tilespmem:s26+$0x7FB0] =	vst v62;
	v2 =	vmul.f32 v61, v2  }
0xd7: {  	[tilespmem:s26+$0x7FE0] =	vst v3  }
0xd8: {  	s25 =	sadd.s32 $0x1, s25;
	[tilespmem:s26+$0x7FF0] =	vst v2  }
0xd9: {  	s23 =	sadd.s32 $0x1, s23  }
0xda: {  	p1 =	sne.s32 s23, $0x4F  }
.Ltmp2:
0xdb: {  	s24 =	sadd.s32 $0x2800, s24;
	(pc) =	sbr.rel @p1 .LBB2_4-.Ltmp2, $4  }
0xdc: {  	[spmem:s3] =	stream.indirect.scatter.add.f32 [tilespmem:s17], [sflag:$0x2], $0x80, s24, s21, $0xb8;
	[tilespmem:$0x1F080] =	vst v63  }
0xdd: {  	_ =	swait.ge [sflag:s18], $0x4000  }
0xde: {  	[sflag:s18] =	ssyncset.done $0x0  }
0xdf: {  	[sflag:s18] =	ssyncadd.s32 $0xFFFFC000  }
0xe0: {  	s23 =	sshll.u32 s0, $0x6  }
0xe1: {  	[bflag:$0x0] =	sbarrier.arrive $0xFFFF;
	s24 =	sshrl.u32 s5, $0x3;
	s23 =	sor.u32 $0x1C02, s23  }
0xe2: {  	[hbm:s14], [sflag:s23] =	dma.local [spmem:s24], $0x2700  }
0xe3: {  	_ =	swait.ge [sflag:s18], $0x2700  }
0xe4: {  	s4 =	sadd.s32 $0x1, s4;
	[sflag:s18] =	ssyncset.done $0x0  }
0xe5: {  	p1 =	sne.s32 s4, s16;
	s24 =	sshrl.u32 @!p0 s10, $0x3;
	[sflag:s18] =	ssyncadd.s32 $0xFFFFD900  }
0xe6: {  	[hbm:s15], [sflag:s23] =	dma.local @!p0 [spmem:s24], $0x100  }
.Ltmp3:
0xe7: {  	_ = 	snop;
	(pc) =	sbr.rel @p1 .LBB2_1-.Ltmp3, $4  }
0xe8: {  	s23 =	simm.s32 @!p0 $0x2  }
0xe9: {  	_ =	swait.ge @!p0 [sflag:s23], $0x100  }
0xea: {  	[sflag:s23] =	ssyncset.done @!p0 $0x0  }
0xeb: {  	[sflag:s23] =	ssyncadd.s32 @!p0 $0xFFFFFF00  }
0xec: {  	_ =	sfence.sel $0x180000  }
0xed: {  	[bflag:$0x0] =	sbarrier.arrive $0xFFFF  }
0xee: {  	p0 =	sne.s32 s0, $0x0;
	_ =	strace $0x90000047  }
0xef: {  	s0 =	sadd.s32 @!p0 $0x100000, s2;
	[bflag:$0x2] =	sbarrier.arrive $0xFFFF  }
0xf0: {  	[sflag:s0] =	ssyncadd.tile.s32 @!p0 $0x1;
	_ =	shalt  }
.Lfunc_end2:
_tile_overlayer_lowered:
.L_overlay_start_2:
0xf1: {  	(tag) =	ssettag $0x2  }
0xf2: {  	s0 =	rddreg [dreg:$0x0];
	s2 =	stileid.u32  }
0xf3: {  	s1 =	rddreg [dreg:$0x1];
	p0 =	sne.s32 s2, $0x0  }
0xf4: {  	s3 =	rddreg [dreg:$0x2];
	[bflag:$0x3] =	sbarrier.arrive $0xFFFF;
	s2 =	simm.s32 @!p0 $0x1C02  }
0xf5: {  	[timem:s3], [sflag:s2] =	dma.local @!p0 [hbm:s0], s1  }
0xf6: {  	s0 =	simm.s32 @!p0 $0x2  }
0xf7: {  	_ =	swait.ge @!p0 [sflag:s0], s1  }
0xf8: {  	s1 =	ssub.s32 @!p0 $0x0, s1;
	[sflag:s0] =	ssyncset.done @!p0 $0x0  }
0xf9: {  	[sflag:s0] =	ssyncadd.s32 @!p0 s1  }
0xfa: {  	[bflag:$0x3] =	sbarrier.arrive $0xFFFF  }
0xfb: {  	_ =	shalt  }

</sc_bundles>
